<compile_context>
chip_gen: v7x
topology: tpu7x:2x2x1
jax: 0.10.2.dev20260603
libtpu: 0.0.44.dev20260713+nightly
codegen_flags: <defaults>
</compile_context>

<pallas_src>
import functools

import jax
import jax.numpy as jnp
from jax import lax
from jax.experimental import pallas as pl
from jax.experimental.pallas import tpu as pltpu
from jax.experimental.pallas import tpu_sc as plsc

B, S, SW, D = 1024, 200, 20, 64
N = B * S
L = 16
VOCAB2 = 1000002

IDX_COLS = 128
TOK_PER_BATCH = 32
ROWS_PER_BATCH = TOK_PER_BATCH * SW
GATHERS_PER_BATCH = ROWS_PER_BATCH // IDX_COLS
OUT_ROWS_PER_BATCH = TOK_PER_BATCH // 2


@functools.lru_cache(maxsize=None)
def _build_sc_kernel():
    info = plsc.get_sparse_core_info()
    nw = info.num_cores * info.num_subcores
    tok_per_w = N // nw
    batches = tok_per_w // TOK_PER_BATCH

    mesh = plsc.VectorSubcoreMesh(core_axis_name="c", subcore_axis_name="s")

    @functools.partial(
        pl.kernel,
        mesh=mesh,
        out_type=jax.ShapeDtypeStruct((N * D // 128, 128), jnp.float32),
        compiler_params=pltpu.CompilerParams(use_tc_tiling_on_sc=False),
        scratch_types=[
            pltpu.VMEM((2, GATHERS_PER_BATCH, IDX_COLS), jnp.int32),
            pltpu.VMEM((2, ROWS_PER_BATCH, D), jnp.float32),
            pltpu.VMEM((2, OUT_ROWS_PER_BATCH, 2 * D), jnp.float32),
            pltpu.SemaphoreType.DMA((2,)),
            pltpu.SemaphoreType.DMA((2,)),
            pltpu.SemaphoreType.DMA((2,)),
        ],
    )
    def sc_kernel(table_hbm, idx_hbm, out_hbm, idx_v, rows_v, out_v,
                  sem_i, sem_g, sem_o):
        wid = lax.axis_index("s") * info.num_cores + lax.axis_index("c")
        irow0 = wid * (tok_per_w * SW // IDX_COLS)
        orow0 = wid * (tok_per_w * D // 128)

        def idx_copy(b, ph):
            return pltpu.make_async_copy(
                idx_hbm.at[pl.ds(irow0 + b * GATHERS_PER_BATCH,
                                 GATHERS_PER_BATCH)],
                idx_v.at[ph], sem_i.at[ph])

        def gather_copies(ph):
            return [
                pltpu.make_async_copy(
                    table_hbm.at[idx_v.at[ph, j]],
                    rows_v.at[ph, pl.ds(j * IDX_COLS, IDX_COLS)],
                    sem_g.at[ph])
                for j in range(GATHERS_PER_BATCH)
            ]

        def out_copy(b, ph):
            return pltpu.make_async_copy(
                out_v.at[ph],
                out_hbm.at[pl.ds(orow0 + b * OUT_ROWS_PER_BATCH,
                                 OUT_ROWS_PER_BATCH)],
                sem_o.at[ph])

        idx_copy(0, 0).start()
        idx_copy(0, 0).wait()
        for cp in gather_copies(0):
            cp.start()
        idx_copy(1, 1).start()

        def pair_body(g, carry):
            for ph in range(2):
                b = g * 2 + ph
                nxt = 1 - ph

                @pl.when(b + 1 < batches)
                def _():
                    idx_copy(b + 1, nxt).wait()
                    for cp in gather_copies(nxt):
                        cp.start()

                for cp in gather_copies(ph):
                    cp.wait()

                @pl.when(b + 2 < batches)
                def _():
                    idx_copy(b + 2, ph).start()

                @pl.when(b >= 2)
                def _():
                    out_copy(b - 2, ph).wait()

                def pair_tok_body(p, c):
                    for par in range(2):
                        r0 = p * 2 * SW + par * SW
                        for d in range(D // L):
                            sl = pl.ds(par * D + d * L, L)
                            rsl = pl.ds(d * L, L)
                            acc = rows_v[ph, r0, rsl]
                            for s in range(1, SW):
                                acc = acc + rows_v[ph, r0 + s, rsl]
                            out_v[ph, p, sl] = acc * (1.0 / SW)
                    return c

                lax.fori_loop(0, OUT_ROWS_PER_BATCH, pair_tok_body, 0,
                              unroll=False)

                out_copy(b, ph).start()
            return carry

        lax.fori_loop(0, batches // 2, pair_body, 0, unroll=False)

        out_copy(batches - 2, 0).wait()
        out_copy(batches - 1, 1).wait()

    return sc_kernel


def kernel(inpt, table):
    idx = inpt.astype(jnp.int32).reshape(N * SW // 128, 128)
    tbl = table.astype(jnp.float32)
    out = _build_sc_kernel()(tbl, idx)
    return out.reshape(B, S, D)

# --- scband reference (transcript-rebuilt; emitter-appended) ---
"""Pipeline reference for scband-fast-text-lexer-7782480740420 (READ-ONLY COPY).

The authoritative reference and input builder live on the scoring server;
editing this copy changes nothing except your own understanding.
"""

import jax, jax.numpy as jnp
import numpy as np

VOCAB = 1000000
DIM = 64
PAD_IDX = VOCAB  # padding row, zeros

def setup_inputs(seed: int = 0) -> dict:
    key = jax.random.key(seed)
    k1, k2, k3 = jax.random.split(key, 3)
    inpt = jax.random.randint(k1, (1024, 200, 20), 0, VOCAB, dtype=jnp.int64)
    base = jax.random.normal(k2, (VOCAB, DIM), dtype=jnp.float32) * 0.1
    # root embedding: random element per column from the base matrix
    rows = jax.random.randint(k3, (DIM,), 0, VOCAB)
    root = base[rows, jnp.arange(DIM)][None, :]
    table = jnp.concatenate([base, jnp.zeros((1, DIM), dtype=jnp.float32), root], axis=0)
    return {"inpt": inpt, "table": table}

def reference(inpt, table):
    # FastTextLexer.forward: embedding lookup then mean over subword axis
    emb = jnp.take(table, inpt, axis=0)  # [B, S, subwords, DIM]
    return emb.mean(axis=-2)  # [B, S, DIM]

if __name__ == "__main__":
    import jax
    _d = setup_inputs()
    print(jax.jit(kernel)(*tuple(_d.values())))

</pallas_src>

<mosaic_0001>
#map = affine_map<(d0, d1) -> (0, 0)>
module attributes {stable_mosaic.version = 14 : i64} {
  func.func @sc_kernel(%arg0: i32, %arg1: i32, %arg2: memref<1000002x64xf32, #tpu.memory_space<hbm>>, %arg3: memref<32000x128xi32, #tpu.memory_space<hbm>>, %arg4: memref<102400x128xf32, #tpu.memory_space<hbm>>, %arg5: memref<2x5x128xi32, #tpu.memory_space<vmem>>, %arg6: memref<2x640x64xf32, #tpu.memory_space<vmem>>, %arg7: memref<2x16x128xf32, #tpu.memory_space<vmem>>, %arg8: memref<2x!tpu.dma_semaphore, #tpu.memory_space<semaphore_mem>>, %arg9: memref<2x!tpu.dma_semaphore, #tpu.memory_space<semaphore_mem>>, %arg10: memref<2x!tpu.dma_semaphore, #tpu.memory_space<semaphore_mem>>) attributes {dimension_semantics = [#tpu.dimension_semantics<core_parallel>, #tpu.dimension_semantics<subcore_parallel>], iteration_bounds = array<i64: 2, 16>, scalar_prefetch = 0 : i64, scratch_operands = 6 : i64, tpu.core_type = #tpu.core_type<sc_vector_subcore>, window_params = [{transform_indices = #map}, {transform_indices = #map}, {transform_indices = #map}]} {
    %mul3A = arith.constant 2 : i32
    %mul3A_0 = arith.muli %arg1, %mul3A : i32
    %add3A = arith.addi %mul3A_0, %arg0 : i32
    %mul3A_1 = arith.constant 1000 : i32
    %mul3A_2 = arith.muli %add3A, %mul3A_1 : i32
    %mul3A_3 = arith.constant 3200 : i32
    %mul3A_4 = arith.muli %add3A, %mul3A_3 : i32
    %add3A_5 = arith.constant 0 : i32
    %add3A_6 = arith.addi %mul3A_2, %add3A_5 : i32
    %dma_start3A = arith.constant 0 : i32
    %dma_start3A_7 = arith.constant 0 : i32
    %dma_start3A_8 = arith.constant 0 : i32
    %dma_start3A_9 = arith.constant 0 : i32
    %dma_start3A_10 = tpu.memref_slice %arg5[%dma_start3A, %dma_start3A_8, %dma_start3A_9] : memref<2x5x128xi32, #tpu.memory_space<vmem>> -> memref<1x5x128xi32, #tpu.memory_space<vmem>>
    %dma_start3A_11 = tpu.memref_squeeze %dma_start3A_10 : memref<1x5x128xi32, #tpu.memory_space<vmem>> -> memref<5x128xi32, #tpu.memory_space<vmem>>
    %dma_start3A_12 = arith.constant 0 : i32
    %dma_start3A_13 = tpu.memref_slice %arg3[%add3A_6, %dma_start3A_12] : memref<32000x128xi32, #tpu.memory_space<hbm>> -> memref<5x128xi32, #tpu.memory_space<hbm>>
    %dma_start3A_14 = tpu.memref_slice %arg8[%dma_start3A_7] : memref<2x!tpu.dma_semaphore, #tpu.memory_space<semaphore_mem>> -> memref<1x!tpu.dma_semaphore, #tpu.memory_space<semaphore_mem>>
    %dma_start3A_15 = tpu.memref_squeeze %dma_start3A_14 : memref<1x!tpu.dma_semaphore, #tpu.memory_space<semaphore_mem>> -> memref<!tpu.dma_semaphore, #tpu.memory_space<semaphore_mem>>
    %dma_start3A_16 = arith.constant 0 : i32
    %dma_start3A_17 = arith.constant 0 : i32
    %dma_start3A_18 = tpu.memref_slice %arg5[%dma_start3A, %dma_start3A_16, %dma_start3A_17] : memref<2x5x128xi32, #tpu.memory_space<vmem>> -> memref<1x5x128xi32, #tpu.memory_space<vmem>>
    %dma_start3A_19 = tpu.memref_squeeze %dma_start3A_18 : memref<1x5x128xi32, #tpu.memory_space<vmem>> -> memref<5x128xi32, #tpu.memory_space<vmem>>
    %dma_start3A_20 = arith.constant 0 : i32
    %dma_start3A_21 = tpu.memref_slice %arg3[%add3A_6, %dma_start3A_20] : memref<32000x128xi32, #tpu.memory_space<hbm>> -> memref<5x128xi32, #tpu.memory_space<hbm>>
    tpu.enqueue_dma source(%dma_start3A_21 : memref<5x128xi32, #tpu.memory_space<hbm>>) target(%dma_start3A_19 : memref<5x128xi32, #tpu.memory_space<vmem>>) target_semaphore(%dma_start3A_15 : memref<!tpu.dma_semaphore, #tpu.memory_space<semaphore_mem>>)
    %add3A_22 = arith.constant 0 : i32
    %add3A_23 = arith.addi %mul3A_2, %add3A_22 : i32
    %dma_wait3A = arith.constant 0 : i32
    %dma_wait3A_24 = arith.constant 0 : i32
    %dma_wait3A_25 = arith.constant 0 : i32
    %dma_wait3A_26 = arith.constant 0 : i32
    %dma_wait3A_27 = tpu.memref_slice %arg5[%dma_wait3A, %dma_wait3A_25, %dma_wait3A_26] : memref<2x5x128xi32, #tpu.memory_space<vmem>> -> memref<1x5x128xi32, #tpu.memory_space<vmem>>
    %dma_wait3A_28 = tpu.memref_squeeze %dma_wait3A_27 : memref<1x5x128xi32, #tpu.memory_space<vmem>> -> memref<5x128xi32, #tpu.memory_space<vmem>>
    %dma_wait3A_29 = arith.constant 0 : i32
    %dma_wait3A_30 = tpu.memref_slice %arg3[%add3A_23, %dma_wait3A_29] : memref<32000x128xi32, #tpu.memory_space<hbm>> -> memref<5x128xi32, #tpu.memory_space<hbm>>
    %dma_wait3A_31 = tpu.memref_slice %arg8[%dma_wait3A_24] : memref<2x!tpu.dma_semaphore, #tpu.memory_space<semaphore_mem>> -> memref<1x!tpu.dma_semaphore, #tpu.memory_space<semaphore_mem>>
    %dma_wait3A_32 = tpu.memref_squeeze %dma_wait3A_31 : memref<1x!tpu.dma_semaphore, #tpu.memory_space<semaphore_mem>> -> memref<!tpu.dma_semaphore, #tpu.memory_space<semaphore_mem>>
    %dma_wait3A_33 = arith.constant 0 : i32
    %dma_wait3A_34 = arith.constant 0 : i32
    %dma_wait3A_35 = tpu.memref_slice %arg5[%dma_wait3A, %dma_wait3A_33, %dma_wait3A_34] : memref<2x5x128xi32, #tpu.memory_space<vmem>> -> memref<1x5x128xi32, #tpu.memory_space<vmem>>
    %dma_wait3A_36 = tpu.memref_squeeze %dma_wait3A_35 : memref<1x5x128xi32, #tpu.memory_space<vmem>> -> memref<5x128xi32, #tpu.memory_space<vmem>>
    %dma_wait3A_37 = arith.constant 0 : i32
    %dma_wait3A_38 = tpu.memref_slice %arg3[%add3A_23, %dma_wait3A_37] : memref<32000x128xi32, #tpu.memory_space<hbm>> -> memref<5x128xi32, #tpu.memory_space<hbm>>
    tpu.wait_dma2 semaphore(%dma_wait3A_32 : memref<!tpu.dma_semaphore, #tpu.memory_space<semaphore_mem>>) src(%dma_wait3A_38 : memref<5x128xi32, #tpu.memory_space<hbm>>) dst(%dma_wait3A_36 : memref<5x128xi32, #tpu.memory_space<vmem>>)
    %dma_start3A_39 = arith.constant 0 : i32
    %dma_start3A_40 = arith.constant 0 : i32
    %dma_start3A_41 = arith.constant 0 : i32
    %dma_start3A_42 = arith.constant 0 : i32
    %dma_start3A_43 = arith.constant 0 : i32
    %dma_start3A_44 = arith.constant 0 : i32
    %dma_start3A_45 = tpu.memref_slice %arg6[%dma_start3A_41, %dma_start3A_43, %dma_start3A_44] : memref<2x640x64xf32, #tpu.memory_space<vmem>> -> memref<1x128x64xf32, #tpu.memory_space<vmem>>
    %dma_start3A_46 = tpu.memref_squeeze %dma_start3A_45 : memref<1x128x64xf32, #tpu.memory_space<vmem>> -> memref<128x64xf32, #tpu.memory_space<vmem>>
    %dma_start3A_47 = arith.constant 0 : i32
    %dma_start3A_48 = tpu.memref_slice %arg5[%dma_start3A_39, %dma_start3A_40, %dma_start3A_47] : memref<2x5x128xi32, #tpu.memory_space<vmem>> -> memref<1x1x128xi32, #tpu.memory_space<vmem>>
    %dma_start3A_49 = tpu.memref_squeeze %dma_start3A_48 : memref<1x1x128xi32, #tpu.memory_space<vmem>> -> memref<128xi32, #tpu.memory_space<vmem>>
    %dma_start3A_50 = arith.constant 0 : i32
    %dma_start3A_51 = arith.constant 0 : i32
    %dma_start3A_52 = tpu.memref_slice %arg2[%dma_start3A_50, %dma_start3A_51] : memref<1000002x64xf32, #tpu.memory_space<hbm>> -> memref<1000002x64xf32, #tpu.memory_space<hbm>>
    %dma_start3A_53 = tpu.memref_slice %arg9[%dma_start3A_42] : memref<2x!tpu.dma_semaphore, #tpu.memory_space<semaphore_mem>> -> memref<1x!tpu.dma_semaphore, #tpu.memory_space<semaphore_mem>>
    %dma_start3A_54 = tpu.memref_squeeze %dma_start3A_53 : memref<1x!tpu.dma_semaphore, #tpu.memory_space<semaphore_mem>> -> memref<!tpu.dma_semaphore, #tpu.memory_space<semaphore_mem>>
    tpu.enqueue_indirect_dma source(%dma_start3A_52 : memref<1000002x64xf32, #tpu.memory_space<hbm>>) target(%dma_start3A_46 : memref<128x64xf32, #tpu.memory_space<vmem>>) offsets(%dma_start3A_49 : memref<128xi32, #tpu.memory_space<vmem>>) semaphore(%dma_start3A_54 : memref<!tpu.dma_semaphore, #tpu.memory_space<semaphore_mem>>)
    %dma_start3A_55 = arith.constant 0 : i32
    %dma_start3A_56 = arith.constant 1 : i32
    %dma_start3A_57 = arith.constant 0 : i32
    %dma_start3A_58 = arith.constant 0 : i32
    %dma_start3A_59 = arith.constant 128 : i32
    %dma_start3A_60 = arith.constant 0 : i32
    %dma_start3A_61 = tpu.memref_slice %arg6[%dma_start3A_57, %dma_start3A_59, %dma_start3A_60] : memref<2x640x64xf32, #tpu.memory_space<vmem>> -> memref<1x128x64xf32, #tpu.memory_space<vmem>>
    %dma_start3A_62 = tpu.memref_squeeze %dma_start3A_61 : memref<1x128x64xf32, #tpu.memory_space<vmem>> -> memref<128x64xf32, #tpu.memory_space<vmem>>
    %dma_start3A_63 = arith.constant 0 : i32
    %dma_start3A_64 = tpu.memref_slice %arg5[%dma_start3A_55, %dma_start3A_56, %dma_start3A_63] : memref<2x5x128xi32, #tpu.memory_space<vmem>> -> memref<1x1x128xi32, #tpu.memory_space<vmem>>
    %dma_start3A_65 = tpu.memref_squeeze %dma_start3A_64 : memref<1x1x128xi32, #tpu.memory_space<vmem>> -> memref<128xi32, #tpu.memory_space<vmem>>
    %dma_start3A_66 = arith.constant 0 : i32
    %dma_start3A_67 = arith.constant 0 : i32
    %dma_start3A_68 = tpu.memref_slice %arg2[%dma_start3A_66, %dma_start3A_67] : memref<1000002x64xf32, #tpu.memory_space<hbm>> -> memref<1000002x64xf32, #tpu.memory_space<hbm>>
    %dma_start3A_69 = tpu.memref_slice %arg9[%dma_start3A_58] : memref<2x!tpu.dma_semaphore, #tpu.memory_space<semaphore_mem>> -> memref<1x!tpu.dma_semaphore, #tpu.memory_space<semaphore_mem>>
    %dma_start3A_70 = tpu.memref_squeeze %dma_start3A_69 : memref<1x!tpu.dma_semaphore, #tpu.memory_space<semaphore_mem>> -> memref<!tpu.dma_semaphore, #tpu.memory_space<semaphore_mem>>
    tpu.enqueue_indirect_dma source(%dma_start3A_68 : memref<1000002x64xf32, #tpu.memory_space<hbm>>) target(%dma_start3A_62 : memref<128x64xf32, #tpu.memory_space<vmem>>) offsets(%dma_start3A_65 : memref<128xi32, #tpu.memory_space<vmem>>) semaphore(%dma_start3A_70 : memref<!tpu.dma_semaphore, #tpu.memory_space<semaphore_mem>>)
    %dma_start3A_71 = arith.constant 0 : i32
    %dma_start3A_72 = arith.constant 2 : i32
    %dma_start3A_73 = arith.constant 0 : i32
    %dma_start3A_74 = arith.constant 0 : i32
    %dma_start3A_75 = arith.constant 256 : i32
    %dma_start3A_76 = arith.constant 0 : i32
    %dma_start3A_77 = tpu.memref_slice %arg6[%dma_start3A_73, %dma_start3A_75, %dma_start3A_76] : memref<2x640x64xf32, #tpu.memory_space<vmem>> -> memref<1x128x64xf32, #tpu.memory_space<vmem>>
    %dma_start3A_78 = tpu.memref_squeeze %dma_start3A_77 : memref<1x128x64xf32, #tpu.memory_space<vmem>> -> memref<128x64xf32, #tpu.memory_space<vmem>>
    %dma_start3A_79 = arith.constant 0 : i32
    %dma_start3A_80 = tpu.memref_slice %arg5[%dma_start3A_71, %dma_start3A_72, %dma_start3A_79] : memref<2x5x128xi32, #tpu.memory_space<vmem>> -> memref<1x1x128xi32, #tpu.memory_space<vmem>>
    %dma_start3A_81 = tpu.memref_squeeze %dma_start3A_80 : memref<1x1x128xi32, #tpu.memory_space<vmem>> -> memref<128xi32, #tpu.memory_space<vmem>>
    %dma_start3A_82 = arith.constant 0 : i32
    %dma_start3A_83 = arith.constant 0 : i32
    %dma_start3A_84 = tpu.memref_slice %arg2[%dma_start3A_82, %dma_start3A_83] : memref<1000002x64xf32, #tpu.memory_space<hbm>> -> memref<1000002x64xf32, #tpu.memory_space<hbm>>
    %dma_start3A_85 = tpu.memref_slice %arg9[%dma_start3A_74] : memref<2x!tpu.dma_semaphore, #tpu.memory_space<semaphore_mem>> -> memref<1x!tpu.dma_semaphore, #tpu.memory_space<semaphore_mem>>
    %dma_start3A_86 = tpu.memref_squeeze %dma_start3A_85 : memref<1x!tpu.dma_semaphore, #tpu.memory_space<semaphore_mem>> -> memref<!tpu.dma_semaphore, #tpu.memory_space<semaphore_mem>>
    tpu.enqueue_indirect_dma source(%dma_start3A_84 : memref<1000002x64xf32, #tpu.memory_space<hbm>>) target(%dma_start3A_78 : memref<128x64xf32, #tpu.memory_space<vmem>>) offsets(%dma_start3A_81 : memref<128xi32, #tpu.memory_space<vmem>>) semaphore(%dma_start3A_86 : memref<!tpu.dma_semaphore, #tpu.memory_space<semaphore_mem>>)
    %dma_start3A_87 = arith.constant 0 : i32
    %dma_start3A_88 = arith.constant 3 : i32
    %dma_start3A_89 = arith.constant 0 : i32
    %dma_start3A_90 = arith.constant 0 : i32
    %dma_start3A_91 = arith.constant 384 : i32
    %dma_start3A_92 = arith.constant 0 : i32
    %dma_start3A_93 = tpu.memref_slice %arg6[%dma_start3A_89, %dma_start3A_91, %dma_start3A_92] : memref<2x640x64xf32, #tpu.memory_space<vmem>> -> memref<1x128x64xf32, #tpu.memory_space<vmem>>
    %dma_start3A_94 = tpu.memref_squeeze %dma_start3A_93 : memref<1x128x64xf32, #tpu.memory_space<vmem>> -> memref<128x64xf32, #tpu.memory_space<vmem>>
    %dma_start3A_95 = arith.constant 0 : i32
    %dma_start3A_96 = tpu.memref_slice %arg5[%dma_start3A_87, %dma_start3A_88, %dma_start3A_95] : memref<2x5x128xi32, #tpu.memory_space<vmem>> -> memref<1x1x128xi32, #tpu.memory_space<vmem>>
    %dma_start3A_97 = tpu.memref_squeeze %dma_start3A_96 : memref<1x1x128xi32, #tpu.memory_space<vmem>> -> memref<128xi32, #tpu.memory_space<vmem>>
    %dma_start3A_98 = arith.constant 0 : i32
    %dma_start3A_99 = arith.constant 0 : i32
    %dma_start3A_100 = tpu.memref_slice %arg2[%dma_start3A_98, %dma_start3A_99] : memref<1000002x64xf32, #tpu.memory_space<hbm>> -> memref<1000002x64xf32, #tpu.memory_space<hbm>>
    %dma_start3A_101 = tpu.memref_slice %arg9[%dma_start3A_90] : memref<2x!tpu.dma_semaphore, #tpu.memory_space<semaphore_mem>> -> memref<1x!tpu.dma_semaphore, #tpu.memory_space<semaphore_mem>>
    %dma_start3A_102 = tpu.memref_squeeze %dma_start3A_101 : memref<1x!tpu.dma_semaphore, #tpu.memory_space<semaphore_mem>> -> memref<!tpu.dma_semaphore, #tpu.memory_space<semaphore_mem>>
    tpu.enqueue_indirect_dma source(%dma_start3A_100 : memref<1000002x64xf32, #tpu.memory_space<hbm>>) target(%dma_start3A_94 : memref<128x64xf32, #tpu.memory_space<vmem>>) offsets(%dma_start3A_97 : memref<128xi32, #tpu.memory_space<vmem>>) semaphore(%dma_start3A_102 : memref<!tpu.dma_semaphore, #tpu.memory_space<semaphore_mem>>)
    %dma_start3A_103 = arith.constant 0 : i32
    %dma_start3A_104 = arith.constant 4 : i32
    %dma_start3A_105 = arith.constant 0 : i32
    %dma_start3A_106 = arith.constant 0 : i32
    %dma_start3A_107 = arith.constant 512 : i32
    %dma_start3A_108 = arith.constant 0 : i32
    %dma_start3A_109 = tpu.memref_slice %arg6[%dma_start3A_105, %dma_start3A_107, %dma_start3A_108] : memref<2x640x64xf32, #tpu.memory_space<vmem>> -> memref<1x128x64xf32, #tpu.memory_space<vmem>>
    %dma_start3A_110 = tpu.memref_squeeze %dma_start3A_109 : memref<1x128x64xf32, #tpu.memory_space<vmem>> -> memref<128x64xf32, #tpu.memory_space<vmem>>
    %dma_start3A_111 = arith.constant 0 : i32
    %dma_start3A_112 = tpu.memref_slice %arg5[%dma_start3A_103, %dma_start3A_104, %dma_start3A_111] : memref<2x5x128xi32, #tpu.memory_space<vmem>> -> memref<1x1x128xi32, #tpu.memory_space<vmem>>
    %dma_start3A_113 = tpu.memref_squeeze %dma_start3A_112 : memref<1x1x128xi32, #tpu.memory_space<vmem>> -> memref<128xi32, #tpu.memory_space<vmem>>
    %dma_start3A_114 = arith.constant 0 : i32
    %dma_start3A_115 = arith.constant 0 : i32
    %dma_start3A_116 = tpu.memref_slice %arg2[%dma_start3A_114, %dma_start3A_115] : memref<1000002x64xf32, #tpu.memory_space<hbm>> -> memref<1000002x64xf32, #tpu.memory_space<hbm>>
    %dma_start3A_117 = tpu.memref_slice %arg9[%dma_start3A_106] : memref<2x!tpu.dma_semaphore, #tpu.memory_space<semaphore_mem>> -> memref<1x!tpu.dma_semaphore, #tpu.memory_space<semaphore_mem>>
    %dma_start3A_118 = tpu.memref_squeeze %dma_start3A_117 : memref<1x!tpu.dma_semaphore, #tpu.memory_space<semaphore_mem>> -> memref<!tpu.dma_semaphore, #tpu.memory_space<semaphore_mem>>
    tpu.enqueue_indirect_dma source(%dma_start3A_116 : memref<1000002x64xf32, #tpu.memory_space<hbm>>) target(%dma_start3A_110 : memref<128x64xf32, #tpu.memory_space<vmem>>) offsets(%dma_start3A_113 : memref<128xi32, #tpu.memory_space<vmem>>) semaphore(%dma_start3A_118 : memref<!tpu.dma_semaphore, #tpu.memory_space<semaphore_mem>>)
    %add3A_119 = arith.constant 5 : i32
    %add3A_120 = arith.addi %mul3A_2, %add3A_119 : i32
    %dma_start3A_121 = arith.constant 1 : i32
    %dma_start3A_122 = arith.constant 1 : i32
    %dma_start3A_123 = arith.constant 0 : i32
    %dma_start3A_124 = arith.constant 0 : i32
    %dma_start3A_125 = tpu.memref_slice %arg5[%dma_start3A_121, %dma_start3A_123, %dma_start3A_124] : memref<2x5x128xi32, #tpu.memory_space<vmem>> -> memref<1x5x128xi32, #tpu.memory_space<vmem>>
    %dma_start3A_126 = tpu.memref_squeeze %dma_start3A_125 : memref<1x5x128xi32, #tpu.memory_space<vmem>> -> memref<5x128xi32, #tpu.memory_space<vmem>>
    %dma_start3A_127 = arith.constant 0 : i32
    %dma_start3A_128 = tpu.memref_slice %arg3[%add3A_120, %dma_start3A_127] : memref<32000x128xi32, #tpu.memory_space<hbm>> -> memref<5x128xi32, #tpu.memory_space<hbm>>
    %dma_start3A_129 = tpu.memref_slice %arg8[%dma_start3A_122] : memref<2x!tpu.dma_semaphore, #tpu.memory_space<semaphore_mem>> -> memref<1x!tpu.dma_semaphore, #tpu.memory_space<semaphore_mem>>
    %dma_start3A_130 = tpu.memref_squeeze %dma_start3A_129 : memref<1x!tpu.dma_semaphore, #tpu.memory_space<semaphore_mem>> -> memref<!tpu.dma_semaphore, #tpu.memory_space<semaphore_mem>>
    %dma_start3A_131 = arith.constant 0 : i32
    %dma_start3A_132 = arith.constant 0 : i32
    %dma_start3A_133 = tpu.memref_slice %arg5[%dma_start3A_121, %dma_start3A_131, %dma_start3A_132] : memref<2x5x128xi32, #tpu.memory_space<vmem>> -> memref<1x5x128xi32, #tpu.memory_space<vmem>>
    %dma_start3A_134 = tpu.memref_squeeze %dma_start3A_133 : memref<1x5x128xi32, #tpu.memory_space<vmem>> -> memref<5x128xi32, #tpu.memory_space<vmem>>
    %dma_start3A_135 = arith.constant 0 : i32
    %dma_start3A_136 = tpu.memref_slice %arg3[%add3A_120, %dma_start3A_135] : memref<32000x128xi32, #tpu.memory_space<hbm>> -> memref<5x128xi32, #tpu.memory_space<hbm>>
    tpu.enqueue_dma source(%dma_start3A_136 : memref<5x128xi32, #tpu.memory_space<hbm>>) target(%dma_start3A_134 : memref<5x128xi32, #tpu.memory_space<vmem>>) target_semaphore(%dma_start3A_130 : memref<!tpu.dma_semaphore, #tpu.memory_space<semaphore_mem>>)
    %scan3A = arith.constant 0 : i32
    %scan3A_137 = arith.constant 0 : i32
    %scan3A_138 = arith.constant 100 : i32
    %scan3A_139 = arith.addi %scan3A_137, %scan3A_138 : i32
    %scan3A_140 = arith.constant 1 : i32
    scf.for %scan3A_178 = %scan3A_137 to %scan3A_139 step %scan3A_140  : i32 {
      %mul3A_179 = arith.constant 2 : i32
      %mul3A_180 = arith.muli %scan3A_178, %mul3A_179 : i32
      %add3A_181 = arith.constant 0 : i32
      %add3A_182 = arith.addi %mul3A_180, %add3A_181 : i32
      %add3A_183 = arith.constant 1 : i32
      %add3A_184 = arith.addi %add3A_182, %add3A_183 : i32
      %lt3A = arith.constant 200 : i32
      %lt3A_185 = arith.cmpi slt, %add3A_184, %lt3A : i32
      %convert_element_type3A = arith.extui %lt3A_185 : i1 to i32
      %cond3A = arith.constant 0 : i32
      %cond3A_186 = arith.cmpi ne, %convert_element_type3A, %cond3A : i32
      scf.if %cond3A_186 {
        %add3A_431 = arith.constant 1 : i32
        %add3A_432 = arith.addi %add3A_182, %add3A_431 : i32
        %mul3A_433 = arith.constant 5 : i32
        %mul3A_434 = arith.muli %add3A_432, %mul3A_433 : i32
        %add3A_435 = arith.addi %mul3A_2, %mul3A_434 : i32
        %dma_wait3A_436 = arith.constant 1 : i32
        %dma_wait3A_437 = arith.constant 1 : i32
        %dma_wait3A_438 = arith.constant 0 : i32
        %dma_wait3A_439 = arith.constant 0 : i32
        %dma_wait3A_440 = tpu.memref_slice %arg5[%dma_wait3A_436, %dma_wait3A_438, %dma_wait3A_439] : memref<2x5x128xi32, #tpu.memory_space<vmem>> -> memref<1x5x128xi32, #tpu.memory_space<vmem>>
        %dma_wait3A_441 = tpu.memref_squeeze %dma_wait3A_440 : memref<1x5x128xi32, #tpu.memory_space<vmem>> -> memref<5x128xi32, #tpu.memory_space<vmem>>
        %dma_wait3A_442 = arith.constant 0 : i32
        %dma_wait3A_443 = tpu.memref_slice %arg3[%add3A_435, %dma_wait3A_442] : memref<32000x128xi32, #tpu.memory_space<hbm>> -> memref<5x128xi32, #tpu.memory_space<hbm>>
        %dma_wait3A_444 = tpu.memref_slice %arg8[%dma_wait3A_437] : memref<2x!tpu.dma_semaphore, #tpu.memory_space<semaphore_mem>> -> memref<1x!tpu.dma_semaphore, #tpu.memory_space<semaphore_mem>>
        %dma_wait3A_445 = tpu.memref_squeeze %dma_wait3A_444 : memref<1x!tpu.dma_semaphore, #tpu.memory_space<semaphore_mem>> -> memref<!tpu.dma_semaphore, #tpu.memory_space<semaphore_mem>>
        %dma_wait3A_446 = arith.constant 0 : i32
        %dma_wait3A_447 = arith.constant 0 : i32
        %dma_wait3A_448 = tpu.memref_slice %arg5[%dma_wait3A_436, %dma_wait3A_446, %dma_wait3A_447] : memref<2x5x128xi32, #tpu.memory_space<vmem>> -> memref<1x5x128xi32, #tpu.memory_space<vmem>>
        %dma_wait3A_449 = tpu.memref_squeeze %dma_wait3A_448 : memref<1x5x128xi32, #tpu.memory_space<vmem>> -> memref<5x128xi32, #tpu.memory_space<vmem>>
        %dma_wait3A_450 = arith.constant 0 : i32
        %dma_wait3A_451 = tpu.memref_slice %arg3[%add3A_435, %dma_wait3A_450] : memref<32000x128xi32, #tpu.memory_space<hbm>> -> memref<5x128xi32, #tpu.memory_space<hbm>>
        tpu.wait_dma2 semaphore(%dma_wait3A_445 : memref<!tpu.dma_semaphore, #tpu.memory_space<semaphore_mem>>) src(%dma_wait3A_451 : memref<5x128xi32, #tpu.memory_space<hbm>>) dst(%dma_wait3A_449 : memref<5x128xi32, #tpu.memory_space<vmem>>)
        %dma_start3A_452 = arith.constant 1 : i32
        %dma_start3A_453 = arith.constant 0 : i32
        %dma_start3A_454 = arith.constant 1 : i32
        %dma_start3A_455 = arith.constant 1 : i32
        %dma_start3A_456 = arith.constant 0 : i32
        %dma_start3A_457 = arith.constant 0 : i32
        %dma_start3A_458 = tpu.memref_slice %arg6[%dma_start3A_454, %dma_start3A_456, %dma_start3A_457] : memref<2x640x64xf32, #tpu.memory_space<vmem>> -> memref<1x128x64xf32, #tpu.memory_space<vmem>>
        %dma_start3A_459 = tpu.memref_squeeze %dma_start3A_458 : memref<1x128x64xf32, #tpu.memory_space<vmem>> -> memref<128x64xf32, #tpu.memory_space<vmem>>
        %dma_start3A_460 = arith.constant 0 : i32
        %dma_start3A_461 = tpu.memref_slice %arg5[%dma_start3A_452, %dma_start3A_453, %dma_start3A_460] : memref<2x5x128xi32, #tpu.memory_space<vmem>> -> memref<1x1x128xi32, #tpu.memory_space<vmem>>
        %dma_start3A_462 = tpu.memref_squeeze %dma_start3A_461 : memref<1x1x128xi32, #tpu.memory_space<vmem>> -> memref<128xi32, #tpu.memory_space<vmem>>
        %dma_start3A_463 = arith.constant 0 : i32
        %dma_start3A_464 = arith.constant 0 : i32
        %dma_start3A_465 = tpu.memref_slice %arg2[%dma_start3A_463, %dma_start3A_464] : memref<1000002x64xf32, #tpu.memory_space<hbm>> -> memref<1000002x64xf32, #tpu.memory_space<hbm>>
        %dma_start3A_466 = tpu.memref_slice %arg9[%dma_start3A_455] : memref<2x!tpu.dma_semaphore, #tpu.memory_space<semaphore_mem>> -> memref<1x!tpu.dma_semaphore, #tpu.memory_space<semaphore_mem>>
        %dma_start3A_467 = tpu.memref_squeeze %dma_start3A_466 : memref<1x!tpu.dma_semaphore, #tpu.memory_space<semaphore_mem>> -> memref<!tpu.dma_semaphore, #tpu.memory_space<semaphore_mem>>
        tpu.enqueue_indirect_dma source(%dma_start3A_465 : memref<1000002x64xf32, #tpu.memory_space<hbm>>) target(%dma_start3A_459 : memref<128x64xf32, #tpu.memory_space<vmem>>) offsets(%dma_start3A_462 : memref<128xi32, #tpu.memory_space<vmem>>) semaphore(%dma_start3A_467 : memref<!tpu.dma_semaphore, #tpu.memory_space<semaphore_mem>>)
        %dma_start3A_468 = arith.constant 1 : i32
        %dma_start3A_469 = arith.constant 1 : i32
        %dma_start3A_470 = arith.constant 1 : i32
        %dma_start3A_471 = arith.constant 1 : i32
        %dma_start3A_472 = arith.constant 128 : i32
        %dma_start3A_473 = arith.constant 0 : i32
        %dma_start3A_474 = tpu.memref_slice %arg6[%dma_start3A_470, %dma_start3A_472, %dma_start3A_473] : memref<2x640x64xf32, #tpu.memory_space<vmem>> -> memref<1x128x64xf32, #tpu.memory_space<vmem>>
        %dma_start3A_475 = tpu.memref_squeeze %dma_start3A_474 : memref<1x128x64xf32, #tpu.memory_space<vmem>> -> memref<128x64xf32, #tpu.memory_space<vmem>>
        %dma_start3A_476 = arith.constant 0 : i32
        %dma_start3A_477 = tpu.memref_slice %arg5[%dma_start3A_468, %dma_start3A_469, %dma_start3A_476] : memref<2x5x128xi32, #tpu.memory_space<vmem>> -> memref<1x1x128xi32, #tpu.memory_space<vmem>>
        %dma_start3A_478 = tpu.memref_squeeze %dma_start3A_477 : memref<1x1x128xi32, #tpu.memory_space<vmem>> -> memref<128xi32, #tpu.memory_space<vmem>>
        %dma_start3A_479 = arith.constant 0 : i32
        %dma_start3A_480 = arith.constant 0 : i32
        %dma_start3A_481 = tpu.memref_slice %arg2[%dma_start3A_479, %dma_start3A_480] : memref<1000002x64xf32, #tpu.memory_space<hbm>> -> memref<1000002x64xf32, #tpu.memory_space<hbm>>
        %dma_start3A_482 = tpu.memref_slice %arg9[%dma_start3A_471] : memref<2x!tpu.dma_semaphore, #tpu.memory_space<semaphore_mem>> -> memref<1x!tpu.dma_semaphore, #tpu.memory_space<semaphore_mem>>
        %dma_start3A_483 = tpu.memref_squeeze %dma_start3A_482 : memref<1x!tpu.dma_semaphore, #tpu.memory_space<semaphore_mem>> -> memref<!tpu.dma_semaphore, #tpu.memory_space<semaphore_mem>>
        tpu.enqueue_indirect_dma source(%dma_start3A_481 : memref<1000002x64xf32, #tpu.memory_space<hbm>>) target(%dma_start3A_475 : memref<128x64xf32, #tpu.memory_space<vmem>>) offsets(%dma_start3A_478 : memref<128xi32, #tpu.memory_space<vmem>>) semaphore(%dma_start3A_483 : memref<!tpu.dma_semaphore, #tpu.memory_space<semaphore_mem>>)
        %dma_start3A_484 = arith.constant 1 : i32
        %dma_start3A_485 = arith.constant 2 : i32
        %dma_start3A_486 = arith.constant 1 : i32
        %dma_start3A_487 = arith.constant 1 : i32
        %dma_start3A_488 = arith.constant 256 : i32
        %dma_start3A_489 = arith.constant 0 : i32
        %dma_start3A_490 = tpu.memref_slice %arg6[%dma_start3A_486, %dma_start3A_488, %dma_start3A_489] : memref<2x640x64xf32, #tpu.memory_space<vmem>> -> memref<1x128x64xf32, #tpu.memory_space<vmem>>
        %dma_start3A_491 = tpu.memref_squeeze %dma_start3A_490 : memref<1x128x64xf32, #tpu.memory_space<vmem>> -> memref<128x64xf32, #tpu.memory_space<vmem>>
        %dma_start3A_492 = arith.constant 0 : i32
        %dma_start3A_493 = tpu.memref_slice %arg5[%dma_start3A_484, %dma_start3A_485, %dma_start3A_492] : memref<2x5x128xi32, #tpu.memory_space<vmem>> -> memref<1x1x128xi32, #tpu.memory_space<vmem>>
        %dma_start3A_494 = tpu.memref_squeeze %dma_start3A_493 : memref<1x1x128xi32, #tpu.memory_space<vmem>> -> memref<128xi32, #tpu.memory_space<vmem>>
        %dma_start3A_495 = arith.constant 0 : i32
        %dma_start3A_496 = arith.constant 0 : i32
        %dma_start3A_497 = tpu.memref_slice %arg2[%dma_start3A_495, %dma_start3A_496] : memref<1000002x64xf32, #tpu.memory_space<hbm>> -> memref<1000002x64xf32, #tpu.memory_space<hbm>>
        %dma_start3A_498 = tpu.memref_slice %arg9[%dma_start3A_487] : memref<2x!tpu.dma_semaphore, #tpu.memory_space<semaphore_mem>> -> memref<1x!tpu.dma_semaphore, #tpu.memory_space<semaphore_mem>>
        %dma_start3A_499 = tpu.memref_squeeze %dma_start3A_498 : memref<1x!tpu.dma_semaphore, #tpu.memory_space<semaphore_mem>> -> memref<!tpu.dma_semaphore, #tpu.memory_space<semaphore_mem>>
        tpu.enqueue_indirect_dma source(%dma_start3A_497 : memref<1000002x64xf32, #tpu.memory_space<hbm>>) target(%dma_start3A_491 : memref<128x64xf32, #tpu.memory_space<vmem>>) offsets(%dma_start3A_494 : memref<128xi32, #tpu.memory_space<vmem>>) semaphore(%dma_start3A_499 : memref<!tpu.dma_semaphore, #tpu.memory_space<semaphore_mem>>)
        %dma_start3A_500 = arith.constant 1 : i32
        %dma_start3A_501 = arith.constant 3 : i32
        %dma_start3A_502 = arith.constant 1 : i32
        %dma_start3A_503 = arith.constant 1 : i32
        %dma_start3A_504 = arith.constant 384 : i32
        %dma_start3A_505 = arith.constant 0 : i32
        %dma_start3A_506 = tpu.memref_slice %arg6[%dma_start3A_502, %dma_start3A_504, %dma_start3A_505] : memref<2x640x64xf32, #tpu.memory_space<vmem>> -> memref<1x128x64xf32, #tpu.memory_space<vmem>>
        %dma_start3A_507 = tpu.memref_squeeze %dma_start3A_506 : memref<1x128x64xf32, #tpu.memory_space<vmem>> -> memref<128x64xf32, #tpu.memory_space<vmem>>
        %dma_start3A_508 = arith.constant 0 : i32
        %dma_start3A_509 = tpu.memref_slice %arg5[%dma_start3A_500, %dma_start3A_501, %dma_start3A_508] : memref<2x5x128xi32, #tpu.memory_space<vmem>> -> memref<1x1x128xi32, #tpu.memory_space<vmem>>
        %dma_start3A_510 = tpu.memref_squeeze %dma_start3A_509 : memref<1x1x128xi32, #tpu.memory_space<vmem>> -> memref<128xi32, #tpu.memory_space<vmem>>
        %dma_start3A_511 = arith.constant 0 : i32
        %dma_start3A_512 = arith.constant 0 : i32
        %dma_start3A_513 = tpu.memref_slice %arg2[%dma_start3A_511, %dma_start3A_512] : memref<1000002x64xf32, #tpu.memory_space<hbm>> -> memref<1000002x64xf32, #tpu.memory_space<hbm>>
        %dma_start3A_514 = tpu.memref_slice %arg9[%dma_start3A_503] : memref<2x!tpu.dma_semaphore, #tpu.memory_space<semaphore_mem>> -> memref<1x!tpu.dma_semaphore, #tpu.memory_space<semaphore_mem>>
        %dma_start3A_515 = tpu.memref_squeeze %dma_start3A_514 : memref<1x!tpu.dma_semaphore, #tpu.memory_space<semaphore_mem>> -> memref<!tpu.dma_semaphore, #tpu.memory_space<semaphore_mem>>
        tpu.enqueue_indirect_dma source(%dma_start3A_513 : memref<1000002x64xf32, #tpu.memory_space<hbm>>) target(%dma_start3A_507 : memref<128x64xf32, #tpu.memory_space<vmem>>) offsets(%dma_start3A_510 : memref<128xi32, #tpu.memory_space<vmem>>) semaphore(%dma_start3A_515 : memref<!tpu.dma_semaphore, #tpu.memory_space<semaphore_mem>>)
        %dma_start3A_516 = arith.constant 1 : i32
        %dma_start3A_517 = arith.constant 4 : i32
        %dma_start3A_518 = arith.constant 1 : i32
        %dma_start3A_519 = arith.constant 1 : i32
        %dma_start3A_520 = arith.constant 512 : i32
        %dma_start3A_521 = arith.constant 0 : i32
        %dma_start3A_522 = tpu.memref_slice %arg6[%dma_start3A_518, %dma_start3A_520, %dma_start3A_521] : memref<2x640x64xf32, #tpu.memory_space<vmem>> -> memref<1x128x64xf32, #tpu.memory_space<vmem>>
        %dma_start3A_523 = tpu.memref_squeeze %dma_start3A_522 : memref<1x128x64xf32, #tpu.memory_space<vmem>> -> memref<128x64xf32, #tpu.memory_space<vmem>>
        %dma_start3A_524 = arith.constant 0 : i32
        %dma_start3A_525 = tpu.memref_slice %arg5[%dma_start3A_516, %dma_start3A_517, %dma_start3A_524] : memref<2x5x128xi32, #tpu.memory_space<vmem>> -> memref<1x1x128xi32, #tpu.memory_space<vmem>>
        %dma_start3A_526 = tpu.memref_squeeze %dma_start3A_525 : memref<1x1x128xi32, #tpu.memory_space<vmem>> -> memref<128xi32, #tpu.memory_space<vmem>>
        %dma_start3A_527 = arith.constant 0 : i32
        %dma_start3A_528 = arith.constant 0 : i32
        %dma_start3A_529 = tpu.memref_slice %arg2[%dma_start3A_527, %dma_start3A_528] : memref<1000002x64xf32, #tpu.memory_space<hbm>> -> memref<1000002x64xf32, #tpu.memory_space<hbm>>
        %dma_start3A_530 = tpu.memref_slice %arg9[%dma_start3A_519] : memref<2x!tpu.dma_semaphore, #tpu.memory_space<semaphore_mem>> -> memref<1x!tpu.dma_semaphore, #tpu.memory_space<semaphore_mem>>
        %dma_start3A_531 = tpu.memref_squeeze %dma_start3A_530 : memref<1x!tpu.dma_semaphore, #tpu.memory_space<semaphore_mem>> -> memref<!tpu.dma_semaphore, #tpu.memory_space<semaphore_mem>>
        tpu.enqueue_indirect_dma source(%dma_start3A_529 : memref<1000002x64xf32, #tpu.memory_space<hbm>>) target(%dma_start3A_523 : memref<128x64xf32, #tpu.memory_space<vmem>>) offsets(%dma_start3A_526 : memref<128xi32, #tpu.memory_space<vmem>>) semaphore(%dma_start3A_531 : memref<!tpu.dma_semaphore, #tpu.memory_space<semaphore_mem>>)
      } else {
      }
      %dma_wait3A_187 = arith.constant 0 : i32
      %dma_wait3A_188 = arith.constant 0 : i32
      %dma_wait3A_189 = arith.constant 0 : i32
      %dma_wait3A_190 = arith.constant 0 : i32
      %dma_wait3A_191 = arith.constant 0 : i32
      %dma_wait3A_192 = arith.constant 0 : i32
      %dma_wait3A_193 = tpu.memref_slice %arg6[%dma_wait3A_189, %dma_wait3A_191, %dma_wait3A_192] : memref<2x640x64xf32, #tpu.memory_space<vmem>> -> memref<1x128x64xf32, #tpu.memory_space<vmem>>
      %dma_wait3A_194 = tpu.memref_squeeze %dma_wait3A_193 : memref<1x128x64xf32, #tpu.memory_space<vmem>> -> memref<128x64xf32, #tpu.memory_space<vmem>>
      %dma_wait3A_195 = arith.constant 0 : i32
      %dma_wait3A_196 = tpu.memref_slice %arg5[%dma_wait3A_187, %dma_wait3A_188, %dma_wait3A_195] : memref<2x5x128xi32, #tpu.memory_space<vmem>> -> memref<1x1x128xi32, #tpu.memory_space<vmem>>
      %dma_wait3A_197 = tpu.memref_squeeze %dma_wait3A_196 : memref<1x1x128xi32, #tpu.memory_space<vmem>> -> memref<128xi32, #tpu.memory_space<vmem>>
      %dma_wait3A_198 = arith.constant 0 : i32
      %dma_wait3A_199 = arith.constant 0 : i32
      %dma_wait3A_200 = tpu.memref_slice %arg2[%dma_wait3A_198, %dma_wait3A_199] : memref<1000002x64xf32, #tpu.memory_space<hbm>> -> memref<1000002x64xf32, #tpu.memory_space<hbm>>
      %dma_wait3A_201 = tpu.memref_slice %arg9[%dma_wait3A_190] : memref<2x!tpu.dma_semaphore, #tpu.memory_space<semaphore_mem>> -> memref<1x!tpu.dma_semaphore, #tpu.memory_space<semaphore_mem>>
      %dma_wait3A_202 = tpu.memref_squeeze %dma_wait3A_201 : memref<1x!tpu.dma_semaphore, #tpu.memory_space<semaphore_mem>> -> memref<!tpu.dma_semaphore, #tpu.memory_space<semaphore_mem>>
      tpu.wait_indirect_dma semaphore(%dma_wait3A_202 : memref<!tpu.dma_semaphore, #tpu.memory_space<semaphore_mem>>) src(%dma_wait3A_200 : memref<1000002x64xf32, #tpu.memory_space<hbm>>) dst(%dma_wait3A_194 : memref<128x64xf32, #tpu.memory_space<vmem>>)
      %dma_wait3A_203 = arith.constant 0 : i32
      %dma_wait3A_204 = arith.constant 1 : i32
      %dma_wait3A_205 = arith.constant 0 : i32
      %dma_wait3A_206 = arith.constant 0 : i32
      %dma_wait3A_207 = arith.constant 128 : i32
      %dma_wait3A_208 = arith.constant 0 : i32
      %dma_wait3A_209 = tpu.memref_slice %arg6[%dma_wait3A_205, %dma_wait3A_207, %dma_wait3A_208] : memref<2x640x64xf32, #tpu.memory_space<vmem>> -> memref<1x128x64xf32, #tpu.memory_space<vmem>>
      %dma_wait3A_210 = tpu.memref_squeeze %dma_wait3A_209 : memref<1x128x64xf32, #tpu.memory_space<vmem>> -> memref<128x64xf32, #tpu.memory_space<vmem>>
      %dma_wait3A_211 = arith.constant 0 : i32
      %dma_wait3A_212 = tpu.memref_slice %arg5[%dma_wait3A_203, %dma_wait3A_204, %dma_wait3A_211] : memref<2x5x128xi32, #tpu.memory_space<vmem>> -> memref<1x1x128xi32, #tpu.memory_space<vmem>>
      %dma_wait3A_213 = tpu.memref_squeeze %dma_wait3A_212 : memref<1x1x128xi32, #tpu.memory_space<vmem>> -> memref<128xi32, #tpu.memory_space<vmem>>
      %dma_wait3A_214 = arith.constant 0 : i32
      %dma_wait3A_215 = arith.constant 0 : i32
      %dma_wait3A_216 = tpu.memref_slice %arg2[%dma_wait3A_214, %dma_wait3A_215] : memref<1000002x64xf32, #tpu.memory_space<hbm>> -> memref<1000002x64xf32, #tpu.memory_space<hbm>>
      %dma_wait3A_217 = tpu.memref_slice %arg9[%dma_wait3A_206] : memref<2x!tpu.dma_semaphore, #tpu.memory_space<semaphore_mem>> -> memref<1x!tpu.dma_semaphore, #tpu.memory_space<semaphore_mem>>
      %dma_wait3A_218 = tpu.memref_squeeze %dma_wait3A_217 : memref<1x!tpu.dma_semaphore, #tpu.memory_space<semaphore_mem>> -> memref<!tpu.dma_semaphore, #tpu.memory_space<semaphore_mem>>
      tpu.wait_indirect_dma semaphore(%dma_wait3A_218 : memref<!tpu.dma_semaphore, #tpu.memory_space<semaphore_mem>>) src(%dma_wait3A_216 : memref<1000002x64xf32, #tpu.memory_space<hbm>>) dst(%dma_wait3A_210 : memref<128x64xf32, #tpu.memory_space<vmem>>)
      %dma_wait3A_219 = arith.constant 0 : i32
      %dma_wait3A_220 = arith.constant 2 : i32
      %dma_wait3A_221 = arith.constant 0 : i32
      %dma_wait3A_222 = arith.constant 0 : i32
      %dma_wait3A_223 = arith.constant 256 : i32
      %dma_wait3A_224 = arith.constant 0 : i32
      %dma_wait3A_225 = tpu.memref_slice %arg6[%dma_wait3A_221, %dma_wait3A_223, %dma_wait3A_224] : memref<2x640x64xf32, #tpu.memory_space<vmem>> -> memref<1x128x64xf32, #tpu.memory_space<vmem>>
      %dma_wait3A_226 = tpu.memref_squeeze %dma_wait3A_225 : memref<1x128x64xf32, #tpu.memory_space<vmem>> -> memref<128x64xf32, #tpu.memory_space<vmem>>
      %dma_wait3A_227 = arith.constant 0 : i32
      %dma_wait3A_228 = tpu.memref_slice %arg5[%dma_wait3A_219, %dma_wait3A_220, %dma_wait3A_227] : memref<2x5x128xi32, #tpu.memory_space<vmem>> -> memref<1x1x128xi32, #tpu.memory_space<vmem>>
      %dma_wait3A_229 = tpu.memref_squeeze %dma_wait3A_228 : memref<1x1x128xi32, #tpu.memory_space<vmem>> -> memref<128xi32, #tpu.memory_space<vmem>>
      %dma_wait3A_230 = arith.constant 0 : i32
      %dma_wait3A_231 = arith.constant 0 : i32
      %dma_wait3A_232 = tpu.memref_slice %arg2[%dma_wait3A_230, %dma_wait3A_231] : memref<1000002x64xf32, #tpu.memory_space<hbm>> -> memref<1000002x64xf32, #tpu.memory_space<hbm>>
      %dma_wait3A_233 = tpu.memref_slice %arg9[%dma_wait3A_222] : memref<2x!tpu.dma_semaphore, #tpu.memory_space<semaphore_mem>> -> memref<1x!tpu.dma_semaphore, #tpu.memory_space<semaphore_mem>>
      %dma_wait3A_234 = tpu.memref_squeeze %dma_wait3A_233 : memref<1x!tpu.dma_semaphore, #tpu.memory_space<semaphore_mem>> -> memref<!tpu.dma_semaphore, #tpu.memory_space<semaphore_mem>>
      tpu.wait_indirect_dma semaphore(%dma_wait3A_234 : memref<!tpu.dma_semaphore, #tpu.memory_space<semaphore_mem>>) src(%dma_wait3A_232 : memref<1000002x64xf32, #tpu.memory_space<hbm>>) dst(%dma_wait3A_226 : memref<128x64xf32, #tpu.memory_space<vmem>>)
      %dma_wait3A_235 = arith.constant 0 : i32
      %dma_wait3A_236 = arith.constant 3 : i32
      %dma_wait3A_237 = arith.constant 0 : i32
      %dma_wait3A_238 = arith.constant 0 : i32
      %dma_wait3A_239 = arith.constant 384 : i32
      %dma_wait3A_240 = arith.constant 0 : i32
      %dma_wait3A_241 = tpu.memref_slice %arg6[%dma_wait3A_237, %dma_wait3A_239, %dma_wait3A_240] : memref<2x640x64xf32, #tpu.memory_space<vmem>> -> memref<1x128x64xf32, #tpu.memory_space<vmem>>
      %dma_wait3A_242 = tpu.memref_squeeze %dma_wait3A_241 : memref<1x128x64xf32, #tpu.memory_space<vmem>> -> memref<128x64xf32, #tpu.memory_space<vmem>>
      %dma_wait3A_243 = arith.constant 0 : i32
      %dma_wait3A_244 = tpu.memref_slice %arg5[%dma_wait3A_235, %dma_wait3A_236, %dma_wait3A_243] : memref<2x5x128xi32, #tpu.memory_space<vmem>> -> memref<1x1x128xi32, #tpu.memory_space<vmem>>
      %dma_wait3A_245 = tpu.memref_squeeze %dma_wait3A_244 : memref<1x1x128xi32, #tpu.memory_space<vmem>> -> memref<128xi32, #tpu.memory_space<vmem>>
      %dma_wait3A_246 = arith.constant 0 : i32
      %dma_wait3A_247 = arith.constant 0 : i32
      %dma_wait3A_248 = tpu.memref_slice %arg2[%dma_wait3A_246, %dma_wait3A_247] : memref<1000002x64xf32, #tpu.memory_space<hbm>> -> memref<1000002x64xf32, #tpu.memory_space<hbm>>
      %dma_wait3A_249 = tpu.memref_slice %arg9[%dma_wait3A_238] : memref<2x!tpu.dma_semaphore, #tpu.memory_space<semaphore_mem>> -> memref<1x!tpu.dma_semaphore, #tpu.memory_space<semaphore_mem>>
      %dma_wait3A_250 = tpu.memref_squeeze %dma_wait3A_249 : memref<1x!tpu.dma_semaphore, #tpu.memory_space<semaphore_mem>> -> memref<!tpu.dma_semaphore, #tpu.memory_space<semaphore_mem>>
      tpu.wait_indirect_dma semaphore(%dma_wait3A_250 : memref<!tpu.dma_semaphore, #tpu.memory_space<semaphore_mem>>) src(%dma_wait3A_248 : memref<1000002x64xf32, #tpu.memory_space<hbm>>) dst(%dma_wait3A_242 : memref<128x64xf32, #tpu.memory_space<vmem>>)
      %dma_wait3A_251 = arith.constant 0 : i32
      %dma_wait3A_252 = arith.constant 4 : i32
      %dma_wait3A_253 = arith.constant 0 : i32
      %dma_wait3A_254 = arith.constant 0 : i32
      %dma_wait3A_255 = arith.constant 512 : i32
      %dma_wait3A_256 = arith.constant 0 : i32
      %dma_wait3A_257 = tpu.memref_slice %arg6[%dma_wait3A_253, %dma_wait3A_255, %dma_wait3A_256] : memref<2x640x64xf32, #tpu.memory_space<vmem>> -> memref<1x128x64xf32, #tpu.memory_space<vmem>>
      %dma_wait3A_258 = tpu.memref_squeeze %dma_wait3A_257 : memref<1x128x64xf32, #tpu.memory_space<vmem>> -> memref<128x64xf32, #tpu.memory_space<vmem>>
      %dma_wait3A_259 = arith.constant 0 : i32
      %dma_wait3A_260 = tpu.memref_slice %arg5[%dma_wait3A_251, %dma_wait3A_252, %dma_wait3A_259] : memref<2x5x128xi32, #tpu.memory_space<vmem>> -> memref<1x1x128xi32, #tpu.memory_space<vmem>>
      %dma_wait3A_261 = tpu.memref_squeeze %dma_wait3A_260 : memref<1x1x128xi32, #tpu.memory_space<vmem>> -> memref<128xi32, #tpu.memory_space<vmem>>
      %dma_wait3A_262 = arith.constant 0 : i32
      %dma_wait3A_263 = arith.constant 0 : i32
      %dma_wait3A_264 = tpu.memref_slice %arg2[%dma_wait3A_262, %dma_wait3A_263] : memref<1000002x64xf32, #tpu.memory_space<hbm>> -> memref<1000002x64xf32, #tpu.memory_space<hbm>>
      %dma_wait3A_265 = tpu.memref_slice %arg9[%dma_wait3A_254] : memref<2x!tpu.dma_semaphore, #tpu.memory_space<semaphore_mem>> -> memref<1x!tpu.dma_semaphore, #tpu.memory_space<semaphore_mem>>
      %dma_wait3A_266 = tpu.memref_squeeze %dma_wait3A_265 : memref<1x!tpu.dma_semaphore, #tpu.memory_space<semaphore_mem>> -> memref<!tpu.dma_semaphore, #tpu.memory_space<semaphore_mem>>
      tpu.wait_indirect_dma semaphore(%dma_wait3A_266 : memref<!tpu.dma_semaphore, #tpu.memory_space<semaphore_mem>>) src(%dma_wait3A_264 : memref<1000002x64xf32, #tpu.memory_space<hbm>>) dst(%dma_wait3A_258 : memref<128x64xf32, #tpu.memory_space<vmem>>)
      %add3A_267 = arith.constant 2 : i32
      %add3A_268 = arith.addi %add3A_182, %add3A_267 : i32
      %lt3A_269 = arith.constant 200 : i32
      %lt3A_270 = arith.cmpi slt, %add3A_268, %lt3A_269 : i32
      %convert_element_type3A_271 = arith.extui %lt3A_270 : i1 to i32
      %cond3A_272 = arith.constant 0 : i32
      %cond3A_273 = arith.cmpi ne, %convert_element_type3A_271, %cond3A_272 : i32
      scf.if %cond3A_273 {
        %add3A_431 = arith.constant 2 : i32
        %add3A_432 = arith.addi %add3A_182, %add3A_431 : i32
        %mul3A_433 = arith.constant 5 : i32
        %mul3A_434 = arith.muli %add3A_432, %mul3A_433 : i32
        %add3A_435 = arith.addi %mul3A_2, %mul3A_434 : i32
        %dma_start3A_436 = arith.constant 0 : i32
        %dma_start3A_437 = arith.constant 0 : i32
        %dma_start3A_438 = arith.constant 0 : i32
        %dma_start3A_439 = arith.constant 0 : i32
        %dma_start3A_440 = tpu.memref_slice %arg5[%dma_start3A_436, %dma_start3A_438, %dma_start3A_439] : memref<2x5x128xi32, #tpu.memory_space<vmem>> -> memref<1x5x128xi32, #tpu.memory_space<vmem>>
        %dma_start3A_441 = tpu.memref_squeeze %dma_start3A_440 : memref<1x5x128xi32, #tpu.memory_space<vmem>> -> memref<5x128xi32, #tpu.memory_space<vmem>>
        %dma_start3A_442 = arith.constant 0 : i32
        %dma_start3A_443 = tpu.memref_slice %arg3[%add3A_435, %dma_start3A_442] : memref<32000x128xi32, #tpu.memory_space<hbm>> -> memref<5x128xi32, #tpu.memory_space<hbm>>
        %dma_start3A_444 = tpu.memref_slice %arg8[%dma_start3A_437] : memref<2x!tpu.dma_semaphore, #tpu.memory_space<semaphore_mem>> -> memref<1x!tpu.dma_semaphore, #tpu.memory_space<semaphore_mem>>
        %dma_start3A_445 = tpu.memref_squeeze %dma_start3A_444 : memref<1x!tpu.dma_semaphore, #tpu.memory_space<semaphore_mem>> -> memref<!tpu.dma_semaphore, #tpu.memory_space<semaphore_mem>>
        %dma_start3A_446 = arith.constant 0 : i32
        %dma_start3A_447 = arith.constant 0 : i32
        %dma_start3A_448 = tpu.memref_slice %arg5[%dma_start3A_436, %dma_start3A_446, %dma_start3A_447] : memref<2x5x128xi32, #tpu.memory_space<vmem>> -> memref<1x5x128xi32, #tpu.memory_space<vmem>>
        %dma_start3A_449 = tpu.memref_squeeze %dma_start3A_448 : memref<1x5x128xi32, #tpu.memory_space<vmem>> -> memref<5x128xi32, #tpu.memory_space<vmem>>
        %dma_start3A_450 = arith.constant 0 : i32
        %dma_start3A_451 = tpu.memref_slice %arg3[%add3A_435, %dma_start3A_450] : memref<32000x128xi32, #tpu.memory_space<hbm>> -> memref<5x128xi32, #tpu.memory_space<hbm>>
        tpu.enqueue_dma source(%dma_start3A_451 : memref<5x128xi32, #tpu.memory_space<hbm>>) target(%dma_start3A_449 : memref<5x128xi32, #tpu.memory_space<vmem>>) target_semaphore(%dma_start3A_445 : memref<!tpu.dma_semaphore, #tpu.memory_space<semaphore_mem>>)
      } else {
      }
      %ge3A = arith.constant 2 : i32
      %ge3A_274 = arith.cmpi sge, %add3A_182, %ge3A : i32
      %convert_element_type3A_275 = arith.extui %ge3A_274 : i1 to i32
      %cond3A_276 = arith.constant 0 : i32
      %cond3A_277 = arith.cmpi ne, %convert_element_type3A_275, %cond3A_276 : i32
      scf.if %cond3A_277 {
        %sub3A = arith.constant 2 : i32
        %sub3A_431 = arith.subi %add3A_182, %sub3A : i32
        %mul3A_432 = arith.constant 16 : i32
        %mul3A_433 = arith.muli %sub3A_431, %mul3A_432 : i32
        %add3A_434 = arith.addi %mul3A_4, %mul3A_433 : i32
        %dma_wait3A_435 = arith.constant 0 : i32
        %dma_wait3A_436 = arith.constant 0 : i32
        %dma_wait3A_437 = arith.constant 0 : i32
        %dma_wait3A_438 = arith.constant 0 : i32
        %dma_wait3A_439 = tpu.memref_slice %arg7[%dma_wait3A_435, %dma_wait3A_437, %dma_wait3A_438] : memref<2x16x128xf32, #tpu.memory_space<vmem>> -> memref<1x16x128xf32, #tpu.memory_space<vmem>>
        %dma_wait3A_440 = tpu.memref_squeeze %dma_wait3A_439 : memref<1x16x128xf32, #tpu.memory_space<vmem>> -> memref<16x128xf32, #tpu.memory_space<vmem>>
        %dma_wait3A_441 = arith.constant 0 : i32
        %dma_wait3A_442 = tpu.memref_slice %arg4[%add3A_434, %dma_wait3A_441] : memref<102400x128xf32, #tpu.memory_space<hbm>> -> memref<16x128xf32, #tpu.memory_space<hbm>>
        %dma_wait3A_443 = tpu.memref_slice %arg10[%dma_wait3A_436] : memref<2x!tpu.dma_semaphore, #tpu.memory_space<semaphore_mem>> -> memref<1x!tpu.dma_semaphore, #tpu.memory_space<semaphore_mem>>
        %dma_wait3A_444 = tpu.memref_squeeze %dma_wait3A_443 : memref<1x!tpu.dma_semaphore, #tpu.memory_space<semaphore_mem>> -> memref<!tpu.dma_semaphore, #tpu.memory_space<semaphore_mem>>
        %dma_wait3A_445 = arith.constant 0 : i32
        %dma_wait3A_446 = tpu.memref_slice %arg4[%add3A_434, %dma_wait3A_445] : memref<102400x128xf32, #tpu.memory_space<hbm>> -> memref<16x128xf32, #tpu.memory_space<hbm>>
        %dma_wait3A_447 = arith.constant 0 : i32
        %dma_wait3A_448 = arith.constant 0 : i32
        %dma_wait3A_449 = tpu.memref_slice %arg7[%dma_wait3A_435, %dma_wait3A_447, %dma_wait3A_448] : memref<2x16x128xf32, #tpu.memory_space<vmem>> -> memref<1x16x128xf32, #tpu.memory_space<vmem>>
        %dma_wait3A_450 = tpu.memref_squeeze %dma_wait3A_449 : memref<1x16x128xf32, #tpu.memory_space<vmem>> -> memref<16x128xf32, #tpu.memory_space<vmem>>
        tpu.wait_dma2 semaphore(%dma_wait3A_444 : memref<!tpu.dma_semaphore, #tpu.memory_space<semaphore_mem>>) src(%dma_wait3A_450 : memref<16x128xf32, #tpu.memory_space<vmem>>) dst(%dma_wait3A_446 : memref<16x128xf32, #tpu.memory_space<hbm>>)
      } else {
      }
      %scan3A_278 = arith.constant 0 : i32
      %scan3A_279 = arith.constant 0 : i32
      %scan3A_280 = arith.constant 16 : i32
      %scan3A_281 = arith.addi %scan3A_279, %scan3A_280 : i32
      %scan3A_282 = arith.constant 1 : i32
      scf.for %scan3A_431 = %scan3A_279 to %scan3A_281 step %scan3A_282  : i32 {
        %mul3A_432 = arith.constant 2 : i32
        %mul3A_433 = arith.muli %scan3A_431, %mul3A_432 : i32
        %mul3A_434 = arith.constant 20 : i32
        %mul3A_435 = arith.muli %mul3A_433, %mul3A_434 : i32
        %add3A_436 = arith.constant 0 : i32
        %add3A_437 = arith.addi %mul3A_435, %add3A_436 : i32
        %get3A = arith.constant 0 : i32
        %get3A_438 = arith.index_cast %get3A : i32 to index
        %get3A_439 = arith.index_cast %add3A_437 : i32 to index
        %get3A_440 = arith.constant 0 : index
        %get3A_441 = tpu.vector_load %arg6[%get3A_438, %get3A_439, %get3A_440] {strides = array<i32>} : memref<2x640x64xf32, #tpu.memory_space<vmem>>, vector<1x1x16xf32>,
        %get3A_442 = vector.shape_cast %get3A_441 : vector<1x1x16xf32> to vector<16xf32>
        %add3A_443 = arith.constant 1 : i32
        %add3A_444 = arith.addi %add3A_437, %add3A_443 : i32
        %get3A_445 = arith.constant 0 : i32
        %get3A_446 = arith.index_cast %get3A_445 : i32 to index
        %get3A_447 = arith.index_cast %add3A_444 : i32 to index
        %get3A_448 = arith.constant 0 : index
        %get3A_449 = tpu.vector_load %arg6[%get3A_446, %get3A_447, %get3A_448] {strides = array<i32>} : memref<2x640x64xf32, #tpu.memory_space<vmem>>, vector<1x1x16xf32>,
        %get3A_450 = vector.shape_cast %get3A_449 : vector<1x1x16xf32> to vector<16xf32>
        %add3A_451 = arith.addf %get3A_442, %get3A_450 : vector<16xf32>
        %add3A_452 = arith.constant 2 : i32
        %add3A_453 = arith.addi %add3A_437, %add3A_452 : i32
        %get3A_454 = arith.constant 0 : i32
        %get3A_455 = arith.index_cast %get3A_454 : i32 to index
        %get3A_456 = arith.index_cast %add3A_453 : i32 to index
        %get3A_457 = arith.constant 0 : index
        %get3A_458 = tpu.vector_load %arg6[%get3A_455, %get3A_456, %get3A_457] {strides = array<i32>} : memref<2x640x64xf32, #tpu.memory_space<vmem>>, vector<1x1x16xf32>,
        %get3A_459 = vector.shape_cast %get3A_458 : vector<1x1x16xf32> to vector<16xf32>
        %add3A_460 = arith.addf %add3A_451, %get3A_459 : vector<16xf32>
        %add3A_461 = arith.constant 3 : i32
        %add3A_462 = arith.addi %add3A_437, %add3A_461 : i32
        %get3A_463 = arith.constant 0 : i32
        %get3A_464 = arith.index_cast %get3A_463 : i32 to index
        %get3A_465 = arith.index_cast %add3A_462 : i32 to index
        %get3A_466 = arith.constant 0 : index
        %get3A_467 = tpu.vector_load %arg6[%get3A_464, %get3A_465, %get3A_466] {strides = array<i32>} : memref<2x640x64xf32, #tpu.memory_space<vmem>>, vector<1x1x16xf32>,
        %get3A_468 = vector.shape_cast %get3A_467 : vector<1x1x16xf32> to vector<16xf32>
        %add3A_469 = arith.addf %add3A_460, %get3A_468 : vector<16xf32>
        %add3A_470 = arith.constant 4 : i32
        %add3A_471 = arith.addi %add3A_437, %add3A_470 : i32
        %get3A_472 = arith.constant 0 : i32
        %get3A_473 = arith.index_cast %get3A_472 : i32 to index
        %get3A_474 = arith.index_cast %add3A_471 : i32 to index
        %get3A_475 = arith.constant 0 : index
        %get3A_476 = tpu.vector_load %arg6[%get3A_473, %get3A_474, %get3A_475] {strides = array<i32>} : memref<2x640x64xf32, #tpu.memory_space<vmem>>, vector<1x1x16xf32>,
        %get3A_477 = vector.shape_cast %get3A_476 : vector<1x1x16xf32> to vector<16xf32>
        %add3A_478 = arith.addf %add3A_469, %get3A_477 : vector<16xf32>
        %add3A_479 = arith.constant 5 : i32
        %add3A_480 = arith.addi %add3A_437, %add3A_479 : i32
        %get3A_481 = arith.constant 0 : i32
        %get3A_482 = arith.index_cast %get3A_481 : i32 to index
        %get3A_483 = arith.index_cast %add3A_480 : i32 to index
        %get3A_484 = arith.constant 0 : index
        %get3A_485 = tpu.vector_load %arg6[%get3A_482, %get3A_483, %get3A_484] {strides = array<i32>} : memref<2x640x64xf32, #tpu.memory_space<vmem>>, vector<1x1x16xf32>,
        %get3A_486 = vector.shape_cast %get3A_485 : vector<1x1x16xf32> to vector<16xf32>
        %add3A_487 = arith.addf %add3A_478, %get3A_486 : vector<16xf32>
        %add3A_488 = arith.constant 6 : i32
        %add3A_489 = arith.addi %add3A_437, %add3A_488 : i32
        %get3A_490 = arith.constant 0 : i32
        %get3A_491 = arith.index_cast %get3A_490 : i32 to index
        %get3A_492 = arith.index_cast %add3A_489 : i32 to index
        %get3A_493 = arith.constant 0 : index
        %get3A_494 = tpu.vector_load %arg6[%get3A_491, %get3A_492, %get3A_493] {strides = array<i32>} : memref<2x640x64xf32, #tpu.memory_space<vmem>>, vector<1x1x16xf32>,
        %get3A_495 = vector.shape_cast %get3A_494 : vector<1x1x16xf32> to vector<16xf32>
        %add3A_496 = arith.addf %add3A_487, %get3A_495 : vector<16xf32>
        %add3A_497 = arith.constant 7 : i32
        %add3A_498 = arith.addi %add3A_437, %add3A_497 : i32
        %get3A_499 = arith.constant 0 : i32
        %get3A_500 = arith.index_cast %get3A_499 : i32 to index
        %get3A_501 = arith.index_cast %add3A_498 : i32 to index
        %get3A_502 = arith.constant 0 : index
        %get3A_503 = tpu.vector_load %arg6[%get3A_500, %get3A_501, %get3A_502] {strides = array<i32>} : memref<2x640x64xf32, #tpu.memory_space<vmem>>, vector<1x1x16xf32>,
        %get3A_504 = vector.shape_cast %get3A_503 : vector<1x1x16xf32> to vector<16xf32>
        %add3A_505 = arith.addf %add3A_496, %get3A_504 : vector<16xf32>
        %add3A_506 = arith.constant 8 : i32
        %add3A_507 = arith.addi %add3A_437, %add3A_506 : i32
        %get3A_508 = arith.constant 0 : i32
        %get3A_509 = arith.index_cast %get3A_508 : i32 to index
        %get3A_510 = arith.index_cast %add3A_507 : i32 to index
        %get3A_511 = arith.constant 0 : index
        %get3A_512 = tpu.vector_load %arg6[%get3A_509, %get3A_510, %get3A_511] {strides = array<i32>} : memref<2x640x64xf32, #tpu.memory_space<vmem>>, vector<1x1x16xf32>,
        %get3A_513 = vector.shape_cast %get3A_512 : vector<1x1x16xf32> to vector<16xf32>
        %add3A_514 = arith.addf %add3A_505, %get3A_513 : vector<16xf32>
        %add3A_515 = arith.constant 9 : i32
        %add3A_516 = arith.addi %add3A_437, %add3A_515 : i32
        %get3A_517 = arith.constant 0 : i32
        %get3A_518 = arith.index_cast %get3A_517 : i32 to index
        %get3A_519 = arith.index_cast %add3A_516 : i32 to index
        %get3A_520 = arith.constant 0 : index
        %get3A_521 = tpu.vector_load %arg6[%get3A_518, %get3A_519, %get3A_520] {strides = array<i32>} : memref<2x640x64xf32, #tpu.memory_space<vmem>>, vector<1x1x16xf32>,
        %get3A_522 = vector.shape_cast %get3A_521 : vector<1x1x16xf32> to vector<16xf32>
        %add3A_523 = arith.addf %add3A_514, %get3A_522 : vector<16xf32>
        %add3A_524 = arith.constant 10 : i32
        %add3A_525 = arith.addi %add3A_437, %add3A_524 : i32
        %get3A_526 = arith.constant 0 : i32
        %get3A_527 = arith.index_cast %get3A_526 : i32 to index
        %get3A_528 = arith.index_cast %add3A_525 : i32 to index
        %get3A_529 = arith.constant 0 : index
        %get3A_530 = tpu.vector_load %arg6[%get3A_527, %get3A_528, %get3A_529] {strides = array<i32>} : memref<2x640x64xf32, #tpu.memory_space<vmem>>, vector<1x1x16xf32>,
        %get3A_531 = vector.shape_cast %get3A_530 : vector<1x1x16xf32> to vector<16xf32>
        %add3A_532 = arith.addf %add3A_523, %get3A_531 : vector<16xf32>
        %add3A_533 = arith.constant 11 : i32
        %add3A_534 = arith.addi %add3A_437, %add3A_533 : i32
        %get3A_535 = arith.constant 0 : i32
        %get3A_536 = arith.index_cast %get3A_535 : i32 to index
        %get3A_537 = arith.index_cast %add3A_534 : i32 to index
        %get3A_538 = arith.constant 0 : index
        %get3A_539 = tpu.vector_load %arg6[%get3A_536, %get3A_537, %get3A_538] {strides = array<i32>} : memref<2x640x64xf32, #tpu.memory_space<vmem>>, vector<1x1x16xf32>,
        %get3A_540 = vector.shape_cast %get3A_539 : vector<1x1x16xf32> to vector<16xf32>
        %add3A_541 = arith.addf %add3A_532, %get3A_540 : vector<16xf32>
        %add3A_542 = arith.constant 12 : i32
        %add3A_543 = arith.addi %add3A_437, %add3A_542 : i32
        %get3A_544 = arith.constant 0 : i32
        %get3A_545 = arith.index_cast %get3A_544 : i32 to index
        %get3A_546 = arith.index_cast %add3A_543 : i32 to index
        %get3A_547 = arith.constant 0 : index
        %get3A_548 = tpu.vector_load %arg6[%get3A_545, %get3A_546, %get3A_547] {strides = array<i32>} : memref<2x640x64xf32, #tpu.memory_space<vmem>>, vector<1x1x16xf32>,
        %get3A_549 = vector.shape_cast %get3A_548 : vector<1x1x16xf32> to vector<16xf32>
        %add3A_550 = arith.addf %add3A_541, %get3A_549 : vector<16xf32>
        %add3A_551 = arith.constant 13 : i32
        %add3A_552 = arith.addi %add3A_437, %add3A_551 : i32
        %get3A_553 = arith.constant 0 : i32
        %get3A_554 = arith.index_cast %get3A_553 : i32 to index
        %get3A_555 = arith.index_cast %add3A_552 : i32 to index
        %get3A_556 = arith.constant 0 : index
        %get3A_557 = tpu.vector_load %arg6[%get3A_554, %get3A_555, %get3A_556] {strides = array<i32>} : memref<2x640x64xf32, #tpu.memory_space<vmem>>, vector<1x1x16xf32>,
        %get3A_558 = vector.shape_cast %get3A_557 : vector<1x1x16xf32> to vector<16xf32>
        %add3A_559 = arith.addf %add3A_550, %get3A_558 : vector<16xf32>
        %add3A_560 = arith.constant 14 : i32
        %add3A_561 = arith.addi %add3A_437, %add3A_560 : i32
        %get3A_562 = arith.constant 0 : i32
        %get3A_563 = arith.index_cast %get3A_562 : i32 to index
        %get3A_564 = arith.index_cast %add3A_561 : i32 to index
        %get3A_565 = arith.constant 0 : index
        %get3A_566 = tpu.vector_load %arg6[%get3A_563, %get3A_564, %get3A_565] {strides = array<i32>} : memref<2x640x64xf32, #tpu.memory_space<vmem>>, vector<1x1x16xf32>,
        %get3A_567 = vector.shape_cast %get3A_566 : vector<1x1x16xf32> to vector<16xf32>
        %add3A_568 = arith.addf %add3A_559, %get3A_567 : vector<16xf32>
        %add3A_569 = arith.constant 15 : i32
        %add3A_570 = arith.addi %add3A_437, %add3A_569 : i32
        %get3A_571 = arith.constant 0 : i32
        %get3A_572 = arith.index_cast %get3A_571 : i32 to index
        %get3A_573 = arith.index_cast %add3A_570 : i32 to index
        %get3A_574 = arith.constant 0 : index
        %get3A_575 = tpu.vector_load %arg6[%get3A_572, %get3A_573, %get3A_574] {strides = array<i32>} : memref<2x640x64xf32, #tpu.memory_space<vmem>>, vector<1x1x16xf32>,
        %get3A_576 = vector.shape_cast %get3A_575 : vector<1x1x16xf32> to vector<16xf32>
        %add3A_577 = arith.addf %add3A_568, %get3A_576 : vector<16xf32>
        %add3A_578 = arith.constant 16 : i32
        %add3A_579 = arith.addi %add3A_437, %add3A_578 : i32
        %get3A_580 = arith.constant 0 : i32
        %get3A_581 = arith.index_cast %get3A_580 : i32 to index
        %get3A_582 = arith.index_cast %add3A_579 : i32 to index
        %get3A_583 = arith.constant 0 : index
        %get3A_584 = tpu.vector_load %arg6[%get3A_581, %get3A_582, %get3A_583] {strides = array<i32>} : memref<2x640x64xf32, #tpu.memory_space<vmem>>, vector<1x1x16xf32>,
        %get3A_585 = vector.shape_cast %get3A_584 : vector<1x1x16xf32> to vector<16xf32>
        %add3A_586 = arith.addf %add3A_577, %get3A_585 : vector<16xf32>
        %add3A_587 = arith.constant 17 : i32
        %add3A_588 = arith.addi %add3A_437, %add3A_587 : i32
        %get3A_589 = arith.constant 0 : i32
        %get3A_590 = arith.index_cast %get3A_589 : i32 to index
        %get3A_591 = arith.index_cast %add3A_588 : i32 to index
        %get3A_592 = arith.constant 0 : index
        %get3A_593 = tpu.vector_load %arg6[%get3A_590, %get3A_591, %get3A_592] {strides = array<i32>} : memref<2x640x64xf32, #tpu.memory_space<vmem>>, vector<1x1x16xf32>,
        %get3A_594 = vector.shape_cast %get3A_593 : vector<1x1x16xf32> to vector<16xf32>
        %add3A_595 = arith.addf %add3A_586, %get3A_594 : vector<16xf32>
        %add3A_596 = arith.constant 18 : i32
        %add3A_597 = arith.addi %add3A_437, %add3A_596 : i32
        %get3A_598 = arith.constant 0 : i32
        %get3A_599 = arith.index_cast %get3A_598 : i32 to index
        %get3A_600 = arith.index_cast %add3A_597 : i32 to index
        %get3A_601 = arith.constant 0 : index
        %get3A_602 = tpu.vector_load %arg6[%get3A_599, %get3A_600, %get3A_601] {strides = array<i32>} : memref<2x640x64xf32, #tpu.memory_space<vmem>>, vector<1x1x16xf32>,
        %get3A_603 = vector.shape_cast %get3A_602 : vector<1x1x16xf32> to vector<16xf32>
        %add3A_604 = arith.addf %add3A_595, %get3A_603 : vector<16xf32>
        %add3A_605 = arith.constant 19 : i32
        %add3A_606 = arith.addi %add3A_437, %add3A_605 : i32
        %get3A_607 = arith.constant 0 : i32
        %get3A_608 = arith.index_cast %get3A_607 : i32 to index
        %get3A_609 = arith.index_cast %add3A_606 : i32 to index
        %get3A_610 = arith.constant 0 : index
        %get3A_611 = tpu.vector_load %arg6[%get3A_608, %get3A_609, %get3A_610] {strides = array<i32>} : memref<2x640x64xf32, #tpu.memory_space<vmem>>, vector<1x1x16xf32>,
        %get3A_612 = vector.shape_cast %get3A_611 : vector<1x1x16xf32> to vector<16xf32>
        %add3A_613 = arith.addf %add3A_604, %get3A_612 : vector<16xf32>
        %mul3A_614 = arith.constant 5.000000e-02 : f32
        %mul3A_615 = vector.broadcast %mul3A_614 : f32 to vector<16xf32>
        %mul3A_616 = arith.mulf %add3A_613, %mul3A_615 : vector<16xf32>
        %swap3A = arith.constant 0 : i32
        %swap3A_617 = arith.index_cast %swap3A : i32 to index
        %swap3A_618 = arith.index_cast %scan3A_431 : i32 to index
        %swap3A_619 = arith.constant 0 : index
        %swap3A_620 = tpu.vector_load %arg7[%swap3A_617, %swap3A_618, %swap3A_619] {strides = array<i32>} : memref<2x16x128xf32, #tpu.memory_space<vmem>>, vector<1x1x16xf32>,
        %swap3A_621 = vector.shape_cast %swap3A_620 : vector<1x1x16xf32> to vector<16xf32>
        %swap3A_622 = vector.shape_cast %mul3A_616 : vector<16xf32> to vector<1x1x16xf32>
        tpu.vector_store %arg7[%swap3A_617, %swap3A_618, %swap3A_619], %swap3A_622 {strides = array<i32>} : memref<2x16x128xf32, #tpu.memory_space<vmem>>, vector<1x1x16xf32>,
        %get3A_623 = arith.constant 0 : i32
        %get3A_624 = arith.index_cast %get3A_623 : i32 to index
        %get3A_625 = arith.index_cast %add3A_437 : i32 to index
        %get3A_626 = arith.constant 16 : index
        %get3A_627 = tpu.vector_load %arg6[%get3A_624, %get3A_625, %get3A_626] {strides = array<i32>} : memref<2x640x64xf32, #tpu.memory_space<vmem>>, vector<1x1x16xf32>,
        %get3A_628 = vector.shape_cast %get3A_627 : vector<1x1x16xf32> to vector<16xf32>
        %add3A_629 = arith.constant 1 : i32
        %add3A_630 = arith.addi %add3A_437, %add3A_629 : i32
        %get3A_631 = arith.constant 0 : i32
        %get3A_632 = arith.index_cast %get3A_631 : i32 to index
        %get3A_633 = arith.index_cast %add3A_630 : i32 to index
        %get3A_634 = arith.constant 16 : index
        %get3A_635 = tpu.vector_load %arg6[%get3A_632, %get3A_633, %get3A_634] {strides = array<i32>} : memref<2x640x64xf32, #tpu.memory_space<vmem>>, vector<1x1x16xf32>,
        %get3A_636 = vector.shape_cast %get3A_635 : vector<1x1x16xf32> to vector<16xf32>
        %add3A_637 = arith.addf %get3A_628, %get3A_636 : vector<16xf32>
        %add3A_638 = arith.constant 2 : i32
        %add3A_639 = arith.addi %add3A_437, %add3A_638 : i32
        %get3A_640 = arith.constant 0 : i32
        %get3A_641 = arith.index_cast %get3A_640 : i32 to index
        %get3A_642 = arith.index_cast %add3A_639 : i32 to index
        %get3A_643 = arith.constant 16 : index
        %get3A_644 = tpu.vector_load %arg6[%get3A_641, %get3A_642, %get3A_643] {strides = array<i32>} : memref<2x640x64xf32, #tpu.memory_space<vmem>>, vector<1x1x16xf32>,
        %get3A_645 = vector.shape_cast %get3A_644 : vector<1x1x16xf32> to vector<16xf32>
        %add3A_646 = arith.addf %add3A_637, %get3A_645 : vector<16xf32>
        %add3A_647 = arith.constant 3 : i32
        %add3A_648 = arith.addi %add3A_437, %add3A_647 : i32
        %get3A_649 = arith.constant 0 : i32
        %get3A_650 = arith.index_cast %get3A_649 : i32 to index
        %get3A_651 = arith.index_cast %add3A_648 : i32 to index
        %get3A_652 = arith.constant 16 : index
        %get3A_653 = tpu.vector_load %arg6[%get3A_650, %get3A_651, %get3A_652] {strides = array<i32>} : memref<2x640x64xf32, #tpu.memory_space<vmem>>, vector<1x1x16xf32>,
        %get3A_654 = vector.shape_cast %get3A_653 : vector<1x1x16xf32> to vector<16xf32>
        %add3A_655 = arith.addf %add3A_646, %get3A_654 : vector<16xf32>
        %add3A_656 = arith.constant 4 : i32
        %add3A_657 = arith.addi %add3A_437, %add3A_656 : i32
        %get3A_658 = arith.constant 0 : i32
        %get3A_659 = arith.index_cast %get3A_658 : i32 to index
        %get3A_660 = arith.index_cast %add3A_657 : i32 to index
        %get3A_661 = arith.constant 16 : index
        %get3A_662 = tpu.vector_load %arg6[%get3A_659, %get3A_660, %get3A_661] {strides = array<i32>} : memref<2x640x64xf32, #tpu.memory_space<vmem>>, vector<1x1x16xf32>,
        %get3A_663 = vector.shape_cast %get3A_662 : vector<1x1x16xf32> to vector<16xf32>
        %add3A_664 = arith.addf %add3A_655, %get3A_663 : vector<16xf32>
        %add3A_665 = arith.constant 5 : i32
        %add3A_666 = arith.addi %add3A_437, %add3A_665 : i32
        %get3A_667 = arith.constant 0 : i32
        %get3A_668 = arith.index_cast %get3A_667 : i32 to index
        %get3A_669 = arith.index_cast %add3A_666 : i32 to index
        %get3A_670 = arith.constant 16 : index
        %get3A_671 = tpu.vector_load %arg6[%get3A_668, %get3A_669, %get3A_670] {strides = array<i32>} : memref<2x640x64xf32, #tpu.memory_space<vmem>>, vector<1x1x16xf32>,
        %get3A_672 = vector.shape_cast %get3A_671 : vector<1x1x16xf32> to vector<16xf32>
        %add3A_673 = arith.addf %add3A_664, %get3A_672 : vector<16xf32>
        %add3A_674 = arith.constant 6 : i32
        %add3A_675 = arith.addi %add3A_437, %add3A_674 : i32
        %get3A_676 = arith.constant 0 : i32
        %get3A_677 = arith.index_cast %get3A_676 : i32 to index
        %get3A_678 = arith.index_cast %add3A_675 : i32 to index
        %get3A_679 = arith.constant 16 : index
        %get3A_680 = tpu.vector_load %arg6[%get3A_677, %get3A_678, %get3A_679] {strides = array<i32>} : memref<2x640x64xf32, #tpu.memory_space<vmem>>, vector<1x1x16xf32>,
        %get3A_681 = vector.shape_cast %get3A_680 : vector<1x1x16xf32> to vector<16xf32>
        %add3A_682 = arith.addf %add3A_673, %get3A_681 : vector<16xf32>
        %add3A_683 = arith.constant 7 : i32
        %add3A_684 = arith.addi %add3A_437, %add3A_683 : i32
        %get3A_685 = arith.constant 0 : i32
        %get3A_686 = arith.index_cast %get3A_685 : i32 to index
        %get3A_687 = arith.index_cast %add3A_684 : i32 to index
        %get3A_688 = arith.constant 16 : index
        %get3A_689 = tpu.vector_load %arg6[%get3A_686, %get3A_687, %get3A_688] {strides = array<i32>} : memref<2x640x64xf32, #tpu.memory_space<vmem>>, vector<1x1x16xf32>,
        %get3A_690 = vector.shape_cast %get3A_689 : vector<1x1x16xf32> to vector<16xf32>
        %add3A_691 = arith.addf %add3A_682, %get3A_690 : vector<16xf32>
        %add3A_692 = arith.constant 8 : i32
        %add3A_693 = arith.addi %add3A_437, %add3A_692 : i32
        %get3A_694 = arith.constant 0 : i32
        %get3A_695 = arith.index_cast %get3A_694 : i32 to index
        %get3A_696 = arith.index_cast %add3A_693 : i32 to index
        %get3A_697 = arith.constant 16 : index
        %get3A_698 = tpu.vector_load %arg6[%get3A_695, %get3A_696, %get3A_697] {strides = array<i32>} : memref<2x640x64xf32, #tpu.memory_space<vmem>>, vector<1x1x16xf32>,
        %get3A_699 = vector.shape_cast %get3A_698 : vector<1x1x16xf32> to vector<16xf32>
        %add3A_700 = arith.addf %add3A_691, %get3A_699 : vector<16xf32>
        %add3A_701 = arith.constant 9 : i32
        %add3A_702 = arith.addi %add3A_437, %add3A_701 : i32
        %get3A_703 = arith.constant 0 : i32
        %get3A_704 = arith.index_cast %get3A_703 : i32 to index
        %get3A_705 = arith.index_cast %add3A_702 : i32 to index
        %get3A_706 = arith.constant 16 : index
        %get3A_707 = tpu.vector_load %arg6[%get3A_704, %get3A_705, %get3A_706] {strides = array<i32>} : memref<2x640x64xf32, #tpu.memory_space<vmem>>, vector<1x1x16xf32>,
        %get3A_708 = vector.shape_cast %get3A_707 : vector<1x1x16xf32> to vector<16xf32>
        %add3A_709 = arith.addf %add3A_700, %get3A_708 : vector<16xf32>
        %add3A_710 = arith.constant 10 : i32
        %add3A_711 = arith.addi %add3A_437, %add3A_710 : i32
        %get3A_712 = arith.constant 0 : i32
        %get3A_713 = arith.index_cast %get3A_712 : i32 to index
        %get3A_714 = arith.index_cast %add3A_711 : i32 to index
        %get3A_715 = arith.constant 16 : index
        %get3A_716 = tpu.vector_load %arg6[%get3A_713, %get3A_714, %get3A_715] {strides = array<i32>} : memref<2x640x64xf32, #tpu.memory_space<vmem>>, vector<1x1x16xf32>,
        %get3A_717 = vector.shape_cast %get3A_716 : vector<1x1x16xf32> to vector<16xf32>
        %add3A_718 = arith.addf %add3A_709, %get3A_717 : vector<16xf32>
        %add3A_719 = arith.constant 11 : i32
        %add3A_720 = arith.addi %add3A_437, %add3A_719 : i32
        %get3A_721 = arith.constant 0 : i32
        %get3A_722 = arith.index_cast %get3A_721 : i32 to index
        %get3A_723 = arith.index_cast %add3A_720 : i32 to index
        %get3A_724 = arith.constant 16 : index
        %get3A_725 = tpu.vector_load %arg6[%get3A_722, %get3A_723, %get3A_724] {strides = array<i32>} : memref<2x640x64xf32, #tpu.memory_space<vmem>>, vector<1x1x16xf32>,
        %get3A_726 = vector.shape_cast %get3A_725 : vector<1x1x16xf32> to vector<16xf32>
        %add3A_727 = arith.addf %add3A_718, %get3A_726 : vector<16xf32>
        %add3A_728 = arith.constant 12 : i32
        %add3A_729 = arith.addi %add3A_437, %add3A_728 : i32
        %get3A_730 = arith.constant 0 : i32
        %get3A_731 = arith.index_cast %get3A_730 : i32 to index
        %get3A_732 = arith.index_cast %add3A_729 : i32 to index
        %get3A_733 = arith.constant 16 : index
        %get3A_734 = tpu.vector_load %arg6[%get3A_731, %get3A_732, %get3A_733] {strides = array<i32>} : memref<2x640x64xf32, #tpu.memory_space<vmem>>, vector<1x1x16xf32>,
        %get3A_735 = vector.shape_cast %get3A_734 : vector<1x1x16xf32> to vector<16xf32>
        %add3A_736 = arith.addf %add3A_727, %get3A_735 : vector<16xf32>
        %add3A_737 = arith.constant 13 : i32
        %add3A_738 = arith.addi %add3A_437, %add3A_737 : i32
        %get3A_739 = arith.constant 0 : i32
        %get3A_740 = arith.index_cast %get3A_739 : i32 to index
        %get3A_741 = arith.index_cast %add3A_738 : i32 to index
        %get3A_742 = arith.constant 16 : index
        %get3A_743 = tpu.vector_load %arg6[%get3A_740, %get3A_741, %get3A_742] {strides = array<i32>} : memref<2x640x64xf32, #tpu.memory_space<vmem>>, vector<1x1x16xf32>,
        %get3A_744 = vector.shape_cast %get3A_743 : vector<1x1x16xf32> to vector<16xf32>
        %add3A_745 = arith.addf %add3A_736, %get3A_744 : vector<16xf32>
        %add3A_746 = arith.constant 14 : i32
        %add3A_747 = arith.addi %add3A_437, %add3A_746 : i32
        %get3A_748 = arith.constant 0 : i32
        %get3A_749 = arith.index_cast %get3A_748 : i32 to index
        %get3A_750 = arith.index_cast %add3A_747 : i32 to index
        %get3A_751 = arith.constant 16 : index
        %get3A_752 = tpu.vector_load %arg6[%get3A_749, %get3A_750, %get3A_751] {strides = array<i32>} : memref<2x640x64xf32, #tpu.memory_space<vmem>>, vector<1x1x16xf32>,
        %get3A_753 = vector.shape_cast %get3A_752 : vector<1x1x16xf32> to vector<16xf32>
        %add3A_754 = arith.addf %add3A_745, %get3A_753 : vector<16xf32>
        %add3A_755 = arith.constant 15 : i32
        %add3A_756 = arith.addi %add3A_437, %add3A_755 : i32
        %get3A_757 = arith.constant 0 : i32
        %get3A_758 = arith.index_cast %get3A_757 : i32 to index
        %get3A_759 = arith.index_cast %add3A_756 : i32 to index
        %get3A_760 = arith.constant 16 : index
        %get3A_761 = tpu.vector_load %arg6[%get3A_758, %get3A_759, %get3A_760] {strides = array<i32>} : memref<2x640x64xf32, #tpu.memory_space<vmem>>, vector<1x1x16xf32>,
        %get3A_762 = vector.shape_cast %get3A_761 : vector<1x1x16xf32> to vector<16xf32>
        %add3A_763 = arith.addf %add3A_754, %get3A_762 : vector<16xf32>
        %add3A_764 = arith.constant 16 : i32
        %add3A_765 = arith.addi %add3A_437, %add3A_764 : i32
        %get3A_766 = arith.constant 0 : i32
        %get3A_767 = arith.index_cast %get3A_766 : i32 to index
        %get3A_768 = arith.index_cast %add3A_765 : i32 to index
        %get3A_769 = arith.constant 16 : index
        %get3A_770 = tpu.vector_load %arg6[%get3A_767, %get3A_768, %get3A_769] {strides = array<i32>} : memref<2x640x64xf32, #tpu.memory_space<vmem>>, vector<1x1x16xf32>,
        %get3A_771 = vector.shape_cast %get3A_770 : vector<1x1x16xf32> to vector<16xf32>
        %add3A_772 = arith.addf %add3A_763, %get3A_771 : vector<16xf32>
        %add3A_773 = arith.constant 17 : i32
        %add3A_774 = arith.addi %add3A_437, %add3A_773 : i32
        %get3A_775 = arith.constant 0 : i32
        %get3A_776 = arith.index_cast %get3A_775 : i32 to index
        %get3A_777 = arith.index_cast %add3A_774 : i32 to index
        %get3A_778 = arith.constant 16 : index
        %get3A_779 = tpu.vector_load %arg6[%get3A_776, %get3A_777, %get3A_778] {strides = array<i32>} : memref<2x640x64xf32, #tpu.memory_space<vmem>>, vector<1x1x16xf32>,
        %get3A_780 = vector.shape_cast %get3A_779 : vector<1x1x16xf32> to vector<16xf32>
        %add3A_781 = arith.addf %add3A_772, %get3A_780 : vector<16xf32>
        %add3A_782 = arith.constant 18 : i32
        %add3A_783 = arith.addi %add3A_437, %add3A_782 : i32
        %get3A_784 = arith.constant 0 : i32
        %get3A_785 = arith.index_cast %get3A_784 : i32 to index
        %get3A_786 = arith.index_cast %add3A_783 : i32 to index
        %get3A_787 = arith.constant 16 : index
        %get3A_788 = tpu.vector_load %arg6[%get3A_785, %get3A_786, %get3A_787] {strides = array<i32>} : memref<2x640x64xf32, #tpu.memory_space<vmem>>, vector<1x1x16xf32>,
        %get3A_789 = vector.shape_cast %get3A_788 : vector<1x1x16xf32> to vector<16xf32>
        %add3A_790 = arith.addf %add3A_781, %get3A_789 : vector<16xf32>
        %add3A_791 = arith.constant 19 : i32
        %add3A_792 = arith.addi %add3A_437, %add3A_791 : i32
        %get3A_793 = arith.constant 0 : i32
        %get3A_794 = arith.index_cast %get3A_793 : i32 to index
        %get3A_795 = arith.index_cast %add3A_792 : i32 to index
        %get3A_796 = arith.constant 16 : index
        %get3A_797 = tpu.vector_load %arg6[%get3A_794, %get3A_795, %get3A_796] {strides = array<i32>} : memref<2x640x64xf32, #tpu.memory_space<vmem>>, vector<1x1x16xf32>,
        %get3A_798 = vector.shape_cast %get3A_797 : vector<1x1x16xf32> to vector<16xf32>
        %add3A_799 = arith.addf %add3A_790, %get3A_798 : vector<16xf32>
        %mul3A_800 = arith.constant 5.000000e-02 : f32
        %mul3A_801 = vector.broadcast %mul3A_800 : f32 to vector<16xf32>
        %mul3A_802 = arith.mulf %add3A_799, %mul3A_801 : vector<16xf32>
        %swap3A_803 = arith.constant 0 : i32
        %swap3A_804 = arith.index_cast %swap3A_803 : i32 to index
        %swap3A_805 = arith.index_cast %scan3A_431 : i32 to index
        %swap3A_806 = arith.constant 16 : index
        %swap3A_807 = tpu.vector_load %arg7[%swap3A_804, %swap3A_805, %swap3A_806] {strides = array<i32>} : memref<2x16x128xf32, #tpu.memory_space<vmem>>, vector<1x1x16xf32>,
        %swap3A_808 = vector.shape_cast %swap3A_807 : vector<1x1x16xf32> to vector<16xf32>
        %swap3A_809 = vector.shape_cast %mul3A_802 : vector<16xf32> to vector<1x1x16xf32>
        tpu.vector_store %arg7[%swap3A_804, %swap3A_805, %swap3A_806], %swap3A_809 {strides = array<i32>} : memref<2x16x128xf32, #tpu.memory_space<vmem>>, vector<1x1x16xf32>,
        %get3A_810 = arith.constant 0 : i32
        %get3A_811 = arith.index_cast %get3A_810 : i32 to index
        %get3A_812 = arith.index_cast %add3A_437 : i32 to index
        %get3A_813 = arith.constant 32 : index
        %get3A_814 = tpu.vector_load %arg6[%get3A_811, %get3A_812, %get3A_813] {strides = array<i32>} : memref<2x640x64xf32, #tpu.memory_space<vmem>>, vector<1x1x16xf32>,
        %get3A_815 = vector.shape_cast %get3A_814 : vector<1x1x16xf32> to vector<16xf32>
        %add3A_816 = arith.constant 1 : i32
        %add3A_817 = arith.addi %add3A_437, %add3A_816 : i32
        %get3A_818 = arith.constant 0 : i32
        %get3A_819 = arith.index_cast %get3A_818 : i32 to index
        %get3A_820 = arith.index_cast %add3A_817 : i32 to index
        %get3A_821 = arith.constant 32 : index
        %get3A_822 = tpu.vector_load %arg6[%get3A_819, %get3A_820, %get3A_821] {strides = array<i32>} : memref<2x640x64xf32, #tpu.memory_space<vmem>>, vector<1x1x16xf32>,
        %get3A_823 = vector.shape_cast %get3A_822 : vector<1x1x16xf32> to vector<16xf32>
        %add3A_824 = arith.addf %get3A_815, %get3A_823 : vector<16xf32>
        %add3A_825 = arith.constant 2 : i32
        %add3A_826 = arith.addi %add3A_437, %add3A_825 : i32
        %get3A_827 = arith.constant 0 : i32
        %get3A_828 = arith.index_cast %get3A_827 : i32 to index
        %get3A_829 = arith.index_cast %add3A_826 : i32 to index
        %get3A_830 = arith.constant 32 : index
        %get3A_831 = tpu.vector_load %arg6[%get3A_828, %get3A_829, %get3A_830] {strides = array<i32>} : memref<2x640x64xf32, #tpu.memory_space<vmem>>, vector<1x1x16xf32>,
        %get3A_832 = vector.shape_cast %get3A_831 : vector<1x1x16xf32> to vector<16xf32>
        %add3A_833 = arith.addf %add3A_824, %get3A_832 : vector<16xf32>
        %add3A_834 = arith.constant 3 : i32
        %add3A_835 = arith.addi %add3A_437, %add3A_834 : i32
        %get3A_836 = arith.constant 0 : i32
        %get3A_837 = arith.index_cast %get3A_836 : i32 to index
        %get3A_838 = arith.index_cast %add3A_835 : i32 to index
        %get3A_839 = arith.constant 32 : index
        %get3A_840 = tpu.vector_load %arg6[%get3A_837, %get3A_838, %get3A_839] {strides = array<i32>} : memref<2x640x64xf32, #tpu.memory_space<vmem>>, vector<1x1x16xf32>,
        %get3A_841 = vector.shape_cast %get3A_840 : vector<1x1x16xf32> to vector<16xf32>
        %add3A_842 = arith.addf %add3A_833, %get3A_841 : vector<16xf32>
        %add3A_843 = arith.constant 4 : i32
        %add3A_844 = arith.addi %add3A_437, %add3A_843 : i32
        %get3A_845 = arith.constant 0 : i32
        %get3A_846 = arith.index_cast %get3A_845 : i32 to index
        %get3A_847 = arith.index_cast %add3A_844 : i32 to index
        %get3A_848 = arith.constant 32 : index
        %get3A_849 = tpu.vector_load %arg6[%get3A_846, %get3A_847, %get3A_848] {strides = array<i32>} : memref<2x640x64xf32, #tpu.memory_space<vmem>>, vector<1x1x16xf32>,
        %get3A_850 = vector.shape_cast %get3A_849 : vector<1x1x16xf32> to vector<16xf32>
        %add3A_851 = arith.addf %add3A_842, %get3A_850 : vector<16xf32>
        %add3A_852 = arith.constant 5 : i32
        %add3A_853 = arith.addi %add3A_437, %add3A_852 : i32
        %get3A_854 = arith.constant 0 : i32
        %get3A_855 = arith.index_cast %get3A_854 : i32 to index
        %get3A_856 = arith.index_cast %add3A_853 : i32 to index
        %get3A_857 = arith.constant 32 : index
        %get3A_858 = tpu.vector_load %arg6[%get3A_855, %get3A_856, %get3A_857] {strides = array<i32>} : memref<2x640x64xf32, #tpu.memory_space<vmem>>, vector<1x1x16xf32>,
        %get3A_859 = vector.shape_cast %get3A_858 : vector<1x1x16xf32> to vector<16xf32>
        %add3A_860 = arith.addf %add3A_851, %get3A_859 : vector<16xf32>
        %add3A_861 = arith.constant 6 : i32
        %add3A_862 = arith.addi %add3A_437, %add3A_861 : i32
        %get3A_863 = arith.constant 0 : i32
        %get3A_864 = arith.index_cast %get3A_863 : i32 to index
        %get3A_865 = arith.index_cast %add3A_862 : i32 to index
        %get3A_866 = arith.constant 32 : index
        %get3A_867 = tpu.vector_load %arg6[%get3A_864, %get3A_865, %get3A_866] {strides = array<i32>} : memref<2x640x64xf32, #tpu.memory_space<vmem>>, vector<1x1x16xf32>,
        %get3A_868 = vector.shape_cast %get3A_867 : vector<1x1x16xf32> to vector<16xf32>
        %add3A_869 = arith.addf %add3A_860, %get3A_868 : vector<16xf32>
        %add3A_870 = arith.constant 7 : i32
        %add3A_871 = arith.addi %add3A_437, %add3A_870 : i32
        %get3A_872 = arith.constant 0 : i32
        %get3A_873 = arith.index_cast %get3A_872 : i32 to index
        %get3A_874 = arith.index_cast %add3A_871 : i32 to index
        %get3A_875 = arith.constant 32 : index
        %get3A_876 = tpu.vector_load %arg6[%get3A_873, %get3A_874, %get3A_875] {strides = array<i32>} : memref<2x640x64xf32, #tpu.memory_space<vmem>>, vector<1x1x16xf32>,
        %get3A_877 = vector.shape_cast %get3A_876 : vector<1x1x16xf32> to vector<16xf32>
        %add3A_878 = arith.addf %add3A_869, %get3A_877 : vector<16xf32>
        %add3A_879 = arith.constant 8 : i32
        %add3A_880 = arith.addi %add3A_437, %add3A_879 : i32
        %get3A_881 = arith.constant 0 : i32
        %get3A_882 = arith.index_cast %get3A_881 : i32 to index
        %get3A_883 = arith.index_cast %add3A_880 : i32 to index
        %get3A_884 = arith.constant 32 : index
        %get3A_885 = tpu.vector_load %arg6[%get3A_882, %get3A_883, %get3A_884] {strides = array<i32>} : memref<2x640x64xf32, #tpu.memory_space<vmem>>, vector<1x1x16xf32>,
        %get3A_886 = vector.shape_cast %get3A_885 : vector<1x1x16xf32> to vector<16xf32>
        %add3A_887 = arith.addf %add3A_878, %get3A_886 : vector<16xf32>
        %add3A_888 = arith.constant 9 : i32
        %add3A_889 = arith.addi %add3A_437, %add3A_888 : i32
        %get3A_890 = arith.constant 0 : i32
        %get3A_891 = arith.index_cast %get3A_890 : i32 to index
        %get3A_892 = arith.index_cast %add3A_889 : i32 to index
        %get3A_893 = arith.constant 32 : index
        %get3A_894 = tpu.vector_load %arg6[%get3A_891, %get3A_892, %get3A_893] {strides = array<i32>} : memref<2x640x64xf32, #tpu.memory_space<vmem>>, vector<1x1x16xf32>,
        %get3A_895 = vector.shape_cast %get3A_894 : vector<1x1x16xf32> to vector<16xf32>
        %add3A_896 = arith.addf %add3A_887, %get3A_895 : vector<16xf32>
        %add3A_897 = arith.constant 10 : i32
        %add3A_898 = arith.addi %add3A_437, %add3A_897 : i32
        %get3A_899 = arith.constant 0 : i32
        %get3A_900 = arith.index_cast %get3A_899 : i32 to index
        %get3A_901 = arith.index_cast %add3A_898 : i32 to index
        %get3A_902 = arith.constant 32 : index
        %get3A_903 = tpu.vector_load %arg6[%get3A_900, %get3A_901, %get3A_902] {strides = array<i32>} : memref<2x640x64xf32, #tpu.memory_space<vmem>>, vector<1x1x16xf32>,
        %get3A_904 = vector.shape_cast %get3A_903 : vector<1x1x16xf32> to vector<16xf32>
        %add3A_905 = arith.addf %add3A_896, %get3A_904 : vector<16xf32>
        %add3A_906 = arith.constant 11 : i32
        %add3A_907 = arith.addi %add3A_437, %add3A_906 : i32
        %get3A_908 = arith.constant 0 : i32
        %get3A_909 = arith.index_cast %get3A_908 : i32 to index
        %get3A_910 = arith.index_cast %add3A_907 : i32 to index
        %get3A_911 = arith.constant 32 : index
        %get3A_912 = tpu.vector_load %arg6[%get3A_909, %get3A_910, %get3A_911] {strides = array<i32>} : memref<2x640x64xf32, #tpu.memory_space<vmem>>, vector<1x1x16xf32>,
        %get3A_913 = vector.shape_cast %get3A_912 : vector<1x1x16xf32> to vector<16xf32>
        %add3A_914 = arith.addf %add3A_905, %get3A_913 : vector<16xf32>
        %add3A_915 = arith.constant 12 : i32
        %add3A_916 = arith.addi %add3A_437, %add3A_915 : i32
        %get3A_917 = arith.constant 0 : i32
        %get3A_918 = arith.index_cast %get3A_917 : i32 to index
        %get3A_919 = arith.index_cast %add3A_916 : i32 to index
        %get3A_920 = arith.constant 32 : index
        %get3A_921 = tpu.vector_load %arg6[%get3A_918, %get3A_919, %get3A_920] {strides = array<i32>} : memref<2x640x64xf32, #tpu.memory_space<vmem>>, vector<1x1x16xf32>,
        %get3A_922 = vector.shape_cast %get3A_921 : vector<1x1x16xf32> to vector<16xf32>
        %add3A_923 = arith.addf %add3A_914, %get3A_922 : vector<16xf32>
        %add3A_924 = arith.constant 13 : i32
        %add3A_925 = arith.addi %add3A_437, %add3A_924 : i32
        %get3A_926 = arith.constant 0 : i32
        %get3A_927 = arith.index_cast %get3A_926 : i32 to index
        %get3A_928 = arith.index_cast %add3A_925 : i32 to index
        %get3A_929 = arith.constant 32 : index
        %get3A_930 = tpu.vector_load %arg6[%get3A_927, %get3A_928, %get3A_929] {strides = array<i32>} : memref<2x640x64xf32, #tpu.memory_space<vmem>>, vector<1x1x16xf32>,
        %get3A_931 = vector.shape_cast %get3A_930 : vector<1x1x16xf32> to vector<16xf32>
        %add3A_932 = arith.addf %add3A_923, %get3A_931 : vector<16xf32>
        %add3A_933 = arith.constant 14 : i32
        %add3A_934 = arith.addi %add3A_437, %add3A_933 : i32
        %get3A_935 = arith.constant 0 : i32
        %get3A_936 = arith.index_cast %get3A_935 : i32 to index
        %get3A_937 = arith.index_cast %add3A_934 : i32 to index
        %get3A_938 = arith.constant 32 : index
        %get3A_939 = tpu.vector_load %arg6[%get3A_936, %get3A_937, %get3A_938] {strides = array<i32>} : memref<2x640x64xf32, #tpu.memory_space<vmem>>, vector<1x1x16xf32>,
        %get3A_940 = vector.shape_cast %get3A_939 : vector<1x1x16xf32> to vector<16xf32>
        %add3A_941 = arith.addf %add3A_932, %get3A_940 : vector<16xf32>
        %add3A_942 = arith.constant 15 : i32
        %add3A_943 = arith.addi %add3A_437, %add3A_942 : i32
        %get3A_944 = arith.constant 0 : i32
        %get3A_945 = arith.index_cast %get3A_944 : i32 to index
        %get3A_946 = arith.index_cast %add3A_943 : i32 to index
        %get3A_947 = arith.constant 32 : index
        %get3A_948 = tpu.vector_load %arg6[%get3A_945, %get3A_946, %get3A_947] {strides = array<i32>} : memref<2x640x64xf32, #tpu.memory_space<vmem>>, vector<1x1x16xf32>,
        %get3A_949 = vector.shape_cast %get3A_948 : vector<1x1x16xf32> to vector<16xf32>
        %add3A_950 = arith.addf %add3A_941, %get3A_949 : vector<16xf32>
        %add3A_951 = arith.constant 16 : i32
        %add3A_952 = arith.addi %add3A_437, %add3A_951 : i32
        %get3A_953 = arith.constant 0 : i32
        %get3A_954 = arith.index_cast %get3A_953 : i32 to index
        %get3A_955 = arith.index_cast %add3A_952 : i32 to index
        %get3A_956 = arith.constant 32 : index
        %get3A_957 = tpu.vector_load %arg6[%get3A_954, %get3A_955, %get3A_956] {strides = array<i32>} : memref<2x640x64xf32, #tpu.memory_space<vmem>>, vector<1x1x16xf32>,
        %get3A_958 = vector.shape_cast %get3A_957 : vector<1x1x16xf32> to vector<16xf32>
        %add3A_959 = arith.addf %add3A_950, %get3A_958 : vector<16xf32>
        %add3A_960 = arith.constant 17 : i32
        %add3A_961 = arith.addi %add3A_437, %add3A_960 : i32
        %get3A_962 = arith.constant 0 : i32
        %get3A_963 = arith.index_cast %get3A_962 : i32 to index
        %get3A_964 = arith.index_cast %add3A_961 : i32 to index
        %get3A_965 = arith.constant 32 : index
        %get3A_966 = tpu.vector_load %arg6[%get3A_963, %get3A_964, %get3A_965] {strides = array<i32>} : memref<2x640x64xf32, #tpu.memory_space<vmem>>, vector<1x1x16xf32>,
        %get3A_967 = vector.shape_cast %get3A_966 : vector<1x1x16xf32> to vector<16xf32>
        %add3A_968 = arith.addf %add3A_959, %get3A_967 : vector<16xf32>
        %add3A_969 = arith.constant 18 : i32
        %add3A_970 = arith.addi %add3A_437, %add3A_969 : i32
        %get3A_971 = arith.constant 0 : i32
        %get3A_972 = arith.index_cast %get3A_971 : i32 to index
        %get3A_973 = arith.index_cast %add3A_970 : i32 to index
        %get3A_974 = arith.constant 32 : index
        %get3A_975 = tpu.vector_load %arg6[%get3A_972, %get3A_973, %get3A_974] {strides = array<i32>} : memref<2x640x64xf32, #tpu.memory_space<vmem>>, vector<1x1x16xf32>,
        %get3A_976 = vector.shape_cast %get3A_975 : vector<1x1x16xf32> to vector<16xf32>
        %add3A_977 = arith.addf %add3A_968, %get3A_976 : vector<16xf32>
        %add3A_978 = arith.constant 19 : i32
        %add3A_979 = arith.addi %add3A_437, %add3A_978 : i32
        %get3A_980 = arith.constant 0 : i32
        %get3A_981 = arith.index_cast %get3A_980 : i32 to index
        %get3A_982 = arith.index_cast %add3A_979 : i32 to index
        %get3A_983 = arith.constant 32 : index
        %get3A_984 = tpu.vector_load %arg6[%get3A_981, %get3A_982, %get3A_983] {strides = array<i32>} : memref<2x640x64xf32, #tpu.memory_space<vmem>>, vector<1x1x16xf32>,
        %get3A_985 = vector.shape_cast %get3A_984 : vector<1x1x16xf32> to vector<16xf32>
        %add3A_986 = arith.addf %add3A_977, %get3A_985 : vector<16xf32>
        %mul3A_987 = arith.constant 5.000000e-02 : f32
        %mul3A_988 = vector.broadcast %mul3A_987 : f32 to vector<16xf32>
        %mul3A_989 = arith.mulf %add3A_986, %mul3A_988 : vector<16xf32>
        %swap3A_990 = arith.constant 0 : i32
        %swap3A_991 = arith.index_cast %swap3A_990 : i32 to index
        %swap3A_992 = arith.index_cast %scan3A_431 : i32 to index
        %swap3A_993 = arith.constant 32 : index
        %swap3A_994 = tpu.vector_load %arg7[%swap3A_991, %swap3A_992, %swap3A_993] {strides = array<i32>} : memref<2x16x128xf32, #tpu.memory_space<vmem>>, vector<1x1x16xf32>,
        %swap3A_995 = vector.shape_cast %swap3A_994 : vector<1x1x16xf32> to vector<16xf32>
        %swap3A_996 = vector.shape_cast %mul3A_989 : vector<16xf32> to vector<1x1x16xf32>
        tpu.vector_store %arg7[%swap3A_991, %swap3A_992, %swap3A_993], %swap3A_996 {strides = array<i32>} : memref<2x16x128xf32, #tpu.memory_space<vmem>>, vector<1x1x16xf32>,
        %get3A_997 = arith.constant 0 : i32
        %get3A_998 = arith.index_cast %get3A_997 : i32 to index
        %get3A_999 = arith.index_cast %add3A_437 : i32 to index
        %get3A_1000 = arith.constant 48 : index
        %get3A_1001 = tpu.vector_load %arg6[%get3A_998, %get3A_999, %get3A_1000] {strides = array<i32>} : memref<2x640x64xf32, #tpu.memory_space<vmem>>, vector<1x1x16xf32>,
        %get3A_1002 = vector.shape_cast %get3A_1001 : vector<1x1x16xf32> to vector<16xf32>
        %add3A_1003 = arith.constant 1 : i32
        %add3A_1004 = arith.addi %add3A_437, %add3A_1003 : i32
        %get3A_1005 = arith.constant 0 : i32
        %get3A_1006 = arith.index_cast %get3A_1005 : i32 to index
        %get3A_1007 = arith.index_cast %add3A_1004 : i32 to index
        %get3A_1008 = arith.constant 48 : index
        %get3A_1009 = tpu.vector_load %arg6[%get3A_1006, %get3A_1007, %get3A_1008] {strides = array<i32>} : memref<2x640x64xf32, #tpu.memory_space<vmem>>, vector<1x1x16xf32>,
        %get3A_1010 = vector.shape_cast %get3A_1009 : vector<1x1x16xf32> to vector<16xf32>
        %add3A_1011 = arith.addf %get3A_1002, %get3A_1010 : vector<16xf32>
        %add3A_1012 = arith.constant 2 : i32
        %add3A_1013 = arith.addi %add3A_437, %add3A_1012 : i32
        %get3A_1014 = arith.constant 0 : i32
        %get3A_1015 = arith.index_cast %get3A_1014 : i32 to index
        %get3A_1016 = arith.index_cast %add3A_1013 : i32 to index
        %get3A_1017 = arith.constant 48 : index
        %get3A_1018 = tpu.vector_load %arg6[%get3A_1015, %get3A_1016, %get3A_1017] {strides = array<i32>} : memref<2x640x64xf32, #tpu.memory_space<vmem>>, vector<1x1x16xf32>,
        %get3A_1019 = vector.shape_cast %get3A_1018 : vector<1x1x16xf32> to vector<16xf32>
        %add3A_1020 = arith.addf %add3A_1011, %get3A_1019 : vector<16xf32>
        %add3A_1021 = arith.constant 3 : i32
        %add3A_1022 = arith.addi %add3A_437, %add3A_1021 : i32
        %get3A_1023 = arith.constant 0 : i32
        %get3A_1024 = arith.index_cast %get3A_1023 : i32 to index
        %get3A_1025 = arith.index_cast %add3A_1022 : i32 to index
        %get3A_1026 = arith.constant 48 : index
        %get3A_1027 = tpu.vector_load %arg6[%get3A_1024, %get3A_1025, %get3A_1026] {strides = array<i32>} : memref<2x640x64xf32, #tpu.memory_space<vmem>>, vector<1x1x16xf32>,
        %get3A_1028 = vector.shape_cast %get3A_1027 : vector<1x1x16xf32> to vector<16xf32>
        %add3A_1029 = arith.addf %add3A_1020, %get3A_1028 : vector<16xf32>
        %add3A_1030 = arith.constant 4 : i32
        %add3A_1031 = arith.addi %add3A_437, %add3A_1030 : i32
        %get3A_1032 = arith.constant 0 : i32
        %get3A_1033 = arith.index_cast %get3A_1032 : i32 to index
        %get3A_1034 = arith.index_cast %add3A_1031 : i32 to index
        %get3A_1035 = arith.constant 48 : index
        %get3A_1036 = tpu.vector_load %arg6[%get3A_1033, %get3A_1034, %get3A_1035] {strides = array<i32>} : memref<2x640x64xf32, #tpu.memory_space<vmem>>, vector<1x1x16xf32>,
        %get3A_1037 = vector.shape_cast %get3A_1036 : vector<1x1x16xf32> to vector<16xf32>
        %add3A_1038 = arith.addf %add3A_1029, %get3A_1037 : vector<16xf32>
        %add3A_1039 = arith.constant 5 : i32
        %add3A_1040 = arith.addi %add3A_437, %add3A_1039 : i32
        %get3A_1041 = arith.constant 0 : i32
        %get3A_1042 = arith.index_cast %get3A_1041 : i32 to index
        %get3A_1043 = arith.index_cast %add3A_1040 : i32 to index
        %get3A_1044 = arith.constant 48 : index
        %get3A_1045 = tpu.vector_load %arg6[%get3A_1042, %get3A_1043, %get3A_1044] {strides = array<i32>} : memref<2x640x64xf32, #tpu.memory_space<vmem>>, vector<1x1x16xf32>,
        %get3A_1046 = vector.shape_cast %get3A_1045 : vector<1x1x16xf32> to vector<16xf32>
        %add3A_1047 = arith.addf %add3A_1038, %get3A_1046 : vector<16xf32>
        %add3A_1048 = arith.constant 6 : i32
        %add3A_1049 = arith.addi %add3A_437, %add3A_1048 : i32
        %get3A_1050 = arith.constant 0 : i32
        %get3A_1051 = arith.index_cast %get3A_1050 : i32 to index
        %get3A_1052 = arith.index_cast %add3A_1049 : i32 to index
        %get3A_1053 = arith.constant 48 : index
        %get3A_1054 = tpu.vector_load %arg6[%get3A_1051, %get3A_1052, %get3A_1053] {strides = array<i32>} : memref<2x640x64xf32, #tpu.memory_space<vmem>>, vector<1x1x16xf32>,
        %get3A_1055 = vector.shape_cast %get3A_1054 : vector<1x1x16xf32> to vector<16xf32>
        %add3A_1056 = arith.addf %add3A_1047, %get3A_1055 : vector<16xf32>
        %add3A_1057 = arith.constant 7 : i32
        %add3A_1058 = arith.addi %add3A_437, %add3A_1057 : i32
        %get3A_1059 = arith.constant 0 : i32
        %get3A_1060 = arith.index_cast %get3A_1059 : i32 to index
        %get3A_1061 = arith.index_cast %add3A_1058 : i32 to index
        %get3A_1062 = arith.constant 48 : index
        %get3A_1063 = tpu.vector_load %arg6[%get3A_1060, %get3A_1061, %get3A_1062] {strides = array<i32>} : memref<2x640x64xf32, #tpu.memory_space<vmem>>, vector<1x1x16xf32>,
        %get3A_1064 = vector.shape_cast %get3A_1063 : vector<1x1x16xf32> to vector<16xf32>
        %add3A_1065 = arith.addf %add3A_1056, %get3A_1064 : vector<16xf32>
        %add3A_1066 = arith.constant 8 : i32
        %add3A_1067 = arith.addi %add3A_437, %add3A_1066 : i32
        %get3A_1068 = arith.constant 0 : i32
        %get3A_1069 = arith.index_cast %get3A_1068 : i32 to index
        %get3A_1070 = arith.index_cast %add3A_1067 : i32 to index
        %get3A_1071 = arith.constant 48 : index
        %get3A_1072 = tpu.vector_load %arg6[%get3A_1069, %get3A_1070, %get3A_1071] {strides = array<i32>} : memref<2x640x64xf32, #tpu.memory_space<vmem>>, vector<1x1x16xf32>,
        %get3A_1073 = vector.shape_cast %get3A_1072 : vector<1x1x16xf32> to vector<16xf32>
        %add3A_1074 = arith.addf %add3A_1065, %get3A_1073 : vector<16xf32>
        %add3A_1075 = arith.constant 9 : i32
        %add3A_1076 = arith.addi %add3A_437, %add3A_1075 : i32
        %get3A_1077 = arith.constant 0 : i32
        %get3A_1078 = arith.index_cast %get3A_1077 : i32 to index
        %get3A_1079 = arith.index_cast %add3A_1076 : i32 to index
        %get3A_1080 = arith.constant 48 : index
        %get3A_1081 = tpu.vector_load %arg6[%get3A_1078, %get3A_1079, %get3A_1080] {strides = array<i32>} : memref<2x640x64xf32, #tpu.memory_space<vmem>>, vector<1x1x16xf32>,
        %get3A_1082 = vector.shape_cast %get3A_1081 : vector<1x1x16xf32> to vector<16xf32>
        %add3A_1083 = arith.addf %add3A_1074, %get3A_1082 : vector<16xf32>
        %add3A_1084 = arith.constant 10 : i32
        %add3A_1085 = arith.addi %add3A_437, %add3A_1084 : i32
        %get3A_1086 = arith.constant 0 : i32
        %get3A_1087 = arith.index_cast %get3A_1086 : i32 to index
        %get3A_1088 = arith.index_cast %add3A_1085 : i32 to index
        %get3A_1089 = arith.constant 48 : index
        %get3A_1090 = tpu.vector_load %arg6[%get3A_1087, %get3A_1088, %get3A_1089] {strides = array<i32>} : memref<2x640x64xf32, #tpu.memory_space<vmem>>, vector<1x1x16xf32>,
        %get3A_1091 = vector.shape_cast %get3A_1090 : vector<1x1x16xf32> to vector<16xf32>
        %add3A_1092 = arith.addf %add3A_1083, %get3A_1091 : vector<16xf32>
        %add3A_1093 = arith.constant 11 : i32
        %add3A_1094 = arith.addi %add3A_437, %add3A_1093 : i32
        %get3A_1095 = arith.constant 0 : i32
        %get3A_1096 = arith.index_cast %get3A_1095 : i32 to index
        %get3A_1097 = arith.index_cast %add3A_1094 : i32 to index
        %get3A_1098 = arith.constant 48 : index
        %get3A_1099 = tpu.vector_load %arg6[%get3A_1096, %get3A_1097, %get3A_1098] {strides = array<i32>} : memref<2x640x64xf32, #tpu.memory_space<vmem>>, vector<1x1x16xf32>,
        %get3A_1100 = vector.shape_cast %get3A_1099 : vector<1x1x16xf32> to vector<16xf32>
        %add3A_1101 = arith.addf %add3A_1092, %get3A_1100 : vector<16xf32>
        %add3A_1102 = arith.constant 12 : i32
        %add3A_1103 = arith.addi %add3A_437, %add3A_1102 : i32
        %get3A_1104 = arith.constant 0 : i32
        %get3A_1105 = arith.index_cast %get3A_1104 : i32 to index
        %get3A_1106 = arith.index_cast %add3A_1103 : i32 to index
        %get3A_1107 = arith.constant 48 : index
        %get3A_1108 = tpu.vector_load %arg6[%get3A_1105, %get3A_1106, %get3A_1107] {strides = array<i32>} : memref<2x640x64xf32, #tpu.memory_space<vmem>>, vector<1x1x16xf32>,
        %get3A_1109 = vector.shape_cast %get3A_1108 : vector<1x1x16xf32> to vector<16xf32>
        %add3A_1110 = arith.addf %add3A_1101, %get3A_1109 : vector<16xf32>
        %add3A_1111 = arith.constant 13 : i32
        %add3A_1112 = arith.addi %add3A_437, %add3A_1111 : i32
        %get3A_1113 = arith.constant 0 : i32
        %get3A_1114 = arith.index_cast %get3A_1113 : i32 to index
        %get3A_1115 = arith.index_cast %add3A_1112 : i32 to index
        %get3A_1116 = arith.constant 48 : index
        %get3A_1117 = tpu.vector_load %arg6[%get3A_1114, %get3A_1115, %get3A_1116] {strides = array<i32>} : memref<2x640x64xf32, #tpu.memory_space<vmem>>, vector<1x1x16xf32>,
        %get3A_1118 = vector.shape_cast %get3A_1117 : vector<1x1x16xf32> to vector<16xf32>
        %add3A_1119 = arith.addf %add3A_1110, %get3A_1118 : vector<16xf32>
        %add3A_1120 = arith.constant 14 : i32
        %add3A_1121 = arith.addi %add3A_437, %add3A_1120 : i32
        %get3A_1122 = arith.constant 0 : i32
        %get3A_1123 = arith.index_cast %get3A_1122 : i32 to index
        %get3A_1124 = arith.index_cast %add3A_1121 : i32 to index
        %get3A_1125 = arith.constant 48 : index
        %get3A_1126 = tpu.vector_load %arg6[%get3A_1123, %get3A_1124, %get3A_1125] {strides = array<i32>} : memref<2x640x64xf32, #tpu.memory_space<vmem>>, vector<1x1x16xf32>,
        %get3A_1127 = vector.shape_cast %get3A_1126 : vector<1x1x16xf32> to vector<16xf32>
        %add3A_1128 = arith.addf %add3A_1119, %get3A_1127 : vector<16xf32>
        %add3A_1129 = arith.constant 15 : i32
        %add3A_1130 = arith.addi %add3A_437, %add3A_1129 : i32
        %get3A_1131 = arith.constant 0 : i32
        %get3A_1132 = arith.index_cast %get3A_1131 : i32 to index
        %get3A_1133 = arith.index_cast %add3A_1130 : i32 to index
        %get3A_1134 = arith.constant 48 : index
        %get3A_1135 = tpu.vector_load %arg6[%get3A_1132, %get3A_1133, %get3A_1134] {strides = array<i32>} : memref<2x640x64xf32, #tpu.memory_space<vmem>>, vector<1x1x16xf32>,
        %get3A_1136 = vector.shape_cast %get3A_1135 : vector<1x1x16xf32> to vector<16xf32>
        %add3A_1137 = arith.addf %add3A_1128, %get3A_1136 : vector<16xf32>
        %add3A_1138 = arith.constant 16 : i32
        %add3A_1139 = arith.addi %add3A_437, %add3A_1138 : i32
        %get3A_1140 = arith.constant 0 : i32
        %get3A_1141 = arith.index_cast %get3A_1140 : i32 to index
        %get3A_1142 = arith.index_cast %add3A_1139 : i32 to index
        %get3A_1143 = arith.constant 48 : index
        %get3A_1144 = tpu.vector_load %arg6[%get3A_1141, %get3A_1142, %get3A_1143] {strides = array<i32>} : memref<2x640x64xf32, #tpu.memory_space<vmem>>, vector<1x1x16xf32>,
        %get3A_1145 = vector.shape_cast %get3A_1144 : vector<1x1x16xf32> to vector<16xf32>
        %add3A_1146 = arith.addf %add3A_1137, %get3A_1145 : vector<16xf32>
        %add3A_1147 = arith.constant 17 : i32
        %add3A_1148 = arith.addi %add3A_437, %add3A_1147 : i32
        %get3A_1149 = arith.constant 0 : i32
        %get3A_1150 = arith.index_cast %get3A_1149 : i32 to index
        %get3A_1151 = arith.index_cast %add3A_1148 : i32 to index
        %get3A_1152 = arith.constant 48 : index
        %get3A_1153 = tpu.vector_load %arg6[%get3A_1150, %get3A_1151, %get3A_1152] {strides = array<i32>} : memref<2x640x64xf32, #tpu.memory_space<vmem>>, vector<1x1x16xf32>,
        %get3A_1154 = vector.shape_cast %get3A_1153 : vector<1x1x16xf32> to vector<16xf32>
        %add3A_1155 = arith.addf %add3A_1146, %get3A_1154 : vector<16xf32>
        %add3A_1156 = arith.constant 18 : i32
        %add3A_1157 = arith.addi %add3A_437, %add3A_1156 : i32
        %get3A_1158 = arith.constant 0 : i32
        %get3A_1159 = arith.index_cast %get3A_1158 : i32 to index
        %get3A_1160 = arith.index_cast %add3A_1157 : i32 to index
        %get3A_1161 = arith.constant 48 : index
        %get3A_1162 = tpu.vector_load %arg6[%get3A_1159, %get3A_1160, %get3A_1161] {strides = array<i32>} : memref<2x640x64xf32, #tpu.memory_space<vmem>>, vector<1x1x16xf32>,
        %get3A_1163 = vector.shape_cast %get3A_1162 : vector<1x1x16xf32> to vector<16xf32>
        %add3A_1164 = arith.addf %add3A_1155, %get3A_1163 : vector<16xf32>
        %add3A_1165 = arith.constant 19 : i32
        %add3A_1166 = arith.addi %add3A_437, %add3A_1165 : i32
        %get3A_1167 = arith.constant 0 : i32
        %get3A_1168 = arith.index_cast %get3A_1167 : i32 to index
        %get3A_1169 = arith.index_cast %add3A_1166 : i32 to index
        %get3A_1170 = arith.constant 48 : index
        %get3A_1171 = tpu.vector_load %arg6[%get3A_1168, %get3A_1169, %get3A_1170] {strides = array<i32>} : memref<2x640x64xf32, #tpu.memory_space<vmem>>, vector<1x1x16xf32>,
        %get3A_1172 = vector.shape_cast %get3A_1171 : vector<1x1x16xf32> to vector<16xf32>
        %add3A_1173 = arith.addf %add3A_1164, %get3A_1172 : vector<16xf32>
        %mul3A_1174 = arith.constant 5.000000e-02 : f32
        %mul3A_1175 = vector.broadcast %mul3A_1174 : f32 to vector<16xf32>
        %mul3A_1176 = arith.mulf %add3A_1173, %mul3A_1175 : vector<16xf32>
        %swap3A_1177 = arith.constant 0 : i32
        %swap3A_1178 = arith.index_cast %swap3A_1177 : i32 to index
        %swap3A_1179 = arith.index_cast %scan3A_431 : i32 to index
        %swap3A_1180 = arith.constant 48 : index
        %swap3A_1181 = tpu.vector_load %arg7[%swap3A_1178, %swap3A_1179, %swap3A_1180] {strides = array<i32>} : memref<2x16x128xf32, #tpu.memory_space<vmem>>, vector<1x1x16xf32>,
        %swap3A_1182 = vector.shape_cast %swap3A_1181 : vector<1x1x16xf32> to vector<16xf32>
        %swap3A_1183 = vector.shape_cast %mul3A_1176 : vector<16xf32> to vector<1x1x16xf32>
        tpu.vector_store %arg7[%swap3A_1178, %swap3A_1179, %swap3A_1180], %swap3A_1183 {strides = array<i32>} : memref<2x16x128xf32, #tpu.memory_space<vmem>>, vector<1x1x16xf32>,
        %mul3A_1184 = arith.constant 2 : i32
        %mul3A_1185 = arith.muli %scan3A_431, %mul3A_1184 : i32
        %mul3A_1186 = arith.constant 20 : i32
        %mul3A_1187 = arith.muli %mul3A_1185, %mul3A_1186 : i32
        %add3A_1188 = arith.constant 20 : i32
        %add3A_1189 = arith.addi %mul3A_1187, %add3A_1188 : i32
        %get3A_1190 = arith.constant 0 : i32
        %get3A_1191 = arith.index_cast %get3A_1190 : i32 to index
        %get3A_1192 = arith.index_cast %add3A_1189 : i32 to index
        %get3A_1193 = arith.constant 0 : index
        %get3A_1194 = tpu.vector_load %arg6[%get3A_1191, %get3A_1192, %get3A_1193] {strides = array<i32>} : memref<2x640x64xf32, #tpu.memory_space<vmem>>, vector<1x1x16xf32>,
        %get3A_1195 = vector.shape_cast %get3A_1194 : vector<1x1x16xf32> to vector<16xf32>
        %add3A_1196 = arith.constant 1 : i32
        %add3A_1197 = arith.addi %add3A_1189, %add3A_1196 : i32
        %get3A_1198 = arith.constant 0 : i32
        %get3A_1199 = arith.index_cast %get3A_1198 : i32 to index
        %get3A_1200 = arith.index_cast %add3A_1197 : i32 to index
        %get3A_1201 = arith.constant 0 : index
        %get3A_1202 = tpu.vector_load %arg6[%get3A_1199, %get3A_1200, %get3A_1201] {strides = array<i32>} : memref<2x640x64xf32, #tpu.memory_space<vmem>>, vector<1x1x16xf32>,
        %get3A_1203 = vector.shape_cast %get3A_1202 : vector<1x1x16xf32> to vector<16xf32>
        %add3A_1204 = arith.addf %get3A_1195, %get3A_1203 : vector<16xf32>
        %add3A_1205 = arith.constant 2 : i32
        %add3A_1206 = arith.addi %add3A_1189, %add3A_1205 : i32
        %get3A_1207 = arith.constant 0 : i32
        %get3A_1208 = arith.index_cast %get3A_1207 : i32 to index
        %get3A_1209 = arith.index_cast %add3A_1206 : i32 to index
        %get3A_1210 = arith.constant 0 : index
        %get3A_1211 = tpu.vector_load %arg6[%get3A_1208, %get3A_1209, %get3A_1210] {strides = array<i32>} : memref<2x640x64xf32, #tpu.memory_space<vmem>>, vector<1x1x16xf32>,
        %get3A_1212 = vector.shape_cast %get3A_1211 : vector<1x1x16xf32> to vector<16xf32>
        %add3A_1213 = arith.addf %add3A_1204, %get3A_1212 : vector<16xf32>
        %add3A_1214 = arith.constant 3 : i32
        %add3A_1215 = arith.addi %add3A_1189, %add3A_1214 : i32
        %get3A_1216 = arith.constant 0 : i32
        %get3A_1217 = arith.index_cast %get3A_1216 : i32 to index
        %get3A_1218 = arith.index_cast %add3A_1215 : i32 to index
        %get3A_1219 = arith.constant 0 : index
        %get3A_1220 = tpu.vector_load %arg6[%get3A_1217, %get3A_1218, %get3A_1219] {strides = array<i32>} : memref<2x640x64xf32, #tpu.memory_space<vmem>>, vector<1x1x16xf32>,
        %get3A_1221 = vector.shape_cast %get3A_1220 : vector<1x1x16xf32> to vector<16xf32>
        %add3A_1222 = arith.addf %add3A_1213, %get3A_1221 : vector<16xf32>
        %add3A_1223 = arith.constant 4 : i32
        %add3A_1224 = arith.addi %add3A_1189, %add3A_1223 : i32
        %get3A_1225 = arith.constant 0 : i32
        %get3A_1226 = arith.index_cast %get3A_1225 : i32 to index
        %get3A_1227 = arith.index_cast %add3A_1224 : i32 to index
        %get3A_1228 = arith.constant 0 : index
        %get3A_1229 = tpu.vector_load %arg6[%get3A_1226, %get3A_1227, %get3A_1228] {strides = array<i32>} : memref<2x640x64xf32, #tpu.memory_space<vmem>>, vector<1x1x16xf32>,
        %get3A_1230 = vector.shape_cast %get3A_1229 : vector<1x1x16xf32> to vector<16xf32>
        %add3A_1231 = arith.addf %add3A_1222, %get3A_1230 : vector<16xf32>
        %add3A_1232 = arith.constant 5 : i32
        %add3A_1233 = arith.addi %add3A_1189, %add3A_1232 : i32
        %get3A_1234 = arith.constant 0 : i32
        %get3A_1235 = arith.index_cast %get3A_1234 : i32 to index
        %get3A_1236 = arith.index_cast %add3A_1233 : i32 to index
        %get3A_1237 = arith.constant 0 : index
        %get3A_1238 = tpu.vector_load %arg6[%get3A_1235, %get3A_1236, %get3A_1237] {strides = array<i32>} : memref<2x640x64xf32, #tpu.memory_space<vmem>>, vector<1x1x16xf32>,
        %get3A_1239 = vector.shape_cast %get3A_1238 : vector<1x1x16xf32> to vector<16xf32>
        %add3A_1240 = arith.addf %add3A_1231, %get3A_1239 : vector<16xf32>
        %add3A_1241 = arith.constant 6 : i32
        %add3A_1242 = arith.addi %add3A_1189, %add3A_1241 : i32
        %get3A_1243 = arith.constant 0 : i32
        %get3A_1244 = arith.index_cast %get3A_1243 : i32 to index
        %get3A_1245 = arith.index_cast %add3A_1242 : i32 to index
        %get3A_1246 = arith.constant 0 : index
        %get3A_1247 = tpu.vector_load %arg6[%get3A_1244, %get3A_1245, %get3A_1246] {strides = array<i32>} : memref<2x640x64xf32, #tpu.memory_space<vmem>>, vector<1x1x16xf32>,
        %get3A_1248 = vector.shape_cast %get3A_1247 : vector<1x1x16xf32> to vector<16xf32>
        %add3A_1249 = arith.addf %add3A_1240, %get3A_1248 : vector<16xf32>
        %add3A_1250 = arith.constant 7 : i32
        %add3A_1251 = arith.addi %add3A_1189, %add3A_1250 : i32
        %get3A_1252 = arith.constant 0 : i32
        %get3A_1253 = arith.index_cast %get3A_1252 : i32 to index
        %get3A_1254 = arith.index_cast %add3A_1251 : i32 to index
        %get3A_1255 = arith.constant 0 : index
        %get3A_1256 = tpu.vector_load %arg6[%get3A_1253, %get3A_1254, %get3A_1255] {strides = array<i32>} : memref<2x640x64xf32, #tpu.memory_space<vmem>>, vector<1x1x16xf32>,
        %get3A_1257 = vector.shape_cast %get3A_1256 : vector<1x1x16xf32> to vector<16xf32>
        %add3A_1258 = arith.addf %add3A_1249, %get3A_1257 : vector<16xf32>
        %add3A_1259 = arith.constant 8 : i32
        %add3A_1260 = arith.addi %add3A_1189, %add3A_1259 : i32
        %get3A_1261 = arith.constant 0 : i32
        %get3A_1262 = arith.index_cast %get3A_1261 : i32 to index
        %get3A_1263 = arith.index_cast %add3A_1260 : i32 to index
        %get3A_1264 = arith.constant 0 : index
        %get3A_1265 = tpu.vector_load %arg6[%get3A_1262, %get3A_1263, %get3A_1264] {strides = array<i32>} : memref<2x640x64xf32, #tpu.memory_space<vmem>>, vector<1x1x16xf32>,
        %get3A_1266 = vector.shape_cast %get3A_1265 : vector<1x1x16xf32> to vector<16xf32>
        %add3A_1267 = arith.addf %add3A_1258, %get3A_1266 : vector<16xf32>
        %add3A_1268 = arith.constant 9 : i32
        %add3A_1269 = arith.addi %add3A_1189, %add3A_1268 : i32
        %get3A_1270 = arith.constant 0 : i32
        %get3A_1271 = arith.index_cast %get3A_1270 : i32 to index
        %get3A_1272 = arith.index_cast %add3A_1269 : i32 to index
        %get3A_1273 = arith.constant 0 : index
        %get3A_1274 = tpu.vector_load %arg6[%get3A_1271, %get3A_1272, %get3A_1273] {strides = array<i32>} : memref<2x640x64xf32, #tpu.memory_space<vmem>>, vector<1x1x16xf32>,
        %get3A_1275 = vector.shape_cast %get3A_1274 : vector<1x1x16xf32> to vector<16xf32>
        %add3A_1276 = arith.addf %add3A_1267, %get3A_1275 : vector<16xf32>
        %add3A_1277 = arith.constant 10 : i32
        %add3A_1278 = arith.addi %add3A_1189, %add3A_1277 : i32
        %get3A_1279 = arith.constant 0 : i32
        %get3A_1280 = arith.index_cast %get3A_1279 : i32 to index
        %get3A_1281 = arith.index_cast %add3A_1278 : i32 to index
        %get3A_1282 = arith.constant 0 : index
        %get3A_1283 = tpu.vector_load %arg6[%get3A_1280, %get3A_1281, %get3A_1282] {strides = array<i32>} : memref<2x640x64xf32, #tpu.memory_space<vmem>>, vector<1x1x16xf32>,
        %get3A_1284 = vector.shape_cast %get3A_1283 : vector<1x1x16xf32> to vector<16xf32>
        %add3A_1285 = arith.addf %add3A_1276, %get3A_1284 : vector<16xf32>
        %add3A_1286 = arith.constant 11 : i32
        %add3A_1287 = arith.addi %add3A_1189, %add3A_1286 : i32
        %get3A_1288 = arith.constant 0 : i32
        %get3A_1289 = arith.index_cast %get3A_1288 : i32 to index
        %get3A_1290 = arith.index_cast %add3A_1287 : i32 to index
        %get3A_1291 = arith.constant 0 : index
        %get3A_1292 = tpu.vector_load %arg6[%get3A_1289, %get3A_1290, %get3A_1291] {strides = array<i32>} : memref<2x640x64xf32, #tpu.memory_space<vmem>>, vector<1x1x16xf32>,
        %get3A_1293 = vector.shape_cast %get3A_1292 : vector<1x1x16xf32> to vector<16xf32>
        %add3A_1294 = arith.addf %add3A_1285, %get3A_1293 : vector<16xf32>
        %add3A_1295 = arith.constant 12 : i32
        %add3A_1296 = arith.addi %add3A_1189, %add3A_1295 : i32
        %get3A_1297 = arith.constant 0 : i32
        %get3A_1298 = arith.index_cast %get3A_1297 : i32 to index
        %get3A_1299 = arith.index_cast %add3A_1296 : i32 to index
        %get3A_1300 = arith.constant 0 : index
        %get3A_1301 = tpu.vector_load %arg6[%get3A_1298, %get3A_1299, %get3A_1300] {strides = array<i32>} : memref<2x640x64xf32, #tpu.memory_space<vmem>>, vector<1x1x16xf32>,
        %get3A_1302 = vector.shape_cast %get3A_1301 : vector<1x1x16xf32> to vector<16xf32>
        %add3A_1303 = arith.addf %add3A_1294, %get3A_1302 : vector<16xf32>
        %add3A_1304 = arith.constant 13 : i32
        %add3A_1305 = arith.addi %add3A_1189, %add3A_1304 : i32
        %get3A_1306 = arith.constant 0 : i32
        %get3A_1307 = arith.index_cast %get3A_1306 : i32 to index
        %get3A_1308 = arith.index_cast %add3A_1305 : i32 to index
        %get3A_1309 = arith.constant 0 : index
        %get3A_1310 = tpu.vector_load %arg6[%get3A_1307, %get3A_1308, %get3A_1309] {strides = array<i32>} : memref<2x640x64xf32, #tpu.memory_space<vmem>>, vector<1x1x16xf32>,
        %get3A_1311 = vector.shape_cast %get3A_1310 : vector<1x1x16xf32> to vector<16xf32>
        %add3A_1312 = arith.addf %add3A_1303, %get3A_1311 : vector<16xf32>
        %add3A_1313 = arith.constant 14 : i32
        %add3A_1314 = arith.addi %add3A_1189, %add3A_1313 : i32
        %get3A_1315 = arith.constant 0 : i32
        %get3A_1316 = arith.index_cast %get3A_1315 : i32 to index
        %get3A_1317 = arith.index_cast %add3A_1314 : i32 to index
        %get3A_1318 = arith.constant 0 : index
        %get3A_1319 = tpu.vector_load %arg6[%get3A_1316, %get3A_1317, %get3A_1318] {strides = array<i32>} : memref<2x640x64xf32, #tpu.memory_space<vmem>>, vector<1x1x16xf32>,
        %get3A_1320 = vector.shape_cast %get3A_1319 : vector<1x1x16xf32> to vector<16xf32>
        %add3A_1321 = arith.addf %add3A_1312, %get3A_1320 : vector<16xf32>
        %add3A_1322 = arith.constant 15 : i32
        %add3A_1323 = arith.addi %add3A_1189, %add3A_1322 : i32
        %get3A_1324 = arith.constant 0 : i32
        %get3A_1325 = arith.index_cast %get3A_1324 : i32 to index
        %get3A_1326 = arith.index_cast %add3A_1323 : i32 to index
        %get3A_1327 = arith.constant 0 : index
        %get3A_1328 = tpu.vector_load %arg6[%get3A_1325, %get3A_1326, %get3A_1327] {strides = array<i32>} : memref<2x640x64xf32, #tpu.memory_space<vmem>>, vector<1x1x16xf32>,
        %get3A_1329 = vector.shape_cast %get3A_1328 : vector<1x1x16xf32> to vector<16xf32>
        %add3A_1330 = arith.addf %add3A_1321, %get3A_1329 : vector<16xf32>
        %add3A_1331 = arith.constant 16 : i32
        %add3A_1332 = arith.addi %add3A_1189, %add3A_1331 : i32
        %get3A_1333 = arith.constant 0 : i32
        %get3A_1334 = arith.index_cast %get3A_1333 : i32 to index
        %get3A_1335 = arith.index_cast %add3A_1332 : i32 to index
        %get3A_1336 = arith.constant 0 : index
        %get3A_1337 = tpu.vector_load %arg6[%get3A_1334, %get3A_1335, %get3A_1336] {strides = array<i32>} : memref<2x640x64xf32, #tpu.memory_space<vmem>>, vector<1x1x16xf32>,
        %get3A_1338 = vector.shape_cast %get3A_1337 : vector<1x1x16xf32> to vector<16xf32>
        %add3A_1339 = arith.addf %add3A_1330, %get3A_1338 : vector<16xf32>
        %add3A_1340 = arith.constant 17 : i32
        %add3A_1341 = arith.addi %add3A_1189, %add3A_1340 : i32
        %get3A_1342 = arith.constant 0 : i32
        %get3A_1343 = arith.index_cast %get3A_1342 : i32 to index
        %get3A_1344 = arith.index_cast %add3A_1341 : i32 to index
        %get3A_1345 = arith.constant 0 : index
        %get3A_1346 = tpu.vector_load %arg6[%get3A_1343, %get3A_1344, %get3A_1345] {strides = array<i32>} : memref<2x640x64xf32, #tpu.memory_space<vmem>>, vector<1x1x16xf32>,
        %get3A_1347 = vector.shape_cast %get3A_1346 : vector<1x1x16xf32> to vector<16xf32>
        %add3A_1348 = arith.addf %add3A_1339, %get3A_1347 : vector<16xf32>
        %add3A_1349 = arith.constant 18 : i32
        %add3A_1350 = arith.addi %add3A_1189, %add3A_1349 : i32
        %get3A_1351 = arith.constant 0 : i32
        %get3A_1352 = arith.index_cast %get3A_1351 : i32 to index
        %get3A_1353 = arith.index_cast %add3A_1350 : i32 to index
        %get3A_1354 = arith.constant 0 : index
        %get3A_1355 = tpu.vector_load %arg6[%get3A_1352, %get3A_1353, %get3A_1354] {strides = array<i32>} : memref<2x640x64xf32, #tpu.memory_space<vmem>>, vector<1x1x16xf32>,
        %get3A_1356 = vector.shape_cast %get3A_1355 : vector<1x1x16xf32> to vector<16xf32>
        %add3A_1357 = arith.addf %add3A_1348, %get3A_1356 : vector<16xf32>
        %add3A_1358 = arith.constant 19 : i32
        %add3A_1359 = arith.addi %add3A_1189, %add3A_1358 : i32
        %get3A_1360 = arith.constant 0 : i32
        %get3A_1361 = arith.index_cast %get3A_1360 : i32 to index
        %get3A_1362 = arith.index_cast %add3A_1359 : i32 to index
        %get3A_1363 = arith.constant 0 : index
        %get3A_1364 = tpu.vector_load %arg6[%get3A_1361, %get3A_1362, %get3A_1363] {strides = array<i32>} : memref<2x640x64xf32, #tpu.memory_space<vmem>>, vector<1x1x16xf32>,
        %get3A_1365 = vector.shape_cast %get3A_1364 : vector<1x1x16xf32> to vector<16xf32>
        %add3A_1366 = arith.addf %add3A_1357, %get3A_1365 : vector<16xf32>
        %mul3A_1367 = arith.constant 5.000000e-02 : f32
        %mul3A_1368 = vector.broadcast %mul3A_1367 : f32 to vector<16xf32>
        %mul3A_1369 = arith.mulf %add3A_1366, %mul3A_1368 : vector<16xf32>
        %swap3A_1370 = arith.constant 0 : i32
        %swap3A_1371 = arith.index_cast %swap3A_1370 : i32 to index
        %swap3A_1372 = arith.index_cast %scan3A_431 : i32 to index
        %swap3A_1373 = arith.constant 64 : index
        %swap3A_1374 = tpu.vector_load %arg7[%swap3A_1371, %swap3A_1372, %swap3A_1373] {strides = array<i32>} : memref<2x16x128xf32, #tpu.memory_space<vmem>>, vector<1x1x16xf32>,
        %swap3A_1375 = vector.shape_cast %swap3A_1374 : vector<1x1x16xf32> to vector<16xf32>
        %swap3A_1376 = vector.shape_cast %mul3A_1369 : vector<16xf32> to vector<1x1x16xf32>
        tpu.vector_store %arg7[%swap3A_1371, %swap3A_1372, %swap3A_1373], %swap3A_1376 {strides = array<i32>} : memref<2x16x128xf32, #tpu.memory_space<vmem>>, vector<1x1x16xf32>,
        %get3A_1377 = arith.constant 0 : i32
        %get3A_1378 = arith.index_cast %get3A_1377 : i32 to index
        %get3A_1379 = arith.index_cast %add3A_1189 : i32 to index
        %get3A_1380 = arith.constant 16 : index
        %get3A_1381 = tpu.vector_load %arg6[%get3A_1378, %get3A_1379, %get3A_1380] {strides = array<i32>} : memref<2x640x64xf32, #tpu.memory_space<vmem>>, vector<1x1x16xf32>,
        %get3A_1382 = vector.shape_cast %get3A_1381 : vector<1x1x16xf32> to vector<16xf32>
        %add3A_1383 = arith.constant 1 : i32
        %add3A_1384 = arith.addi %add3A_1189, %add3A_1383 : i32
        %get3A_1385 = arith.constant 0 : i32
        %get3A_1386 = arith.index_cast %get3A_1385 : i32 to index
        %get3A_1387 = arith.index_cast %add3A_1384 : i32 to index
        %get3A_1388 = arith.constant 16 : index
        %get3A_1389 = tpu.vector_load %arg6[%get3A_1386, %get3A_1387, %get3A_1388] {strides = array<i32>} : memref<2x640x64xf32, #tpu.memory_space<vmem>>, vector<1x1x16xf32>,
        %get3A_1390 = vector.shape_cast %get3A_1389 : vector<1x1x16xf32> to vector<16xf32>
        %add3A_1391 = arith.addf %get3A_1382, %get3A_1390 : vector<16xf32>
        %add3A_1392 = arith.constant 2 : i32
        %add3A_1393 = arith.addi %add3A_1189, %add3A_1392 : i32
        %get3A_1394 = arith.constant 0 : i32
        %get3A_1395 = arith.index_cast %get3A_1394 : i32 to index
        %get3A_1396 = arith.index_cast %add3A_1393 : i32 to index
        %get3A_1397 = arith.constant 16 : index
        %get3A_1398 = tpu.vector_load %arg6[%get3A_1395, %get3A_1396, %get3A_1397] {strides = array<i32>} : memref<2x640x64xf32, #tpu.memory_space<vmem>>, vector<1x1x16xf32>,
        %get3A_1399 = vector.shape_cast %get3A_1398 : vector<1x1x16xf32> to vector<16xf32>
        %add3A_1400 = arith.addf %add3A_1391, %get3A_1399 : vector<16xf32>
        %add3A_1401 = arith.constant 3 : i32
        %add3A_1402 = arith.addi %add3A_1189, %add3A_1401 : i32
        %get3A_1403 = arith.constant 0 : i32
        %get3A_1404 = arith.index_cast %get3A_1403 : i32 to index
        %get3A_1405 = arith.index_cast %add3A_1402 : i32 to index
        %get3A_1406 = arith.constant 16 : index
        %get3A_1407 = tpu.vector_load %arg6[%get3A_1404, %get3A_1405, %get3A_1406] {strides = array<i32>} : memref<2x640x64xf32, #tpu.memory_space<vmem>>, vector<1x1x16xf32>,
        %get3A_1408 = vector.shape_cast %get3A_1407 : vector<1x1x16xf32> to vector<16xf32>
        %add3A_1409 = arith.addf %add3A_1400, %get3A_1408 : vector<16xf32>
        %add3A_1410 = arith.constant 4 : i32
        %add3A_1411 = arith.addi %add3A_1189, %add3A_1410 : i32
        %get3A_1412 = arith.constant 0 : i32
        %get3A_1413 = arith.index_cast %get3A_1412 : i32 to index
        %get3A_1414 = arith.index_cast %add3A_1411 : i32 to index
        %get3A_1415 = arith.constant 16 : index
        %get3A_1416 = tpu.vector_load %arg6[%get3A_1413, %get3A_1414, %get3A_1415] {strides = array<i32>} : memref<2x640x64xf32, #tpu.memory_space<vmem>>, vector<1x1x16xf32>,
        %get3A_1417 = vector.shape_cast %get3A_1416 : vector<1x1x16xf32> to vector<16xf32>
        %add3A_1418 = arith.addf %add3A_1409, %get3A_1417 : vector<16xf32>
        %add3A_1419 = arith.constant 5 : i32
        %add3A_1420 = arith.addi %add3A_1189, %add3A_1419 : i32
        %get3A_1421 = arith.constant 0 : i32
        %get3A_1422 = arith.index_cast %get3A_1421 : i32 to index
        %get3A_1423 = arith.index_cast %add3A_1420 : i32 to index
        %get3A_1424 = arith.constant 16 : index
        %get3A_1425 = tpu.vector_load %arg6[%get3A_1422, %get3A_1423, %get3A_1424] {strides = array<i32>} : memref<2x640x64xf32, #tpu.memory_space<vmem>>, vector<1x1x16xf32>,
        %get3A_1426 = vector.shape_cast %get3A_1425 : vector<1x1x16xf32> to vector<16xf32>
        %add3A_1427 = arith.addf %add3A_1418, %get3A_1426 : vector<16xf32>
        %add3A_1428 = arith.constant 6 : i32
        %add3A_1429 = arith.addi %add3A_1189, %add3A_1428 : i32
        %get3A_1430 = arith.constant 0 : i32
        %get3A_1431 = arith.index_cast %get3A_1430 : i32 to index
        %get3A_1432 = arith.index_cast %add3A_1429 : i32 to index
        %get3A_1433 = arith.constant 16 : index
        %get3A_1434 = tpu.vector_load %arg6[%get3A_1431, %get3A_1432, %get3A_1433] {strides = array<i32>} : memref<2x640x64xf32, #tpu.memory_space<vmem>>, vector<1x1x16xf32>,
        %get3A_1435 = vector.shape_cast %get3A_1434 : vector<1x1x16xf32> to vector<16xf32>
        %add3A_1436 = arith.addf %add3A_1427, %get3A_1435 : vector<16xf32>
        %add3A_1437 = arith.constant 7 : i32
        %add3A_1438 = arith.addi %add3A_1189, %add3A_1437 : i32
        %get3A_1439 = arith.constant 0 : i32
        %get3A_1440 = arith.index_cast %get3A_1439 : i32 to index
        %get3A_1441 = arith.index_cast %add3A_1438 : i32 to index
        %get3A_1442 = arith.constant 16 : index
        %get3A_1443 = tpu.vector_load %arg6[%get3A_1440, %get3A_1441, %get3A_1442] {strides = array<i32>} : memref<2x640x64xf32, #tpu.memory_space<vmem>>, vector<1x1x16xf32>,
        %get3A_1444 = vector.shape_cast %get3A_1443 : vector<1x1x16xf32> to vector<16xf32>
        %add3A_1445 = arith.addf %add3A_1436, %get3A_1444 : vector<16xf32>
        %add3A_1446 = arith.constant 8 : i32
        %add3A_1447 = arith.addi %add3A_1189, %add3A_1446 : i32
        %get3A_1448 = arith.constant 0 : i32
        %get3A_1449 = arith.index_cast %get3A_1448 : i32 to index
        %get3A_1450 = arith.index_cast %add3A_1447 : i32 to index
        %get3A_1451 = arith.constant 16 : index
        %get3A_1452 = tpu.vector_load %arg6[%get3A_1449, %get3A_1450, %get3A_1451] {strides = array<i32>} : memref<2x640x64xf32, #tpu.memory_space<vmem>>, vector<1x1x16xf32>,
        %get3A_1453 = vector.shape_cast %get3A_1452 : vector<1x1x16xf32> to vector<16xf32>
        %add3A_1454 = arith.addf %add3A_1445, %get3A_1453 : vector<16xf32>
        %add3A_1455 = arith.constant 9 : i32
        %add3A_1456 = arith.addi %add3A_1189, %add3A_1455 : i32
        %get3A_1457 = arith.constant 0 : i32
        %get3A_1458 = arith.index_cast %get3A_1457 : i32 to index
        %get3A_1459 = arith.index_cast %add3A_1456 : i32 to index
        %get3A_1460 = arith.constant 16 : index
        %get3A_1461 = tpu.vector_load %arg6[%get3A_1458, %get3A_1459, %get3A_1460] {strides = array<i32>} : memref<2x640x64xf32, #tpu.memory_space<vmem>>, vector<1x1x16xf32>,
        %get3A_1462 = vector.shape_cast %get3A_1461 : vector<1x1x16xf32> to vector<16xf32>
        %add3A_1463 = arith.addf %add3A_1454, %get3A_1462 : vector<16xf32>
        %add3A_1464 = arith.constant 10 : i32
        %add3A_1465 = arith.addi %add3A_1189, %add3A_1464 : i32
        %get3A_1466 = arith.constant 0 : i32
        %get3A_1467 = arith.index_cast %get3A_1466 : i32 to index
        %get3A_1468 = arith.index_cast %add3A_1465 : i32 to index
        %get3A_1469 = arith.constant 16 : index
        %get3A_1470 = tpu.vector_load %arg6[%get3A_1467, %get3A_1468, %get3A_1469] {strides = array<i32>} : memref<2x640x64xf32, #tpu.memory_space<vmem>>, vector<1x1x16xf32>,
        %get3A_1471 = vector.shape_cast %get3A_1470 : vector<1x1x16xf32> to vector<16xf32>
        %add3A_1472 = arith.addf %add3A_1463, %get3A_1471 : vector<16xf32>
        %add3A_1473 = arith.constant 11 : i32
        %add3A_1474 = arith.addi %add3A_1189, %add3A_1473 : i32
        %get3A_1475 = arith.constant 0 : i32
        %get3A_1476 = arith.index_cast %get3A_1475 : i32 to index
        %get3A_1477 = arith.index_cast %add3A_1474 : i32 to index
        %get3A_1478 = arith.constant 16 : index
        %get3A_1479 = tpu.vector_load %arg6[%get3A_1476, %get3A_1477, %get3A_1478] {strides = array<i32>} : memref<2x640x64xf32, #tpu.memory_space<vmem>>, vector<1x1x16xf32>,
        %get3A_1480 = vector.shape_cast %get3A_1479 : vector<1x1x16xf32> to vector<16xf32>
        %add3A_1481 = arith.addf %add3A_1472, %get3A_1480 : vector<16xf32>
        %add3A_1482 = arith.constant 12 : i32
        %add3A_1483 = arith.addi %add3A_1189, %add3A_1482 : i32
        %get3A_1484 = arith.constant 0 : i32
        %get3A_1485 = arith.index_cast %get3A_1484 : i32 to index
        %get3A_1486 = arith.index_cast %add3A_1483 : i32 to index
        %get3A_1487 = arith.constant 16 : index
        %get3A_1488 = tpu.vector_load %arg6[%get3A_1485, %get3A_1486, %get3A_1487] {strides = array<i32>} : memref<2x640x64xf32, #tpu.memory_space<vmem>>, vector<1x1x16xf32>,
        %get3A_1489 = vector.shape_cast %get3A_1488 : vector<1x1x16xf32> to vector<16xf32>
        %add3A_1490 = arith.addf %add3A_1481, %get3A_1489 : vector<16xf32>
        %add3A_1491 = arith.constant 13 : i32
        %add3A_1492 = arith.addi %add3A_1189, %add3A_1491 : i32
        %get3A_1493 = arith.constant 0 : i32
        %get3A_1494 = arith.index_cast %get3A_1493 : i32 to index
        %get3A_1495 = arith.index_cast %add3A_1492 : i32 to index
        %get3A_1496 = arith.constant 16 : index
        %get3A_1497 = tpu.vector_load %arg6[%get3A_1494, %get3A_1495, %get3A_1496] {strides = array<i32>} : memref<2x640x64xf32, #tpu.memory_space<vmem>>, vector<1x1x16xf32>,
        %get3A_1498 = vector.shape_cast %get3A_1497 : vector<1x1x16xf32> to vector<16xf32>
        %add3A_1499 = arith.addf %add3A_1490, %get3A_1498 : vector<16xf32>
        %add3A_1500 = arith.constant 14 : i32
        %add3A_1501 = arith.addi %add3A_1189, %add3A_1500 : i32
        %get3A_1502 = arith.constant 0 : i32
        %get3A_1503 = arith.index_cast %get3A_1502 : i32 to index
        %get3A_1504 = arith.index_cast %add3A_1501 : i32 to index
        %get3A_1505 = arith.constant 16 : index
        %get3A_1506 = tpu.vector_load %arg6[%get3A_1503, %get3A_1504, %get3A_1505] {strides = array<i32>} : memref<2x640x64xf32, #tpu.memory_space<vmem>>, vector<1x1x16xf32>,
        %get3A_1507 = vector.shape_cast %get3A_1506 : vector<1x1x16xf32> to vector<16xf32>
        %add3A_1508 = arith.addf %add3A_1499, %get3A_1507 : vector<16xf32>
        %add3A_1509 = arith.constant 15 : i32
        %add3A_1510 = arith.addi %add3A_1189, %add3A_1509 : i32
        %get3A_1511 = arith.constant 0 : i32
        %get3A_1512 = arith.index_cast %get3A_1511 : i32 to index
        %get3A_1513 = arith.index_cast %add3A_1510 : i32 to index
        %get3A_1514 = arith.constant 16 : index
        %get3A_1515 = tpu.vector_load %arg6[%get3A_1512, %get3A_1513, %get3A_1514] {strides = array<i32>} : memref<2x640x64xf32, #tpu.memory_space<vmem>>, vector<1x1x16xf32>,
        %get3A_1516 = vector.shape_cast %get3A_1515 : vector<1x1x16xf32> to vector<16xf32>
        %add3A_1517 = arith.addf %add3A_1508, %get3A_1516 : vector<16xf32>
        %add3A_1518 = arith.constant 16 : i32
        %add3A_1519 = arith.addi %add3A_1189, %add3A_1518 : i32
        %get3A_1520 = arith.constant 0 : i32
        %get3A_1521 = arith.index_cast %get3A_1520 : i32 to index
        %get3A_1522 = arith.index_cast %add3A_1519 : i32 to index
        %get3A_1523 = arith.constant 16 : index
        %get3A_1524 = tpu.vector_load %arg6[%get3A_1521, %get3A_1522, %get3A_1523] {strides = array<i32>} : memref<2x640x64xf32, #tpu.memory_space<vmem>>, vector<1x1x16xf32>,
        %get3A_1525 = vector.shape_cast %get3A_1524 : vector<1x1x16xf32> to vector<16xf32>
        %add3A_1526 = arith.addf %add3A_1517, %get3A_1525 : vector<16xf32>
        %add3A_1527 = arith.constant 17 : i32
        %add3A_1528 = arith.addi %add3A_1189, %add3A_1527 : i32
        %get3A_1529 = arith.constant 0 : i32
        %get3A_1530 = arith.index_cast %get3A_1529 : i32 to index
        %get3A_1531 = arith.index_cast %add3A_1528 : i32 to index
        %get3A_1532 = arith.constant 16 : index
        %get3A_1533 = tpu.vector_load %arg6[%get3A_1530, %get3A_1531, %get3A_1532] {strides = array<i32>} : memref<2x640x64xf32, #tpu.memory_space<vmem>>, vector<1x1x16xf32>,
        %get3A_1534 = vector.shape_cast %get3A_1533 : vector<1x1x16xf32> to vector<16xf32>
        %add3A_1535 = arith.addf %add3A_1526, %get3A_1534 : vector<16xf32>
        %add3A_1536 = arith.constant 18 : i32
        %add3A_1537 = arith.addi %add3A_1189, %add3A_1536 : i32
        %get3A_1538 = arith.constant 0 : i32
        %get3A_1539 = arith.index_cast %get3A_1538 : i32 to index
        %get3A_1540 = arith.index_cast %add3A_1537 : i32 to index
        %get3A_1541 = arith.constant 16 : index
        %get3A_1542 = tpu.vector_load %arg6[%get3A_1539, %get3A_1540, %get3A_1541] {strides = array<i32>} : memref<2x640x64xf32, #tpu.memory_space<vmem>>, vector<1x1x16xf32>,
        %get3A_1543 = vector.shape_cast %get3A_1542 : vector<1x1x16xf32> to vector<16xf32>
        %add3A_1544 = arith.addf %add3A_1535, %get3A_1543 : vector<16xf32>
        %add3A_1545 = arith.constant 19 : i32
        %add3A_1546 = arith.addi %add3A_1189, %add3A_1545 : i32
        %get3A_1547 = arith.constant 0 : i32
        %get3A_1548 = arith.index_cast %get3A_1547 : i32 to index
        %get3A_1549 = arith.index_cast %add3A_1546 : i32 to index
        %get3A_1550 = arith.constant 16 : index
        %get3A_1551 = tpu.vector_load %arg6[%get3A_1548, %get3A_1549, %get3A_1550] {strides = array<i32>} : memref<2x640x64xf32, #tpu.memory_space<vmem>>, vector<1x1x16xf32>,
        %get3A_1552 = vector.shape_cast %get3A_1551 : vector<1x1x16xf32> to vector<16xf32>
        %add3A_1553 = arith.addf %add3A_1544, %get3A_1552 : vector<16xf32>
        %mul3A_1554 = arith.constant 5.000000e-02 : f32
        %mul3A_1555 = vector.broadcast %mul3A_1554 : f32 to vector<16xf32>
        %mul3A_1556 = arith.mulf %add3A_1553, %mul3A_1555 : vector<16xf32>
        %swap3A_1557 = arith.constant 0 : i32
        %swap3A_1558 = arith.index_cast %swap3A_1557 : i32 to index
        %swap3A_1559 = arith.index_cast %scan3A_431 : i32 to index
        %swap3A_1560 = arith.constant 80 : index
        %swap3A_1561 = tpu.vector_load %arg7[%swap3A_1558, %swap3A_1559, %swap3A_1560] {strides = array<i32>} : memref<2x16x128xf32, #tpu.memory_space<vmem>>, vector<1x1x16xf32>,
        %swap3A_1562 = vector.shape_cast %swap3A_1561 : vector<1x1x16xf32> to vector<16xf32>
        %swap3A_1563 = vector.shape_cast %mul3A_1556 : vector<16xf32> to vector<1x1x16xf32>
        tpu.vector_store %arg7[%swap3A_1558, %swap3A_1559, %swap3A_1560], %swap3A_1563 {strides = array<i32>} : memref<2x16x128xf32, #tpu.memory_space<vmem>>, vector<1x1x16xf32>,
        %get3A_1564 = arith.constant 0 : i32
        %get3A_1565 = arith.index_cast %get3A_1564 : i32 to index
        %get3A_1566 = arith.index_cast %add3A_1189 : i32 to index
        %get3A_1567 = arith.constant 32 : index
        %get3A_1568 = tpu.vector_load %arg6[%get3A_1565, %get3A_1566, %get3A_1567] {strides = array<i32>} : memref<2x640x64xf32, #tpu.memory_space<vmem>>, vector<1x1x16xf32>,
        %get3A_1569 = vector.shape_cast %get3A_1568 : vector<1x1x16xf32> to vector<16xf32>
        %add3A_1570 = arith.constant 1 : i32
        %add3A_1571 = arith.addi %add3A_1189, %add3A_1570 : i32
        %get3A_1572 = arith.constant 0 : i32
        %get3A_1573 = arith.index_cast %get3A_1572 : i32 to index
        %get3A_1574 = arith.index_cast %add3A_1571 : i32 to index
        %get3A_1575 = arith.constant 32 : index
        %get3A_1576 = tpu.vector_load %arg6[%get3A_1573, %get3A_1574, %get3A_1575] {strides = array<i32>} : memref<2x640x64xf32, #tpu.memory_space<vmem>>, vector<1x1x16xf32>,
        %get3A_1577 = vector.shape_cast %get3A_1576 : vector<1x1x16xf32> to vector<16xf32>
        %add3A_1578 = arith.addf %get3A_1569, %get3A_1577 : vector<16xf32>
        %add3A_1579 = arith.constant 2 : i32
        %add3A_1580 = arith.addi %add3A_1189, %add3A_1579 : i32
        %get3A_1581 = arith.constant 0 : i32
        %get3A_1582 = arith.index_cast %get3A_1581 : i32 to index
        %get3A_1583 = arith.index_cast %add3A_1580 : i32 to index
        %get3A_1584 = arith.constant 32 : index
        %get3A_1585 = tpu.vector_load %arg6[%get3A_1582, %get3A_1583, %get3A_1584] {strides = array<i32>} : memref<2x640x64xf32, #tpu.memory_space<vmem>>, vector<1x1x16xf32>,
        %get3A_1586 = vector.shape_cast %get3A_1585 : vector<1x1x16xf32> to vector<16xf32>
        %add3A_1587 = arith.addf %add3A_1578, %get3A_1586 : vector<16xf32>
        %add3A_1588 = arith.constant 3 : i32
        %add3A_1589 = arith.addi %add3A_1189, %add3A_1588 : i32
        %get3A_1590 = arith.constant 0 : i32
        %get3A_1591 = arith.index_cast %get3A_1590 : i32 to index
        %get3A_1592 = arith.index_cast %add3A_1589 : i32 to index
        %get3A_1593 = arith.constant 32 : index
        %get3A_1594 = tpu.vector_load %arg6[%get3A_1591, %get3A_1592, %get3A_1593] {strides = array<i32>} : memref<2x640x64xf32, #tpu.memory_space<vmem>>, vector<1x1x16xf32>,
        %get3A_1595 = vector.shape_cast %get3A_1594 : vector<1x1x16xf32> to vector<16xf32>
        %add3A_1596 = arith.addf %add3A_1587, %get3A_1595 : vector<16xf32>
        %add3A_1597 = arith.constant 4 : i32
        %add3A_1598 = arith.addi %add3A_1189, %add3A_1597 : i32
        %get3A_1599 = arith.constant 0 : i32
        %get3A_1600 = arith.index_cast %get3A_1599 : i32 to index
        %get3A_1601 = arith.index_cast %add3A_1598 : i32 to index
        %get3A_1602 = arith.constant 32 : index
        %get3A_1603 = tpu.vector_load %arg6[%get3A_1600, %get3A_1601, %get3A_1602] {strides = array<i32>} : memref<2x640x64xf32, #tpu.memory_space<vmem>>, vector<1x1x16xf32>,
        %get3A_1604 = vector.shape_cast %get3A_1603 : vector<1x1x16xf32> to vector<16xf32>
        %add3A_1605 = arith.addf %add3A_1596, %get3A_1604 : vector<16xf32>
        %add3A_1606 = arith.constant 5 : i32
        %add3A_1607 = arith.addi %add3A_1189, %add3A_1606 : i32
        %get3A_1608 = arith.constant 0 : i32
        %get3A_1609 = arith.index_cast %get3A_1608 : i32 to index
        %get3A_1610 = arith.index_cast %add3A_1607 : i32 to index
        %get3A_1611 = arith.constant 32 : index
        %get3A_1612 = tpu.vector_load %arg6[%get3A_1609, %get3A_1610, %get3A_1611] {strides = array<i32>} : memref<2x640x64xf32, #tpu.memory_space<vmem>>, vector<1x1x16xf32>,
        %get3A_1613 = vector.shape_cast %get3A_1612 : vector<1x1x16xf32> to vector<16xf32>
        %add3A_1614 = arith.addf %add3A_1605, %get3A_1613 : vector<16xf32>
        %add3A_1615 = arith.constant 6 : i32
        %add3A_1616 = arith.addi %add3A_1189, %add3A_1615 : i32
        %get3A_1617 = arith.constant 0 : i32
        %get3A_1618 = arith.index_cast %get3A_1617 : i32 to index
        %get3A_1619 = arith.index_cast %add3A_1616 : i32 to index
        %get3A_1620 = arith.constant 32 : index
        %get3A_1621 = tpu.vector_load %arg6[%get3A_1618, %get3A_1619, %get3A_1620] {strides = array<i32>} : memref<2x640x64xf32, #tpu.memory_space<vmem>>, vector<1x1x16xf32>,
        %get3A_1622 = vector.shape_cast %get3A_1621 : vector<1x1x16xf32> to vector<16xf32>
        %add3A_1623 = arith.addf %add3A_1614, %get3A_1622 : vector<16xf32>
        %add3A_1624 = arith.constant 7 : i32
        %add3A_1625 = arith.addi %add3A_1189, %add3A_1624 : i32
        %get3A_1626 = arith.constant 0 : i32
        %get3A_1627 = arith.index_cast %get3A_1626 : i32 to index
        %get3A_1628 = arith.index_cast %add3A_1625 : i32 to index
        %get3A_1629 = arith.constant 32 : index
        %get3A_1630 = tpu.vector_load %arg6[%get3A_1627, %get3A_1628, %get3A_1629] {strides = array<i32>} : memref<2x640x64xf32, #tpu.memory_space<vmem>>, vector<1x1x16xf32>,
        %get3A_1631 = vector.shape_cast %get3A_1630 : vector<1x1x16xf32> to vector<16xf32>
        %add3A_1632 = arith.addf %add3A_1623, %get3A_1631 : vector<16xf32>
        %add3A_1633 = arith.constant 8 : i32
        %add3A_1634 = arith.addi %add3A_1189, %add3A_1633 : i32
        %get3A_1635 = arith.constant 0 : i32
        %get3A_1636 = arith.index_cast %get3A_1635 : i32 to index
        %get3A_1637 = arith.index_cast %add3A_1634 : i32 to index
        %get3A_1638 = arith.constant 32 : index
        %get3A_1639 = tpu.vector_load %arg6[%get3A_1636, %get3A_1637, %get3A_1638] {strides = array<i32>} : memref<2x640x64xf32, #tpu.memory_space<vmem>>, vector<1x1x16xf32>,
        %get3A_1640 = vector.shape_cast %get3A_1639 : vector<1x1x16xf32> to vector<16xf32>
        %add3A_1641 = arith.addf %add3A_1632, %get3A_1640 : vector<16xf32>
        %add3A_1642 = arith.constant 9 : i32
        %add3A_1643 = arith.addi %add3A_1189, %add3A_1642 : i32
        %get3A_1644 = arith.constant 0 : i32
        %get3A_1645 = arith.index_cast %get3A_1644 : i32 to index
        %get3A_1646 = arith.index_cast %add3A_1643 : i32 to index
        %get3A_1647 = arith.constant 32 : index
        %get3A_1648 = tpu.vector_load %arg6[%get3A_1645, %get3A_1646, %get3A_1647] {strides = array<i32>} : memref<2x640x64xf32, #tpu.memory_space<vmem>>, vector<1x1x16xf32>,
        %get3A_1649 = vector.shape_cast %get3A_1648 : vector<1x1x16xf32> to vector<16xf32>
        %add3A_1650 = arith.addf %add3A_1641, %get3A_1649 : vector<16xf32>
        %add3A_1651 = arith.constant 10 : i32
        %add3A_1652 = arith.addi %add3A_1189, %add3A_1651 : i32
        %get3A_1653 = arith.constant 0 : i32
        %get3A_1654 = arith.index_cast %get3A_1653 : i32 to index
        %get3A_1655 = arith.index_cast %add3A_1652 : i32 to index
        %get3A_1656 = arith.constant 32 : index
        %get3A_1657 = tpu.vector_load %arg6[%get3A_1654, %get3A_1655, %get3A_1656] {strides = array<i32>} : memref<2x640x64xf32, #tpu.memory_space<vmem>>, vector<1x1x16xf32>,
        %get3A_1658 = vector.shape_cast %get3A_1657 : vector<1x1x16xf32> to vector<16xf32>
        %add3A_1659 = arith.addf %add3A_1650, %get3A_1658 : vector<16xf32>
        %add3A_1660 = arith.constant 11 : i32
        %add3A_1661 = arith.addi %add3A_1189, %add3A_1660 : i32
        %get3A_1662 = arith.constant 0 : i32
        %get3A_1663 = arith.index_cast %get3A_1662 : i32 to index
        %get3A_1664 = arith.index_cast %add3A_1661 : i32 to index
        %get3A_1665 = arith.constant 32 : index
        %get3A_1666 = tpu.vector_load %arg6[%get3A_1663, %get3A_1664, %get3A_1665] {strides = array<i32>} : memref<2x640x64xf32, #tpu.memory_space<vmem>>, vector<1x1x16xf32>,
        %get3A_1667 = vector.shape_cast %get3A_1666 : vector<1x1x16xf32> to vector<16xf32>
        %add3A_1668 = arith.addf %add3A_1659, %get3A_1667 : vector<16xf32>
        %add3A_1669 = arith.constant 12 : i32
        %add3A_1670 = arith.addi %add3A_1189, %add3A_1669 : i32
        %get3A_1671 = arith.constant 0 : i32
        %get3A_1672 = arith.index_cast %get3A_1671 : i32 to index
        %get3A_1673 = arith.index_cast %add3A_1670 : i32 to index
        %get3A_1674 = arith.constant 32 : index
        %get3A_1675 = tpu.vector_load %arg6[%get3A_1672, %get3A_1673, %get3A_1674] {strides = array<i32>} : memref<2x640x64xf32, #tpu.memory_space<vmem>>, vector<1x1x16xf32>,
        %get3A_1676 = vector.shape_cast %get3A_1675 : vector<1x1x16xf32> to vector<16xf32>
        %add3A_1677 = arith.addf %add3A_1668, %get3A_1676 : vector<16xf32>
        %add3A_1678 = arith.constant 13 : i32
        %add3A_1679 = arith.addi %add3A_1189, %add3A_1678 : i32
        %get3A_1680 = arith.constant 0 : i32
        %get3A_1681 = arith.index_cast %get3A_1680 : i32 to index
        %get3A_1682 = arith.index_cast %add3A_1679 : i32 to index
        %get3A_1683 = arith.constant 32 : index
        %get3A_1684 = tpu.vector_load %arg6[%get3A_1681, %get3A_1682, %get3A_1683] {strides = array<i32>} : memref<2x640x64xf32, #tpu.memory_space<vmem>>, vector<1x1x16xf32>,
        %get3A_1685 = vector.shape_cast %get3A_1684 : vector<1x1x16xf32> to vector<16xf32>
        %add3A_1686 = arith.addf %add3A_1677, %get3A_1685 : vector<16xf32>
        %add3A_1687 = arith.constant 14 : i32
        %add3A_1688 = arith.addi %add3A_1189, %add3A_1687 : i32
        %get3A_1689 = arith.constant 0 : i32
        %get3A_1690 = arith.index_cast %get3A_1689 : i32 to index
        %get3A_1691 = arith.index_cast %add3A_1688 : i32 to index
        %get3A_1692 = arith.constant 32 : index
        %get3A_1693 = tpu.vector_load %arg6[%get3A_1690, %get3A_1691, %get3A_1692] {strides = array<i32>} : memref<2x640x64xf32, #tpu.memory_space<vmem>>, vector<1x1x16xf32>,
        %get3A_1694 = vector.shape_cast %get3A_1693 : vector<1x1x16xf32> to vector<16xf32>
        %add3A_1695 = arith.addf %add3A_1686, %get3A_1694 : vector<16xf32>
        %add3A_1696 = arith.constant 15 : i32
        %add3A_1697 = arith.addi %add3A_1189, %add3A_1696 : i32
        %get3A_1698 = arith.constant 0 : i32
        %get3A_1699 = arith.index_cast %get3A_1698 : i32 to index
        %get3A_1700 = arith.index_cast %add3A_1697 : i32 to index
        %get3A_1701 = arith.constant 32 : index
        %get3A_1702 = tpu.vector_load %arg6[%get3A_1699, %get3A_1700, %get3A_1701] {strides = array<i32>} : memref<2x640x64xf32, #tpu.memory_space<vmem>>, vector<1x1x16xf32>,
        %get3A_1703 = vector.shape_cast %get3A_1702 : vector<1x1x16xf32> to vector<16xf32>
        %add3A_1704 = arith.addf %add3A_1695, %get3A_1703 : vector<16xf32>
        %add3A_1705 = arith.constant 16 : i32
        %add3A_1706 = arith.addi %add3A_1189, %add3A_1705 : i32
        %get3A_1707 = arith.constant 0 : i32
        %get3A_1708 = arith.index_cast %get3A_1707 : i32 to index
        %get3A_1709 = arith.index_cast %add3A_1706 : i32 to index
        %get3A_1710 = arith.constant 32 : index
        %get3A_1711 = tpu.vector_load %arg6[%get3A_1708, %get3A_1709, %get3A_1710] {strides = array<i32>} : memref<2x640x64xf32, #tpu.memory_space<vmem>>, vector<1x1x16xf32>,
        %get3A_1712 = vector.shape_cast %get3A_1711 : vector<1x1x16xf32> to vector<16xf32>
        %add3A_1713 = arith.addf %add3A_1704, %get3A_1712 : vector<16xf32>
        %add3A_1714 = arith.constant 17 : i32
        %add3A_1715 = arith.addi %add3A_1189, %add3A_1714 : i32
        %get3A_1716 = arith.constant 0 : i32
        %get3A_1717 = arith.index_cast %get3A_1716 : i32 to index
        %get3A_1718 = arith.index_cast %add3A_1715 : i32 to index
        %get3A_1719 = arith.constant 32 : index
        %get3A_1720 = tpu.vector_load %arg6[%get3A_1717, %get3A_1718, %get3A_1719] {strides = array<i32>} : memref<2x640x64xf32, #tpu.memory_space<vmem>>, vector<1x1x16xf32>,
        %get3A_1721 = vector.shape_cast %get3A_1720 : vector<1x1x16xf32> to vector<16xf32>
        %add3A_1722 = arith.addf %add3A_1713, %get3A_1721 : vector<16xf32>
        %add3A_1723 = arith.constant 18 : i32
        %add3A_1724 = arith.addi %add3A_1189, %add3A_1723 : i32
        %get3A_1725 = arith.constant 0 : i32
        %get3A_1726 = arith.index_cast %get3A_1725 : i32 to index
        %get3A_1727 = arith.index_cast %add3A_1724 : i32 to index
        %get3A_1728 = arith.constant 32 : index
        %get3A_1729 = tpu.vector_load %arg6[%get3A_1726, %get3A_1727, %get3A_1728] {strides = array<i32>} : memref<2x640x64xf32, #tpu.memory_space<vmem>>, vector<1x1x16xf32>,
        %get3A_1730 = vector.shape_cast %get3A_1729 : vector<1x1x16xf32> to vector<16xf32>
        %add3A_1731 = arith.addf %add3A_1722, %get3A_1730 : vector<16xf32>
        %add3A_1732 = arith.constant 19 : i32
        %add3A_1733 = arith.addi %add3A_1189, %add3A_1732 : i32
        %get3A_1734 = arith.constant 0 : i32
        %get3A_1735 = arith.index_cast %get3A_1734 : i32 to index
        %get3A_1736 = arith.index_cast %add3A_1733 : i32 to index
        %get3A_1737 = arith.constant 32 : index
        %get3A_1738 = tpu.vector_load %arg6[%get3A_1735, %get3A_1736, %get3A_1737] {strides = array<i32>} : memref<2x640x64xf32, #tpu.memory_space<vmem>>, vector<1x1x16xf32>,
        %get3A_1739 = vector.shape_cast %get3A_1738 : vector<1x1x16xf32> to vector<16xf32>
        %add3A_1740 = arith.addf %add3A_1731, %get3A_1739 : vector<16xf32>
        %mul3A_1741 = arith.constant 5.000000e-02 : f32
        %mul3A_1742 = vector.broadcast %mul3A_1741 : f32 to vector<16xf32>
        %mul3A_1743 = arith.mulf %add3A_1740, %mul3A_1742 : vector<16xf32>
        %swap3A_1744 = arith.constant 0 : i32
        %swap3A_1745 = arith.index_cast %swap3A_1744 : i32 to index
        %swap3A_1746 = arith.index_cast %scan3A_431 : i32 to index
        %swap3A_1747 = arith.constant 96 : index
        %swap3A_1748 = tpu.vector_load %arg7[%swap3A_1745, %swap3A_1746, %swap3A_1747] {strides = array<i32>} : memref<2x16x128xf32, #tpu.memory_space<vmem>>, vector<1x1x16xf32>,
        %swap3A_1749 = vector.shape_cast %swap3A_1748 : vector<1x1x16xf32> to vector<16xf32>
        %swap3A_1750 = vector.shape_cast %mul3A_1743 : vector<16xf32> to vector<1x1x16xf32>
        tpu.vector_store %arg7[%swap3A_1745, %swap3A_1746, %swap3A_1747], %swap3A_1750 {strides = array<i32>} : memref<2x16x128xf32, #tpu.memory_space<vmem>>, vector<1x1x16xf32>,
        %get3A_1751 = arith.constant 0 : i32
        %get3A_1752 = arith.index_cast %get3A_1751 : i32 to index
        %get3A_1753 = arith.index_cast %add3A_1189 : i32 to index
        %get3A_1754 = arith.constant 48 : index
        %get3A_1755 = tpu.vector_load %arg6[%get3A_1752, %get3A_1753, %get3A_1754] {strides = array<i32>} : memref<2x640x64xf32, #tpu.memory_space<vmem>>, vector<1x1x16xf32>,
        %get3A_1756 = vector.shape_cast %get3A_1755 : vector<1x1x16xf32> to vector<16xf32>
        %add3A_1757 = arith.constant 1 : i32
        %add3A_1758 = arith.addi %add3A_1189, %add3A_1757 : i32
        %get3A_1759 = arith.constant 0 : i32
        %get3A_1760 = arith.index_cast %get3A_1759 : i32 to index
        %get3A_1761 = arith.index_cast %add3A_1758 : i32 to index
        %get3A_1762 = arith.constant 48 : index
        %get3A_1763 = tpu.vector_load %arg6[%get3A_1760, %get3A_1761, %get3A_1762] {strides = array<i32>} : memref<2x640x64xf32, #tpu.memory_space<vmem>>, vector<1x1x16xf32>,
        %get3A_1764 = vector.shape_cast %get3A_1763 : vector<1x1x16xf32> to vector<16xf32>
        %add3A_1765 = arith.addf %get3A_1756, %get3A_1764 : vector<16xf32>
        %add3A_1766 = arith.constant 2 : i32
        %add3A_1767 = arith.addi %add3A_1189, %add3A_1766 : i32
        %get3A_1768 = arith.constant 0 : i32
        %get3A_1769 = arith.index_cast %get3A_1768 : i32 to index
        %get3A_1770 = arith.index_cast %add3A_1767 : i32 to index
        %get3A_1771 = arith.constant 48 : index
        %get3A_1772 = tpu.vector_load %arg6[%get3A_1769, %get3A_1770, %get3A_1771] {strides = array<i32>} : memref<2x640x64xf32, #tpu.memory_space<vmem>>, vector<1x1x16xf32>,
        %get3A_1773 = vector.shape_cast %get3A_1772 : vector<1x1x16xf32> to vector<16xf32>
        %add3A_1774 = arith.addf %add3A_1765, %get3A_1773 : vector<16xf32>
        %add3A_1775 = arith.constant 3 : i32
        %add3A_1776 = arith.addi %add3A_1189, %add3A_1775 : i32
        %get3A_1777 = arith.constant 0 : i32
        %get3A_1778 = arith.index_cast %get3A_1777 : i32 to index
        %get3A_1779 = arith.index_cast %add3A_1776 : i32 to index
        %get3A_1780 = arith.constant 48 : index
        %get3A_1781 = tpu.vector_load %arg6[%get3A_1778, %get3A_1779, %get3A_1780] {strides = array<i32>} : memref<2x640x64xf32, #tpu.memory_space<vmem>>, vector<1x1x16xf32>,
        %get3A_1782 = vector.shape_cast %get3A_1781 : vector<1x1x16xf32> to vector<16xf32>
        %add3A_1783 = arith.addf %add3A_1774, %get3A_1782 : vector<16xf32>
        %add3A_1784 = arith.constant 4 : i32
        %add3A_1785 = arith.addi %add3A_1189, %add3A_1784 : i32
        %get3A_1786 = arith.constant 0 : i32
        %get3A_1787 = arith.index_cast %get3A_1786 : i32 to index
        %get3A_1788 = arith.index_cast %add3A_1785 : i32 to index
        %get3A_1789 = arith.constant 48 : index
        %get3A_1790 = tpu.vector_load %arg6[%get3A_1787, %get3A_1788, %get3A_1789] {strides = array<i32>} : memref<2x640x64xf32, #tpu.memory_space<vmem>>, vector<1x1x16xf32>,
        %get3A_1791 = vector.shape_cast %get3A_1790 : vector<1x1x16xf32> to vector<16xf32>
        %add3A_1792 = arith.addf %add3A_1783, %get3A_1791 : vector<16xf32>
        %add3A_1793 = arith.constant 5 : i32
        %add3A_1794 = arith.addi %add3A_1189, %add3A_1793 : i32
        %get3A_1795 = arith.constant 0 : i32
        %get3A_1796 = arith.index_cast %get3A_1795 : i32 to index
        %get3A_1797 = arith.index_cast %add3A_1794 : i32 to index
        %get3A_1798 = arith.constant 48 : index
        %get3A_1799 = tpu.vector_load %arg6[%get3A_1796, %get3A_1797, %get3A_1798] {strides = array<i32>} : memref<2x640x64xf32, #tpu.memory_space<vmem>>, vector<1x1x16xf32>,
        %get3A_1800 = vector.shape_cast %get3A_1799 : vector<1x1x16xf32> to vector<16xf32>
        %add3A_1801 = arith.addf %add3A_1792, %get3A_1800 : vector<16xf32>
        %add3A_1802 = arith.constant 6 : i32
        %add3A_1803 = arith.addi %add3A_1189, %add3A_1802 : i32
        %get3A_1804 = arith.constant 0 : i32
        %get3A_1805 = arith.index_cast %get3A_1804 : i32 to index
        %get3A_1806 = arith.index_cast %add3A_1803 : i32 to index
        %get3A_1807 = arith.constant 48 : index
        %get3A_1808 = tpu.vector_load %arg6[%get3A_1805, %get3A_1806, %get3A_1807] {strides = array<i32>} : memref<2x640x64xf32, #tpu.memory_space<vmem>>, vector<1x1x16xf32>,
        %get3A_1809 = vector.shape_cast %get3A_1808 : vector<1x1x16xf32> to vector<16xf32>
        %add3A_1810 = arith.addf %add3A_1801, %get3A_1809 : vector<16xf32>
        %add3A_1811 = arith.constant 7 : i32
        %add3A_1812 = arith.addi %add3A_1189, %add3A_1811 : i32
        %get3A_1813 = arith.constant 0 : i32
        %get3A_1814 = arith.index_cast %get3A_1813 : i32 to index
        %get3A_1815 = arith.index_cast %add3A_1812 : i32 to index
        %get3A_1816 = arith.constant 48 : index
        %get3A_1817 = tpu.vector_load %arg6[%get3A_1814, %get3A_1815, %get3A_1816] {strides = array<i32>} : memref<2x640x64xf32, #tpu.memory_space<vmem>>, vector<1x1x16xf32>,
        %get3A_1818 = vector.shape_cast %get3A_1817 : vector<1x1x16xf32> to vector<16xf32>
        %add3A_1819 = arith.addf %add3A_1810, %get3A_1818 : vector<16xf32>
        %add3A_1820 = arith.constant 8 : i32
        %add3A_1821 = arith.addi %add3A_1189, %add3A_1820 : i32
        %get3A_1822 = arith.constant 0 : i32
        %get3A_1823 = arith.index_cast %get3A_1822 : i32 to index
        %get3A_1824 = arith.index_cast %add3A_1821 : i32 to index
        %get3A_1825 = arith.constant 48 : index
        %get3A_1826 = tpu.vector_load %arg6[%get3A_1823, %get3A_1824, %get3A_1825] {strides = array<i32>} : memref<2x640x64xf32, #tpu.memory_space<vmem>>, vector<1x1x16xf32>,
        %get3A_1827 = vector.shape_cast %get3A_1826 : vector<1x1x16xf32> to vector<16xf32>
        %add3A_1828 = arith.addf %add3A_1819, %get3A_1827 : vector<16xf32>
        %add3A_1829 = arith.constant 9 : i32
        %add3A_1830 = arith.addi %add3A_1189, %add3A_1829 : i32
        %get3A_1831 = arith.constant 0 : i32
        %get3A_1832 = arith.index_cast %get3A_1831 : i32 to index
        %get3A_1833 = arith.index_cast %add3A_1830 : i32 to index
        %get3A_1834 = arith.constant 48 : index
        %get3A_1835 = tpu.vector_load %arg6[%get3A_1832, %get3A_1833, %get3A_1834] {strides = array<i32>} : memref<2x640x64xf32, #tpu.memory_space<vmem>>, vector<1x1x16xf32>,
        %get3A_1836 = vector.shape_cast %get3A_1835 : vector<1x1x16xf32> to vector<16xf32>
        %add3A_1837 = arith.addf %add3A_1828, %get3A_1836 : vector<16xf32>
        %add3A_1838 = arith.constant 10 : i32
        %add3A_1839 = arith.addi %add3A_1189, %add3A_1838 : i32
        %get3A_1840 = arith.constant 0 : i32
        %get3A_1841 = arith.index_cast %get3A_1840 : i32 to index
        %get3A_1842 = arith.index_cast %add3A_1839 : i32 to index
        %get3A_1843 = arith.constant 48 : index
        %get3A_1844 = tpu.vector_load %arg6[%get3A_1841, %get3A_1842, %get3A_1843] {strides = array<i32>} : memref<2x640x64xf32, #tpu.memory_space<vmem>>, vector<1x1x16xf32>,
        %get3A_1845 = vector.shape_cast %get3A_1844 : vector<1x1x16xf32> to vector<16xf32>
        %add3A_1846 = arith.addf %add3A_1837, %get3A_1845 : vector<16xf32>
        %add3A_1847 = arith.constant 11 : i32
        %add3A_1848 = arith.addi %add3A_1189, %add3A_1847 : i32
        %get3A_1849 = arith.constant 0 : i32
        %get3A_1850 = arith.index_cast %get3A_1849 : i32 to index
        %get3A_1851 = arith.index_cast %add3A_1848 : i32 to index
        %get3A_1852 = arith.constant 48 : index
        %get3A_1853 = tpu.vector_load %arg6[%get3A_1850, %get3A_1851, %get3A_1852] {strides = array<i32>} : memref<2x640x64xf32, #tpu.memory_space<vmem>>, vector<1x1x16xf32>,
        %get3A_1854 = vector.shape_cast %get3A_1853 : vector<1x1x16xf32> to vector<16xf32>
        %add3A_1855 = arith.addf %add3A_1846, %get3A_1854 : vector<16xf32>
        %add3A_1856 = arith.constant 12 : i32
        %add3A_1857 = arith.addi %add3A_1189, %add3A_1856 : i32
        %get3A_1858 = arith.constant 0 : i32
        %get3A_1859 = arith.index_cast %get3A_1858 : i32 to index
        %get3A_1860 = arith.index_cast %add3A_1857 : i32 to index
        %get3A_1861 = arith.constant 48 : index
        %get3A_1862 = tpu.vector_load %arg6[%get3A_1859, %get3A_1860, %get3A_1861] {strides = array<i32>} : memref<2x640x64xf32, #tpu.memory_space<vmem>>, vector<1x1x16xf32>,
        %get3A_1863 = vector.shape_cast %get3A_1862 : vector<1x1x16xf32> to vector<16xf32>
        %add3A_1864 = arith.addf %add3A_1855, %get3A_1863 : vector<16xf32>
        %add3A_1865 = arith.constant 13 : i32
        %add3A_1866 = arith.addi %add3A_1189, %add3A_1865 : i32
        %get3A_1867 = arith.constant 0 : i32
        %get3A_1868 = arith.index_cast %get3A_1867 : i32 to index
        %get3A_1869 = arith.index_cast %add3A_1866 : i32 to index
        %get3A_1870 = arith.constant 48 : index
        %get3A_1871 = tpu.vector_load %arg6[%get3A_1868, %get3A_1869, %get3A_1870] {strides = array<i32>} : memref<2x640x64xf32, #tpu.memory_space<vmem>>, vector<1x1x16xf32>,
        %get3A_1872 = vector.shape_cast %get3A_1871 : vector<1x1x16xf32> to vector<16xf32>
        %add3A_1873 = arith.addf %add3A_1864, %get3A_1872 : vector<16xf32>
        %add3A_1874 = arith.constant 14 : i32
        %add3A_1875 = arith.addi %add3A_1189, %add3A_1874 : i32
        %get3A_1876 = arith.constant 0 : i32
        %get3A_1877 = arith.index_cast %get3A_1876 : i32 to index
        %get3A_1878 = arith.index_cast %add3A_1875 : i32 to index
        %get3A_1879 = arith.constant 48 : index
        %get3A_1880 = tpu.vector_load %arg6[%get3A_1877, %get3A_1878, %get3A_1879] {strides = array<i32>} : memref<2x640x64xf32, #tpu.memory_space<vmem>>, vector<1x1x16xf32>,
        %get3A_1881 = vector.shape_cast %get3A_1880 : vector<1x1x16xf32> to vector<16xf32>
        %add3A_1882 = arith.addf %add3A_1873, %get3A_1881 : vector<16xf32>
        %add3A_1883 = arith.constant 15 : i32
        %add3A_1884 = arith.addi %add3A_1189, %add3A_1883 : i32
        %get3A_1885 = arith.constant 0 : i32
        %get3A_1886 = arith.index_cast %get3A_1885 : i32 to index
        %get3A_1887 = arith.index_cast %add3A_1884 : i32 to index
        %get3A_1888 = arith.constant 48 : index
        %get3A_1889 = tpu.vector_load %arg6[%get3A_1886, %get3A_1887, %get3A_1888] {strides = array<i32>} : memref<2x640x64xf32, #tpu.memory_space<vmem>>, vector<1x1x16xf32>,
        %get3A_1890 = vector.shape_cast %get3A_1889 : vector<1x1x16xf32> to vector<16xf32>
        %add3A_1891 = arith.addf %add3A_1882, %get3A_1890 : vector<16xf32>
        %add3A_1892 = arith.constant 16 : i32
        %add3A_1893 = arith.addi %add3A_1189, %add3A_1892 : i32
        %get3A_1894 = arith.constant 0 : i32
        %get3A_1895 = arith.index_cast %get3A_1894 : i32 to index
        %get3A_1896 = arith.index_cast %add3A_1893 : i32 to index
        %get3A_1897 = arith.constant 48 : index
        %get3A_1898 = tpu.vector_load %arg6[%get3A_1895, %get3A_1896, %get3A_1897] {strides = array<i32>} : memref<2x640x64xf32, #tpu.memory_space<vmem>>, vector<1x1x16xf32>,
        %get3A_1899 = vector.shape_cast %get3A_1898 : vector<1x1x16xf32> to vector<16xf32>
        %add3A_1900 = arith.addf %add3A_1891, %get3A_1899 : vector<16xf32>
        %add3A_1901 = arith.constant 17 : i32
        %add3A_1902 = arith.addi %add3A_1189, %add3A_1901 : i32
        %get3A_1903 = arith.constant 0 : i32
        %get3A_1904 = arith.index_cast %get3A_1903 : i32 to index
        %get3A_1905 = arith.index_cast %add3A_1902 : i32 to index
        %get3A_1906 = arith.constant 48 : index
        %get3A_1907 = tpu.vector_load %arg6[%get3A_1904, %get3A_1905, %get3A_1906] {strides = array<i32>} : memref<2x640x64xf32, #tpu.memory_space<vmem>>, vector<1x1x16xf32>,
        %get3A_1908 = vector.shape_cast %get3A_1907 : vector<1x1x16xf32> to vector<16xf32>
        %add3A_1909 = arith.addf %add3A_1900, %get3A_1908 : vector<16xf32>
        %add3A_1910 = arith.constant 18 : i32
        %add3A_1911 = arith.addi %add3A_1189, %add3A_1910 : i32
        %get3A_1912 = arith.constant 0 : i32
        %get3A_1913 = arith.index_cast %get3A_1912 : i32 to index
        %get3A_1914 = arith.index_cast %add3A_1911 : i32 to index
        %get3A_1915 = arith.constant 48 : index
        %get3A_1916 = tpu.vector_load %arg6[%get3A_1913, %get3A_1914, %get3A_1915] {strides = array<i32>} : memref<2x640x64xf32, #tpu.memory_space<vmem>>, vector<1x1x16xf32>,
        %get3A_1917 = vector.shape_cast %get3A_1916 : vector<1x1x16xf32> to vector<16xf32>
        %add3A_1918 = arith.addf %add3A_1909, %get3A_1917 : vector<16xf32>
        %add3A_1919 = arith.constant 19 : i32
        %add3A_1920 = arith.addi %add3A_1189, %add3A_1919 : i32
        %get3A_1921 = arith.constant 0 : i32
        %get3A_1922 = arith.index_cast %get3A_1921 : i32 to index
        %get3A_1923 = arith.index_cast %add3A_1920 : i32 to index
        %get3A_1924 = arith.constant 48 : index
        %get3A_1925 = tpu.vector_load %arg6[%get3A_1922, %get3A_1923, %get3A_1924] {strides = array<i32>} : memref<2x640x64xf32, #tpu.memory_space<vmem>>, vector<1x1x16xf32>,
        %get3A_1926 = vector.shape_cast %get3A_1925 : vector<1x1x16xf32> to vector<16xf32>
        %add3A_1927 = arith.addf %add3A_1918, %get3A_1926 : vector<16xf32>
        %mul3A_1928 = arith.constant 5.000000e-02 : f32
        %mul3A_1929 = vector.broadcast %mul3A_1928 : f32 to vector<16xf32>
        %mul3A_1930 = arith.mulf %add3A_1927, %mul3A_1929 : vector<16xf32>
        %swap3A_1931 = arith.constant 0 : i32
        %swap3A_1932 = arith.index_cast %swap3A_1931 : i32 to index
        %swap3A_1933 = arith.index_cast %scan3A_431 : i32 to index
        %swap3A_1934 = arith.constant 112 : index
        %swap3A_1935 = tpu.vector_load %arg7[%swap3A_1932, %swap3A_1933, %swap3A_1934] {strides = array<i32>} : memref<2x16x128xf32, #tpu.memory_space<vmem>>, vector<1x1x16xf32>,
        %swap3A_1936 = vector.shape_cast %swap3A_1935 : vector<1x1x16xf32> to vector<16xf32>
        %swap3A_1937 = vector.shape_cast %mul3A_1930 : vector<16xf32> to vector<1x1x16xf32>
        tpu.vector_store %arg7[%swap3A_1932, %swap3A_1933, %swap3A_1934], %swap3A_1937 {strides = array<i32>} : memref<2x16x128xf32, #tpu.memory_space<vmem>>, vector<1x1x16xf32>,
      }
      %scan3A_283 = arith.constant 16 : i32
      %mul3A_284 = arith.constant 16 : i32
      %mul3A_285 = arith.muli %add3A_182, %mul3A_284 : i32
      %add3A_286 = arith.addi %mul3A_4, %mul3A_285 : i32
      %dma_start3A_287 = arith.constant 0 : i32
      %dma_start3A_288 = arith.constant 0 : i32
      %dma_start3A_289 = arith.constant 0 : i32
      %dma_start3A_290 = arith.constant 0 : i32
      %dma_start3A_291 = tpu.memref_slice %arg7[%dma_start3A_287, %dma_start3A_289, %dma_start3A_290] : memref<2x16x128xf32, #tpu.memory_space<vmem>> -> memref<1x16x128xf32, #tpu.memory_space<vmem>>
      %dma_start3A_292 = tpu.memref_squeeze %dma_start3A_291 : memref<1x16x128xf32, #tpu.memory_space<vmem>> -> memref<16x128xf32, #tpu.memory_space<vmem>>
      %dma_start3A_293 = arith.constant 0 : i32
      %dma_start3A_294 = tpu.memref_slice %arg4[%add3A_286, %dma_start3A_293] : memref<102400x128xf32, #tpu.memory_space<hbm>> -> memref<16x128xf32, #tpu.memory_space<hbm>>
      %dma_start3A_295 = tpu.memref_slice %arg10[%dma_start3A_288] : memref<2x!tpu.dma_semaphore, #tpu.memory_space<semaphore_mem>> -> memref<1x!tpu.dma_semaphore, #tpu.memory_space<semaphore_mem>>
      %dma_start3A_296 = tpu.memref_squeeze %dma_start3A_295 : memref<1x!tpu.dma_semaphore, #tpu.memory_space<semaphore_mem>> -> memref<!tpu.dma_semaphore, #tpu.memory_space<semaphore_mem>>
      %dma_start3A_297 = arith.constant 0 : i32
      %dma_start3A_298 = tpu.memref_slice %arg4[%add3A_286, %dma_start3A_297] : memref<102400x128xf32, #tpu.memory_space<hbm>> -> memref<16x128xf32, #tpu.memory_space<hbm>>
      %dma_start3A_299 = arith.constant 0 : i32
      %dma_start3A_300 = arith.constant 0 : i32
      %dma_start3A_301 = tpu.memref_slice %arg7[%dma_start3A_287, %dma_start3A_299, %dma_start3A_300] : memref<2x16x128xf32, #tpu.memory_space<vmem>> -> memref<1x16x128xf32, #tpu.memory_space<vmem>>
      %dma_start3A_302 = tpu.memref_squeeze %dma_start3A_301 : memref<1x16x128xf32, #tpu.memory_space<vmem>> -> memref<16x128xf32, #tpu.memory_space<vmem>>
      tpu.enqueue_dma source(%dma_start3A_302 : memref<16x128xf32, #tpu.memory_space<vmem>>) target(%dma_start3A_298 : memref<16x128xf32, #tpu.memory_space<hbm>>) target_semaphore(%dma_start3A_296 : memref<!tpu.dma_semaphore, #tpu.memory_space<semaphore_mem>>)
      %mul3A_303 = arith.constant 2 : i32
      %mul3A_304 = arith.muli %scan3A_178, %mul3A_303 : i32
      %add3A_305 = arith.constant 1 : i32
      %add3A_306 = arith.addi %mul3A_304, %add3A_305 : i32
      %add3A_307 = arith.constant 1 : i32
      %add3A_308 = arith.addi %add3A_306, %add3A_307 : i32
      %lt3A_309 = arith.constant 200 : i32
      %lt3A_310 = arith.cmpi slt, %add3A_308, %lt3A_309 : i32
      %convert_element_type3A_311 = arith.extui %lt3A_310 : i1 to i32
      %cond3A_312 = arith.constant 0 : i32
      %cond3A_313 = arith.cmpi ne, %convert_element_type3A_311, %cond3A_312 : i32
      scf.if %cond3A_313 {
        %add3A_431 = arith.constant 1 : i32
        %add3A_432 = arith.addi %add3A_306, %add3A_431 : i32
        %mul3A_433 = arith.constant 5 : i32
        %mul3A_434 = arith.muli %add3A_432, %mul3A_433 : i32
        %add3A_435 = arith.addi %mul3A_2, %mul3A_434 : i32
        %dma_wait3A_436 = arith.constant 0 : i32
        %dma_wait3A_437 = arith.constant 0 : i32
        %dma_wait3A_438 = arith.constant 0 : i32
        %dma_wait3A_439 = arith.constant 0 : i32
        %dma_wait3A_440 = tpu.memref_slice %arg5[%dma_wait3A_436, %dma_wait3A_438, %dma_wait3A_439] : memref<2x5x128xi32, #tpu.memory_space<vmem>> -> memref<1x5x128xi32, #tpu.memory_space<vmem>>
        %dma_wait3A_441 = tpu.memref_squeeze %dma_wait3A_440 : memref<1x5x128xi32, #tpu.memory_space<vmem>> -> memref<5x128xi32, #tpu.memory_space<vmem>>
        %dma_wait3A_442 = arith.constant 0 : i32
        %dma_wait3A_443 = tpu.memref_slice %arg3[%add3A_435, %dma_wait3A_442] : memref<32000x128xi32, #tpu.memory_space<hbm>> -> memref<5x128xi32, #tpu.memory_space<hbm>>
        %dma_wait3A_444 = tpu.memref_slice %arg8[%dma_wait3A_437] : memref<2x!tpu.dma_semaphore, #tpu.memory_space<semaphore_mem>> -> memref<1x!tpu.dma_semaphore, #tpu.memory_space<semaphore_mem>>
        %dma_wait3A_445 = tpu.memref_squeeze %dma_wait3A_444 : memref<1x!tpu.dma_semaphore, #tpu.memory_space<semaphore_mem>> -> memref<!tpu.dma_semaphore, #tpu.memory_space<semaphore_mem>>
        %dma_wait3A_446 = arith.constant 0 : i32
        %dma_wait3A_447 = arith.constant 0 : i32
        %dma_wait3A_448 = tpu.memref_slice %arg5[%dma_wait3A_436, %dma_wait3A_446, %dma_wait3A_447] : memref<2x5x128xi32, #tpu.memory_space<vmem>> -> memref<1x5x128xi32, #tpu.memory_space<vmem>>
        %dma_wait3A_449 = tpu.memref_squeeze %dma_wait3A_448 : memref<1x5x128xi32, #tpu.memory_space<vmem>> -> memref<5x128xi32, #tpu.memory_space<vmem>>
        %dma_wait3A_450 = arith.constant 0 : i32
        %dma_wait3A_451 = tpu.memref_slice %arg3[%add3A_435, %dma_wait3A_450] : memref<32000x128xi32, #tpu.memory_space<hbm>> -> memref<5x128xi32, #tpu.memory_space<hbm>>
        tpu.wait_dma2 semaphore(%dma_wait3A_445 : memref<!tpu.dma_semaphore, #tpu.memory_space<semaphore_mem>>) src(%dma_wait3A_451 : memref<5x128xi32, #tpu.memory_space<hbm>>) dst(%dma_wait3A_449 : memref<5x128xi32, #tpu.memory_space<vmem>>)
        %dma_start3A_452 = arith.constant 0 : i32
        %dma_start3A_453 = arith.constant 0 : i32
        %dma_start3A_454 = arith.constant 0 : i32
        %dma_start3A_455 = arith.constant 0 : i32
        %dma_start3A_456 = arith.constant 0 : i32
        %dma_start3A_457 = arith.constant 0 : i32
        %dma_start3A_458 = tpu.memref_slice %arg6[%dma_start3A_454, %dma_start3A_456, %dma_start3A_457] : memref<2x640x64xf32, #tpu.memory_space<vmem>> -> memref<1x128x64xf32, #tpu.memory_space<vmem>>
        %dma_start3A_459 = tpu.memref_squeeze %dma_start3A_458 : memref<1x128x64xf32, #tpu.memory_space<vmem>> -> memref<128x64xf32, #tpu.memory_space<vmem>>
        %dma_start3A_460 = arith.constant 0 : i32
        %dma_start3A_461 = tpu.memref_slice %arg5[%dma_start3A_452, %dma_start3A_453, %dma_start3A_460] : memref<2x5x128xi32, #tpu.memory_space<vmem>> -> memref<1x1x128xi32, #tpu.memory_space<vmem>>
        %dma_start3A_462 = tpu.memref_squeeze %dma_start3A_461 : memref<1x1x128xi32, #tpu.memory_space<vmem>> -> memref<128xi32, #tpu.memory_space<vmem>>
        %dma_start3A_463 = arith.constant 0 : i32
        %dma_start3A_464 = arith.constant 0 : i32
        %dma_start3A_465 = tpu.memref_slice %arg2[%dma_start3A_463, %dma_start3A_464] : memref<1000002x64xf32, #tpu.memory_space<hbm>> -> memref<1000002x64xf32, #tpu.memory_space<hbm>>
        %dma_start3A_466 = tpu.memref_slice %arg9[%dma_start3A_455] : memref<2x!tpu.dma_semaphore, #tpu.memory_space<semaphore_mem>> -> memref<1x!tpu.dma_semaphore, #tpu.memory_space<semaphore_mem>>
        %dma_start3A_467 = tpu.memref_squeeze %dma_start3A_466 : memref<1x!tpu.dma_semaphore, #tpu.memory_space<semaphore_mem>> -> memref<!tpu.dma_semaphore, #tpu.memory_space<semaphore_mem>>
        tpu.enqueue_indirect_dma source(%dma_start3A_465 : memref<1000002x64xf32, #tpu.memory_space<hbm>>) target(%dma_start3A_459 : memref<128x64xf32, #tpu.memory_space<vmem>>) offsets(%dma_start3A_462 : memref<128xi32, #tpu.memory_space<vmem>>) semaphore(%dma_start3A_467 : memref<!tpu.dma_semaphore, #tpu.memory_space<semaphore_mem>>)
        %dma_start3A_468 = arith.constant 0 : i32
        %dma_start3A_469 = arith.constant 1 : i32
        %dma_start3A_470 = arith.constant 0 : i32
        %dma_start3A_471 = arith.constant 0 : i32
        %dma_start3A_472 = arith.constant 128 : i32
        %dma_start3A_473 = arith.constant 0 : i32
        %dma_start3A_474 = tpu.memref_slice %arg6[%dma_start3A_470, %dma_start3A_472, %dma_start3A_473] : memref<2x640x64xf32, #tpu.memory_space<vmem>> -> memref<1x128x64xf32, #tpu.memory_space<vmem>>
        %dma_start3A_475 = tpu.memref_squeeze %dma_start3A_474 : memref<1x128x64xf32, #tpu.memory_space<vmem>> -> memref<128x64xf32, #tpu.memory_space<vmem>>
        %dma_start3A_476 = arith.constant 0 : i32
        %dma_start3A_477 = tpu.memref_slice %arg5[%dma_start3A_468, %dma_start3A_469, %dma_start3A_476] : memref<2x5x128xi32, #tpu.memory_space<vmem>> -> memref<1x1x128xi32, #tpu.memory_space<vmem>>
        %dma_start3A_478 = tpu.memref_squeeze %dma_start3A_477 : memref<1x1x128xi32, #tpu.memory_space<vmem>> -> memref<128xi32, #tpu.memory_space<vmem>>
        %dma_start3A_479 = arith.constant 0 : i32
        %dma_start3A_480 = arith.constant 0 : i32
        %dma_start3A_481 = tpu.memref_slice %arg2[%dma_start3A_479, %dma_start3A_480] : memref<1000002x64xf32, #tpu.memory_space<hbm>> -> memref<1000002x64xf32, #tpu.memory_space<hbm>>
        %dma_start3A_482 = tpu.memref_slice %arg9[%dma_start3A_471] : memref<2x!tpu.dma_semaphore, #tpu.memory_space<semaphore_mem>> -> memref<1x!tpu.dma_semaphore, #tpu.memory_space<semaphore_mem>>
        %dma_start3A_483 = tpu.memref_squeeze %dma_start3A_482 : memref<1x!tpu.dma_semaphore, #tpu.memory_space<semaphore_mem>> -> memref<!tpu.dma_semaphore, #tpu.memory_space<semaphore_mem>>
        tpu.enqueue_indirect_dma source(%dma_start3A_481 : memref<1000002x64xf32, #tpu.memory_space<hbm>>) target(%dma_start3A_475 : memref<128x64xf32, #tpu.memory_space<vmem>>) offsets(%dma_start3A_478 : memref<128xi32, #tpu.memory_space<vmem>>) semaphore(%dma_start3A_483 : memref<!tpu.dma_semaphore, #tpu.memory_space<semaphore_mem>>)
        %dma_start3A_484 = arith.constant 0 : i32
        %dma_start3A_485 = arith.constant 2 : i32
        %dma_start3A_486 = arith.constant 0 : i32
        %dma_start3A_487 = arith.constant 0 : i32
        %dma_start3A_488 = arith.constant 256 : i32
        %dma_start3A_489 = arith.constant 0 : i32
        %dma_start3A_490 = tpu.memref_slice %arg6[%dma_start3A_486, %dma_start3A_488, %dma_start3A_489] : memref<2x640x64xf32, #tpu.memory_space<vmem>> -> memref<1x128x64xf32, #tpu.memory_space<vmem>>
        %dma_start3A_491 = tpu.memref_squeeze %dma_start3A_490 : memref<1x128x64xf32, #tpu.memory_space<vmem>> -> memref<128x64xf32, #tpu.memory_space<vmem>>
        %dma_start3A_492 = arith.constant 0 : i32
        %dma_start3A_493 = tpu.memref_slice %arg5[%dma_start3A_484, %dma_start3A_485, %dma_start3A_492] : memref<2x5x128xi32, #tpu.memory_space<vmem>> -> memref<1x1x128xi32, #tpu.memory_space<vmem>>
        %dma_start3A_494 = tpu.memref_squeeze %dma_start3A_493 : memref<1x1x128xi32, #tpu.memory_space<vmem>> -> memref<128xi32, #tpu.memory_space<vmem>>
        %dma_start3A_495 = arith.constant 0 : i32
        %dma_start3A_496 = arith.constant 0 : i32
        %dma_start3A_497 = tpu.memref_slice %arg2[%dma_start3A_495, %dma_start3A_496] : memref<1000002x64xf32, #tpu.memory_space<hbm>> -> memref<1000002x64xf32, #tpu.memory_space<hbm>>
        %dma_start3A_498 = tpu.memref_slice %arg9[%dma_start3A_487] : memref<2x!tpu.dma_semaphore, #tpu.memory_space<semaphore_mem>> -> memref<1x!tpu.dma_semaphore, #tpu.memory_space<semaphore_mem>>
        %dma_start3A_499 = tpu.memref_squeeze %dma_start3A_498 : memref<1x!tpu.dma_semaphore, #tpu.memory_space<semaphore_mem>> -> memref<!tpu.dma_semaphore, #tpu.memory_space<semaphore_mem>>
        tpu.enqueue_indirect_dma source(%dma_start3A_497 : memref<1000002x64xf32, #tpu.memory_space<hbm>>) target(%dma_start3A_491 : memref<128x64xf32, #tpu.memory_space<vmem>>) offsets(%dma_start3A_494 : memref<128xi32, #tpu.memory_space<vmem>>) semaphore(%dma_start3A_499 : memref<!tpu.dma_semaphore, #tpu.memory_space<semaphore_mem>>)
        %dma_start3A_500 = arith.constant 0 : i32
        %dma_start3A_501 = arith.constant 3 : i32
        %dma_start3A_502 = arith.constant 0 : i32
        %dma_start3A_503 = arith.constant 0 : i32
        %dma_start3A_504 = arith.constant 384 : i32
        %dma_start3A_505 = arith.constant 0 : i32
        %dma_start3A_506 = tpu.memref_slice %arg6[%dma_start3A_502, %dma_start3A_504, %dma_start3A_505] : memref<2x640x64xf32, #tpu.memory_space<vmem>> -> memref<1x128x64xf32, #tpu.memory_space<vmem>>
        %dma_start3A_507 = tpu.memref_squeeze %dma_start3A_506 : memref<1x128x64xf32, #tpu.memory_space<vmem>> -> memref<128x64xf32, #tpu.memory_space<vmem>>
        %dma_start3A_508 = arith.constant 0 : i32
        %dma_start3A_509 = tpu.memref_slice %arg5[%dma_start3A_500, %dma_start3A_501, %dma_start3A_508] : memref<2x5x128xi32, #tpu.memory_space<vmem>> -> memref<1x1x128xi32, #tpu.memory_space<vmem>>
        %dma_start3A_510 = tpu.memref_squeeze %dma_start3A_509 : memref<1x1x128xi32, #tpu.memory_space<vmem>> -> memref<128xi32, #tpu.memory_space<vmem>>
        %dma_start3A_511 = arith.constant 0 : i32
        %dma_start3A_512 = arith.constant 0 : i32
        %dma_start3A_513 = tpu.memref_slice %arg2[%dma_start3A_511, %dma_start3A_512] : memref<1000002x64xf32, #tpu.memory_space<hbm>> -> memref<1000002x64xf32, #tpu.memory_space<hbm>>
        %dma_start3A_514 = tpu.memref_slice %arg9[%dma_start3A_503] : memref<2x!tpu.dma_semaphore, #tpu.memory_space<semaphore_mem>> -> memref<1x!tpu.dma_semaphore, #tpu.memory_space<semaphore_mem>>
        %dma_start3A_515 = tpu.memref_squeeze %dma_start3A_514 : memref<1x!tpu.dma_semaphore, #tpu.memory_space<semaphore_mem>> -> memref<!tpu.dma_semaphore, #tpu.memory_space<semaphore_mem>>
        tpu.enqueue_indirect_dma source(%dma_start3A_513 : memref<1000002x64xf32, #tpu.memory_space<hbm>>) target(%dma_start3A_507 : memref<128x64xf32, #tpu.memory_space<vmem>>) offsets(%dma_start3A_510 : memref<128xi32, #tpu.memory_space<vmem>>) semaphore(%dma_start3A_515 : memref<!tpu.dma_semaphore, #tpu.memory_space<semaphore_mem>>)
        %dma_start3A_516 = arith.constant 0 : i32
        %dma_start3A_517 = arith.constant 4 : i32
        %dma_start3A_518 = arith.constant 0 : i32
        %dma_start3A_519 = arith.constant 0 : i32
        %dma_start3A_520 = arith.constant 512 : i32
        %dma_start3A_521 = arith.constant 0 : i32
        %dma_start3A_522 = tpu.memref_slice %arg6[%dma_start3A_518, %dma_start3A_520, %dma_start3A_521] : memref<2x640x64xf32, #tpu.memory_space<vmem>> -> memref<1x128x64xf32, #tpu.memory_space<vmem>>
        %dma_start3A_523 = tpu.memref_squeeze %dma_start3A_522 : memref<1x128x64xf32, #tpu.memory_space<vmem>> -> memref<128x64xf32, #tpu.memory_space<vmem>>
        %dma_start3A_524 = arith.constant 0 : i32
        %dma_start3A_525 = tpu.memref_slice %arg5[%dma_start3A_516, %dma_start3A_517, %dma_start3A_524] : memref<2x5x128xi32, #tpu.memory_space<vmem>> -> memref<1x1x128xi32, #tpu.memory_space<vmem>>
        %dma_start3A_526 = tpu.memref_squeeze %dma_start3A_525 : memref<1x1x128xi32, #tpu.memory_space<vmem>> -> memref<128xi32, #tpu.memory_space<vmem>>
        %dma_start3A_527 = arith.constant 0 : i32
        %dma_start3A_528 = arith.constant 0 : i32
        %dma_start3A_529 = tpu.memref_slice %arg2[%dma_start3A_527, %dma_start3A_528] : memref<1000002x64xf32, #tpu.memory_space<hbm>> -> memref<1000002x64xf32, #tpu.memory_space<hbm>>
        %dma_start3A_530 = tpu.memref_slice %arg9[%dma_start3A_519] : memref<2x!tpu.dma_semaphore, #tpu.memory_space<semaphore_mem>> -> memref<1x!tpu.dma_semaphore, #tpu.memory_space<semaphore_mem>>
        %dma_start3A_531 = tpu.memref_squeeze %dma_start3A_530 : memref<1x!tpu.dma_semaphore, #tpu.memory_space<semaphore_mem>> -> memref<!tpu.dma_semaphore, #tpu.memory_space<semaphore_mem>>
        tpu.enqueue_indirect_dma source(%dma_start3A_529 : memref<1000002x64xf32, #tpu.memory_space<hbm>>) target(%dma_start3A_523 : memref<128x64xf32, #tpu.memory_space<vmem>>) offsets(%dma_start3A_526 : memref<128xi32, #tpu.memory_space<vmem>>) semaphore(%dma_start3A_531 : memref<!tpu.dma_semaphore, #tpu.memory_space<semaphore_mem>>)
      } else {
      }
      %dma_wait3A_314 = arith.constant 1 : i32
      %dma_wait3A_315 = arith.constant 0 : i32
      %dma_wait3A_316 = arith.constant 1 : i32
      %dma_wait3A_317 = arith.constant 1 : i32
      %dma_wait3A_318 = arith.constant 0 : i32
      %dma_wait3A_319 = arith.constant 0 : i32
      %dma_wait3A_320 = tpu.memref_slice %arg6[%dma_wait3A_316, %dma_wait3A_318, %dma_wait3A_319] : memref<2x640x64xf32, #tpu.memory_space<vmem>> -> memref<1x128x64xf32, #tpu.memory_space<vmem>>
      %dma_wait3A_321 = tpu.memref_squeeze %dma_wait3A_320 : memref<1x128x64xf32, #tpu.memory_space<vmem>> -> memref<128x64xf32, #tpu.memory_space<vmem>>
      %dma_wait3A_322 = arith.constant 0 : i32
      %dma_wait3A_323 = tpu.memref_slice %arg5[%dma_wait3A_314, %dma_wait3A_315, %dma_wait3A_322] : memref<2x5x128xi32, #tpu.memory_space<vmem>> -> memref<1x1x128xi32, #tpu.memory_space<vmem>>
      %dma_wait3A_324 = tpu.memref_squeeze %dma_wait3A_323 : memref<1x1x128xi32, #tpu.memory_space<vmem>> -> memref<128xi32, #tpu.memory_space<vmem>>
      %dma_wait3A_325 = arith.constant 0 : i32
      %dma_wait3A_326 = arith.constant 0 : i32
      %dma_wait3A_327 = tpu.memref_slice %arg2[%dma_wait3A_325, %dma_wait3A_326] : memref<1000002x64xf32, #tpu.memory_space<hbm>> -> memref<1000002x64xf32, #tpu.memory_space<hbm>>
      %dma_wait3A_328 = tpu.memref_slice %arg9[%dma_wait3A_317] : memref<2x!tpu.dma_semaphore, #tpu.memory_space<semaphore_mem>> -> memref<1x!tpu.dma_semaphore, #tpu.memory_space<semaphore_mem>>
      %dma_wait3A_329 = tpu.memref_squeeze %dma_wait3A_328 : memref<1x!tpu.dma_semaphore, #tpu.memory_space<semaphore_mem>> -> memref<!tpu.dma_semaphore, #tpu.memory_space<semaphore_mem>>
      tpu.wait_indirect_dma semaphore(%dma_wait3A_329 : memref<!tpu.dma_semaphore, #tpu.memory_space<semaphore_mem>>) src(%dma_wait3A_327 : memref<1000002x64xf32, #tpu.memory_space<hbm>>) dst(%dma_wait3A_321 : memref<128x64xf32, #tpu.memory_space<vmem>>)
      %dma_wait3A_330 = arith.constant 1 : i32
      %dma_wait3A_331 = arith.constant 1 : i32
      %dma_wait3A_332 = arith.constant 1 : i32
      %dma_wait3A_333 = arith.constant 1 : i32
      %dma_wait3A_334 = arith.constant 128 : i32
      %dma_wait3A_335 = arith.constant 0 : i32
      %dma_wait3A_336 = tpu.memref_slice %arg6[%dma_wait3A_332, %dma_wait3A_334, %dma_wait3A_335] : memref<2x640x64xf32, #tpu.memory_space<vmem>> -> memref<1x128x64xf32, #tpu.memory_space<vmem>>
      %dma_wait3A_337 = tpu.memref_squeeze %dma_wait3A_336 : memref<1x128x64xf32, #tpu.memory_space<vmem>> -> memref<128x64xf32, #tpu.memory_space<vmem>>
      %dma_wait3A_338 = arith.constant 0 : i32
      %dma_wait3A_339 = tpu.memref_slice %arg5[%dma_wait3A_330, %dma_wait3A_331, %dma_wait3A_338] : memref<2x5x128xi32, #tpu.memory_space<vmem>> -> memref<1x1x128xi32, #tpu.memory_space<vmem>>
      %dma_wait3A_340 = tpu.memref_squeeze %dma_wait3A_339 : memref<1x1x128xi32, #tpu.memory_space<vmem>> -> memref<128xi32, #tpu.memory_space<vmem>>
      %dma_wait3A_341 = arith.constant 0 : i32
      %dma_wait3A_342 = arith.constant 0 : i32
      %dma_wait3A_343 = tpu.memref_slice %arg2[%dma_wait3A_341, %dma_wait3A_342] : memref<1000002x64xf32, #tpu.memory_space<hbm>> -> memref<1000002x64xf32, #tpu.memory_space<hbm>>
      %dma_wait3A_344 = tpu.memref_slice %arg9[%dma_wait3A_333] : memref<2x!tpu.dma_semaphore, #tpu.memory_space<semaphore_mem>> -> memref<1x!tpu.dma_semaphore, #tpu.memory_space<semaphore_mem>>
      %dma_wait3A_345 = tpu.memref_squeeze %dma_wait3A_344 : memref<1x!tpu.dma_semaphore, #tpu.memory_space<semaphore_mem>> -> memref<!tpu.dma_semaphore, #tpu.memory_space<semaphore_mem>>
      tpu.wait_indirect_dma semaphore(%dma_wait3A_345 : memref<!tpu.dma_semaphore, #tpu.memory_space<semaphore_mem>>) src(%dma_wait3A_343 : memref<1000002x64xf32, #tpu.memory_space<hbm>>) dst(%dma_wait3A_337 : memref<128x64xf32, #tpu.memory_space<vmem>>)
      %dma_wait3A_346 = arith.constant 1 : i32
      %dma_wait3A_347 = arith.constant 2 : i32
      %dma_wait3A_348 = arith.constant 1 : i32
      %dma_wait3A_349 = arith.constant 1 : i32
      %dma_wait3A_350 = arith.constant 256 : i32
      %dma_wait3A_351 = arith.constant 0 : i32
      %dma_wait3A_352 = tpu.memref_slice %arg6[%dma_wait3A_348, %dma_wait3A_350, %dma_wait3A_351] : memref<2x640x64xf32, #tpu.memory_space<vmem>> -> memref<1x128x64xf32, #tpu.memory_space<vmem>>
      %dma_wait3A_353 = tpu.memref_squeeze %dma_wait3A_352 : memref<1x128x64xf32, #tpu.memory_space<vmem>> -> memref<128x64xf32, #tpu.memory_space<vmem>>
      %dma_wait3A_354 = arith.constant 0 : i32
      %dma_wait3A_355 = tpu.memref_slice %arg5[%dma_wait3A_346, %dma_wait3A_347, %dma_wait3A_354] : memref<2x5x128xi32, #tpu.memory_space<vmem>> -> memref<1x1x128xi32, #tpu.memory_space<vmem>>
      %dma_wait3A_356 = tpu.memref_squeeze %dma_wait3A_355 : memref<1x1x128xi32, #tpu.memory_space<vmem>> -> memref<128xi32, #tpu.memory_space<vmem>>
      %dma_wait3A_357 = arith.constant 0 : i32
      %dma_wait3A_358 = arith.constant 0 : i32
      %dma_wait3A_359 = tpu.memref_slice %arg2[%dma_wait3A_357, %dma_wait3A_358] : memref<1000002x64xf32, #tpu.memory_space<hbm>> -> memref<1000002x64xf32, #tpu.memory_space<hbm>>
      %dma_wait3A_360 = tpu.memref_slice %arg9[%dma_wait3A_349] : memref<2x!tpu.dma_semaphore, #tpu.memory_space<semaphore_mem>> -> memref<1x!tpu.dma_semaphore, #tpu.memory_space<semaphore_mem>>
      %dma_wait3A_361 = tpu.memref_squeeze %dma_wait3A_360 : memref<1x!tpu.dma_semaphore, #tpu.memory_space<semaphore_mem>> -> memref<!tpu.dma_semaphore, #tpu.memory_space<semaphore_mem>>
      tpu.wait_indirect_dma semaphore(%dma_wait3A_361 : memref<!tpu.dma_semaphore, #tpu.memory_space<semaphore_mem>>) src(%dma_wait3A_359 : memref<1000002x64xf32, #tpu.memory_space<hbm>>) dst(%dma_wait3A_353 : memref<128x64xf32, #tpu.memory_space<vmem>>)
      %dma_wait3A_362 = arith.constant 1 : i32
      %dma_wait3A_363 = arith.constant 3 : i32
      %dma_wait3A_364 = arith.constant 1 : i32
      %dma_wait3A_365 = arith.constant 1 : i32
      %dma_wait3A_366 = arith.constant 384 : i32
      %dma_wait3A_367 = arith.constant 0 : i32
      %dma_wait3A_368 = tpu.memref_slice %arg6[%dma_wait3A_364, %dma_wait3A_366, %dma_wait3A_367] : memref<2x640x64xf32, #tpu.memory_space<vmem>> -> memref<1x128x64xf32, #tpu.memory_space<vmem>>
      %dma_wait3A_369 = tpu.memref_squeeze %dma_wait3A_368 : memref<1x128x64xf32, #tpu.memory_space<vmem>> -> memref<128x64xf32, #tpu.memory_space<vmem>>
      %dma_wait3A_370 = arith.constant 0 : i32
      %dma_wait3A_371 = tpu.memref_slice %arg5[%dma_wait3A_362, %dma_wait3A_363, %dma_wait3A_370] : memref<2x5x128xi32, #tpu.memory_space<vmem>> -> memref<1x1x128xi32, #tpu.memory_space<vmem>>
      %dma_wait3A_372 = tpu.memref_squeeze %dma_wait3A_371 : memref<1x1x128xi32, #tpu.memory_space<vmem>> -> memref<128xi32, #tpu.memory_space<vmem>>
      %dma_wait3A_373 = arith.constant 0 : i32
      %dma_wait3A_374 = arith.constant 0 : i32
      %dma_wait3A_375 = tpu.memref_slice %arg2[%dma_wait3A_373, %dma_wait3A_374] : memref<1000002x64xf32, #tpu.memory_space<hbm>> -> memref<1000002x64xf32, #tpu.memory_space<hbm>>
      %dma_wait3A_376 = tpu.memref_slice %arg9[%dma_wait3A_365] : memref<2x!tpu.dma_semaphore, #tpu.memory_space<semaphore_mem>> -> memref<1x!tpu.dma_semaphore, #tpu.memory_space<semaphore_mem>>
      %dma_wait3A_377 = tpu.memref_squeeze %dma_wait3A_376 : memref<1x!tpu.dma_semaphore, #tpu.memory_space<semaphore_mem>> -> memref<!tpu.dma_semaphore, #tpu.memory_space<semaphore_mem>>
      tpu.wait_indirect_dma semaphore(%dma_wait3A_377 : memref<!tpu.dma_semaphore, #tpu.memory_space<semaphore_mem>>) src(%dma_wait3A_375 : memref<1000002x64xf32, #tpu.memory_space<hbm>>) dst(%dma_wait3A_369 : memref<128x64xf32, #tpu.memory_space<vmem>>)
      %dma_wait3A_378 = arith.constant 1 : i32
      %dma_wait3A_379 = arith.constant 4 : i32
      %dma_wait3A_380 = arith.constant 1 : i32
      %dma_wait3A_381 = arith.constant 1 : i32
      %dma_wait3A_382 = arith.constant 512 : i32
      %dma_wait3A_383 = arith.constant 0 : i32
      %dma_wait3A_384 = tpu.memref_slice %arg6[%dma_wait3A_380, %dma_wait3A_382, %dma_wait3A_383] : memref<2x640x64xf32, #tpu.memory_space<vmem>> -> memref<1x128x64xf32, #tpu.memory_space<vmem>>
      %dma_wait3A_385 = tpu.memref_squeeze %dma_wait3A_384 : memref<1x128x64xf32, #tpu.memory_space<vmem>> -> memref<128x64xf32, #tpu.memory_space<vmem>>
      %dma_wait3A_386 = arith.constant 0 : i32
      %dma_wait3A_387 = tpu.memref_slice %arg5[%dma_wait3A_378, %dma_wait3A_379, %dma_wait3A_386] : memref<2x5x128xi32, #tpu.memory_space<vmem>> -> memref<1x1x128xi32, #tpu.memory_space<vmem>>
      %dma_wait3A_388 = tpu.memref_squeeze %dma_wait3A_387 : memref<1x1x128xi32, #tpu.memory_space<vmem>> -> memref<128xi32, #tpu.memory_space<vmem>>
      %dma_wait3A_389 = arith.constant 0 : i32
      %dma_wait3A_390 = arith.constant 0 : i32
      %dma_wait3A_391 = tpu.memref_slice %arg2[%dma_wait3A_389, %dma_wait3A_390] : memref<1000002x64xf32, #tpu.memory_space<hbm>> -> memref<1000002x64xf32, #tpu.memory_space<hbm>>
      %dma_wait3A_392 = tpu.memref_slice %arg9[%dma_wait3A_381] : memref<2x!tpu.dma_semaphore, #tpu.memory_space<semaphore_mem>> -> memref<1x!tpu.dma_semaphore, #tpu.memory_space<semaphore_mem>>
      %dma_wait3A_393 = tpu.memref_squeeze %dma_wait3A_392 : memref<1x!tpu.dma_semaphore, #tpu.memory_space<semaphore_mem>> -> memref<!tpu.dma_semaphore, #tpu.memory_space<semaphore_mem>>
      tpu.wait_indirect_dma semaphore(%dma_wait3A_393 : memref<!tpu.dma_semaphore, #tpu.memory_space<semaphore_mem>>) src(%dma_wait3A_391 : memref<1000002x64xf32, #tpu.memory_space<hbm>>) dst(%dma_wait3A_385 : memref<128x64xf32, #tpu.memory_space<vmem>>)
      %add3A_394 = arith.constant 2 : i32
      %add3A_395 = arith.addi %add3A_306, %add3A_394 : i32
      %lt3A_396 = arith.constant 200 : i32
      %lt3A_397 = arith.cmpi slt, %add3A_395, %lt3A_396 : i32
      %convert_element_type3A_398 = arith.extui %lt3A_397 : i1 to i32
      %cond3A_399 = arith.constant 0 : i32
      %cond3A_400 = arith.cmpi ne, %convert_element_type3A_398, %cond3A_399 : i32
      scf.if %cond3A_400 {
        %add3A_431 = arith.constant 2 : i32
        %add3A_432 = arith.addi %add3A_306, %add3A_431 : i32
        %mul3A_433 = arith.constant 5 : i32
        %mul3A_434 = arith.muli %add3A_432, %mul3A_433 : i32
        %add3A_435 = arith.addi %mul3A_2, %mul3A_434 : i32
        %dma_start3A_436 = arith.constant 1 : i32
        %dma_start3A_437 = arith.constant 1 : i32
        %dma_start3A_438 = arith.constant 0 : i32
        %dma_start3A_439 = arith.constant 0 : i32
        %dma_start3A_440 = tpu.memref_slice %arg5[%dma_start3A_436, %dma_start3A_438, %dma_start3A_439] : memref<2x5x128xi32, #tpu.memory_space<vmem>> -> memref<1x5x128xi32, #tpu.memory_space<vmem>>
        %dma_start3A_441 = tpu.memref_squeeze %dma_start3A_440 : memref<1x5x128xi32, #tpu.memory_space<vmem>> -> memref<5x128xi32, #tpu.memory_space<vmem>>
        %dma_start3A_442 = arith.constant 0 : i32
        %dma_start3A_443 = tpu.memref_slice %arg3[%add3A_435, %dma_start3A_442] : memref<32000x128xi32, #tpu.memory_space<hbm>> -> memref<5x128xi32, #tpu.memory_space<hbm>>
        %dma_start3A_444 = tpu.memref_slice %arg8[%dma_start3A_437] : memref<2x!tpu.dma_semaphore, #tpu.memory_space<semaphore_mem>> -> memref<1x!tpu.dma_semaphore, #tpu.memory_space<semaphore_mem>>
        %dma_start3A_445 = tpu.memref_squeeze %dma_start3A_444 : memref<1x!tpu.dma_semaphore, #tpu.memory_space<semaphore_mem>> -> memref<!tpu.dma_semaphore, #tpu.memory_space<semaphore_mem>>
        %dma_start3A_446 = arith.constant 0 : i32
        %dma_start3A_447 = arith.constant 0 : i32
        %dma_start3A_448 = tpu.memref_slice %arg5[%dma_start3A_436, %dma_start3A_446, %dma_start3A_447] : memref<2x5x128xi32, #tpu.memory_space<vmem>> -> memref<1x5x128xi32, #tpu.memory_space<vmem>>
        %dma_start3A_449 = tpu.memref_squeeze %dma_start3A_448 : memref<1x5x128xi32, #tpu.memory_space<vmem>> -> memref<5x128xi32, #tpu.memory_space<vmem>>
        %dma_start3A_450 = arith.constant 0 : i32
        %dma_start3A_451 = tpu.memref_slice %arg3[%add3A_435, %dma_start3A_450] : memref<32000x128xi32, #tpu.memory_space<hbm>> -> memref<5x128xi32, #tpu.memory_space<hbm>>
        tpu.enqueue_dma source(%dma_start3A_451 : memref<5x128xi32, #tpu.memory_space<hbm>>) target(%dma_start3A_449 : memref<5x128xi32, #tpu.memory_space<vmem>>) target_semaphore(%dma_start3A_445 : memref<!tpu.dma_semaphore, #tpu.memory_space<semaphore_mem>>)
      } else {
      }
      %ge3A_401 = arith.constant 2 : i32
      %ge3A_402 = arith.cmpi sge, %add3A_306, %ge3A_401 : i32
      %convert_element_type3A_403 = arith.extui %ge3A_402 : i1 to i32
      %cond3A_404 = arith.constant 0 : i32
      %cond3A_405 = arith.cmpi ne, %convert_element_type3A_403, %cond3A_404 : i32
      scf.if %cond3A_405 {
        %sub3A = arith.constant 2 : i32
        %sub3A_431 = arith.subi %add3A_306, %sub3A : i32
        %mul3A_432 = arith.constant 16 : i32
        %mul3A_433 = arith.muli %sub3A_431, %mul3A_432 : i32
        %add3A_434 = arith.addi %mul3A_4, %mul3A_433 : i32
        %dma_wait3A_435 = arith.constant 1 : i32
        %dma_wait3A_436 = arith.constant 1 : i32
        %dma_wait3A_437 = arith.constant 0 : i32
        %dma_wait3A_438 = arith.constant 0 : i32
        %dma_wait3A_439 = tpu.memref_slice %arg7[%dma_wait3A_435, %dma_wait3A_437, %dma_wait3A_438] : memref<2x16x128xf32, #tpu.memory_space<vmem>> -> memref<1x16x128xf32, #tpu.memory_space<vmem>>
        %dma_wait3A_440 = tpu.memref_squeeze %dma_wait3A_439 : memref<1x16x128xf32, #tpu.memory_space<vmem>> -> memref<16x128xf32, #tpu.memory_space<vmem>>
        %dma_wait3A_441 = arith.constant 0 : i32
        %dma_wait3A_442 = tpu.memref_slice %arg4[%add3A_434, %dma_wait3A_441] : memref<102400x128xf32, #tpu.memory_space<hbm>> -> memref<16x128xf32, #tpu.memory_space<hbm>>
        %dma_wait3A_443 = tpu.memref_slice %arg10[%dma_wait3A_436] : memref<2x!tpu.dma_semaphore, #tpu.memory_space<semaphore_mem>> -> memref<1x!tpu.dma_semaphore, #tpu.memory_space<semaphore_mem>>
        %dma_wait3A_444 = tpu.memref_squeeze %dma_wait3A_443 : memref<1x!tpu.dma_semaphore, #tpu.memory_space<semaphore_mem>> -> memref<!tpu.dma_semaphore, #tpu.memory_space<semaphore_mem>>
        %dma_wait3A_445 = arith.constant 0 : i32
        %dma_wait3A_446 = tpu.memref_slice %arg4[%add3A_434, %dma_wait3A_445] : memref<102400x128xf32, #tpu.memory_space<hbm>> -> memref<16x128xf32, #tpu.memory_space<hbm>>
        %dma_wait3A_447 = arith.constant 0 : i32
        %dma_wait3A_448 = arith.constant 0 : i32
        %dma_wait3A_449 = tpu.memref_slice %arg7[%dma_wait3A_435, %dma_wait3A_447, %dma_wait3A_448] : memref<2x16x128xf32, #tpu.memory_space<vmem>> -> memref<1x16x128xf32, #tpu.memory_space<vmem>>
        %dma_wait3A_450 = tpu.memref_squeeze %dma_wait3A_449 : memref<1x16x128xf32, #tpu.memory_space<vmem>> -> memref<16x128xf32, #tpu.memory_space<vmem>>
        tpu.wait_dma2 semaphore(%dma_wait3A_444 : memref<!tpu.dma_semaphore, #tpu.memory_space<semaphore_mem>>) src(%dma_wait3A_450 : memref<16x128xf32, #tpu.memory_space<vmem>>) dst(%dma_wait3A_446 : memref<16x128xf32, #tpu.memory_space<hbm>>)
      } else {
      }
      %scan3A_406 = arith.constant 0 : i32
      %scan3A_407 = arith.constant 0 : i32
      %scan3A_408 = arith.constant 16 : i32
      %scan3A_409 = arith.addi %scan3A_407, %scan3A_408 : i32
      %scan3A_410 = arith.constant 1 : i32
      scf.for %scan3A_431 = %scan3A_407 to %scan3A_409 step %scan3A_410  : i32 {
        %mul3A_432 = arith.constant 2 : i32
        %mul3A_433 = arith.muli %scan3A_431, %mul3A_432 : i32
        %mul3A_434 = arith.constant 20 : i32
        %mul3A_435 = arith.muli %mul3A_433, %mul3A_434 : i32
        %add3A_436 = arith.constant 0 : i32
        %add3A_437 = arith.addi %mul3A_435, %add3A_436 : i32
        %get3A = arith.constant 1 : i32
        %get3A_438 = arith.index_cast %get3A : i32 to index
        %get3A_439 = arith.index_cast %add3A_437 : i32 to index
        %get3A_440 = arith.constant 0 : index
        %get3A_441 = tpu.vector_load %arg6[%get3A_438, %get3A_439, %get3A_440] {strides = array<i32>} : memref<2x640x64xf32, #tpu.memory_space<vmem>>, vector<1x1x16xf32>,
        %get3A_442 = vector.shape_cast %get3A_441 : vector<1x1x16xf32> to vector<16xf32>
        %add3A_443 = arith.constant 1 : i32
        %add3A_444 = arith.addi %add3A_437, %add3A_443 : i32
        %get3A_445 = arith.constant 1 : i32
        %get3A_446 = arith.index_cast %get3A_445 : i32 to index
        %get3A_447 = arith.index_cast %add3A_444 : i32 to index
        %get3A_448 = arith.constant 0 : index
        %get3A_449 = tpu.vector_load %arg6[%get3A_446, %get3A_447, %get3A_448] {strides = array<i32>} : memref<2x640x64xf32, #tpu.memory_space<vmem>>, vector<1x1x16xf32>,
        %get3A_450 = vector.shape_cast %get3A_449 : vector<1x1x16xf32> to vector<16xf32>
        %add3A_451 = arith.addf %get3A_442, %get3A_450 : vector<16xf32>
        %add3A_452 = arith.constant 2 : i32
        %add3A_453 = arith.addi %add3A_437, %add3A_452 : i32
        %get3A_454 = arith.constant 1 : i32
        %get3A_455 = arith.index_cast %get3A_454 : i32 to index
        %get3A_456 = arith.index_cast %add3A_453 : i32 to index
        %get3A_457 = arith.constant 0 : index
        %get3A_458 = tpu.vector_load %arg6[%get3A_455, %get3A_456, %get3A_457] {strides = array<i32>} : memref<2x640x64xf32, #tpu.memory_space<vmem>>, vector<1x1x16xf32>,
        %get3A_459 = vector.shape_cast %get3A_458 : vector<1x1x16xf32> to vector<16xf32>
        %add3A_460 = arith.addf %add3A_451, %get3A_459 : vector<16xf32>
        %add3A_461 = arith.constant 3 : i32
        %add3A_462 = arith.addi %add3A_437, %add3A_461 : i32
        %get3A_463 = arith.constant 1 : i32
        %get3A_464 = arith.index_cast %get3A_463 : i32 to index
        %get3A_465 = arith.index_cast %add3A_462 : i32 to index
        %get3A_466 = arith.constant 0 : index
        %get3A_467 = tpu.vector_load %arg6[%get3A_464, %get3A_465, %get3A_466] {strides = array<i32>} : memref<2x640x64xf32, #tpu.memory_space<vmem>>, vector<1x1x16xf32>,
        %get3A_468 = vector.shape_cast %get3A_467 : vector<1x1x16xf32> to vector<16xf32>
        %add3A_469 = arith.addf %add3A_460, %get3A_468 : vector<16xf32>
        %add3A_470 = arith.constant 4 : i32
        %add3A_471 = arith.addi %add3A_437, %add3A_470 : i32
        %get3A_472 = arith.constant 1 : i32
        %get3A_473 = arith.index_cast %get3A_472 : i32 to index
        %get3A_474 = arith.index_cast %add3A_471 : i32 to index
        %get3A_475 = arith.constant 0 : index
        %get3A_476 = tpu.vector_load %arg6[%get3A_473, %get3A_474, %get3A_475] {strides = array<i32>} : memref<2x640x64xf32, #tpu.memory_space<vmem>>, vector<1x1x16xf32>,
        %get3A_477 = vector.shape_cast %get3A_476 : vector<1x1x16xf32> to vector<16xf32>
        %add3A_478 = arith.addf %add3A_469, %get3A_477 : vector<16xf32>
        %add3A_479 = arith.constant 5 : i32
        %add3A_480 = arith.addi %add3A_437, %add3A_479 : i32
        %get3A_481 = arith.constant 1 : i32
        %get3A_482 = arith.index_cast %get3A_481 : i32 to index
        %get3A_483 = arith.index_cast %add3A_480 : i32 to index
        %get3A_484 = arith.constant 0 : index
        %get3A_485 = tpu.vector_load %arg6[%get3A_482, %get3A_483, %get3A_484] {strides = array<i32>} : memref<2x640x64xf32, #tpu.memory_space<vmem>>, vector<1x1x16xf32>,
        %get3A_486 = vector.shape_cast %get3A_485 : vector<1x1x16xf32> to vector<16xf32>
        %add3A_487 = arith.addf %add3A_478, %get3A_486 : vector<16xf32>
        %add3A_488 = arith.constant 6 : i32
        %add3A_489 = arith.addi %add3A_437, %add3A_488 : i32
        %get3A_490 = arith.constant 1 : i32
        %get3A_491 = arith.index_cast %get3A_490 : i32 to index
        %get3A_492 = arith.index_cast %add3A_489 : i32 to index
        %get3A_493 = arith.constant 0 : index
        %get3A_494 = tpu.vector_load %arg6[%get3A_491, %get3A_492, %get3A_493] {strides = array<i32>} : memref<2x640x64xf32, #tpu.memory_space<vmem>>, vector<1x1x16xf32>,
        %get3A_495 = vector.shape_cast %get3A_494 : vector<1x1x16xf32> to vector<16xf32>
        %add3A_496 = arith.addf %add3A_487, %get3A_495 : vector<16xf32>
        %add3A_497 = arith.constant 7 : i32
        %add3A_498 = arith.addi %add3A_437, %add3A_497 : i32
        %get3A_499 = arith.constant 1 : i32
        %get3A_500 = arith.index_cast %get3A_499 : i32 to index
        %get3A_501 = arith.index_cast %add3A_498 : i32 to index
        %get3A_502 = arith.constant 0 : index
        %get3A_503 = tpu.vector_load %arg6[%get3A_500, %get3A_501, %get3A_502] {strides = array<i32>} : memref<2x640x64xf32, #tpu.memory_space<vmem>>, vector<1x1x16xf32>,
        %get3A_504 = vector.shape_cast %get3A_503 : vector<1x1x16xf32> to vector<16xf32>
        %add3A_505 = arith.addf %add3A_496, %get3A_504 : vector<16xf32>
        %add3A_506 = arith.constant 8 : i32
        %add3A_507 = arith.addi %add3A_437, %add3A_506 : i32
        %get3A_508 = arith.constant 1 : i32
        %get3A_509 = arith.index_cast %get3A_508 : i32 to index
        %get3A_510 = arith.index_cast %add3A_507 : i32 to index
        %get3A_511 = arith.constant 0 : index
        %get3A_512 = tpu.vector_load %arg6[%get3A_509, %get3A_510, %get3A_511] {strides = array<i32>} : memref<2x640x64xf32, #tpu.memory_space<vmem>>, vector<1x1x16xf32>,
        %get3A_513 = vector.shape_cast %get3A_512 : vector<1x1x16xf32> to vector<16xf32>
        %add3A_514 = arith.addf %add3A_505, %get3A_513 : vector<16xf32>
        %add3A_515 = arith.constant 9 : i32
        %add3A_516 = arith.addi %add3A_437, %add3A_515 : i32
        %get3A_517 = arith.constant 1 : i32
        %get3A_518 = arith.index_cast %get3A_517 : i32 to index
        %get3A_519 = arith.index_cast %add3A_516 : i32 to index
        %get3A_520 = arith.constant 0 : index
        %get3A_521 = tpu.vector_load %arg6[%get3A_518, %get3A_519, %get3A_520] {strides = array<i32>} : memref<2x640x64xf32, #tpu.memory_space<vmem>>, vector<1x1x16xf32>,
        %get3A_522 = vector.shape_cast %get3A_521 : vector<1x1x16xf32> to vector<16xf32>
        %add3A_523 = arith.addf %add3A_514, %get3A_522 : vector<16xf32>
        %add3A_524 = arith.constant 10 : i32
        %add3A_525 = arith.addi %add3A_437, %add3A_524 : i32
        %get3A_526 = arith.constant 1 : i32
        %get3A_527 = arith.index_cast %get3A_526 : i32 to index
        %get3A_528 = arith.index_cast %add3A_525 : i32 to index
        %get3A_529 = arith.constant 0 : index
        %get3A_530 = tpu.vector_load %arg6[%get3A_527, %get3A_528, %get3A_529] {strides = array<i32>} : memref<2x640x64xf32, #tpu.memory_space<vmem>>, vector<1x1x16xf32>,
        %get3A_531 = vector.shape_cast %get3A_530 : vector<1x1x16xf32> to vector<16xf32>
        %add3A_532 = arith.addf %add3A_523, %get3A_531 : vector<16xf32>
        %add3A_533 = arith.constant 11 : i32
        %add3A_534 = arith.addi %add3A_437, %add3A_533 : i32
        %get3A_535 = arith.constant 1 : i32
        %get3A_536 = arith.index_cast %get3A_535 : i32 to index
        %get3A_537 = arith.index_cast %add3A_534 : i32 to index
        %get3A_538 = arith.constant 0 : index
        %get3A_539 = tpu.vector_load %arg6[%get3A_536, %get3A_537, %get3A_538] {strides = array<i32>} : memref<2x640x64xf32, #tpu.memory_space<vmem>>, vector<1x1x16xf32>,
        %get3A_540 = vector.shape_cast %get3A_539 : vector<1x1x16xf32> to vector<16xf32>
        %add3A_541 = arith.addf %add3A_532, %get3A_540 : vector<16xf32>
        %add3A_542 = arith.constant 12 : i32
        %add3A_543 = arith.addi %add3A_437, %add3A_542 : i32
        %get3A_544 = arith.constant 1 : i32
        %get3A_545 = arith.index_cast %get3A_544 : i32 to index
        %get3A_546 = arith.index_cast %add3A_543 : i32 to index
        %get3A_547 = arith.constant 0 : index
        %get3A_548 = tpu.vector_load %arg6[%get3A_545, %get3A_546, %get3A_547] {strides = array<i32>} : memref<2x640x64xf32, #tpu.memory_space<vmem>>, vector<1x1x16xf32>,
        %get3A_549 = vector.shape_cast %get3A_548 : vector<1x1x16xf32> to vector<16xf32>
        %add3A_550 = arith.addf %add3A_541, %get3A_549 : vector<16xf32>
        %add3A_551 = arith.constant 13 : i32
        %add3A_552 = arith.addi %add3A_437, %add3A_551 : i32
        %get3A_553 = arith.constant 1 : i32
        %get3A_554 = arith.index_cast %get3A_553 : i32 to index
        %get3A_555 = arith.index_cast %add3A_552 : i32 to index
        %get3A_556 = arith.constant 0 : index
        %get3A_557 = tpu.vector_load %arg6[%get3A_554, %get3A_555, %get3A_556] {strides = array<i32>} : memref<2x640x64xf32, #tpu.memory_space<vmem>>, vector<1x1x16xf32>,
        %get3A_558 = vector.shape_cast %get3A_557 : vector<1x1x16xf32> to vector<16xf32>
        %add3A_559 = arith.addf %add3A_550, %get3A_558 : vector<16xf32>
        %add3A_560 = arith.constant 14 : i32
        %add3A_561 = arith.addi %add3A_437, %add3A_560 : i32
        %get3A_562 = arith.constant 1 : i32
        %get3A_563 = arith.index_cast %get3A_562 : i32 to index
        %get3A_564 = arith.index_cast %add3A_561 : i32 to index
        %get3A_565 = arith.constant 0 : index
        %get3A_566 = tpu.vector_load %arg6[%get3A_563, %get3A_564, %get3A_565] {strides = array<i32>} : memref<2x640x64xf32, #tpu.memory_space<vmem>>, vector<1x1x16xf32>,
        %get3A_567 = vector.shape_cast %get3A_566 : vector<1x1x16xf32> to vector<16xf32>
        %add3A_568 = arith.addf %add3A_559, %get3A_567 : vector<16xf32>
        %add3A_569 = arith.constant 15 : i32
        %add3A_570 = arith.addi %add3A_437, %add3A_569 : i32
        %get3A_571 = arith.constant 1 : i32
        %get3A_572 = arith.index_cast %get3A_571 : i32 to index
        %get3A_573 = arith.index_cast %add3A_570 : i32 to index
        %get3A_574 = arith.constant 0 : index
        %get3A_575 = tpu.vector_load %arg6[%get3A_572, %get3A_573, %get3A_574] {strides = array<i32>} : memref<2x640x64xf32, #tpu.memory_space<vmem>>, vector<1x1x16xf32>,
        %get3A_576 = vector.shape_cast %get3A_575 : vector<1x1x16xf32> to vector<16xf32>
        %add3A_577 = arith.addf %add3A_568, %get3A_576 : vector<16xf32>
        %add3A_578 = arith.constant 16 : i32
        %add3A_579 = arith.addi %add3A_437, %add3A_578 : i32
        %get3A_580 = arith.constant 1 : i32
        %get3A_581 = arith.index_cast %get3A_580 : i32 to index
        %get3A_582 = arith.index_cast %add3A_579 : i32 to index
        %get3A_583 = arith.constant 0 : index
        %get3A_584 = tpu.vector_load %arg6[%get3A_581, %get3A_582, %get3A_583] {strides = array<i32>} : memref<2x640x64xf32, #tpu.memory_space<vmem>>, vector<1x1x16xf32>,
        %get3A_585 = vector.shape_cast %get3A_584 : vector<1x1x16xf32> to vector<16xf32>
        %add3A_586 = arith.addf %add3A_577, %get3A_585 : vector<16xf32>
        %add3A_587 = arith.constant 17 : i32
        %add3A_588 = arith.addi %add3A_437, %add3A_587 : i32
        %get3A_589 = arith.constant 1 : i32
        %get3A_590 = arith.index_cast %get3A_589 : i32 to index
        %get3A_591 = arith.index_cast %add3A_588 : i32 to index
        %get3A_592 = arith.constant 0 : index
        %get3A_593 = tpu.vector_load %arg6[%get3A_590, %get3A_591, %get3A_592] {strides = array<i32>} : memref<2x640x64xf32, #tpu.memory_space<vmem>>, vector<1x1x16xf32>,
        %get3A_594 = vector.shape_cast %get3A_593 : vector<1x1x16xf32> to vector<16xf32>
        %add3A_595 = arith.addf %add3A_586, %get3A_594 : vector<16xf32>
        %add3A_596 = arith.constant 18 : i32
        %add3A_597 = arith.addi %add3A_437, %add3A_596 : i32
        %get3A_598 = arith.constant 1 : i32
        %get3A_599 = arith.index_cast %get3A_598 : i32 to index
        %get3A_600 = arith.index_cast %add3A_597 : i32 to index
        %get3A_601 = arith.constant 0 : index
        %get3A_602 = tpu.vector_load %arg6[%get3A_599, %get3A_600, %get3A_601] {strides = array<i32>} : memref<2x640x64xf32, #tpu.memory_space<vmem>>, vector<1x1x16xf32>,
        %get3A_603 = vector.shape_cast %get3A_602 : vector<1x1x16xf32> to vector<16xf32>
        %add3A_604 = arith.addf %add3A_595, %get3A_603 : vector<16xf32>
        %add3A_605 = arith.constant 19 : i32
        %add3A_606 = arith.addi %add3A_437, %add3A_605 : i32
        %get3A_607 = arith.constant 1 : i32
        %get3A_608 = arith.index_cast %get3A_607 : i32 to index
        %get3A_609 = arith.index_cast %add3A_606 : i32 to index
        %get3A_610 = arith.constant 0 : index
        %get3A_611 = tpu.vector_load %arg6[%get3A_608, %get3A_609, %get3A_610] {strides = array<i32>} : memref<2x640x64xf32, #tpu.memory_space<vmem>>, vector<1x1x16xf32>,
        %get3A_612 = vector.shape_cast %get3A_611 : vector<1x1x16xf32> to vector<16xf32>
        %add3A_613 = arith.addf %add3A_604, %get3A_612 : vector<16xf32>
        %mul3A_614 = arith.constant 5.000000e-02 : f32
        %mul3A_615 = vector.broadcast %mul3A_614 : f32 to vector<16xf32>
        %mul3A_616 = arith.mulf %add3A_613, %mul3A_615 : vector<16xf32>
        %swap3A = arith.constant 1 : i32
        %swap3A_617 = arith.index_cast %swap3A : i32 to index
        %swap3A_618 = arith.index_cast %scan3A_431 : i32 to index
        %swap3A_619 = arith.constant 0 : index
        %swap3A_620 = tpu.vector_load %arg7[%swap3A_617, %swap3A_618, %swap3A_619] {strides = array<i32>} : memref<2x16x128xf32, #tpu.memory_space<vmem>>, vector<1x1x16xf32>,
        %swap3A_621 = vector.shape_cast %swap3A_620 : vector<1x1x16xf32> to vector<16xf32>
        %swap3A_622 = vector.shape_cast %mul3A_616 : vector<16xf32> to vector<1x1x16xf32>
        tpu.vector_store %arg7[%swap3A_617, %swap3A_618, %swap3A_619], %swap3A_622 {strides = array<i32>} : memref<2x16x128xf32, #tpu.memory_space<vmem>>, vector<1x1x16xf32>,
        %get3A_623 = arith.constant 1 : i32
        %get3A_624 = arith.index_cast %get3A_623 : i32 to index
        %get3A_625 = arith.index_cast %add3A_437 : i32 to index
        %get3A_626 = arith.constant 16 : index
        %get3A_627 = tpu.vector_load %arg6[%get3A_624, %get3A_625, %get3A_626] {strides = array<i32>} : memref<2x640x64xf32, #tpu.memory_space<vmem>>, vector<1x1x16xf32>,
        %get3A_628 = vector.shape_cast %get3A_627 : vector<1x1x16xf32> to vector<16xf32>
        %add3A_629 = arith.constant 1 : i32
        %add3A_630 = arith.addi %add3A_437, %add3A_629 : i32
        %get3A_631 = arith.constant 1 : i32
        %get3A_632 = arith.index_cast %get3A_631 : i32 to index
        %get3A_633 = arith.index_cast %add3A_630 : i32 to index
        %get3A_634 = arith.constant 16 : index
        %get3A_635 = tpu.vector_load %arg6[%get3A_632, %get3A_633, %get3A_634] {strides = array<i32>} : memref<2x640x64xf32, #tpu.memory_space<vmem>>, vector<1x1x16xf32>,
        %get3A_636 = vector.shape_cast %get3A_635 : vector<1x1x16xf32> to vector<16xf32>
        %add3A_637 = arith.addf %get3A_628, %get3A_636 : vector<16xf32>
        %add3A_638 = arith.constant 2 : i32
        %add3A_639 = arith.addi %add3A_437, %add3A_638 : i32
        %get3A_640 = arith.constant 1 : i32
        %get3A_641 = arith.index_cast %get3A_640 : i32 to index
        %get3A_642 = arith.index_cast %add3A_639 : i32 to index
        %get3A_643 = arith.constant 16 : index
        %get3A_644 = tpu.vector_load %arg6[%get3A_641, %get3A_642, %get3A_643] {strides = array<i32>} : memref<2x640x64xf32, #tpu.memory_space<vmem>>, vector<1x1x16xf32>,
        %get3A_645 = vector.shape_cast %get3A_644 : vector<1x1x16xf32> to vector<16xf32>
        %add3A_646 = arith.addf %add3A_637, %get3A_645 : vector<16xf32>
        %add3A_647 = arith.constant 3 : i32
        %add3A_648 = arith.addi %add3A_437, %add3A_647 : i32
        %get3A_649 = arith.constant 1 : i32
        %get3A_650 = arith.index_cast %get3A_649 : i32 to index
        %get3A_651 = arith.index_cast %add3A_648 : i32 to index
        %get3A_652 = arith.constant 16 : index
        %get3A_653 = tpu.vector_load %arg6[%get3A_650, %get3A_651, %get3A_652] {strides = array<i32>} : memref<2x640x64xf32, #tpu.memory_space<vmem>>, vector<1x1x16xf32>,
        %get3A_654 = vector.shape_cast %get3A_653 : vector<1x1x16xf32> to vector<16xf32>
        %add3A_655 = arith.addf %add3A_646, %get3A_654 : vector<16xf32>
        %add3A_656 = arith.constant 4 : i32
        %add3A_657 = arith.addi %add3A_437, %add3A_656 : i32
        %get3A_658 = arith.constant 1 : i32
        %get3A_659 = arith.index_cast %get3A_658 : i32 to index
        %get3A_660 = arith.index_cast %add3A_657 : i32 to index
        %get3A_661 = arith.constant 16 : index
        %get3A_662 = tpu.vector_load %arg6[%get3A_659, %get3A_660, %get3A_661] {strides = array<i32>} : memref<2x640x64xf32, #tpu.memory_space<vmem>>, vector<1x1x16xf32>,
        %get3A_663 = vector.shape_cast %get3A_662 : vector<1x1x16xf32> to vector<16xf32>
        %add3A_664 = arith.addf %add3A_655, %get3A_663 : vector<16xf32>
        %add3A_665 = arith.constant 5 : i32
        %add3A_666 = arith.addi %add3A_437, %add3A_665 : i32
        %get3A_667 = arith.constant 1 : i32
        %get3A_668 = arith.index_cast %get3A_667 : i32 to index
        %get3A_669 = arith.index_cast %add3A_666 : i32 to index
        %get3A_670 = arith.constant 16 : index
        %get3A_671 = tpu.vector_load %arg6[%get3A_668, %get3A_669, %get3A_670] {strides = array<i32>} : memref<2x640x64xf32, #tpu.memory_space<vmem>>, vector<1x1x16xf32>,
        %get3A_672 = vector.shape_cast %get3A_671 : vector<1x1x16xf32> to vector<16xf32>
        %add3A_673 = arith.addf %add3A_664, %get3A_672 : vector<16xf32>
        %add3A_674 = arith.constant 6 : i32
        %add3A_675 = arith.addi %add3A_437, %add3A_674 : i32
        %get3A_676 = arith.constant 1 : i32
        %get3A_677 = arith.index_cast %get3A_676 : i32 to index
        %get3A_678 = arith.index_cast %add3A_675 : i32 to index
        %get3A_679 = arith.constant 16 : index
        %get3A_680 = tpu.vector_load %arg6[%get3A_677, %get3A_678, %get3A_679] {strides = array<i32>} : memref<2x640x64xf32, #tpu.memory_space<vmem>>, vector<1x1x16xf32>,
        %get3A_681 = vector.shape_cast %get3A_680 : vector<1x1x16xf32> to vector<16xf32>
        %add3A_682 = arith.addf %add3A_673, %get3A_681 : vector<16xf32>
        %add3A_683 = arith.constant 7 : i32
        %add3A_684 = arith.addi %add3A_437, %add3A_683 : i32
        %get3A_685 = arith.constant 1 : i32
        %get3A_686 = arith.index_cast %get3A_685 : i32 to index
        %get3A_687 = arith.index_cast %add3A_684 : i32 to index
        %get3A_688 = arith.constant 16 : index
        %get3A_689 = tpu.vector_load %arg6[%get3A_686, %get3A_687, %get3A_688] {strides = array<i32>} : memref<2x640x64xf32, #tpu.memory_space<vmem>>, vector<1x1x16xf32>,
        %get3A_690 = vector.shape_cast %get3A_689 : vector<1x1x16xf32> to vector<16xf32>
        %add3A_691 = arith.addf %add3A_682, %get3A_690 : vector<16xf32>
        %add3A_692 = arith.constant 8 : i32
        %add3A_693 = arith.addi %add3A_437, %add3A_692 : i32
        %get3A_694 = arith.constant 1 : i32
        %get3A_695 = arith.index_cast %get3A_694 : i32 to index
        %get3A_696 = arith.index_cast %add3A_693 : i32 to index
        %get3A_697 = arith.constant 16 : index
        %get3A_698 = tpu.vector_load %arg6[%get3A_695, %get3A_696, %get3A_697] {strides = array<i32>} : memref<2x640x64xf32, #tpu.memory_space<vmem>>, vector<1x1x16xf32>,
        %get3A_699 = vector.shape_cast %get3A_698 : vector<1x1x16xf32> to vector<16xf32>
        %add3A_700 = arith.addf %add3A_691, %get3A_699 : vector<16xf32>
        %add3A_701 = arith.constant 9 : i32
        %add3A_702 = arith.addi %add3A_437, %add3A_701 : i32
        %get3A_703 = arith.constant 1 : i32
        %get3A_704 = arith.index_cast %get3A_703 : i32 to index
        %get3A_705 = arith.index_cast %add3A_702 : i32 to index
        %get3A_706 = arith.constant 16 : index
        %get3A_707 = tpu.vector_load %arg6[%get3A_704, %get3A_705, %get3A_706] {strides = array<i32>} : memref<2x640x64xf32, #tpu.memory_space<vmem>>, vector<1x1x16xf32>,
        %get3A_708 = vector.shape_cast %get3A_707 : vector<1x1x16xf32> to vector<16xf32>
        %add3A_709 = arith.addf %add3A_700, %get3A_708 : vector<16xf32>
        %add3A_710 = arith.constant 10 : i32
        %add3A_711 = arith.addi %add3A_437, %add3A_710 : i32
        %get3A_712 = arith.constant 1 : i32
        %get3A_713 = arith.index_cast %get3A_712 : i32 to index
        %get3A_714 = arith.index_cast %add3A_711 : i32 to index
        %get3A_715 = arith.constant 16 : index
        %get3A_716 = tpu.vector_load %arg6[%get3A_713, %get3A_714, %get3A_715] {strides = array<i32>} : memref<2x640x64xf32, #tpu.memory_space<vmem>>, vector<1x1x16xf32>,
        %get3A_717 = vector.shape_cast %get3A_716 : vector<1x1x16xf32> to vector<16xf32>
        %add3A_718 = arith.addf %add3A_709, %get3A_717 : vector<16xf32>
        %add3A_719 = arith.constant 11 : i32
        %add3A_720 = arith.addi %add3A_437, %add3A_719 : i32
        %get3A_721 = arith.constant 1 : i32
        %get3A_722 = arith.index_cast %get3A_721 : i32 to index
        %get3A_723 = arith.index_cast %add3A_720 : i32 to index
        %get3A_724 = arith.constant 16 : index
        %get3A_725 = tpu.vector_load %arg6[%get3A_722, %get3A_723, %get3A_724] {strides = array<i32>} : memref<2x640x64xf32, #tpu.memory_space<vmem>>, vector<1x1x16xf32>,
        %get3A_726 = vector.shape_cast %get3A_725 : vector<1x1x16xf32> to vector<16xf32>
        %add3A_727 = arith.addf %add3A_718, %get3A_726 : vector<16xf32>
        %add3A_728 = arith.constant 12 : i32
        %add3A_729 = arith.addi %add3A_437, %add3A_728 : i32
        %get3A_730 = arith.constant 1 : i32
        %get3A_731 = arith.index_cast %get3A_730 : i32 to index
        %get3A_732 = arith.index_cast %add3A_729 : i32 to index
        %get3A_733 = arith.constant 16 : index
        %get3A_734 = tpu.vector_load %arg6[%get3A_731, %get3A_732, %get3A_733] {strides = array<i32>} : memref<2x640x64xf32, #tpu.memory_space<vmem>>, vector<1x1x16xf32>,
        %get3A_735 = vector.shape_cast %get3A_734 : vector<1x1x16xf32> to vector<16xf32>
        %add3A_736 = arith.addf %add3A_727, %get3A_735 : vector<16xf32>
        %add3A_737 = arith.constant 13 : i32
        %add3A_738 = arith.addi %add3A_437, %add3A_737 : i32
        %get3A_739 = arith.constant 1 : i32
        %get3A_740 = arith.index_cast %get3A_739 : i32 to index
        %get3A_741 = arith.index_cast %add3A_738 : i32 to index
        %get3A_742 = arith.constant 16 : index
        %get3A_743 = tpu.vector_load %arg6[%get3A_740, %get3A_741, %get3A_742] {strides = array<i32>} : memref<2x640x64xf32, #tpu.memory_space<vmem>>, vector<1x1x16xf32>,
        %get3A_744 = vector.shape_cast %get3A_743 : vector<1x1x16xf32> to vector<16xf32>
        %add3A_745 = arith.addf %add3A_736, %get3A_744 : vector<16xf32>
        %add3A_746 = arith.constant 14 : i32
        %add3A_747 = arith.addi %add3A_437, %add3A_746 : i32
        %get3A_748 = arith.constant 1 : i32
        %get3A_749 = arith.index_cast %get3A_748 : i32 to index
        %get3A_750 = arith.index_cast %add3A_747 : i32 to index
        %get3A_751 = arith.constant 16 : index
        %get3A_752 = tpu.vector_load %arg6[%get3A_749, %get3A_750, %get3A_751] {strides = array<i32>} : memref<2x640x64xf32, #tpu.memory_space<vmem>>, vector<1x1x16xf32>,
        %get3A_753 = vector.shape_cast %get3A_752 : vector<1x1x16xf32> to vector<16xf32>
        %add3A_754 = arith.addf %add3A_745, %get3A_753 : vector<16xf32>
        %add3A_755 = arith.constant 15 : i32
        %add3A_756 = arith.addi %add3A_437, %add3A_755 : i32
        %get3A_757 = arith.constant 1 : i32
        %get3A_758 = arith.index_cast %get3A_757 : i32 to index
        %get3A_759 = arith.index_cast %add3A_756 : i32 to index
        %get3A_760 = arith.constant 16 : index
        %get3A_761 = tpu.vector_load %arg6[%get3A_758, %get3A_759, %get3A_760] {strides = array<i32>} : memref<2x640x64xf32, #tpu.memory_space<vmem>>, vector<1x1x16xf32>,
        %get3A_762 = vector.shape_cast %get3A_761 : vector<1x1x16xf32> to vector<16xf32>
        %add3A_763 = arith.addf %add3A_754, %get3A_762 : vector<16xf32>
        %add3A_764 = arith.constant 16 : i32
        %add3A_765 = arith.addi %add3A_437, %add3A_764 : i32
        %get3A_766 = arith.constant 1 : i32
        %get3A_767 = arith.index_cast %get3A_766 : i32 to index
        %get3A_768 = arith.index_cast %add3A_765 : i32 to index
        %get3A_769 = arith.constant 16 : index
        %get3A_770 = tpu.vector_load %arg6[%get3A_767, %get3A_768, %get3A_769] {strides = array<i32>} : memref<2x640x64xf32, #tpu.memory_space<vmem>>, vector<1x1x16xf32>,
        %get3A_771 = vector.shape_cast %get3A_770 : vector<1x1x16xf32> to vector<16xf32>
        %add3A_772 = arith.addf %add3A_763, %get3A_771 : vector<16xf32>
        %add3A_773 = arith.constant 17 : i32
        %add3A_774 = arith.addi %add3A_437, %add3A_773 : i32
        %get3A_775 = arith.constant 1 : i32
        %get3A_776 = arith.index_cast %get3A_775 : i32 to index
        %get3A_777 = arith.index_cast %add3A_774 : i32 to index
        %get3A_778 = arith.constant 16 : index
        %get3A_779 = tpu.vector_load %arg6[%get3A_776, %get3A_777, %get3A_778] {strides = array<i32>} : memref<2x640x64xf32, #tpu.memory_space<vmem>>, vector<1x1x16xf32>,
        %get3A_780 = vector.shape_cast %get3A_779 : vector<1x1x16xf32> to vector<16xf32>
        %add3A_781 = arith.addf %add3A_772, %get3A_780 : vector<16xf32>
        %add3A_782 = arith.constant 18 : i32
        %add3A_783 = arith.addi %add3A_437, %add3A_782 : i32
        %get3A_784 = arith.constant 1 : i32
        %get3A_785 = arith.index_cast %get3A_784 : i32 to index
        %get3A_786 = arith.index_cast %add3A_783 : i32 to index
        %get3A_787 = arith.constant 16 : index
        %get3A_788 = tpu.vector_load %arg6[%get3A_785, %get3A_786, %get3A_787] {strides = array<i32>} : memref<2x640x64xf32, #tpu.memory_space<vmem>>, vector<1x1x16xf32>,
        %get3A_789 = vector.shape_cast %get3A_788 : vector<1x1x16xf32> to vector<16xf32>
        %add3A_790 = arith.addf %add3A_781, %get3A_789 : vector<16xf32>
        %add3A_791 = arith.constant 19 : i32
        %add3A_792 = arith.addi %add3A_437, %add3A_791 : i32
        %get3A_793 = arith.constant 1 : i32
        %get3A_794 = arith.index_cast %get3A_793 : i32 to index
        %get3A_795 = arith.index_cast %add3A_792 : i32 to index
        %get3A_796 = arith.constant 16 : index
        %get3A_797 = tpu.vector_load %arg6[%get3A_794, %get3A_795, %get3A_796] {strides = array<i32>} : memref<2x640x64xf32, #tpu.memory_space<vmem>>, vector<1x1x16xf32>,
        %get3A_798 = vector.shape_cast %get3A_797 : vector<1x1x16xf32> to vector<16xf32>
        %add3A_799 = arith.addf %add3A_790, %get3A_798 : vector<16xf32>
        %mul3A_800 = arith.constant 5.000000e-02 : f32
        %mul3A_801 = vector.broadcast %mul3A_800 : f32 to vector<16xf32>
        %mul3A_802 = arith.mulf %add3A_799, %mul3A_801 : vector<16xf32>
        %swap3A_803 = arith.constant 1 : i32
        %swap3A_804 = arith.index_cast %swap3A_803 : i32 to index
        %swap3A_805 = arith.index_cast %scan3A_431 : i32 to index
        %swap3A_806 = arith.constant 16 : index
        %swap3A_807 = tpu.vector_load %arg7[%swap3A_804, %swap3A_805, %swap3A_806] {strides = array<i32>} : memref<2x16x128xf32, #tpu.memory_space<vmem>>, vector<1x1x16xf32>,
        %swap3A_808 = vector.shape_cast %swap3A_807 : vector<1x1x16xf32> to vector<16xf32>
        %swap3A_809 = vector.shape_cast %mul3A_802 : vector<16xf32> to vector<1x1x16xf32>
        tpu.vector_store %arg7[%swap3A_804, %swap3A_805, %swap3A_806], %swap3A_809 {strides = array<i32>} : memref<2x16x128xf32, #tpu.memory_space<vmem>>, vector<1x1x16xf32>,
        %get3A_810 = arith.constant 1 : i32
        %get3A_811 = arith.index_cast %get3A_810 : i32 to index
        %get3A_812 = arith.index_cast %add3A_437 : i32 to index
        %get3A_813 = arith.constant 32 : index
        %get3A_814 = tpu.vector_load %arg6[%get3A_811, %get3A_812, %get3A_813] {strides = array<i32>} : memref<2x640x64xf32, #tpu.memory_space<vmem>>, vector<1x1x16xf32>,
        %get3A_815 = vector.shape_cast %get3A_814 : vector<1x1x16xf32> to vector<16xf32>
        %add3A_816 = arith.constant 1 : i32
        %add3A_817 = arith.addi %add3A_437, %add3A_816 : i32
        %get3A_818 = arith.constant 1 : i32
        %get3A_819 = arith.index_cast %get3A_818 : i32 to index
        %get3A_820 = arith.index_cast %add3A_817 : i32 to index
        %get3A_821 = arith.constant 32 : index
        %get3A_822 = tpu.vector_load %arg6[%get3A_819, %get3A_820, %get3A_821] {strides = array<i32>} : memref<2x640x64xf32, #tpu.memory_space<vmem>>, vector<1x1x16xf32>,
        %get3A_823 = vector.shape_cast %get3A_822 : vector<1x1x16xf32> to vector<16xf32>
        %add3A_824 = arith.addf %get3A_815, %get3A_823 : vector<16xf32>
        %add3A_825 = arith.constant 2 : i32
        %add3A_826 = arith.addi %add3A_437, %add3A_825 : i32
        %get3A_827 = arith.constant 1 : i32
        %get3A_828 = arith.index_cast %get3A_827 : i32 to index
        %get3A_829 = arith.index_cast %add3A_826 : i32 to index
        %get3A_830 = arith.constant 32 : index
        %get3A_831 = tpu.vector_load %arg6[%get3A_828, %get3A_829, %get3A_830] {strides = array<i32>} : memref<2x640x64xf32, #tpu.memory_space<vmem>>, vector<1x1x16xf32>,
        %get3A_832 = vector.shape_cast %get3A_831 : vector<1x1x16xf32> to vector<16xf32>
        %add3A_833 = arith.addf %add3A_824, %get3A_832 : vector<16xf32>
        %add3A_834 = arith.constant 3 : i32
        %add3A_835 = arith.addi %add3A_437, %add3A_834 : i32
        %get3A_836 = arith.constant 1 : i32
        %get3A_837 = arith.index_cast %get3A_836 : i32 to index
        %get3A_838 = arith.index_cast %add3A_835 : i32 to index
        %get3A_839 = arith.constant 32 : index
        %get3A_840 = tpu.vector_load %arg6[%get3A_837, %get3A_838, %get3A_839] {strides = array<i32>} : memref<2x640x64xf32, #tpu.memory_space<vmem>>, vector<1x1x16xf32>,
        %get3A_841 = vector.shape_cast %get3A_840 : vector<1x1x16xf32> to vector<16xf32>
        %add3A_842 = arith.addf %add3A_833, %get3A_841 : vector<16xf32>
        %add3A_843 = arith.constant 4 : i32
        %add3A_844 = arith.addi %add3A_437, %add3A_843 : i32
        %get3A_845 = arith.constant 1 : i32
        %get3A_846 = arith.index_cast %get3A_845 : i32 to index
        %get3A_847 = arith.index_cast %add3A_844 : i32 to index
        %get3A_848 = arith.constant 32 : index
        %get3A_849 = tpu.vector_load %arg6[%get3A_846, %get3A_847, %get3A_848] {strides = array<i32>} : memref<2x640x64xf32, #tpu.memory_space<vmem>>, vector<1x1x16xf32>,
        %get3A_850 = vector.shape_cast %get3A_849 : vector<1x1x16xf32> to vector<16xf32>
        %add3A_851 = arith.addf %add3A_842, %get3A_850 : vector<16xf32>
        %add3A_852 = arith.constant 5 : i32
        %add3A_853 = arith.addi %add3A_437, %add3A_852 : i32
        %get3A_854 = arith.constant 1 : i32
        %get3A_855 = arith.index_cast %get3A_854 : i32 to index
        %get3A_856 = arith.index_cast %add3A_853 : i32 to index
        %get3A_857 = arith.constant 32 : index
        %get3A_858 = tpu.vector_load %arg6[%get3A_855, %get3A_856, %get3A_857] {strides = array<i32>} : memref<2x640x64xf32, #tpu.memory_space<vmem>>, vector<1x1x16xf32>,
        %get3A_859 = vector.shape_cast %get3A_858 : vector<1x1x16xf32> to vector<16xf32>
        %add3A_860 = arith.addf %add3A_851, %get3A_859 : vector<16xf32>
        %add3A_861 = arith.constant 6 : i32
        %add3A_862 = arith.addi %add3A_437, %add3A_861 : i32
        %get3A_863 = arith.constant 1 : i32
        %get3A_864 = arith.index_cast %get3A_863 : i32 to index
        %get3A_865 = arith.index_cast %add3A_862 : i32 to index
        %get3A_866 = arith.constant 32 : index
        %get3A_867 = tpu.vector_load %arg6[%get3A_864, %get3A_865, %get3A_866] {strides = array<i32>} : memref<2x640x64xf32, #tpu.memory_space<vmem>>, vector<1x1x16xf32>,
        %get3A_868 = vector.shape_cast %get3A_867 : vector<1x1x16xf32> to vector<16xf32>
        %add3A_869 = arith.addf %add3A_860, %get3A_868 : vector<16xf32>
        %add3A_870 = arith.constant 7 : i32
        %add3A_871 = arith.addi %add3A_437, %add3A_870 : i32
        %get3A_872 = arith.constant 1 : i32
        %get3A_873 = arith.index_cast %get3A_872 : i32 to index
        %get3A_874 = arith.index_cast %add3A_871 : i32 to index
        %get3A_875 = arith.constant 32 : index
        %get3A_876 = tpu.vector_load %arg6[%get3A_873, %get3A_874, %get3A_875] {strides = array<i32>} : memref<2x640x64xf32, #tpu.memory_space<vmem>>, vector<1x1x16xf32>,
        %get3A_877 = vector.shape_cast %get3A_876 : vector<1x1x16xf32> to vector<16xf32>
        %add3A_878 = arith.addf %add3A_869, %get3A_877 : vector<16xf32>
        %add3A_879 = arith.constant 8 : i32
        %add3A_880 = arith.addi %add3A_437, %add3A_879 : i32
        %get3A_881 = arith.constant 1 : i32
        %get3A_882 = arith.index_cast %get3A_881 : i32 to index
        %get3A_883 = arith.index_cast %add3A_880 : i32 to index
        %get3A_884 = arith.constant 32 : index
        %get3A_885 = tpu.vector_load %arg6[%get3A_882, %get3A_883, %get3A_884] {strides = array<i32>} : memref<2x640x64xf32, #tpu.memory_space<vmem>>, vector<1x1x16xf32>,
        %get3A_886 = vector.shape_cast %get3A_885 : vector<1x1x16xf32> to vector<16xf32>
        %add3A_887 = arith.addf %add3A_878, %get3A_886 : vector<16xf32>
        %add3A_888 = arith.constant 9 : i32
        %add3A_889 = arith.addi %add3A_437, %add3A_888 : i32
        %get3A_890 = arith.constant 1 : i32
        %get3A_891 = arith.index_cast %get3A_890 : i32 to index
        %get3A_892 = arith.index_cast %add3A_889 : i32 to index
        %get3A_893 = arith.constant 32 : index
        %get3A_894 = tpu.vector_load %arg6[%get3A_891, %get3A_892, %get3A_893] {strides = array<i32>} : memref<2x640x64xf32, #tpu.memory_space<vmem>>, vector<1x1x16xf32>,
        %get3A_895 = vector.shape_cast %get3A_894 : vector<1x1x16xf32> to vector<16xf32>
        %add3A_896 = arith.addf %add3A_887, %get3A_895 : vector<16xf32>
        %add3A_897 = arith.constant 10 : i32
        %add3A_898 = arith.addi %add3A_437, %add3A_897 : i32
        %get3A_899 = arith.constant 1 : i32
        %get3A_900 = arith.index_cast %get3A_899 : i32 to index
        %get3A_901 = arith.index_cast %add3A_898 : i32 to index
        %get3A_902 = arith.constant 32 : index
        %get3A_903 = tpu.vector_load %arg6[%get3A_900, %get3A_901, %get3A_902] {strides = array<i32>} : memref<2x640x64xf32, #tpu.memory_space<vmem>>, vector<1x1x16xf32>,
        %get3A_904 = vector.shape_cast %get3A_903 : vector<1x1x16xf32> to vector<16xf32>
        %add3A_905 = arith.addf %add3A_896, %get3A_904 : vector<16xf32>
        %add3A_906 = arith.constant 11 : i32
        %add3A_907 = arith.addi %add3A_437, %add3A_906 : i32
        %get3A_908 = arith.constant 1 : i32
        %get3A_909 = arith.index_cast %get3A_908 : i32 to index
        %get3A_910 = arith.index_cast %add3A_907 : i32 to index
        %get3A_911 = arith.constant 32 : index
        %get3A_912 = tpu.vector_load %arg6[%get3A_909, %get3A_910, %get3A_911] {strides = array<i32>} : memref<2x640x64xf32, #tpu.memory_space<vmem>>, vector<1x1x16xf32>,
        %get3A_913 = vector.shape_cast %get3A_912 : vector<1x1x16xf32> to vector<16xf32>
        %add3A_914 = arith.addf %add3A_905, %get3A_913 : vector<16xf32>
        %add3A_915 = arith.constant 12 : i32
        %add3A_916 = arith.addi %add3A_437, %add3A_915 : i32
        %get3A_917 = arith.constant 1 : i32
        %get3A_918 = arith.index_cast %get3A_917 : i32 to index
        %get3A_919 = arith.index_cast %add3A_916 : i32 to index
        %get3A_920 = arith.constant 32 : index
        %get3A_921 = tpu.vector_load %arg6[%get3A_918, %get3A_919, %get3A_920] {strides = array<i32>} : memref<2x640x64xf32, #tpu.memory_space<vmem>>, vector<1x1x16xf32>,
        %get3A_922 = vector.shape_cast %get3A_921 : vector<1x1x16xf32> to vector<16xf32>
        %add3A_923 = arith.addf %add3A_914, %get3A_922 : vector<16xf32>
        %add3A_924 = arith.constant 13 : i32
        %add3A_925 = arith.addi %add3A_437, %add3A_924 : i32
        %get3A_926 = arith.constant 1 : i32
        %get3A_927 = arith.index_cast %get3A_926 : i32 to index
        %get3A_928 = arith.index_cast %add3A_925 : i32 to index
        %get3A_929 = arith.constant 32 : index
        %get3A_930 = tpu.vector_load %arg6[%get3A_927, %get3A_928, %get3A_929] {strides = array<i32>} : memref<2x640x64xf32, #tpu.memory_space<vmem>>, vector<1x1x16xf32>,
        %get3A_931 = vector.shape_cast %get3A_930 : vector<1x1x16xf32> to vector<16xf32>
        %add3A_932 = arith.addf %add3A_923, %get3A_931 : vector<16xf32>
        %add3A_933 = arith.constant 14 : i32
        %add3A_934 = arith.addi %add3A_437, %add3A_933 : i32
        %get3A_935 = arith.constant 1 : i32
        %get3A_936 = arith.index_cast %get3A_935 : i32 to index
        %get3A_937 = arith.index_cast %add3A_934 : i32 to index
        %get3A_938 = arith.constant 32 : index
        %get3A_939 = tpu.vector_load %arg6[%get3A_936, %get3A_937, %get3A_938] {strides = array<i32>} : memref<2x640x64xf32, #tpu.memory_space<vmem>>, vector<1x1x16xf32>,
        %get3A_940 = vector.shape_cast %get3A_939 : vector<1x1x16xf32> to vector<16xf32>
        %add3A_941 = arith.addf %add3A_932, %get3A_940 : vector<16xf32>
        %add3A_942 = arith.constant 15 : i32
        %add3A_943 = arith.addi %add3A_437, %add3A_942 : i32
        %get3A_944 = arith.constant 1 : i32
        %get3A_945 = arith.index_cast %get3A_944 : i32 to index
        %get3A_946 = arith.index_cast %add3A_943 : i32 to index
        %get3A_947 = arith.constant 32 : index
        %get3A_948 = tpu.vector_load %arg6[%get3A_945, %get3A_946, %get3A_947] {strides = array<i32>} : memref<2x640x64xf32, #tpu.memory_space<vmem>>, vector<1x1x16xf32>,
        %get3A_949 = vector.shape_cast %get3A_948 : vector<1x1x16xf32> to vector<16xf32>
        %add3A_950 = arith.addf %add3A_941, %get3A_949 : vector<16xf32>
        %add3A_951 = arith.constant 16 : i32
        %add3A_952 = arith.addi %add3A_437, %add3A_951 : i32
        %get3A_953 = arith.constant 1 : i32
        %get3A_954 = arith.index_cast %get3A_953 : i32 to index
        %get3A_955 = arith.index_cast %add3A_952 : i32 to index
        %get3A_956 = arith.constant 32 : index
        %get3A_957 = tpu.vector_load %arg6[%get3A_954, %get3A_955, %get3A_956] {strides = array<i32>} : memref<2x640x64xf32, #tpu.memory_space<vmem>>, vector<1x1x16xf32>,
        %get3A_958 = vector.shape_cast %get3A_957 : vector<1x1x16xf32> to vector<16xf32>
        %add3A_959 = arith.addf %add3A_950, %get3A_958 : vector<16xf32>
        %add3A_960 = arith.constant 17 : i32
        %add3A_961 = arith.addi %add3A_437, %add3A_960 : i32
        %get3A_962 = arith.constant 1 : i32
        %get3A_963 = arith.index_cast %get3A_962 : i32 to index
        %get3A_964 = arith.index_cast %add3A_961 : i32 to index
        %get3A_965 = arith.constant 32 : index
        %get3A_966 = tpu.vector_load %arg6[%get3A_963, %get3A_964, %get3A_965] {strides = array<i32>} : memref<2x640x64xf32, #tpu.memory_space<vmem>>, vector<1x1x16xf32>,
        %get3A_967 = vector.shape_cast %get3A_966 : vector<1x1x16xf32> to vector<16xf32>
        %add3A_968 = arith.addf %add3A_959, %get3A_967 : vector<16xf32>
        %add3A_969 = arith.constant 18 : i32
        %add3A_970 = arith.addi %add3A_437, %add3A_969 : i32
        %get3A_971 = arith.constant 1 : i32
        %get3A_972 = arith.index_cast %get3A_971 : i32 to index
        %get3A_973 = arith.index_cast %add3A_970 : i32 to index
        %get3A_974 = arith.constant 32 : index
        %get3A_975 = tpu.vector_load %arg6[%get3A_972, %get3A_973, %get3A_974] {strides = array<i32>} : memref<2x640x64xf32, #tpu.memory_space<vmem>>, vector<1x1x16xf32>,
        %get3A_976 = vector.shape_cast %get3A_975 : vector<1x1x16xf32> to vector<16xf32>
        %add3A_977 = arith.addf %add3A_968, %get3A_976 : vector<16xf32>
        %add3A_978 = arith.constant 19 : i32
        %add3A_979 = arith.addi %add3A_437, %add3A_978 : i32
        %get3A_980 = arith.constant 1 : i32
        %get3A_981 = arith.index_cast %get3A_980 : i32 to index
        %get3A_982 = arith.index_cast %add3A_979 : i32 to index
        %get3A_983 = arith.constant 32 : index
        %get3A_984 = tpu.vector_load %arg6[%get3A_981, %get3A_982, %get3A_983] {strides = array<i32>} : memref<2x640x64xf32, #tpu.memory_space<vmem>>, vector<1x1x16xf32>,
        %get3A_985 = vector.shape_cast %get3A_984 : vector<1x1x16xf32> to vector<16xf32>
        %add3A_986 = arith.addf %add3A_977, %get3A_985 : vector<16xf32>
        %mul3A_987 = arith.constant 5.000000e-02 : f32
        %mul3A_988 = vector.broadcast %mul3A_987 : f32 to vector<16xf32>
        %mul3A_989 = arith.mulf %add3A_986, %mul3A_988 : vector<16xf32>
        %swap3A_990 = arith.constant 1 : i32
        %swap3A_991 = arith.index_cast %swap3A_990 : i32 to index
        %swap3A_992 = arith.index_cast %scan3A_431 : i32 to index
        %swap3A_993 = arith.constant 32 : index
        %swap3A_994 = tpu.vector_load %arg7[%swap3A_991, %swap3A_992, %swap3A_993] {strides = array<i32>} : memref<2x16x128xf32, #tpu.memory_space<vmem>>, vector<1x1x16xf32>,
        %swap3A_995 = vector.shape_cast %swap3A_994 : vector<1x1x16xf32> to vector<16xf32>
        %swap3A_996 = vector.shape_cast %mul3A_989 : vector<16xf32> to vector<1x1x16xf32>
        tpu.vector_store %arg7[%swap3A_991, %swap3A_992, %swap3A_993], %swap3A_996 {strides = array<i32>} : memref<2x16x128xf32, #tpu.memory_space<vmem>>, vector<1x1x16xf32>,
        %get3A_997 = arith.constant 1 : i32
        %get3A_998 = arith.index_cast %get3A_997 : i32 to index
        %get3A_999 = arith.index_cast %add3A_437 : i32 to index
        %get3A_1000 = arith.constant 48 : index
        %get3A_1001 = tpu.vector_load %arg6[%get3A_998, %get3A_999, %get3A_1000] {strides = array<i32>} : memref<2x640x64xf32, #tpu.memory_space<vmem>>, vector<1x1x16xf32>,
        %get3A_1002 = vector.shape_cast %get3A_1001 : vector<1x1x16xf32> to vector<16xf32>
        %add3A_1003 = arith.constant 1 : i32
        %add3A_1004 = arith.addi %add3A_437, %add3A_1003 : i32
        %get3A_1005 = arith.constant 1 : i32
        %get3A_1006 = arith.index_cast %get3A_1005 : i32 to index
        %get3A_1007 = arith.index_cast %add3A_1004 : i32 to index
        %get3A_1008 = arith.constant 48 : index
        %get3A_1009 = tpu.vector_load %arg6[%get3A_1006, %get3A_1007, %get3A_1008] {strides = array<i32>} : memref<2x640x64xf32, #tpu.memory_space<vmem>>, vector<1x1x16xf32>,
        %get3A_1010 = vector.shape_cast %get3A_1009 : vector<1x1x16xf32> to vector<16xf32>
        %add3A_1011 = arith.addf %get3A_1002, %get3A_1010 : vector<16xf32>
        %add3A_1012 = arith.constant 2 : i32
        %add3A_1013 = arith.addi %add3A_437, %add3A_1012 : i32
        %get3A_1014 = arith.constant 1 : i32
        %get3A_1015 = arith.index_cast %get3A_1014 : i32 to index
        %get3A_1016 = arith.index_cast %add3A_1013 : i32 to index
        %get3A_1017 = arith.constant 48 : index
        %get3A_1018 = tpu.vector_load %arg6[%get3A_1015, %get3A_1016, %get3A_1017] {strides = array<i32>} : memref<2x640x64xf32, #tpu.memory_space<vmem>>, vector<1x1x16xf32>,
        %get3A_1019 = vector.shape_cast %get3A_1018 : vector<1x1x16xf32> to vector<16xf32>
        %add3A_1020 = arith.addf %add3A_1011, %get3A_1019 : vector<16xf32>
        %add3A_1021 = arith.constant 3 : i32
        %add3A_1022 = arith.addi %add3A_437, %add3A_1021 : i32
        %get3A_1023 = arith.constant 1 : i32
        %get3A_1024 = arith.index_cast %get3A_1023 : i32 to index
        %get3A_1025 = arith.index_cast %add3A_1022 : i32 to index
        %get3A_1026 = arith.constant 48 : index
        %get3A_1027 = tpu.vector_load %arg6[%get3A_1024, %get3A_1025, %get3A_1026] {strides = array<i32>} : memref<2x640x64xf32, #tpu.memory_space<vmem>>, vector<1x1x16xf32>,
        %get3A_1028 = vector.shape_cast %get3A_1027 : vector<1x1x16xf32> to vector<16xf32>
        %add3A_1029 = arith.addf %add3A_1020, %get3A_1028 : vector<16xf32>
        %add3A_1030 = arith.constant 4 : i32
        %add3A_1031 = arith.addi %add3A_437, %add3A_1030 : i32
        %get3A_1032 = arith.constant 1 : i32
        %get3A_1033 = arith.index_cast %get3A_1032 : i32 to index
        %get3A_1034 = arith.index_cast %add3A_1031 : i32 to index
        %get3A_1035 = arith.constant 48 : index
        %get3A_1036 = tpu.vector_load %arg6[%get3A_1033, %get3A_1034, %get3A_1035] {strides = array<i32>} : memref<2x640x64xf32, #tpu.memory_space<vmem>>, vector<1x1x16xf32>,
        %get3A_1037 = vector.shape_cast %get3A_1036 : vector<1x1x16xf32> to vector<16xf32>
        %add3A_1038 = arith.addf %add3A_1029, %get3A_1037 : vector<16xf32>
        %add3A_1039 = arith.constant 5 : i32
        %add3A_1040 = arith.addi %add3A_437, %add3A_1039 : i32
        %get3A_1041 = arith.constant 1 : i32
        %get3A_1042 = arith.index_cast %get3A_1041 : i32 to index
        %get3A_1043 = arith.index_cast %add3A_1040 : i32 to index
        %get3A_1044 = arith.constant 48 : index
        %get3A_1045 = tpu.vector_load %arg6[%get3A_1042, %get3A_1043, %get3A_1044] {strides = array<i32>} : memref<2x640x64xf32, #tpu.memory_space<vmem>>, vector<1x1x16xf32>,
        %get3A_1046 = vector.shape_cast %get3A_1045 : vector<1x1x16xf32> to vector<16xf32>
        %add3A_1047 = arith.addf %add3A_1038, %get3A_1046 : vector<16xf32>
        %add3A_1048 = arith.constant 6 : i32
        %add3A_1049 = arith.addi %add3A_437, %add3A_1048 : i32
        %get3A_1050 = arith.constant 1 : i32
        %get3A_1051 = arith.index_cast %get3A_1050 : i32 to index
        %get3A_1052 = arith.index_cast %add3A_1049 : i32 to index
        %get3A_1053 = arith.constant 48 : index
        %get3A_1054 = tpu.vector_load %arg6[%get3A_1051, %get3A_1052, %get3A_1053] {strides = array<i32>} : memref<2x640x64xf32, #tpu.memory_space<vmem>>, vector<1x1x16xf32>,
        %get3A_1055 = vector.shape_cast %get3A_1054 : vector<1x1x16xf32> to vector<16xf32>
        %add3A_1056 = arith.addf %add3A_1047, %get3A_1055 : vector<16xf32>
        %add3A_1057 = arith.constant 7 : i32
        %add3A_1058 = arith.addi %add3A_437, %add3A_1057 : i32
        %get3A_1059 = arith.constant 1 : i32
        %get3A_1060 = arith.index_cast %get3A_1059 : i32 to index
        %get3A_1061 = arith.index_cast %add3A_1058 : i32 to index
        %get3A_1062 = arith.constant 48 : index
        %get3A_1063 = tpu.vector_load %arg6[%get3A_1060, %get3A_1061, %get3A_1062] {strides = array<i32>} : memref<2x640x64xf32, #tpu.memory_space<vmem>>, vector<1x1x16xf32>,
        %get3A_1064 = vector.shape_cast %get3A_1063 : vector<1x1x16xf32> to vector<16xf32>
        %add3A_1065 = arith.addf %add3A_1056, %get3A_1064 : vector<16xf32>
        %add3A_1066 = arith.constant 8 : i32
        %add3A_1067 = arith.addi %add3A_437, %add3A_1066 : i32
        %get3A_1068 = arith.constant 1 : i32
        %get3A_1069 = arith.index_cast %get3A_1068 : i32 to index
        %get3A_1070 = arith.index_cast %add3A_1067 : i32 to index
        %get3A_1071 = arith.constant 48 : index
        %get3A_1072 = tpu.vector_load %arg6[%get3A_1069, %get3A_1070, %get3A_1071] {strides = array<i32>} : memref<2x640x64xf32, #tpu.memory_space<vmem>>, vector<1x1x16xf32>,
        %get3A_1073 = vector.shape_cast %get3A_1072 : vector<1x1x16xf32> to vector<16xf32>
        %add3A_1074 = arith.addf %add3A_1065, %get3A_1073 : vector<16xf32>
        %add3A_1075 = arith.constant 9 : i32
        %add3A_1076 = arith.addi %add3A_437, %add3A_1075 : i32
        %get3A_1077 = arith.constant 1 : i32
        %get3A_1078 = arith.index_cast %get3A_1077 : i32 to index
        %get3A_1079 = arith.index_cast %add3A_1076 : i32 to index
        %get3A_1080 = arith.constant 48 : index
        %get3A_1081 = tpu.vector_load %arg6[%get3A_1078, %get3A_1079, %get3A_1080] {strides = array<i32>} : memref<2x640x64xf32, #tpu.memory_space<vmem>>, vector<1x1x16xf32>,
        %get3A_1082 = vector.shape_cast %get3A_1081 : vector<1x1x16xf32> to vector<16xf32>
        %add3A_1083 = arith.addf %add3A_1074, %get3A_1082 : vector<16xf32>
        %add3A_1084 = arith.constant 10 : i32
        %add3A_1085 = arith.addi %add3A_437, %add3A_1084 : i32
        %get3A_1086 = arith.constant 1 : i32
        %get3A_1087 = arith.index_cast %get3A_1086 : i32 to index
        %get3A_1088 = arith.index_cast %add3A_1085 : i32 to index
        %get3A_1089 = arith.constant 48 : index
        %get3A_1090 = tpu.vector_load %arg6[%get3A_1087, %get3A_1088, %get3A_1089] {strides = array<i32>} : memref<2x640x64xf32, #tpu.memory_space<vmem>>, vector<1x1x16xf32>,
        %get3A_1091 = vector.shape_cast %get3A_1090 : vector<1x1x16xf32> to vector<16xf32>
        %add3A_1092 = arith.addf %add3A_1083, %get3A_1091 : vector<16xf32>
        %add3A_1093 = arith.constant 11 : i32
        %add3A_1094 = arith.addi %add3A_437, %add3A_1093 : i32
        %get3A_1095 = arith.constant 1 : i32
        %get3A_1096 = arith.index_cast %get3A_1095 : i32 to index
        %get3A_1097 = arith.index_cast %add3A_1094 : i32 to index
        %get3A_1098 = arith.constant 48 : index
        %get3A_1099 = tpu.vector_load %arg6[%get3A_1096, %get3A_1097, %get3A_1098] {strides = array<i32>} : memref<2x640x64xf32, #tpu.memory_space<vmem>>, vector<1x1x16xf32>,
        %get3A_1100 = vector.shape_cast %get3A_1099 : vector<1x1x16xf32> to vector<16xf32>
        %add3A_1101 = arith.addf %add3A_1092, %get3A_1100 : vector<16xf32>
        %add3A_1102 = arith.constant 12 : i32
        %add3A_1103 = arith.addi %add3A_437, %add3A_1102 : i32
        %get3A_1104 = arith.constant 1 : i32
        %get3A_1105 = arith.index_cast %get3A_1104 : i32 to index
        %get3A_1106 = arith.index_cast %add3A_1103 : i32 to index
        %get3A_1107 = arith.constant 48 : index
        %get3A_1108 = tpu.vector_load %arg6[%get3A_1105, %get3A_1106, %get3A_1107] {strides = array<i32>} : memref<2x640x64xf32, #tpu.memory_space<vmem>>, vector<1x1x16xf32>,
        %get3A_1109 = vector.shape_cast %get3A_1108 : vector<1x1x16xf32> to vector<16xf32>
        %add3A_1110 = arith.addf %add3A_1101, %get3A_1109 : vector<16xf32>
        %add3A_1111 = arith.constant 13 : i32
        %add3A_1112 = arith.addi %add3A_437, %add3A_1111 : i32
        %get3A_1113 = arith.constant 1 : i32
        %get3A_1114 = arith.index_cast %get3A_1113 : i32 to index
        %get3A_1115 = arith.index_cast %add3A_1112 : i32 to index
        %get3A_1116 = arith.constant 48 : index
        %get3A_1117 = tpu.vector_load %arg6[%get3A_1114, %get3A_1115, %get3A_1116] {strides = array<i32>} : memref<2x640x64xf32, #tpu.memory_space<vmem>>, vector<1x1x16xf32>,
        %get3A_1118 = vector.shape_cast %get3A_1117 : vector<1x1x16xf32> to vector<16xf32>
        %add3A_1119 = arith.addf %add3A_1110, %get3A_1118 : vector<16xf32>
        %add3A_1120 = arith.constant 14 : i32
        %add3A_1121 = arith.addi %add3A_437, %add3A_1120 : i32
        %get3A_1122 = arith.constant 1 : i32
        %get3A_1123 = arith.index_cast %get3A_1122 : i32 to index
        %get3A_1124 = arith.index_cast %add3A_1121 : i32 to index
        %get3A_1125 = arith.constant 48 : index
        %get3A_1126 = tpu.vector_load %arg6[%get3A_1123, %get3A_1124, %get3A_1125] {strides = array<i32>} : memref<2x640x64xf32, #tpu.memory_space<vmem>>, vector<1x1x16xf32>,
        %get3A_1127 = vector.shape_cast %get3A_1126 : vector<1x1x16xf32> to vector<16xf32>
        %add3A_1128 = arith.addf %add3A_1119, %get3A_1127 : vector<16xf32>
        %add3A_1129 = arith.constant 15 : i32
        %add3A_1130 = arith.addi %add3A_437, %add3A_1129 : i32
        %get3A_1131 = arith.constant 1 : i32
        %get3A_1132 = arith.index_cast %get3A_1131 : i32 to index
        %get3A_1133 = arith.index_cast %add3A_1130 : i32 to index
        %get3A_1134 = arith.constant 48 : index
        %get3A_1135 = tpu.vector_load %arg6[%get3A_1132, %get3A_1133, %get3A_1134] {strides = array<i32>} : memref<2x640x64xf32, #tpu.memory_space<vmem>>, vector<1x1x16xf32>,
        %get3A_1136 = vector.shape_cast %get3A_1135 : vector<1x1x16xf32> to vector<16xf32>
        %add3A_1137 = arith.addf %add3A_1128, %get3A_1136 : vector<16xf32>
        %add3A_1138 = arith.constant 16 : i32
        %add3A_1139 = arith.addi %add3A_437, %add3A_1138 : i32
        %get3A_1140 = arith.constant 1 : i32
        %get3A_1141 = arith.index_cast %get3A_1140 : i32 to index
        %get3A_1142 = arith.index_cast %add3A_1139 : i32 to index
        %get3A_1143 = arith.constant 48 : index
        %get3A_1144 = tpu.vector_load %arg6[%get3A_1141, %get3A_1142, %get3A_1143] {strides = array<i32>} : memref<2x640x64xf32, #tpu.memory_space<vmem>>, vector<1x1x16xf32>,
        %get3A_1145 = vector.shape_cast %get3A_1144 : vector<1x1x16xf32> to vector<16xf32>
        %add3A_1146 = arith.addf %add3A_1137, %get3A_1145 : vector<16xf32>
        %add3A_1147 = arith.constant 17 : i32
        %add3A_1148 = arith.addi %add3A_437, %add3A_1147 : i32
        %get3A_1149 = arith.constant 1 : i32
        %get3A_1150 = arith.index_cast %get3A_1149 : i32 to index
        %get3A_1151 = arith.index_cast %add3A_1148 : i32 to index
        %get3A_1152 = arith.constant 48 : index
        %get3A_1153 = tpu.vector_load %arg6[%get3A_1150, %get3A_1151, %get3A_1152] {strides = array<i32>} : memref<2x640x64xf32, #tpu.memory_space<vmem>>, vector<1x1x16xf32>,
        %get3A_1154 = vector.shape_cast %get3A_1153 : vector<1x1x16xf32> to vector<16xf32>
        %add3A_1155 = arith.addf %add3A_1146, %get3A_1154 : vector<16xf32>
        %add3A_1156 = arith.constant 18 : i32
        %add3A_1157 = arith.addi %add3A_437, %add3A_1156 : i32
        %get3A_1158 = arith.constant 1 : i32
        %get3A_1159 = arith.index_cast %get3A_1158 : i32 to index
        %get3A_1160 = arith.index_cast %add3A_1157 : i32 to index
        %get3A_1161 = arith.constant 48 : index
        %get3A_1162 = tpu.vector_load %arg6[%get3A_1159, %get3A_1160, %get3A_1161] {strides = array<i32>} : memref<2x640x64xf32, #tpu.memory_space<vmem>>, vector<1x1x16xf32>,
        %get3A_1163 = vector.shape_cast %get3A_1162 : vector<1x1x16xf32> to vector<16xf32>
        %add3A_1164 = arith.addf %add3A_1155, %get3A_1163 : vector<16xf32>
        %add3A_1165 = arith.constant 19 : i32
        %add3A_1166 = arith.addi %add3A_437, %add3A_1165 : i32
        %get3A_1167 = arith.constant 1 : i32
        %get3A_1168 = arith.index_cast %get3A_1167 : i32 to index
        %get3A_1169 = arith.index_cast %add3A_1166 : i32 to index
        %get3A_1170 = arith.constant 48 : index
        %get3A_1171 = tpu.vector_load %arg6[%get3A_1168, %get3A_1169, %get3A_1170] {strides = array<i32>} : memref<2x640x64xf32, #tpu.memory_space<vmem>>, vector<1x1x16xf32>,
        %get3A_1172 = vector.shape_cast %get3A_1171 : vector<1x1x16xf32> to vector<16xf32>
        %add3A_1173 = arith.addf %add3A_1164, %get3A_1172 : vector<16xf32>
        %mul3A_1174 = arith.constant 5.000000e-02 : f32
        %mul3A_1175 = vector.broadcast %mul3A_1174 : f32 to vector<16xf32>
        %mul3A_1176 = arith.mulf %add3A_1173, %mul3A_1175 : vector<16xf32>
        %swap3A_1177 = arith.constant 1 : i32
        %swap3A_1178 = arith.index_cast %swap3A_1177 : i32 to index
        %swap3A_1179 = arith.index_cast %scan3A_431 : i32 to index
        %swap3A_1180 = arith.constant 48 : index
        %swap3A_1181 = tpu.vector_load %arg7[%swap3A_1178, %swap3A_1179, %swap3A_1180] {strides = array<i32>} : memref<2x16x128xf32, #tpu.memory_space<vmem>>, vector<1x1x16xf32>,
        %swap3A_1182 = vector.shape_cast %swap3A_1181 : vector<1x1x16xf32> to vector<16xf32>
        %swap3A_1183 = vector.shape_cast %mul3A_1176 : vector<16xf32> to vector<1x1x16xf32>
        tpu.vector_store %arg7[%swap3A_1178, %swap3A_1179, %swap3A_1180], %swap3A_1183 {strides = array<i32>} : memref<2x16x128xf32, #tpu.memory_space<vmem>>, vector<1x1x16xf32>,
        %mul3A_1184 = arith.constant 2 : i32
        %mul3A_1185 = arith.muli %scan3A_431, %mul3A_1184 : i32
        %mul3A_1186 = arith.constant 20 : i32
        %mul3A_1187 = arith.muli %mul3A_1185, %mul3A_1186 : i32
        %add3A_1188 = arith.constant 20 : i32
        %add3A_1189 = arith.addi %mul3A_1187, %add3A_1188 : i32
        %get3A_1190 = arith.constant 1 : i32
        %get3A_1191 = arith.index_cast %get3A_1190 : i32 to index
        %get3A_1192 = arith.index_cast %add3A_1189 : i32 to index
        %get3A_1193 = arith.constant 0 : index
        %get3A_1194 = tpu.vector_load %arg6[%get3A_1191, %get3A_1192, %get3A_1193] {strides = array<i32>} : memref<2x640x64xf32, #tpu.memory_space<vmem>>, vector<1x1x16xf32>,
        %get3A_1195 = vector.shape_cast %get3A_1194 : vector<1x1x16xf32> to vector<16xf32>
        %add3A_1196 = arith.constant 1 : i32
        %add3A_1197 = arith.addi %add3A_1189, %add3A_1196 : i32
        %get3A_1198 = arith.constant 1 : i32
        %get3A_1199 = arith.index_cast %get3A_1198 : i32 to index
        %get3A_1200 = arith.index_cast %add3A_1197 : i32 to index
        %get3A_1201 = arith.constant 0 : index
        %get3A_1202 = tpu.vector_load %arg6[%get3A_1199, %get3A_1200, %get3A_1201] {strides = array<i32>} : memref<2x640x64xf32, #tpu.memory_space<vmem>>, vector<1x1x16xf32>,
        %get3A_1203 = vector.shape_cast %get3A_1202 : vector<1x1x16xf32> to vector<16xf32>
        %add3A_1204 = arith.addf %get3A_1195, %get3A_1203 : vector<16xf32>
        %add3A_1205 = arith.constant 2 : i32
        %add3A_1206 = arith.addi %add3A_1189, %add3A_1205 : i32
        %get3A_1207 = arith.constant 1 : i32
        %get3A_1208 = arith.index_cast %get3A_1207 : i32 to index
        %get3A_1209 = arith.index_cast %add3A_1206 : i32 to index
        %get3A_1210 = arith.constant 0 : index
        %get3A_1211 = tpu.vector_load %arg6[%get3A_1208, %get3A_1209, %get3A_1210] {strides = array<i32>} : memref<2x640x64xf32, #tpu.memory_space<vmem>>, vector<1x1x16xf32>,
        %get3A_1212 = vector.shape_cast %get3A_1211 : vector<1x1x16xf32> to vector<16xf32>
        %add3A_1213 = arith.addf %add3A_1204, %get3A_1212 : vector<16xf32>
        %add3A_1214 = arith.constant 3 : i32
        %add3A_1215 = arith.addi %add3A_1189, %add3A_1214 : i32
        %get3A_1216 = arith.constant 1 : i32
        %get3A_1217 = arith.index_cast %get3A_1216 : i32 to index
        %get3A_1218 = arith.index_cast %add3A_1215 : i32 to index
        %get3A_1219 = arith.constant 0 : index
        %get3A_1220 = tpu.vector_load %arg6[%get3A_1217, %get3A_1218, %get3A_1219] {strides = array<i32>} : memref<2x640x64xf32, #tpu.memory_space<vmem>>, vector<1x1x16xf32>,
        %get3A_1221 = vector.shape_cast %get3A_1220 : vector<1x1x16xf32> to vector<16xf32>
        %add3A_1222 = arith.addf %add3A_1213, %get3A_1221 : vector<16xf32>
        %add3A_1223 = arith.constant 4 : i32
        %add3A_1224 = arith.addi %add3A_1189, %add3A_1223 : i32
        %get3A_1225 = arith.constant 1 : i32
        %get3A_1226 = arith.index_cast %get3A_1225 : i32 to index
        %get3A_1227 = arith.index_cast %add3A_1224 : i32 to index
        %get3A_1228 = arith.constant 0 : index
        %get3A_1229 = tpu.vector_load %arg6[%get3A_1226, %get3A_1227, %get3A_1228] {strides = array<i32>} : memref<2x640x64xf32, #tpu.memory_space<vmem>>, vector<1x1x16xf32>,
        %get3A_1230 = vector.shape_cast %get3A_1229 : vector<1x1x16xf32> to vector<16xf32>
        %add3A_1231 = arith.addf %add3A_1222, %get3A_1230 : vector<16xf32>
        %add3A_1232 = arith.constant 5 : i32
        %add3A_1233 = arith.addi %add3A_1189, %add3A_1232 : i32
        %get3A_1234 = arith.constant 1 : i32
        %get3A_1235 = arith.index_cast %get3A_1234 : i32 to index
        %get3A_1236 = arith.index_cast %add3A_1233 : i32 to index
        %get3A_1237 = arith.constant 0 : index
        %get3A_1238 = tpu.vector_load %arg6[%get3A_1235, %get3A_1236, %get3A_1237] {strides = array<i32>} : memref<2x640x64xf32, #tpu.memory_space<vmem>>, vector<1x1x16xf32>,
        %get3A_1239 = vector.shape_cast %get3A_1238 : vector<1x1x16xf32> to vector<16xf32>
        %add3A_1240 = arith.addf %add3A_1231, %get3A_1239 : vector<16xf32>
        %add3A_1241 = arith.constant 6 : i32
        %add3A_1242 = arith.addi %add3A_1189, %add3A_1241 : i32
        %get3A_1243 = arith.constant 1 : i32
        %get3A_1244 = arith.index_cast %get3A_1243 : i32 to index
        %get3A_1245 = arith.index_cast %add3A_1242 : i32 to index
        %get3A_1246 = arith.constant 0 : index
        %get3A_1247 = tpu.vector_load %arg6[%get3A_1244, %get3A_1245, %get3A_1246] {strides = array<i32>} : memref<2x640x64xf32, #tpu.memory_space<vmem>>, vector<1x1x16xf32>,
        %get3A_1248 = vector.shape_cast %get3A_1247 : vector<1x1x16xf32> to vector<16xf32>
        %add3A_1249 = arith.addf %add3A_1240, %get3A_1248 : vector<16xf32>
        %add3A_1250 = arith.constant 7 : i32
        %add3A_1251 = arith.addi %add3A_1189, %add3A_1250 : i32
        %get3A_1252 = arith.constant 1 : i32
        %get3A_1253 = arith.index_cast %get3A_1252 : i32 to index
        %get3A_1254 = arith.index_cast %add3A_1251 : i32 to index
        %get3A_1255 = arith.constant 0 : index
        %get3A_1256 = tpu.vector_load %arg6[%get3A_1253, %get3A_1254, %get3A_1255] {strides = array<i32>} : memref<2x640x64xf32, #tpu.memory_space<vmem>>, vector<1x1x16xf32>,
        %get3A_1257 = vector.shape_cast %get3A_1256 : vector<1x1x16xf32> to vector<16xf32>
        %add3A_1258 = arith.addf %add3A_1249, %get3A_1257 : vector<16xf32>
        %add3A_1259 = arith.constant 8 : i32
        %add3A_1260 = arith.addi %add3A_1189, %add3A_1259 : i32
        %get3A_1261 = arith.constant 1 : i32
        %get3A_1262 = arith.index_cast %get3A_1261 : i32 to index
        %get3A_1263 = arith.index_cast %add3A_1260 : i32 to index
        %get3A_1264 = arith.constant 0 : index
        %get3A_1265 = tpu.vector_load %arg6[%get3A_1262, %get3A_1263, %get3A_1264] {strides = array<i32>} : memref<2x640x64xf32, #tpu.memory_space<vmem>>, vector<1x1x16xf32>,
        %get3A_1266 = vector.shape_cast %get3A_1265 : vector<1x1x16xf32> to vector<16xf32>
        %add3A_1267 = arith.addf %add3A_1258, %get3A_1266 : vector<16xf32>
        %add3A_1268 = arith.constant 9 : i32
        %add3A_1269 = arith.addi %add3A_1189, %add3A_1268 : i32
        %get3A_1270 = arith.constant 1 : i32
        %get3A_1271 = arith.index_cast %get3A_1270 : i32 to index
        %get3A_1272 = arith.index_cast %add3A_1269 : i32 to index
        %get3A_1273 = arith.constant 0 : index
        %get3A_1274 = tpu.vector_load %arg6[%get3A_1271, %get3A_1272, %get3A_1273] {strides = array<i32>} : memref<2x640x64xf32, #tpu.memory_space<vmem>>, vector<1x1x16xf32>,
        %get3A_1275 = vector.shape_cast %get3A_1274 : vector<1x1x16xf32> to vector<16xf32>
        %add3A_1276 = arith.addf %add3A_1267, %get3A_1275 : vector<16xf32>
        %add3A_1277 = arith.constant 10 : i32
        %add3A_1278 = arith.addi %add3A_1189, %add3A_1277 : i32
        %get3A_1279 = arith.constant 1 : i32
        %get3A_1280 = arith.index_cast %get3A_1279 : i32 to index
        %get3A_1281 = arith.index_cast %add3A_1278 : i32 to index
        %get3A_1282 = arith.constant 0 : index
        %get3A_1283 = tpu.vector_load %arg6[%get3A_1280, %get3A_1281, %get3A_1282] {strides = array<i32>} : memref<2x640x64xf32, #tpu.memory_space<vmem>>, vector<1x1x16xf32>,
        %get3A_1284 = vector.shape_cast %get3A_1283 : vector<1x1x16xf32> to vector<16xf32>
        %add3A_1285 = arith.addf %add3A_1276, %get3A_1284 : vector<16xf32>
        %add3A_1286 = arith.constant 11 : i32
        %add3A_1287 = arith.addi %add3A_1189, %add3A_1286 : i32
        %get3A_1288 = arith.constant 1 : i32
        %get3A_1289 = arith.index_cast %get3A_1288 : i32 to index
        %get3A_1290 = arith.index_cast %add3A_1287 : i32 to index
        %get3A_1291 = arith.constant 0 : index
        %get3A_1292 = tpu.vector_load %arg6[%get3A_1289, %get3A_1290, %get3A_1291] {strides = array<i32>} : memref<2x640x64xf32, #tpu.memory_space<vmem>>, vector<1x1x16xf32>,
        %get3A_1293 = vector.shape_cast %get3A_1292 : vector<1x1x16xf32> to vector<16xf32>
        %add3A_1294 = arith.addf %add3A_1285, %get3A_1293 : vector<16xf32>
        %add3A_1295 = arith.constant 12 : i32
        %add3A_1296 = arith.addi %add3A_1189, %add3A_1295 : i32
        %get3A_1297 = arith.constant 1 : i32
        %get3A_1298 = arith.index_cast %get3A_1297 : i32 to index
        %get3A_1299 = arith.index_cast %add3A_1296 : i32 to index
        %get3A_1300 = arith.constant 0 : index
        %get3A_1301 = tpu.vector_load %arg6[%get3A_1298, %get3A_1299, %get3A_1300] {strides = array<i32>} : memref<2x640x64xf32, #tpu.memory_space<vmem>>, vector<1x1x16xf32>,
        %get3A_1302 = vector.shape_cast %get3A_1301 : vector<1x1x16xf32> to vector<16xf32>
        %add3A_1303 = arith.addf %add3A_1294, %get3A_1302 : vector<16xf32>
        %add3A_1304 = arith.constant 13 : i32
        %add3A_1305 = arith.addi %add3A_1189, %add3A_1304 : i32
        %get3A_1306 = arith.constant 1 : i32
        %get3A_1307 = arith.index_cast %get3A_1306 : i32 to index
        %get3A_1308 = arith.index_cast %add3A_1305 : i32 to index
        %get3A_1309 = arith.constant 0 : index
        %get3A_1310 = tpu.vector_load %arg6[%get3A_1307, %get3A_1308, %get3A_1309] {strides = array<i32>} : memref<2x640x64xf32, #tpu.memory_space<vmem>>, vector<1x1x16xf32>,
        %get3A_1311 = vector.shape_cast %get3A_1310 : vector<1x1x16xf32> to vector<16xf32>
        %add3A_1312 = arith.addf %add3A_1303, %get3A_1311 : vector<16xf32>
        %add3A_1313 = arith.constant 14 : i32
        %add3A_1314 = arith.addi %add3A_1189, %add3A_1313 : i32
        %get3A_1315 = arith.constant 1 : i32
        %get3A_1316 = arith.index_cast %get3A_1315 : i32 to index
        %get3A_1317 = arith.index_cast %add3A_1314 : i32 to index
        %get3A_1318 = arith.constant 0 : index
        %get3A_1319 = tpu.vector_load %arg6[%get3A_1316, %get3A_1317, %get3A_1318] {strides = array<i32>} : memref<2x640x64xf32, #tpu.memory_space<vmem>>, vector<1x1x16xf32>,
        %get3A_1320 = vector.shape_cast %get3A_1319 : vector<1x1x16xf32> to vector<16xf32>
        %add3A_1321 = arith.addf %add3A_1312, %get3A_1320 : vector<16xf32>
        %add3A_1322 = arith.constant 15 : i32
        %add3A_1323 = arith.addi %add3A_1189, %add3A_1322 : i32
        %get3A_1324 = arith.constant 1 : i32
        %get3A_1325 = arith.index_cast %get3A_1324 : i32 to index
        %get3A_1326 = arith.index_cast %add3A_1323 : i32 to index
        %get3A_1327 = arith.constant 0 : index
        %get3A_1328 = tpu.vector_load %arg6[%get3A_1325, %get3A_1326, %get3A_1327] {strides = array<i32>} : memref<2x640x64xf32, #tpu.memory_space<vmem>>, vector<1x1x16xf32>,
        %get3A_1329 = vector.shape_cast %get3A_1328 : vector<1x1x16xf32> to vector<16xf32>
        %add3A_1330 = arith.addf %add3A_1321, %get3A_1329 : vector<16xf32>
        %add3A_1331 = arith.constant 16 : i32
        %add3A_1332 = arith.addi %add3A_1189, %add3A_1331 : i32
        %get3A_1333 = arith.constant 1 : i32
        %get3A_1334 = arith.index_cast %get3A_1333 : i32 to index
        %get3A_1335 = arith.index_cast %add3A_1332 : i32 to index
        %get3A_1336 = arith.constant 0 : index
        %get3A_1337 = tpu.vector_load %arg6[%get3A_1334, %get3A_1335, %get3A_1336] {strides = array<i32>} : memref<2x640x64xf32, #tpu.memory_space<vmem>>, vector<1x1x16xf32>,
        %get3A_1338 = vector.shape_cast %get3A_1337 : vector<1x1x16xf32> to vector<16xf32>
        %add3A_1339 = arith.addf %add3A_1330, %get3A_1338 : vector<16xf32>
        %add3A_1340 = arith.constant 17 : i32
        %add3A_1341 = arith.addi %add3A_1189, %add3A_1340 : i32
        %get3A_1342 = arith.constant 1 : i32
        %get3A_1343 = arith.index_cast %get3A_1342 : i32 to index
        %get3A_1344 = arith.index_cast %add3A_1341 : i32 to index
        %get3A_1345 = arith.constant 0 : index
        %get3A_1346 = tpu.vector_load %arg6[%get3A_1343, %get3A_1344, %get3A_1345] {strides = array<i32>} : memref<2x640x64xf32, #tpu.memory_space<vmem>>, vector<1x1x16xf32>,
        %get3A_1347 = vector.shape_cast %get3A_1346 : vector<1x1x16xf32> to vector<16xf32>
        %add3A_1348 = arith.addf %add3A_1339, %get3A_1347 : vector<16xf32>
        %add3A_1349 = arith.constant 18 : i32
        %add3A_1350 = arith.addi %add3A_1189, %add3A_1349 : i32
        %get3A_1351 = arith.constant 1 : i32
        %get3A_1352 = arith.index_cast %get3A_1351 : i32 to index
        %get3A_1353 = arith.index_cast %add3A_1350 : i32 to index
        %get3A_1354 = arith.constant 0 : index
        %get3A_1355 = tpu.vector_load %arg6[%get3A_1352, %get3A_1353, %get3A_1354] {strides = array<i32>} : memref<2x640x64xf32, #tpu.memory_space<vmem>>, vector<1x1x16xf32>,
        %get3A_1356 = vector.shape_cast %get3A_1355 : vector<1x1x16xf32> to vector<16xf32>
        %add3A_1357 = arith.addf %add3A_1348, %get3A_1356 : vector<16xf32>
        %add3A_1358 = arith.constant 19 : i32
        %add3A_1359 = arith.addi %add3A_1189, %add3A_1358 : i32
        %get3A_1360 = arith.constant 1 : i32
        %get3A_1361 = arith.index_cast %get3A_1360 : i32 to index
        %get3A_1362 = arith.index_cast %add3A_1359 : i32 to index
        %get3A_1363 = arith.constant 0 : index
        %get3A_1364 = tpu.vector_load %arg6[%get3A_1361, %get3A_1362, %get3A_1363] {strides = array<i32>} : memref<2x640x64xf32, #tpu.memory_space<vmem>>, vector<1x1x16xf32>,
        %get3A_1365 = vector.shape_cast %get3A_1364 : vector<1x1x16xf32> to vector<16xf32>
        %add3A_1366 = arith.addf %add3A_1357, %get3A_1365 : vector<16xf32>
        %mul3A_1367 = arith.constant 5.000000e-02 : f32
        %mul3A_1368 = vector.broadcast %mul3A_1367 : f32 to vector<16xf32>
        %mul3A_1369 = arith.mulf %add3A_1366, %mul3A_1368 : vector<16xf32>
        %swap3A_1370 = arith.constant 1 : i32
        %swap3A_1371 = arith.index_cast %swap3A_1370 : i32 to index
        %swap3A_1372 = arith.index_cast %scan3A_431 : i32 to index
        %swap3A_1373 = arith.constant 64 : index
        %swap3A_1374 = tpu.vector_load %arg7[%swap3A_1371, %swap3A_1372, %swap3A_1373] {strides = array<i32>} : memref<2x16x128xf32, #tpu.memory_space<vmem>>, vector<1x1x16xf32>,
        %swap3A_1375 = vector.shape_cast %swap3A_1374 : vector<1x1x16xf32> to vector<16xf32>
        %swap3A_1376 = vector.shape_cast %mul3A_1369 : vector<16xf32> to vector<1x1x16xf32>
        tpu.vector_store %arg7[%swap3A_1371, %swap3A_1372, %swap3A_1373], %swap3A_1376 {strides = array<i32>} : memref<2x16x128xf32, #tpu.memory_space<vmem>>, vector<1x1x16xf32>,
        %get3A_1377 = arith.constant 1 : i32
        %get3A_1378 = arith.index_cast %get3A_1377 : i32 to index
        %get3A_1379 = arith.index_cast %add3A_1189 : i32 to index
        %get3A_1380 = arith.constant 16 : index
        %get3A_1381 = tpu.vector_load %arg6[%get3A_1378, %get3A_1379, %get3A_1380] {strides = array<i32>} : memref<2x640x64xf32, #tpu.memory_space<vmem>>, vector<1x1x16xf32>,
        %get3A_1382 = vector.shape_cast %get3A_1381 : vector<1x1x16xf32> to vector<16xf32>
        %add3A_1383 = arith.constant 1 : i32
        %add3A_1384 = arith.addi %add3A_1189, %add3A_1383 : i32
        %get3A_1385 = arith.constant 1 : i32
        %get3A_1386 = arith.index_cast %get3A_1385 : i32 to index
        %get3A_1387 = arith.index_cast %add3A_1384 : i32 to index
        %get3A_1388 = arith.constant 16 : index
        %get3A_1389 = tpu.vector_load %arg6[%get3A_1386, %get3A_1387, %get3A_1388] {strides = array<i32>} : memref<2x640x64xf32, #tpu.memory_space<vmem>>, vector<1x1x16xf32>,
        %get3A_1390 = vector.shape_cast %get3A_1389 : vector<1x1x16xf32> to vector<16xf32>
        %add3A_1391 = arith.addf %get3A_1382, %get3A_1390 : vector<16xf32>
        %add3A_1392 = arith.constant 2 : i32
        %add3A_1393 = arith.addi %add3A_1189, %add3A_1392 : i32
        %get3A_1394 = arith.constant 1 : i32
        %get3A_1395 = arith.index_cast %get3A_1394 : i32 to index
        %get3A_1396 = arith.index_cast %add3A_1393 : i32 to index
        %get3A_1397 = arith.constant 16 : index
        %get3A_1398 = tpu.vector_load %arg6[%get3A_1395, %get3A_1396, %get3A_1397] {strides = array<i32>} : memref<2x640x64xf32, #tpu.memory_space<vmem>>, vector<1x1x16xf32>,
        %get3A_1399 = vector.shape_cast %get3A_1398 : vector<1x1x16xf32> to vector<16xf32>
        %add3A_1400 = arith.addf %add3A_1391, %get3A_1399 : vector<16xf32>
        %add3A_1401 = arith.constant 3 : i32
        %add3A_1402 = arith.addi %add3A_1189, %add3A_1401 : i32
        %get3A_1403 = arith.constant 1 : i32
        %get3A_1404 = arith.index_cast %get3A_1403 : i32 to index
        %get3A_1405 = arith.index_cast %add3A_1402 : i32 to index
        %get3A_1406 = arith.constant 16 : index
        %get3A_1407 = tpu.vector_load %arg6[%get3A_1404, %get3A_1405, %get3A_1406] {strides = array<i32>} : memref<2x640x64xf32, #tpu.memory_space<vmem>>, vector<1x1x16xf32>,
        %get3A_1408 = vector.shape_cast %get3A_1407 : vector<1x1x16xf32> to vector<16xf32>
        %add3A_1409 = arith.addf %add3A_1400, %get3A_1408 : vector<16xf32>
        %add3A_1410 = arith.constant 4 : i32
        %add3A_1411 = arith.addi %add3A_1189, %add3A_1410 : i32
        %get3A_1412 = arith.constant 1 : i32
        %get3A_1413 = arith.index_cast %get3A_1412 : i32 to index
        %get3A_1414 = arith.index_cast %add3A_1411 : i32 to index
        %get3A_1415 = arith.constant 16 : index
        %get3A_1416 = tpu.vector_load %arg6[%get3A_1413, %get3A_1414, %get3A_1415] {strides = array<i32>} : memref<2x640x64xf32, #tpu.memory_space<vmem>>, vector<1x1x16xf32>,
        %get3A_1417 = vector.shape_cast %get3A_1416 : vector<1x1x16xf32> to vector<16xf32>
        %add3A_1418 = arith.addf %add3A_1409, %get3A_1417 : vector<16xf32>
        %add3A_1419 = arith.constant 5 : i32
        %add3A_1420 = arith.addi %add3A_1189, %add3A_1419 : i32
        %get3A_1421 = arith.constant 1 : i32
        %get3A_1422 = arith.index_cast %get3A_1421 : i32 to index
        %get3A_1423 = arith.index_cast %add3A_1420 : i32 to index
        %get3A_1424 = arith.constant 16 : index
        %get3A_1425 = tpu.vector_load %arg6[%get3A_1422, %get3A_1423, %get3A_1424] {strides = array<i32>} : memref<2x640x64xf32, #tpu.memory_space<vmem>>, vector<1x1x16xf32>,
        %get3A_1426 = vector.shape_cast %get3A_1425 : vector<1x1x16xf32> to vector<16xf32>
        %add3A_1427 = arith.addf %add3A_1418, %get3A_1426 : vector<16xf32>
        %add3A_1428 = arith.constant 6 : i32
        %add3A_1429 = arith.addi %add3A_1189, %add3A_1428 : i32
        %get3A_1430 = arith.constant 1 : i32
        %get3A_1431 = arith.index_cast %get3A_1430 : i32 to index
        %get3A_1432 = arith.index_cast %add3A_1429 : i32 to index
        %get3A_1433 = arith.constant 16 : index
        %get3A_1434 = tpu.vector_load %arg6[%get3A_1431, %get3A_1432, %get3A_1433] {strides = array<i32>} : memref<2x640x64xf32, #tpu.memory_space<vmem>>, vector<1x1x16xf32>,
        %get3A_1435 = vector.shape_cast %get3A_1434 : vector<1x1x16xf32> to vector<16xf32>
        %add3A_1436 = arith.addf %add3A_1427, %get3A_1435 : vector<16xf32>
        %add3A_1437 = arith.constant 7 : i32
        %add3A_1438 = arith.addi %add3A_1189, %add3A_1437 : i32
        %get3A_1439 = arith.constant 1 : i32
        %get3A_1440 = arith.index_cast %get3A_1439 : i32 to index
        %get3A_1441 = arith.index_cast %add3A_1438 : i32 to index
        %get3A_1442 = arith.constant 16 : index
        %get3A_1443 = tpu.vector_load %arg6[%get3A_1440, %get3A_1441, %get3A_1442] {strides = array<i32>} : memref<2x640x64xf32, #tpu.memory_space<vmem>>, vector<1x1x16xf32>,
        %get3A_1444 = vector.shape_cast %get3A_1443 : vector<1x1x16xf32> to vector<16xf32>
        %add3A_1445 = arith.addf %add3A_1436, %get3A_1444 : vector<16xf32>
        %add3A_1446 = arith.constant 8 : i32
        %add3A_1447 = arith.addi %add3A_1189, %add3A_1446 : i32
        %get3A_1448 = arith.constant 1 : i32
        %get3A_1449 = arith.index_cast %get3A_1448 : i32 to index
        %get3A_1450 = arith.index_cast %add3A_1447 : i32 to index
        %get3A_1451 = arith.constant 16 : index
        %get3A_1452 = tpu.vector_load %arg6[%get3A_1449, %get3A_1450, %get3A_1451] {strides = array<i32>} : memref<2x640x64xf32, #tpu.memory_space<vmem>>, vector<1x1x16xf32>,
        %get3A_1453 = vector.shape_cast %get3A_1452 : vector<1x1x16xf32> to vector<16xf32>
        %add3A_1454 = arith.addf %add3A_1445, %get3A_1453 : vector<16xf32>
        %add3A_1455 = arith.constant 9 : i32
        %add3A_1456 = arith.addi %add3A_1189, %add3A_1455 : i32
        %get3A_1457 = arith.constant 1 : i32
        %get3A_1458 = arith.index_cast %get3A_1457 : i32 to index
        %get3A_1459 = arith.index_cast %add3A_1456 : i32 to index
        %get3A_1460 = arith.constant 16 : index
        %get3A_1461 = tpu.vector_load %arg6[%get3A_1458, %get3A_1459, %get3A_1460] {strides = array<i32>} : memref<2x640x64xf32, #tpu.memory_space<vmem>>, vector<1x1x16xf32>,
        %get3A_1462 = vector.shape_cast %get3A_1461 : vector<1x1x16xf32> to vector<16xf32>
        %add3A_1463 = arith.addf %add3A_1454, %get3A_1462 : vector<16xf32>
        %add3A_1464 = arith.constant 10 : i32
        %add3A_1465 = arith.addi %add3A_1189, %add3A_1464 : i32
        %get3A_1466 = arith.constant 1 : i32
        %get3A_1467 = arith.index_cast %get3A_1466 : i32 to index
        %get3A_1468 = arith.index_cast %add3A_1465 : i32 to index
        %get3A_1469 = arith.constant 16 : index
        %get3A_1470 = tpu.vector_load %arg6[%get3A_1467, %get3A_1468, %get3A_1469] {strides = array<i32>} : memref<2x640x64xf32, #tpu.memory_space<vmem>>, vector<1x1x16xf32>,
        %get3A_1471 = vector.shape_cast %get3A_1470 : vector<1x1x16xf32> to vector<16xf32>
        %add3A_1472 = arith.addf %add3A_1463, %get3A_1471 : vector<16xf32>
        %add3A_1473 = arith.constant 11 : i32
        %add3A_1474 = arith.addi %add3A_1189, %add3A_1473 : i32
        %get3A_1475 = arith.constant 1 : i32
        %get3A_1476 = arith.index_cast %get3A_1475 : i32 to index
        %get3A_1477 = arith.index_cast %add3A_1474 : i32 to index
        %get3A_1478 = arith.constant 16 : index
        %get3A_1479 = tpu.vector_load %arg6[%get3A_1476, %get3A_1477, %get3A_1478] {strides = array<i32>} : memref<2x640x64xf32, #tpu.memory_space<vmem>>, vector<1x1x16xf32>,
        %get3A_1480 = vector.shape_cast %get3A_1479 : vector<1x1x16xf32> to vector<16xf32>
        %add3A_1481 = arith.addf %add3A_1472, %get3A_1480 : vector<16xf32>
        %add3A_1482 = arith.constant 12 : i32
        %add3A_1483 = arith.addi %add3A_1189, %add3A_1482 : i32
        %get3A_1484 = arith.constant 1 : i32
        %get3A_1485 = arith.index_cast %get3A_1484 : i32 to index
        %get3A_1486 = arith.index_cast %add3A_1483 : i32 to index
        %get3A_1487 = arith.constant 16 : index
        %get3A_1488 = tpu.vector_load %arg6[%get3A_1485, %get3A_1486, %get3A_1487] {strides = array<i32>} : memref<2x640x64xf32, #tpu.memory_space<vmem>>, vector<1x1x16xf32>,
        %get3A_1489 = vector.shape_cast %get3A_1488 : vector<1x1x16xf32> to vector<16xf32>
        %add3A_1490 = arith.addf %add3A_1481, %get3A_1489 : vector<16xf32>
        %add3A_1491 = arith.constant 13 : i32
        %add3A_1492 = arith.addi %add3A_1189, %add3A_1491 : i32
        %get3A_1493 = arith.constant 1 : i32
        %get3A_1494 = arith.index_cast %get3A_1493 : i32 to index
        %get3A_1495 = arith.index_cast %add3A_1492 : i32 to index
        %get3A_1496 = arith.constant 16 : index
        %get3A_1497 = tpu.vector_load %arg6[%get3A_1494, %get3A_1495, %get3A_1496] {strides = array<i32>} : memref<2x640x64xf32, #tpu.memory_space<vmem>>, vector<1x1x16xf32>,
        %get3A_1498 = vector.shape_cast %get3A_1497 : vector<1x1x16xf32> to vector<16xf32>
        %add3A_1499 = arith.addf %add3A_1490, %get3A_1498 : vector<16xf32>
        %add3A_1500 = arith.constant 14 : i32
        %add3A_1501 = arith.addi %add3A_1189, %add3A_1500 : i32
        %get3A_1502 = arith.constant 1 : i32
        %get3A_1503 = arith.index_cast %get3A_1502 : i32 to index
        %get3A_1504 = arith.index_cast %add3A_1501 : i32 to index
        %get3A_1505 = arith.constant 16 : index
        %get3A_1506 = tpu.vector_load %arg6[%get3A_1503, %get3A_1504, %get3A_1505] {strides = array<i32>} : memref<2x640x64xf32, #tpu.memory_space<vmem>>, vector<1x1x16xf32>,
        %get3A_1507 = vector.shape_cast %get3A_1506 : vector<1x1x16xf32> to vector<16xf32>
        %add3A_1508 = arith.addf %add3A_1499, %get3A_1507 : vector<16xf32>
        %add3A_1509 = arith.constant 15 : i32
        %add3A_1510 = arith.addi %add3A_1189, %add3A_1509 : i32
        %get3A_1511 = arith.constant 1 : i32
        %get3A_1512 = arith.index_cast %get3A_1511 : i32 to index
        %get3A_1513 = arith.index_cast %add3A_1510 : i32 to index
        %get3A_1514 = arith.constant 16 : index
        %get3A_1515 = tpu.vector_load %arg6[%get3A_1512, %get3A_1513, %get3A_1514] {strides = array<i32>} : memref<2x640x64xf32, #tpu.memory_space<vmem>>, vector<1x1x16xf32>,
        %get3A_1516 = vector.shape_cast %get3A_1515 : vector<1x1x16xf32> to vector<16xf32>
        %add3A_1517 = arith.addf %add3A_1508, %get3A_1516 : vector<16xf32>
        %add3A_1518 = arith.constant 16 : i32
        %add3A_1519 = arith.addi %add3A_1189, %add3A_1518 : i32
        %get3A_1520 = arith.constant 1 : i32
        %get3A_1521 = arith.index_cast %get3A_1520 : i32 to index
        %get3A_1522 = arith.index_cast %add3A_1519 : i32 to index
        %get3A_1523 = arith.constant 16 : index
        %get3A_1524 = tpu.vector_load %arg6[%get3A_1521, %get3A_1522, %get3A_1523] {strides = array<i32>} : memref<2x640x64xf32, #tpu.memory_space<vmem>>, vector<1x1x16xf32>,
        %get3A_1525 = vector.shape_cast %get3A_1524 : vector<1x1x16xf32> to vector<16xf32>
        %add3A_1526 = arith.addf %add3A_1517, %get3A_1525 : vector<16xf32>
        %add3A_1527 = arith.constant 17 : i32
        %add3A_1528 = arith.addi %add3A_1189, %add3A_1527 : i32
        %get3A_1529 = arith.constant 1 : i32
        %get3A_1530 = arith.index_cast %get3A_1529 : i32 to index
        %get3A_1531 = arith.index_cast %add3A_1528 : i32 to index
        %get3A_1532 = arith.constant 16 : index
        %get3A_1533 = tpu.vector_load %arg6[%get3A_1530, %get3A_1531, %get3A_1532] {strides = array<i32>} : memref<2x640x64xf32, #tpu.memory_space<vmem>>, vector<1x1x16xf32>,
        %get3A_1534 = vector.shape_cast %get3A_1533 : vector<1x1x16xf32> to vector<16xf32>
        %add3A_1535 = arith.addf %add3A_1526, %get3A_1534 : vector<16xf32>
        %add3A_1536 = arith.constant 18 : i32
        %add3A_1537 = arith.addi %add3A_1189, %add3A_1536 : i32
        %get3A_1538 = arith.constant 1 : i32
        %get3A_1539 = arith.index_cast %get3A_1538 : i32 to index
        %get3A_1540 = arith.index_cast %add3A_1537 : i32 to index
        %get3A_1541 = arith.constant 16 : index
        %get3A_1542 = tpu.vector_load %arg6[%get3A_1539, %get3A_1540, %get3A_1541] {strides = array<i32>} : memref<2x640x64xf32, #tpu.memory_space<vmem>>, vector<1x1x16xf32>,
        %get3A_1543 = vector.shape_cast %get3A_1542 : vector<1x1x16xf32> to vector<16xf32>
        %add3A_1544 = arith.addf %add3A_1535, %get3A_1543 : vector<16xf32>
        %add3A_1545 = arith.constant 19 : i32
        %add3A_1546 = arith.addi %add3A_1189, %add3A_1545 : i32
        %get3A_1547 = arith.constant 1 : i32
        %get3A_1548 = arith.index_cast %get3A_1547 : i32 to index
        %get3A_1549 = arith.index_cast %add3A_1546 : i32 to index
        %get3A_1550 = arith.constant 16 : index
        %get3A_1551 = tpu.vector_load %arg6[%get3A_1548, %get3A_1549, %get3A_1550] {strides = array<i32>} : memref<2x640x64xf32, #tpu.memory_space<vmem>>, vector<1x1x16xf32>,
        %get3A_1552 = vector.shape_cast %get3A_1551 : vector<1x1x16xf32> to vector<16xf32>
        %add3A_1553 = arith.addf %add3A_1544, %get3A_1552 : vector<16xf32>
        %mul3A_1554 = arith.constant 5.000000e-02 : f32
        %mul3A_1555 = vector.broadcast %mul3A_1554 : f32 to vector<16xf32>
        %mul3A_1556 = arith.mulf %add3A_1553, %mul3A_1555 : vector<16xf32>
        %swap3A_1557 = arith.constant 1 : i32
        %swap3A_1558 = arith.index_cast %swap3A_1557 : i32 to index
        %swap3A_1559 = arith.index_cast %scan3A_431 : i32 to index
        %swap3A_1560 = arith.constant 80 : index
        %swap3A_1561 = tpu.vector_load %arg7[%swap3A_1558, %swap3A_1559, %swap3A_1560] {strides = array<i32>} : memref<2x16x128xf32, #tpu.memory_space<vmem>>, vector<1x1x16xf32>,
        %swap3A_1562 = vector.shape_cast %swap3A_1561 : vector<1x1x16xf32> to vector<16xf32>
        %swap3A_1563 = vector.shape_cast %mul3A_1556 : vector<16xf32> to vector<1x1x16xf32>
        tpu.vector_store %arg7[%swap3A_1558, %swap3A_1559, %swap3A_1560], %swap3A_1563 {strides = array<i32>} : memref<2x16x128xf32, #tpu.memory_space<vmem>>, vector<1x1x16xf32>,
        %get3A_1564 = arith.constant 1 : i32
        %get3A_1565 = arith.index_cast %get3A_1564 : i32 to index
        %get3A_1566 = arith.index_cast %add3A_1189 : i32 to index
        %get3A_1567 = arith.constant 32 : index
        %get3A_1568 = tpu.vector_load %arg6[%get3A_1565, %get3A_1566, %get3A_1567] {strides = array<i32>} : memref<2x640x64xf32, #tpu.memory_space<vmem>>, vector<1x1x16xf32>,
        %get3A_1569 = vector.shape_cast %get3A_1568 : vector<1x1x16xf32> to vector<16xf32>
        %add3A_1570 = arith.constant 1 : i32
        %add3A_1571 = arith.addi %add3A_1189, %add3A_1570 : i32
        %get3A_1572 = arith.constant 1 : i32
        %get3A_1573 = arith.index_cast %get3A_1572 : i32 to index
        %get3A_1574 = arith.index_cast %add3A_1571 : i32 to index
        %get3A_1575 = arith.constant 32 : index
        %get3A_1576 = tpu.vector_load %arg6[%get3A_1573, %get3A_1574, %get3A_1575] {strides = array<i32>} : memref<2x640x64xf32, #tpu.memory_space<vmem>>, vector<1x1x16xf32>,
        %get3A_1577 = vector.shape_cast %get3A_1576 : vector<1x1x16xf32> to vector<16xf32>
        %add3A_1578 = arith.addf %get3A_1569, %get3A_1577 : vector<16xf32>
        %add3A_1579 = arith.constant 2 : i32
        %add3A_1580 = arith.addi %add3A_1189, %add3A_1579 : i32
        %get3A_1581 = arith.constant 1 : i32
        %get3A_1582 = arith.index_cast %get3A_1581 : i32 to index
        %get3A_1583 = arith.index_cast %add3A_1580 : i32 to index
        %get3A_1584 = arith.constant 32 : index
        %get3A_1585 = tpu.vector_load %arg6[%get3A_1582, %get3A_1583, %get3A_1584] {strides = array<i32>} : memref<2x640x64xf32, #tpu.memory_space<vmem>>, vector<1x1x16xf32>,
        %get3A_1586 = vector.shape_cast %get3A_1585 : vector<1x1x16xf32> to vector<16xf32>
        %add3A_1587 = arith.addf %add3A_1578, %get3A_1586 : vector<16xf32>
        %add3A_1588 = arith.constant 3 : i32
        %add3A_1589 = arith.addi %add3A_1189, %add3A_1588 : i32
        %get3A_1590 = arith.constant 1 : i32
        %get3A_1591 = arith.index_cast %get3A_1590 : i32 to index
        %get3A_1592 = arith.index_cast %add3A_1589 : i32 to index
        %get3A_1593 = arith.constant 32 : index
        %get3A_1594 = tpu.vector_load %arg6[%get3A_1591, %get3A_1592, %get3A_1593] {strides = array<i32>} : memref<2x640x64xf32, #tpu.memory_space<vmem>>, vector<1x1x16xf32>,
        %get3A_1595 = vector.shape_cast %get3A_1594 : vector<1x1x16xf32> to vector<16xf32>
        %add3A_1596 = arith.addf %add3A_1587, %get3A_1595 : vector<16xf32>
        %add3A_1597 = arith.constant 4 : i32
        %add3A_1598 = arith.addi %add3A_1189, %add3A_1597 : i32
        %get3A_1599 = arith.constant 1 : i32
        %get3A_1600 = arith.index_cast %get3A_1599 : i32 to index
        %get3A_1601 = arith.index_cast %add3A_1598 : i32 to index
        %get3A_1602 = arith.constant 32 : index
        %get3A_1603 = tpu.vector_load %arg6[%get3A_1600, %get3A_1601, %get3A_1602] {strides = array<i32>} : memref<2x640x64xf32, #tpu.memory_space<vmem>>, vector<1x1x16xf32>,
        %get3A_1604 = vector.shape_cast %get3A_1603 : vector<1x1x16xf32> to vector<16xf32>
        %add3A_1605 = arith.addf %add3A_1596, %get3A_1604 : vector<16xf32>
        %add3A_1606 = arith.constant 5 : i32
        %add3A_1607 = arith.addi %add3A_1189, %add3A_1606 : i32
        %get3A_1608 = arith.constant 1 : i32
        %get3A_1609 = arith.index_cast %get3A_1608 : i32 to index
        %get3A_1610 = arith.index_cast %add3A_1607 : i32 to index
        %get3A_1611 = arith.constant 32 : index
        %get3A_1612 = tpu.vector_load %arg6[%get3A_1609, %get3A_1610, %get3A_1611] {strides = array<i32>} : memref<2x640x64xf32, #tpu.memory_space<vmem>>, vector<1x1x16xf32>,
        %get3A_1613 = vector.shape_cast %get3A_1612 : vector<1x1x16xf32> to vector<16xf32>
        %add3A_1614 = arith.addf %add3A_1605, %get3A_1613 : vector<16xf32>
        %add3A_1615 = arith.constant 6 : i32
        %add3A_1616 = arith.addi %add3A_1189, %add3A_1615 : i32
        %get3A_1617 = arith.constant 1 : i32
        %get3A_1618 = arith.index_cast %get3A_1617 : i32 to index
        %get3A_1619 = arith.index_cast %add3A_1616 : i32 to index
        %get3A_1620 = arith.constant 32 : index
        %get3A_1621 = tpu.vector_load %arg6[%get3A_1618, %get3A_1619, %get3A_1620] {strides = array<i32>} : memref<2x640x64xf32, #tpu.memory_space<vmem>>, vector<1x1x16xf32>,
        %get3A_1622 = vector.shape_cast %get3A_1621 : vector<1x1x16xf32> to vector<16xf32>
        %add3A_1623 = arith.addf %add3A_1614, %get3A_1622 : vector<16xf32>
        %add3A_1624 = arith.constant 7 : i32
        %add3A_1625 = arith.addi %add3A_1189, %add3A_1624 : i32
        %get3A_1626 = arith.constant 1 : i32
        %get3A_1627 = arith.index_cast %get3A_1626 : i32 to index
        %get3A_1628 = arith.index_cast %add3A_1625 : i32 to index
        %get3A_1629 = arith.constant 32 : index
        %get3A_1630 = tpu.vector_load %arg6[%get3A_1627, %get3A_1628, %get3A_1629] {strides = array<i32>} : memref<2x640x64xf32, #tpu.memory_space<vmem>>, vector<1x1x16xf32>,
        %get3A_1631 = vector.shape_cast %get3A_1630 : vector<1x1x16xf32> to vector<16xf32>
        %add3A_1632 = arith.addf %add3A_1623, %get3A_1631 : vector<16xf32>
        %add3A_1633 = arith.constant 8 : i32
        %add3A_1634 = arith.addi %add3A_1189, %add3A_1633 : i32
        %get3A_1635 = arith.constant 1 : i32
        %get3A_1636 = arith.index_cast %get3A_1635 : i32 to index
        %get3A_1637 = arith.index_cast %add3A_1634 : i32 to index
        %get3A_1638 = arith.constant 32 : index
        %get3A_1639 = tpu.vector_load %arg6[%get3A_1636, %get3A_1637, %get3A_1638] {strides = array<i32>} : memref<2x640x64xf32, #tpu.memory_space<vmem>>, vector<1x1x16xf32>,
        %get3A_1640 = vector.shape_cast %get3A_1639 : vector<1x1x16xf32> to vector<16xf32>
        %add3A_1641 = arith.addf %add3A_1632, %get3A_1640 : vector<16xf32>
        %add3A_1642 = arith.constant 9 : i32
        %add3A_1643 = arith.addi %add3A_1189, %add3A_1642 : i32
        %get3A_1644 = arith.constant 1 : i32
        %get3A_1645 = arith.index_cast %get3A_1644 : i32 to index
        %get3A_1646 = arith.index_cast %add3A_1643 : i32 to index
        %get3A_1647 = arith.constant 32 : index
        %get3A_1648 = tpu.vector_load %arg6[%get3A_1645, %get3A_1646, %get3A_1647] {strides = array<i32>} : memref<2x640x64xf32, #tpu.memory_space<vmem>>, vector<1x1x16xf32>,
        %get3A_1649 = vector.shape_cast %get3A_1648 : vector<1x1x16xf32> to vector<16xf32>
        %add3A_1650 = arith.addf %add3A_1641, %get3A_1649 : vector<16xf32>
        %add3A_1651 = arith.constant 10 : i32
        %add3A_1652 = arith.addi %add3A_1189, %add3A_1651 : i32
        %get3A_1653 = arith.constant 1 : i32
        %get3A_1654 = arith.index_cast %get3A_1653 : i32 to index
        %get3A_1655 = arith.index_cast %add3A_1652 : i32 to index
        %get3A_1656 = arith.constant 32 : index
        %get3A_1657 = tpu.vector_load %arg6[%get3A_1654, %get3A_1655, %get3A_1656] {strides = array<i32>} : memref<2x640x64xf32, #tpu.memory_space<vmem>>, vector<1x1x16xf32>,
        %get3A_1658 = vector.shape_cast %get3A_1657 : vector<1x1x16xf32> to vector<16xf32>
        %add3A_1659 = arith.addf %add3A_1650, %get3A_1658 : vector<16xf32>
        %add3A_1660 = arith.constant 11 : i32
        %add3A_1661 = arith.addi %add3A_1189, %add3A_1660 : i32
        %get3A_1662 = arith.constant 1 : i32
        %get3A_1663 = arith.index_cast %get3A_1662 : i32 to index
        %get3A_1664 = arith.index_cast %add3A_1661 : i32 to index
        %get3A_1665 = arith.constant 32 : index
        %get3A_1666 = tpu.vector_load %arg6[%get3A_1663, %get3A_1664, %get3A_1665] {strides = array<i32>} : memref<2x640x64xf32, #tpu.memory_space<vmem>>, vector<1x1x16xf32>,
        %get3A_1667 = vector.shape_cast %get3A_1666 : vector<1x1x16xf32> to vector<16xf32>
        %add3A_1668 = arith.addf %add3A_1659, %get3A_1667 : vector<16xf32>
        %add3A_1669 = arith.constant 12 : i32
        %add3A_1670 = arith.addi %add3A_1189, %add3A_1669 : i32
        %get3A_1671 = arith.constant 1 : i32
        %get3A_1672 = arith.index_cast %get3A_1671 : i32 to index
        %get3A_1673 = arith.index_cast %add3A_1670 : i32 to index
        %get3A_1674 = arith.constant 32 : index
        %get3A_1675 = tpu.vector_load %arg6[%get3A_1672, %get3A_1673, %get3A_1674] {strides = array<i32>} : memref<2x640x64xf32, #tpu.memory_space<vmem>>, vector<1x1x16xf32>,
        %get3A_1676 = vector.shape_cast %get3A_1675 : vector<1x1x16xf32> to vector<16xf32>
        %add3A_1677 = arith.addf %add3A_1668, %get3A_1676 : vector<16xf32>
        %add3A_1678 = arith.constant 13 : i32
        %add3A_1679 = arith.addi %add3A_1189, %add3A_1678 : i32
        %get3A_1680 = arith.constant 1 : i32
        %get3A_1681 = arith.index_cast %get3A_1680 : i32 to index
        %get3A_1682 = arith.index_cast %add3A_1679 : i32 to index
        %get3A_1683 = arith.constant 32 : index
        %get3A_1684 = tpu.vector_load %arg6[%get3A_1681, %get3A_1682, %get3A_1683] {strides = array<i32>} : memref<2x640x64xf32, #tpu.memory_space<vmem>>, vector<1x1x16xf32>,
        %get3A_1685 = vector.shape_cast %get3A_1684 : vector<1x1x16xf32> to vector<16xf32>
        %add3A_1686 = arith.addf %add3A_1677, %get3A_1685 : vector<16xf32>
        %add3A_1687 = arith.constant 14 : i32
        %add3A_1688 = arith.addi %add3A_1189, %add3A_1687 : i32
        %get3A_1689 = arith.constant 1 : i32
        %get3A_1690 = arith.index_cast %get3A_1689 : i32 to index
        %get3A_1691 = arith.index_cast %add3A_1688 : i32 to index
        %get3A_1692 = arith.constant 32 : index
        %get3A_1693 = tpu.vector_load %arg6[%get3A_1690, %get3A_1691, %get3A_1692] {strides = array<i32>} : memref<2x640x64xf32, #tpu.memory_space<vmem>>, vector<1x1x16xf32>,
        %get3A_1694 = vector.shape_cast %get3A_1693 : vector<1x1x16xf32> to vector<16xf32>
        %add3A_1695 = arith.addf %add3A_1686, %get3A_1694 : vector<16xf32>
        %add3A_1696 = arith.constant 15 : i32
        %add3A_1697 = arith.addi %add3A_1189, %add3A_1696 : i32
        %get3A_1698 = arith.constant 1 : i32
        %get3A_1699 = arith.index_cast %get3A_1698 : i32 to index
        %get3A_1700 = arith.index_cast %add3A_1697 : i32 to index
        %get3A_1701 = arith.constant 32 : index
        %get3A_1702 = tpu.vector_load %arg6[%get3A_1699, %get3A_1700, %get3A_1701] {strides = array<i32>} : memref<2x640x64xf32, #tpu.memory_space<vmem>>, vector<1x1x16xf32>,
        %get3A_1703 = vector.shape_cast %get3A_1702 : vector<1x1x16xf32> to vector<16xf32>
        %add3A_1704 = arith.addf %add3A_1695, %get3A_1703 : vector<16xf32>
        %add3A_1705 = arith.constant 16 : i32
        %add3A_1706 = arith.addi %add3A_1189, %add3A_1705 : i32
        %get3A_1707 = arith.constant 1 : i32
        %get3A_1708 = arith.index_cast %get3A_1707 : i32 to index
        %get3A_1709 = arith.index_cast %add3A_1706 : i32 to index
        %get3A_1710 = arith.constant 32 : index
        %get3A_1711 = tpu.vector_load %arg6[%get3A_1708, %get3A_1709, %get3A_1710] {strides = array<i32>} : memref<2x640x64xf32, #tpu.memory_space<vmem>>, vector<1x1x16xf32>,
        %get3A_1712 = vector.shape_cast %get3A_1711 : vector<1x1x16xf32> to vector<16xf32>
        %add3A_1713 = arith.addf %add3A_1704, %get3A_1712 : vector<16xf32>
        %add3A_1714 = arith.constant 17 : i32
        %add3A_1715 = arith.addi %add3A_1189, %add3A_1714 : i32
        %get3A_1716 = arith.constant 1 : i32
        %get3A_1717 = arith.index_cast %get3A_1716 : i32 to index
        %get3A_1718 = arith.index_cast %add3A_1715 : i32 to index
        %get3A_1719 = arith.constant 32 : index
        %get3A_1720 = tpu.vector_load %arg6[%get3A_1717, %get3A_1718, %get3A_1719] {strides = array<i32>} : memref<2x640x64xf32, #tpu.memory_space<vmem>>, vector<1x1x16xf32>,
        %get3A_1721 = vector.shape_cast %get3A_1720 : vector<1x1x16xf32> to vector<16xf32>
        %add3A_1722 = arith.addf %add3A_1713, %get3A_1721 : vector<16xf32>
        %add3A_1723 = arith.constant 18 : i32
        %add3A_1724 = arith.addi %add3A_1189, %add3A_1723 : i32
        %get3A_1725 = arith.constant 1 : i32
        %get3A_1726 = arith.index_cast %get3A_1725 : i32 to index
        %get3A_1727 = arith.index_cast %add3A_1724 : i32 to index
        %get3A_1728 = arith.constant 32 : index
        %get3A_1729 = tpu.vector_load %arg6[%get3A_1726, %get3A_1727, %get3A_1728] {strides = array<i32>} : memref<2x640x64xf32, #tpu.memory_space<vmem>>, vector<1x1x16xf32>,
        %get3A_1730 = vector.shape_cast %get3A_1729 : vector<1x1x16xf32> to vector<16xf32>
        %add3A_1731 = arith.addf %add3A_1722, %get3A_1730 : vector<16xf32>
        %add3A_1732 = arith.constant 19 : i32
        %add3A_1733 = arith.addi %add3A_1189, %add3A_1732 : i32
        %get3A_1734 = arith.constant 1 : i32
        %get3A_1735 = arith.index_cast %get3A_1734 : i32 to index
        %get3A_1736 = arith.index_cast %add3A_1733 : i32 to index
        %get3A_1737 = arith.constant 32 : index
        %get3A_1738 = tpu.vector_load %arg6[%get3A_1735, %get3A_1736, %get3A_1737] {strides = array<i32>} : memref<2x640x64xf32, #tpu.memory_space<vmem>>, vector<1x1x16xf32>,
        %get3A_1739 = vector.shape_cast %get3A_1738 : vector<1x1x16xf32> to vector<16xf32>
        %add3A_1740 = arith.addf %add3A_1731, %get3A_1739 : vector<16xf32>
        %mul3A_1741 = arith.constant 5.000000e-02 : f32
        %mul3A_1742 = vector.broadcast %mul3A_1741 : f32 to vector<16xf32>
        %mul3A_1743 = arith.mulf %add3A_1740, %mul3A_1742 : vector<16xf32>
        %swap3A_1744 = arith.constant 1 : i32
        %swap3A_1745 = arith.index_cast %swap3A_1744 : i32 to index
        %swap3A_1746 = arith.index_cast %scan3A_431 : i32 to index
        %swap3A_1747 = arith.constant 96 : index
        %swap3A_1748 = tpu.vector_load %arg7[%swap3A_1745, %swap3A_1746, %swap3A_1747] {strides = array<i32>} : memref<2x16x128xf32, #tpu.memory_space<vmem>>, vector<1x1x16xf32>,
        %swap3A_1749 = vector.shape_cast %swap3A_1748 : vector<1x1x16xf32> to vector<16xf32>
        %swap3A_1750 = vector.shape_cast %mul3A_1743 : vector<16xf32> to vector<1x1x16xf32>
        tpu.vector_store %arg7[%swap3A_1745, %swap3A_1746, %swap3A_1747], %swap3A_1750 {strides = array<i32>} : memref<2x16x128xf32, #tpu.memory_space<vmem>>, vector<1x1x16xf32>,
        %get3A_1751 = arith.constant 1 : i32
        %get3A_1752 = arith.index_cast %get3A_1751 : i32 to index
        %get3A_1753 = arith.index_cast %add3A_1189 : i32 to index
        %get3A_1754 = arith.constant 48 : index
        %get3A_1755 = tpu.vector_load %arg6[%get3A_1752, %get3A_1753, %get3A_1754] {strides = array<i32>} : memref<2x640x64xf32, #tpu.memory_space<vmem>>, vector<1x1x16xf32>,
        %get3A_1756 = vector.shape_cast %get3A_1755 : vector<1x1x16xf32> to vector<16xf32>
        %add3A_1757 = arith.constant 1 : i32
        %add3A_1758 = arith.addi %add3A_1189, %add3A_1757 : i32
        %get3A_1759 = arith.constant 1 : i32
        %get3A_1760 = arith.index_cast %get3A_1759 : i32 to index
        %get3A_1761 = arith.index_cast %add3A_1758 : i32 to index
        %get3A_1762 = arith.constant 48 : index
        %get3A_1763 = tpu.vector_load %arg6[%get3A_1760, %get3A_1761, %get3A_1762] {strides = array<i32>} : memref<2x640x64xf32, #tpu.memory_space<vmem>>, vector<1x1x16xf32>,
        %get3A_1764 = vector.shape_cast %get3A_1763 : vector<1x1x16xf32> to vector<16xf32>
        %add3A_1765 = arith.addf %get3A_1756, %get3A_1764 : vector<16xf32>
        %add3A_1766 = arith.constant 2 : i32
        %add3A_1767 = arith.addi %add3A_1189, %add3A_1766 : i32
        %get3A_1768 = arith.constant 1 : i32
        %get3A_1769 = arith.index_cast %get3A_1768 : i32 to index
        %get3A_1770 = arith.index_cast %add3A_1767 : i32 to index
        %get3A_1771 = arith.constant 48 : index
        %get3A_1772 = tpu.vector_load %arg6[%get3A_1769, %get3A_1770, %get3A_1771] {strides = array<i32>} : memref<2x640x64xf32, #tpu.memory_space<vmem>>, vector<1x1x16xf32>,
        %get3A_1773 = vector.shape_cast %get3A_1772 : vector<1x1x16xf32> to vector<16xf32>
        %add3A_1774 = arith.addf %add3A_1765, %get3A_1773 : vector<16xf32>
        %add3A_1775 = arith.constant 3 : i32
        %add3A_1776 = arith.addi %add3A_1189, %add3A_1775 : i32
        %get3A_1777 = arith.constant 1 : i32
        %get3A_1778 = arith.index_cast %get3A_1777 : i32 to index
        %get3A_1779 = arith.index_cast %add3A_1776 : i32 to index
        %get3A_1780 = arith.constant 48 : index
        %get3A_1781 = tpu.vector_load %arg6[%get3A_1778, %get3A_1779, %get3A_1780] {strides = array<i32>} : memref<2x640x64xf32, #tpu.memory_space<vmem>>, vector<1x1x16xf32>,
        %get3A_1782 = vector.shape_cast %get3A_1781 : vector<1x1x16xf32> to vector<16xf32>
        %add3A_1783 = arith.addf %add3A_1774, %get3A_1782 : vector<16xf32>
        %add3A_1784 = arith.constant 4 : i32
        %add3A_1785 = arith.addi %add3A_1189, %add3A_1784 : i32
        %get3A_1786 = arith.constant 1 : i32
        %get3A_1787 = arith.index_cast %get3A_1786 : i32 to index
        %get3A_1788 = arith.index_cast %add3A_1785 : i32 to index
        %get3A_1789 = arith.constant 48 : index
        %get3A_1790 = tpu.vector_load %arg6[%get3A_1787, %get3A_1788, %get3A_1789] {strides = array<i32>} : memref<2x640x64xf32, #tpu.memory_space<vmem>>, vector<1x1x16xf32>,
        %get3A_1791 = vector.shape_cast %get3A_1790 : vector<1x1x16xf32> to vector<16xf32>
        %add3A_1792 = arith.addf %add3A_1783, %get3A_1791 : vector<16xf32>
        %add3A_1793 = arith.constant 5 : i32
        %add3A_1794 = arith.addi %add3A_1189, %add3A_1793 : i32
        %get3A_1795 = arith.constant 1 : i32
        %get3A_1796 = arith.index_cast %get3A_1795 : i32 to index
        %get3A_1797 = arith.index_cast %add3A_1794 : i32 to index
        %get3A_1798 = arith.constant 48 : index
        %get3A_1799 = tpu.vector_load %arg6[%get3A_1796, %get3A_1797, %get3A_1798] {strides = array<i32>} : memref<2x640x64xf32, #tpu.memory_space<vmem>>, vector<1x1x16xf32>,
        %get3A_1800 = vector.shape_cast %get3A_1799 : vector<1x1x16xf32> to vector<16xf32>
        %add3A_1801 = arith.addf %add3A_1792, %get3A_1800 : vector<16xf32>
        %add3A_1802 = arith.constant 6 : i32
        %add3A_1803 = arith.addi %add3A_1189, %add3A_1802 : i32
        %get3A_1804 = arith.constant 1 : i32
        %get3A_1805 = arith.index_cast %get3A_1804 : i32 to index
        %get3A_1806 = arith.index_cast %add3A_1803 : i32 to index
        %get3A_1807 = arith.constant 48 : index
        %get3A_1808 = tpu.vector_load %arg6[%get3A_1805, %get3A_1806, %get3A_1807] {strides = array<i32>} : memref<2x640x64xf32, #tpu.memory_space<vmem>>, vector<1x1x16xf32>,
        %get3A_1809 = vector.shape_cast %get3A_1808 : vector<1x1x16xf32> to vector<16xf32>
        %add3A_1810 = arith.addf %add3A_1801, %get3A_1809 : vector<16xf32>
        %add3A_1811 = arith.constant 7 : i32
        %add3A_1812 = arith.addi %add3A_1189, %add3A_1811 : i32
        %get3A_1813 = arith.constant 1 : i32
        %get3A_1814 = arith.index_cast %get3A_1813 : i32 to index
        %get3A_1815 = arith.index_cast %add3A_1812 : i32 to index
        %get3A_1816 = arith.constant 48 : index
        %get3A_1817 = tpu.vector_load %arg6[%get3A_1814, %get3A_1815, %get3A_1816] {strides = array<i32>} : memref<2x640x64xf32, #tpu.memory_space<vmem>>, vector<1x1x16xf32>,
        %get3A_1818 = vector.shape_cast %get3A_1817 : vector<1x1x16xf32> to vector<16xf32>
        %add3A_1819 = arith.addf %add3A_1810, %get3A_1818 : vector<16xf32>
        %add3A_1820 = arith.constant 8 : i32
        %add3A_1821 = arith.addi %add3A_1189, %add3A_1820 : i32
        %get3A_1822 = arith.constant 1 : i32
        %get3A_1823 = arith.index_cast %get3A_1822 : i32 to index
        %get3A_1824 = arith.index_cast %add3A_1821 : i32 to index
        %get3A_1825 = arith.constant 48 : index
        %get3A_1826 = tpu.vector_load %arg6[%get3A_1823, %get3A_1824, %get3A_1825] {strides = array<i32>} : memref<2x640x64xf32, #tpu.memory_space<vmem>>, vector<1x1x16xf32>,
        %get3A_1827 = vector.shape_cast %get3A_1826 : vector<1x1x16xf32> to vector<16xf32>
        %add3A_1828 = arith.addf %add3A_1819, %get3A_1827 : vector<16xf32>
        %add3A_1829 = arith.constant 9 : i32
        %add3A_1830 = arith.addi %add3A_1189, %add3A_1829 : i32
        %get3A_1831 = arith.constant 1 : i32
        %get3A_1832 = arith.index_cast %get3A_1831 : i32 to index
        %get3A_1833 = arith.index_cast %add3A_1830 : i32 to index
        %get3A_1834 = arith.constant 48 : index
        %get3A_1835 = tpu.vector_load %arg6[%get3A_1832, %get3A_1833, %get3A_1834] {strides = array<i32>} : memref<2x640x64xf32, #tpu.memory_space<vmem>>, vector<1x1x16xf32>,
        %get3A_1836 = vector.shape_cast %get3A_1835 : vector<1x1x16xf32> to vector<16xf32>
        %add3A_1837 = arith.addf %add3A_1828, %get3A_1836 : vector<16xf32>
        %add3A_1838 = arith.constant 10 : i32
        %add3A_1839 = arith.addi %add3A_1189, %add3A_1838 : i32
        %get3A_1840 = arith.constant 1 : i32
        %get3A_1841 = arith.index_cast %get3A_1840 : i32 to index
        %get3A_1842 = arith.index_cast %add3A_1839 : i32 to index
        %get3A_1843 = arith.constant 48 : index
        %get3A_1844 = tpu.vector_load %arg6[%get3A_1841, %get3A_1842, %get3A_1843] {strides = array<i32>} : memref<2x640x64xf32, #tpu.memory_space<vmem>>, vector<1x1x16xf32>,
        %get3A_1845 = vector.shape_cast %get3A_1844 : vector<1x1x16xf32> to vector<16xf32>
        %add3A_1846 = arith.addf %add3A_1837, %get3A_1845 : vector<16xf32>
        %add3A_1847 = arith.constant 11 : i32
        %add3A_1848 = arith.addi %add3A_1189, %add3A_1847 : i32
        %get3A_1849 = arith.constant 1 : i32
        %get3A_1850 = arith.index_cast %get3A_1849 : i32 to index
        %get3A_1851 = arith.index_cast %add3A_1848 : i32 to index
        %get3A_1852 = arith.constant 48 : index
        %get3A_1853 = tpu.vector_load %arg6[%get3A_1850, %get3A_1851, %get3A_1852] {strides = array<i32>} : memref<2x640x64xf32, #tpu.memory_space<vmem>>, vector<1x1x16xf32>,
        %get3A_1854 = vector.shape_cast %get3A_1853 : vector<1x1x16xf32> to vector<16xf32>
        %add3A_1855 = arith.addf %add3A_1846, %get3A_1854 : vector<16xf32>
        %add3A_1856 = arith.constant 12 : i32
        %add3A_1857 = arith.addi %add3A_1189, %add3A_1856 : i32
        %get3A_1858 = arith.constant 1 : i32
        %get3A_1859 = arith.index_cast %get3A_1858 : i32 to index
        %get3A_1860 = arith.index_cast %add3A_1857 : i32 to index
        %get3A_1861 = arith.constant 48 : index
        %get3A_1862 = tpu.vector_load %arg6[%get3A_1859, %get3A_1860, %get3A_1861] {strides = array<i32>} : memref<2x640x64xf32, #tpu.memory_space<vmem>>, vector<1x1x16xf32>,
        %get3A_1863 = vector.shape_cast %get3A_1862 : vector<1x1x16xf32> to vector<16xf32>
        %add3A_1864 = arith.addf %add3A_1855, %get3A_1863 : vector<16xf32>
        %add3A_1865 = arith.constant 13 : i32
        %add3A_1866 = arith.addi %add3A_1189, %add3A_1865 : i32
        %get3A_1867 = arith.constant 1 : i32
        %get3A_1868 = arith.index_cast %get3A_1867 : i32 to index
        %get3A_1869 = arith.index_cast %add3A_1866 : i32 to index
        %get3A_1870 = arith.constant 48 : index
        %get3A_1871 = tpu.vector_load %arg6[%get3A_1868, %get3A_1869, %get3A_1870] {strides = array<i32>} : memref<2x640x64xf32, #tpu.memory_space<vmem>>, vector<1x1x16xf32>,
        %get3A_1872 = vector.shape_cast %get3A_1871 : vector<1x1x16xf32> to vector<16xf32>
        %add3A_1873 = arith.addf %add3A_1864, %get3A_1872 : vector<16xf32>
        %add3A_1874 = arith.constant 14 : i32
        %add3A_1875 = arith.addi %add3A_1189, %add3A_1874 : i32
        %get3A_1876 = arith.constant 1 : i32
        %get3A_1877 = arith.index_cast %get3A_1876 : i32 to index
        %get3A_1878 = arith.index_cast %add3A_1875 : i32 to index
        %get3A_1879 = arith.constant 48 : index
        %get3A_1880 = tpu.vector_load %arg6[%get3A_1877, %get3A_1878, %get3A_1879] {strides = array<i32>} : memref<2x640x64xf32, #tpu.memory_space<vmem>>, vector<1x1x16xf32>,
        %get3A_1881 = vector.shape_cast %get3A_1880 : vector<1x1x16xf32> to vector<16xf32>
        %add3A_1882 = arith.addf %add3A_1873, %get3A_1881 : vector<16xf32>
        %add3A_1883 = arith.constant 15 : i32
        %add3A_1884 = arith.addi %add3A_1189, %add3A_1883 : i32
        %get3A_1885 = arith.constant 1 : i32
        %get3A_1886 = arith.index_cast %get3A_1885 : i32 to index
        %get3A_1887 = arith.index_cast %add3A_1884 : i32 to index
        %get3A_1888 = arith.constant 48 : index
        %get3A_1889 = tpu.vector_load %arg6[%get3A_1886, %get3A_1887, %get3A_1888] {strides = array<i32>} : memref<2x640x64xf32, #tpu.memory_space<vmem>>, vector<1x1x16xf32>,
        %get3A_1890 = vector.shape_cast %get3A_1889 : vector<1x1x16xf32> to vector<16xf32>
        %add3A_1891 = arith.addf %add3A_1882, %get3A_1890 : vector<16xf32>
        %add3A_1892 = arith.constant 16 : i32
        %add3A_1893 = arith.addi %add3A_1189, %add3A_1892 : i32
        %get3A_1894 = arith.constant 1 : i32
        %get3A_1895 = arith.index_cast %get3A_1894 : i32 to index
        %get3A_1896 = arith.index_cast %add3A_1893 : i32 to index
        %get3A_1897 = arith.constant 48 : index
        %get3A_1898 = tpu.vector_load %arg6[%get3A_1895, %get3A_1896, %get3A_1897] {strides = array<i32>} : memref<2x640x64xf32, #tpu.memory_space<vmem>>, vector<1x1x16xf32>,
        %get3A_1899 = vector.shape_cast %get3A_1898 : vector<1x1x16xf32> to vector<16xf32>
        %add3A_1900 = arith.addf %add3A_1891, %get3A_1899 : vector<16xf32>
        %add3A_1901 = arith.constant 17 : i32
        %add3A_1902 = arith.addi %add3A_1189, %add3A_1901 : i32
        %get3A_1903 = arith.constant 1 : i32
        %get3A_1904 = arith.index_cast %get3A_1903 : i32 to index
        %get3A_1905 = arith.index_cast %add3A_1902 : i32 to index
        %get3A_1906 = arith.constant 48 : index
        %get3A_1907 = tpu.vector_load %arg6[%get3A_1904, %get3A_1905, %get3A_1906] {strides = array<i32>} : memref<2x640x64xf32, #tpu.memory_space<vmem>>, vector<1x1x16xf32>,
        %get3A_1908 = vector.shape_cast %get3A_1907 : vector<1x1x16xf32> to vector<16xf32>
        %add3A_1909 = arith.addf %add3A_1900, %get3A_1908 : vector<16xf32>
        %add3A_1910 = arith.constant 18 : i32
        %add3A_1911 = arith.addi %add3A_1189, %add3A_1910 : i32
        %get3A_1912 = arith.constant 1 : i32
        %get3A_1913 = arith.index_cast %get3A_1912 : i32 to index
        %get3A_1914 = arith.index_cast %add3A_1911 : i32 to index
        %get3A_1915 = arith.constant 48 : index
        %get3A_1916 = tpu.vector_load %arg6[%get3A_1913, %get3A_1914, %get3A_1915] {strides = array<i32>} : memref<2x640x64xf32, #tpu.memory_space<vmem>>, vector<1x1x16xf32>,
        %get3A_1917 = vector.shape_cast %get3A_1916 : vector<1x1x16xf32> to vector<16xf32>
        %add3A_1918 = arith.addf %add3A_1909, %get3A_1917 : vector<16xf32>
        %add3A_1919 = arith.constant 19 : i32
        %add3A_1920 = arith.addi %add3A_1189, %add3A_1919 : i32
        %get3A_1921 = arith.constant 1 : i32
        %get3A_1922 = arith.index_cast %get3A_1921 : i32 to index
        %get3A_1923 = arith.index_cast %add3A_1920 : i32 to index
        %get3A_1924 = arith.constant 48 : index
        %get3A_1925 = tpu.vector_load %arg6[%get3A_1922, %get3A_1923, %get3A_1924] {strides = array<i32>} : memref<2x640x64xf32, #tpu.memory_space<vmem>>, vector<1x1x16xf32>,
        %get3A_1926 = vector.shape_cast %get3A_1925 : vector<1x1x16xf32> to vector<16xf32>
        %add3A_1927 = arith.addf %add3A_1918, %get3A_1926 : vector<16xf32>
        %mul3A_1928 = arith.constant 5.000000e-02 : f32
        %mul3A_1929 = vector.broadcast %mul3A_1928 : f32 to vector<16xf32>
        %mul3A_1930 = arith.mulf %add3A_1927, %mul3A_1929 : vector<16xf32>
        %swap3A_1931 = arith.constant 1 : i32
        %swap3A_1932 = arith.index_cast %swap3A_1931 : i32 to index
        %swap3A_1933 = arith.index_cast %scan3A_431 : i32 to index
        %swap3A_1934 = arith.constant 112 : index
        %swap3A_1935 = tpu.vector_load %arg7[%swap3A_1932, %swap3A_1933, %swap3A_1934] {strides = array<i32>} : memref<2x16x128xf32, #tpu.memory_space<vmem>>, vector<1x1x16xf32>,
        %swap3A_1936 = vector.shape_cast %swap3A_1935 : vector<1x1x16xf32> to vector<16xf32>
        %swap3A_1937 = vector.shape_cast %mul3A_1930 : vector<16xf32> to vector<1x1x16xf32>
        tpu.vector_store %arg7[%swap3A_1932, %swap3A_1933, %swap3A_1934], %swap3A_1937 {strides = array<i32>} : memref<2x16x128xf32, #tpu.memory_space<vmem>>, vector<1x1x16xf32>,
      }
      %scan3A_411 = arith.constant 16 : i32
      %mul3A_412 = arith.constant 16 : i32
      %mul3A_413 = arith.muli %add3A_306, %mul3A_412 : i32
      %add3A_414 = arith.addi %mul3A_4, %mul3A_413 : i32
      %dma_start3A_415 = arith.constant 1 : i32
      %dma_start3A_416 = arith.constant 1 : i32
      %dma_start3A_417 = arith.constant 0 : i32
      %dma_start3A_418 = arith.constant 0 : i32
      %dma_start3A_419 = tpu.memref_slice %arg7[%dma_start3A_415, %dma_start3A_417, %dma_start3A_418] : memref<2x16x128xf32, #tpu.memory_space<vmem>> -> memref<1x16x128xf32, #tpu.memory_space<vmem>>
      %dma_start3A_420 = tpu.memref_squeeze %dma_start3A_419 : memref<1x16x128xf32, #tpu.memory_space<vmem>> -> memref<16x128xf32, #tpu.memory_space<vmem>>
      %dma_start3A_421 = arith.constant 0 : i32
      %dma_start3A_422 = tpu.memref_slice %arg4[%add3A_414, %dma_start3A_421] : memref<102400x128xf32, #tpu.memory_space<hbm>> -> memref<16x128xf32, #tpu.memory_space<hbm>>
      %dma_start3A_423 = tpu.memref_slice %arg10[%dma_start3A_416] : memref<2x!tpu.dma_semaphore, #tpu.memory_space<semaphore_mem>> -> memref<1x!tpu.dma_semaphore, #tpu.memory_space<semaphore_mem>>
      %dma_start3A_424 = tpu.memref_squeeze %dma_start3A_423 : memref<1x!tpu.dma_semaphore, #tpu.memory_space<semaphore_mem>> -> memref<!tpu.dma_semaphore, #tpu.memory_space<semaphore_mem>>
      %dma_start3A_425 = arith.constant 0 : i32
      %dma_start3A_426 = tpu.memref_slice %arg4[%add3A_414, %dma_start3A_425] : memref<102400x128xf32, #tpu.memory_space<hbm>> -> memref<16x128xf32, #tpu.memory_space<hbm>>
      %dma_start3A_427 = arith.constant 0 : i32
      %dma_start3A_428 = arith.constant 0 : i32
      %dma_start3A_429 = tpu.memref_slice %arg7[%dma_start3A_415, %dma_start3A_427, %dma_start3A_428] : memref<2x16x128xf32, #tpu.memory_space<vmem>> -> memref<1x16x128xf32, #tpu.memory_space<vmem>>
      %dma_start3A_430 = tpu.memref_squeeze %dma_start3A_429 : memref<1x16x128xf32, #tpu.memory_space<vmem>> -> memref<16x128xf32, #tpu.memory_space<vmem>>
      tpu.enqueue_dma source(%dma_start3A_430 : memref<16x128xf32, #tpu.memory_space<vmem>>) target(%dma_start3A_426 : memref<16x128xf32, #tpu.memory_space<hbm>>) target_semaphore(%dma_start3A_424 : memref<!tpu.dma_semaphore, #tpu.memory_space<semaphore_mem>>)
    }
    %scan3A_141 = arith.constant 100 : i32
    %add3A_142 = arith.constant 3168 : i32
    %add3A_143 = arith.addi %mul3A_4, %add3A_142 : i32
    %dma_wait3A_144 = arith.constant 0 : i32
    %dma_wait3A_145 = arith.constant 0 : i32
    %dma_wait3A_146 = arith.constant 0 : i32
    %dma_wait3A_147 = arith.constant 0 : i32
    %dma_wait3A_148 = tpu.memref_slice %arg7[%dma_wait3A_144, %dma_wait3A_146, %dma_wait3A_147] : memref<2x16x128xf32, #tpu.memory_space<vmem>> -> memref<1x16x128xf32, #tpu.memory_space<vmem>>
    %dma_wait3A_149 = tpu.memref_squeeze %dma_wait3A_148 : memref<1x16x128xf32, #tpu.memory_space<vmem>> -> memref<16x128xf32, #tpu.memory_space<vmem>>
    %dma_wait3A_150 = arith.constant 0 : i32
    %dma_wait3A_151 = tpu.memref_slice %arg4[%add3A_143, %dma_wait3A_150] : memref<102400x128xf32, #tpu.memory_space<hbm>> -> memref<16x128xf32, #tpu.memory_space<hbm>>
    %dma_wait3A_152 = tpu.memref_slice %arg10[%dma_wait3A_145] : memref<2x!tpu.dma_semaphore, #tpu.memory_space<semaphore_mem>> -> memref<1x!tpu.dma_semaphore, #tpu.memory_space<semaphore_mem>>
    %dma_wait3A_153 = tpu.memref_squeeze %dma_wait3A_152 : memref<1x!tpu.dma_semaphore, #tpu.memory_space<semaphore_mem>> -> memref<!tpu.dma_semaphore, #tpu.memory_space<semaphore_mem>>
    %dma_wait3A_154 = arith.constant 0 : i32
    %dma_wait3A_155 = tpu.memref_slice %arg4[%add3A_143, %dma_wait3A_154] : memref<102400x128xf32, #tpu.memory_space<hbm>> -> memref<16x128xf32, #tpu.memory_space<hbm>>
    %dma_wait3A_156 = arith.constant 0 : i32
    %dma_wait3A_157 = arith.constant 0 : i32
    %dma_wait3A_158 = tpu.memref_slice %arg7[%dma_wait3A_144, %dma_wait3A_156, %dma_wait3A_157] : memref<2x16x128xf32, #tpu.memory_space<vmem>> -> memref<1x16x128xf32, #tpu.memory_space<vmem>>
    %dma_wait3A_159 = tpu.memref_squeeze %dma_wait3A_158 : memref<1x16x128xf32, #tpu.memory_space<vmem>> -> memref<16x128xf32, #tpu.memory_space<vmem>>
    tpu.wait_dma2 semaphore(%dma_wait3A_153 : memref<!tpu.dma_semaphore, #tpu.memory_space<semaphore_mem>>) src(%dma_wait3A_159 : memref<16x128xf32, #tpu.memory_space<vmem>>) dst(%dma_wait3A_155 : memref<16x128xf32, #tpu.memory_space<hbm>>)
    %add3A_160 = arith.constant 3184 : i32
    %add3A_161 = arith.addi %mul3A_4, %add3A_160 : i32
    %dma_wait3A_162 = arith.constant 1 : i32
    %dma_wait3A_163 = arith.constant 1 : i32
    %dma_wait3A_164 = arith.constant 0 : i32
    %dma_wait3A_165 = arith.constant 0 : i32
    %dma_wait3A_166 = tpu.memref_slice %arg7[%dma_wait3A_162, %dma_wait3A_164, %dma_wait3A_165] : memref<2x16x128xf32, #tpu.memory_space<vmem>> -> memref<1x16x128xf32, #tpu.memory_space<vmem>>
    %dma_wait3A_167 = tpu.memref_squeeze %dma_wait3A_166 : memref<1x16x128xf32, #tpu.memory_space<vmem>> -> memref<16x128xf32, #tpu.memory_space<vmem>>
    %dma_wait3A_168 = arith.constant 0 : i32
    %dma_wait3A_169 = tpu.memref_slice %arg4[%add3A_161, %dma_wait3A_168] : memref<102400x128xf32, #tpu.memory_space<hbm>> -> memref<16x128xf32, #tpu.memory_space<hbm>>
    %dma_wait3A_170 = tpu.memref_slice %arg10[%dma_wait3A_163] : memref<2x!tpu.dma_semaphore, #tpu.memory_space<semaphore_mem>> -> memref<1x!tpu.dma_semaphore, #tpu.memory_space<semaphore_mem>>
    %dma_wait3A_171 = tpu.memref_squeeze %dma_wait3A_170 : memref<1x!tpu.dma_semaphore, #tpu.memory_space<semaphore_mem>> -> memref<!tpu.dma_semaphore, #tpu.memory_space<semaphore_mem>>
    %dma_wait3A_172 = arith.constant 0 : i32
    %dma_wait3A_173 = tpu.memref_slice %arg4[%add3A_161, %dma_wait3A_172] : memref<102400x128xf32, #tpu.memory_space<hbm>> -> memref<16x128xf32, #tpu.memory_space<hbm>>
    %dma_wait3A_174 = arith.constant 0 : i32
    %dma_wait3A_175 = arith.constant 0 : i32
    %dma_wait3A_176 = tpu.memref_slice %arg7[%dma_wait3A_162, %dma_wait3A_174, %dma_wait3A_175] : memref<2x16x128xf32, #tpu.memory_space<vmem>> -> memref<1x16x128xf32, #tpu.memory_space<vmem>>
    %dma_wait3A_177 = tpu.memref_squeeze %dma_wait3A_176 : memref<1x16x128xf32, #tpu.memory_space<vmem>> -> memref<16x128xf32, #tpu.memory_space<vmem>>
    tpu.wait_dma2 semaphore(%dma_wait3A_171 : memref<!tpu.dma_semaphore, #tpu.memory_space<semaphore_mem>>) src(%dma_wait3A_177 : memref<16x128xf32, #tpu.memory_space<vmem>>) dst(%dma_wait3A_173 : memref<16x128xf32, #tpu.memory_space<hbm>>)
    return
  }
}

</mosaic_0001>

<sc_bundles>
// kernel: kernel.3.cloned.1.call-start
scs
__scs_entry_jumppad:
0x0: {  	(pc) =	sbr.rel $0x88, $3  }
0x1: {  	(tag) =	ssettag $0x0;
	lr =	simm.s32 $0x1  }
0x2: {  	[smem:$0x3F9F] =	sst lr;
	_ =	strace $0xD0000000  }
0x3: {  	_ = 	snop  }
0x4: {  	_ = 	snop  }
0x5: {  	_ = 	snop  }
0x6: {  	_ = 	snop  }
0x7: {  	_ = 	snop  }
__scs_overlays_trampoline_lowered:
0x8: {  	[smem:$0x3FAE] =	sst s0  }
0x9: {  	[smem:$0x3FAF] =	sst s1  }
0xa: {  	[smem:$0x3FB0] =	sst s2  }
0xb: {  	[smem:$0x3FB1] =	sst s3  }
0xc: {  	[smem:$0x3FB2] =	sst s4  }
0xd: {  	[smem:$0x3FB3] =	sst s5  }
0xe: {  	[smem:$0x3FB4] =	sst s6  }
0xf: {  	[smem:$0x3FB5] =	sst s7  }
0x10: {  	[smem:$0x3FB6] =	sst s8  }
0x11: {  	[smem:$0x3FB7] =	sst s9;
	s0 =	simm.s32 @!p0 $0x0  }
0x12: {  	s1 =	sld [smem:$0x3F9D];
	s0 =	simm.s32 @p0 $0x1  }
0x13: {  	[smem:$0x3FB8] =	sst s0;
	s0 =	simm.s32 @!p1 $0x0  }
0x14: {  	s2 =	sld [smem:$0x3F9C];
	s0 =	simm.s32 @p1 $0x1  }
0x15: {  	[smem:$0x3FB9] =	sst s0;
	s0 =	simm.s32 @!p2 $0x0  }
0x16: {  	s3 =	sld [smem:$0x3FDB];
	s0 =	simm.s32 @p2 $0x1  }
0x17: {  	s4 =	simm.s32 $0x1BF5;
	[smem:$0x3FBB] =	sst s0  }
0x18: {  	s0 =	sld [smem:$0x3F9E];
	_ =	swait.ge [sflag:s4], $0x0  }
0x19: {  	s7 =	sld [smem:$0x3F9F]  }
0x1a: {  	s8 =	sadd.s32 $0xFFFFE003, lr  }
0x1b: {  	s9 =	sadd.s32 $0xFFFFFEF7, lr;
	s5 =	simm.s32 $0xFFFFFFFF;
	p2 =	slt.u32 s8, $0xFFFFF086  }
0x1c: {  	p1 =	slt.u32 s9, $0xF7A;
	s5 =	simm.s32 @!p2 $0x0  }
0x1d: {  	s5 =	simm.s32 @p1 $0x1;
	p0 =	seq.s32 s7, s2  }
0x1e: {  	s7 =	smul.u32 @!p0 $0xF7A, s2;
	p2 =	seq.s32 @!p0 s5, $0x0  }
0x1f: {  	s9 =	smul.u32 $0xF7A, s1;
	s8 =	simm.s32 @!p0 $0x1BF5;
	p2 =	por !p2, p0  }
0x20: {  	[sflag:s8] =	ssyncset.s32 @!p0 $0xFFFFF086;
	s6 =	sadd.s32 @!p0 s3, s7;
	s7 =	simm.s32 @!p0 $0x108  }
0x21: {  	s3 =	sadd.s32 s3, s9;
	s6 =	sadd.s32 @!p0 $0x88, s6;
	s7 =	simm.s32 @p2 $0x1082  }
0x22: {  	[simem:s7], [sflag:s8] =	dma.local @!p0 [hbm:s6], $0xF7A  }
0x23: {  	s9 =	sor.u32 $0xD0000000, s2;
	s6 =	simm.s32 $0x108;
	_ =	swait.ge @!p0 [sflag:s8], $0x0  }
0x24: {  	s3 =	sadd.s32 $0x88, s3;
	s6 =	simm.s32 @!p1 $0x1082;
	[sflag:s4] =	ssyncset.s32 $0xFFFFF086  }
0x25: {  	[simem:s6], [sflag:s4] =	dma.local [hbm:s3], $0xF7A  }
0x26: {  	[smem:$0x3F9F] =	sst s1;
	(tag) =	ssettag s2;
	_ =	strace s9  }
0x27: {  	s1 =	sld [smem:$0x3FAF]  }
0x28: {  	s2 =	sld [smem:$0x3FB0]  }
0x29: {  	s4 =	sld [smem:$0x3FB2]  }
0x2a: {  	p0 =	seq.s32 s5, $0x0;
	s5 =	sld [smem:$0x3FB3]  }
0x2b: {  	s6 =	sld [smem:$0x3FB4]  }
0x2c: {  	s7 =	sld [smem:$0x3FB5]  }
0x2d: {  	s3 =	simm.s32 $0x108;
	s8 =	sld [smem:$0x3FB6]  }
0x2e: {  	s3 =	simm.s32 @!p0 $0x1082;
	s9 =	sld [smem:$0x3FB7]  }
0x2f: {  	lr =	sadd.s32 s0, s3;
	s0 =	sld [smem:$0x3FAE]  }
0x30: {  	s3 =	sld [smem:$0x3FB1]  }
0x31: {  	[smem:$0x3FBA] =	sst s10  }
0x32: {  	s10 =	sld [smem:$0x3FB8];
	_ =	sdelay $0x3  }
0x33: {  	p0 =	seq.s32 s10, $0x1;
	s10 =	sld [smem:$0x3FBA];
	_ =	sdelay $0x3  }
0x34: {  	[smem:$0x3FBA] =	sst s10  }
0x35: {  	s10 =	sld [smem:$0x3FB9];
	_ =	sdelay $0x3  }
0x36: {  	p1 =	seq.s32 s10, $0x1;
	s10 =	sld [smem:$0x3FBA];
	_ =	sdelay $0x3  }
0x37: {  	[smem:$0x3FBA] =	sst s10  }
0x38: {  	s10 =	sld [smem:$0x3FBB]  }
0x39: {  	_ = 	snop;
	(pc) =	sbr.ind lr, $3  }
0x3a: {  	_ = 	snop  }
0x3b: {  	_ = 	snop  }
0x3c: {  	p2 =	seq.s32 s10, $0x1;
	s10 =	sld [smem:$0x3FBA]  }
0x3d: {  	_ =	shalt  }
0x3e: {  	_ =	shalt  }
0x3f: {  	_ =	shalt  }
0x40: {  	_ =	shalt  }
0x41: {  	_ =	shalt  }
0x42: {  	_ =	shalt  }
0x43: {  	_ =	shalt  }
0x44: {  	_ =	shalt  }
0x45: {  	_ =	shalt  }
0x46: {  	_ =	shalt  }
0x47: {  	_ =	shalt  }
0x48: {  	_ =	shalt  }
0x49: {  	_ =	shalt  }
0x4a: {  	_ =	shalt  }
0x4b: {  	_ =	shalt  }
0x4c: {  	_ =	shalt  }
0x4d: {  	_ =	shalt  }
0x4e: {  	_ =	shalt  }
0x4f: {  	_ =	shalt  }
0x50: {  	_ =	shalt  }
0x51: {  	_ =	shalt  }
0x52: {  	_ =	shalt  }
0x53: {  	_ =	shalt  }
0x54: {  	_ =	shalt  }
0x55: {  	_ =	shalt  }
0x56: {  	_ =	shalt  }
0x57: {  	_ =	shalt  }
0x58: {  	_ =	shalt  }
0x59: {  	_ =	shalt  }
0x5a: {  	_ =	shalt  }
0x5b: {  	_ =	shalt  }
0x5c: {  	_ =	shalt  }
0x5d: {  	_ =	shalt  }
0x5e: {  	_ =	shalt  }
0x5f: {  	_ =	shalt  }
0x60: {  	_ =	shalt  }
0x61: {  	_ =	shalt  }
0x62: {  	_ =	shalt  }
0x63: {  	_ =	shalt  }
0x64: {  	_ =	shalt  }
0x65: {  	_ =	shalt  }
0x66: {  	_ =	shalt  }
0x67: {  	_ =	shalt  }
0x68: {  	_ =	shalt  }
0x69: {  	_ =	shalt  }
0x6a: {  	_ =	shalt  }
0x6b: {  	_ =	shalt  }
0x6c: {  	_ =	shalt  }
0x6d: {  	_ =	shalt  }
0x6e: {  	_ =	shalt  }
0x6f: {  	_ =	shalt  }
0x70: {  	_ =	shalt  }
0x71: {  	_ =	shalt  }
0x72: {  	_ =	shalt  }
0x73: {  	_ =	shalt  }
0x74: {  	_ =	shalt  }
0x75: {  	_ =	shalt  }
0x76: {  	_ =	shalt  }
0x77: {  	_ =	shalt  }
0x78: {  	_ =	shalt  }
0x79: {  	_ =	shalt  }
0x7a: {  	_ =	shalt  }
0x7b: {  	_ =	shalt  }
0x7c: {  	_ =	shalt  }
0x7d: {  	_ =	shalt  }
0x7e: {  	_ =	shalt  }
0x7f: {  	_ =	shalt  }
0x80: {  	_ =	shalt  }
0x81: {  	_ =	shalt  }
0x82: {  	_ =	shalt  }
0x83: {  	_ =	shalt  }
0x84: {  	_ =	shalt  }
0x85: {  	_ =	shalt  }
0x86: {  	_ =	shalt  }
0x87: {  	_ =	shalt  }
.Lfunc_end0:
.L_simem_size_0:
called_computation.1_lowered:
.L_overlay_start_0:
0x88: {  	s2 =	sld [smem:$0x3FD9]  }
0x89: {  	s3 =	sld [smem:$0x3FFE];
	_ =	sdelay $0x1  }
0x8a: {  	s1 =	srdreg.scid  }
0x8b: {  	s0 =	sand.u32 $0x1, s1  }
0x8c: {  	s17 =	sshll.u32 s0, $0xA;
	s2 =	sadd.s32 s3, s2  }
0x8d: {  	s2 =	sadd.s32 s2, s17  }
0x8e: {  	[smem:$0x3FC6] =	sst s2  }
0x8f: {  	_ = 	snop  }
0x90: {  	s2 =	sld [smem:$0x3FD0];
	(tm) =	ssettm $0x1  }
0x91: {  	s18 =	sld [smem:$0x3FFB];
	_ =	sdelay $0x3  }
0x92: {  	_ =	strace s18  }
0x93: {  	s3 =	sld [smem:$0x3FFC];
	_ =	sdelay $0x3  }
0x94: {  	_ =	strace s3  }
0x95: {  	s3 =	sld [smem:$0x3FFD];
	_ =	sdelay $0x3  }
0x96: {  	_ =	strace s3  }
0x97: {  	_ =	strace $0x8FFFFFFF  }
0x98: {  	s19 =	sld [smem:$0x3FDB];
	_ =	sdelay $0x1  }
0x99: {  	s4 =	simm.s32 $_scs_section_size  }
0x9a: {  	s5 =	simm.s32 $_size__tile_overlayer_lowered;
	s6 =	simm.s32 $_tile_overlayer_lowered  }
0x9b: {  	s22 =	simm.s32 $0x1BFF;
	s21 =	sshll.u32 s6, $0x1;
	s3 =	sadd.s32 s4, s19  }
0x9c: {  	s7 =	simm.s32 $0x0;
	s20 =	sshll.u32 s5, $0x1;
	s5 =	sadd.s32 s21, s3  }
0x9d: {  	[timem:s7], [sflag:s22] =	dma.local [hbm:s5], s20  }
0x9e: {  	_ =	swait.ge [sflag:s22], s20  }
0x9f: {  	s4 =	ssub.s32 $0x0, s20;
	[sflag:s22] =	ssyncset.done $0x0  }
0xa0: {  	[sflag:s22] =	ssyncadd.s32 s4;
	_ =	sdelay $0x1  }
0xa1: {  	s23 =	simm.s32 $0x1B8B  }
0xa2: {  	_ =	swait.ge [sflag:s23], $0x1  }
0xa3: {  	[sflag:s23] =	ssyncset.done $0x0  }
0xa4: {  	s25 =	simm.s32 $0x1B8E;
	s24 =	sld [smem:$0x3FFE];
	[sflag:s23] =	ssyncadd.s32 $0xFFFFFFFF  }
0xa5: {  	s26 =	simm.s32 $execute0_lowered;
	[smem:$0x3FD2] =	sst s25  }
0xa6: {  	s5 =	sshll.u32 s26, $0x1;
	_ =	strace $0x80000046;
	[dreg:$0x1] =	wrdreg $0xFFFFFFFF  }
0xa7: {  	s28 =	simm.s32 $_size_execute0_lowered;
	s3 =	sadd.s32 s3, s5;
	[dreg:$0x0] =	wrdreg $0x0  }
0xa8: {  	s5 =	sshll.u32 s28, $0x1;
	[dreg:$0x2] =	wrdreg s3  }
0xa9: {  	[dreg:$0x3] =	wrdreg s5  }
0xaa: {  	[dreg:$0x4] =	wrdreg $0xC0  }
0xab: {  	_ =	task [dreg:s7], $0x5FFFF  }
0xac: {  	[dreg:$0x1] =	wrdreg $0xFFFFFFFF  }
0xad: {  	[dreg:$0x0] =	wrdreg $0x60  }
0xae: {  	[dreg:$0x2] =	wrdreg s24  }
0xaf: {  	[dreg:$0x3] =	wrdreg s2  }
0xb0: {  	[dreg:$0x4] =	wrdreg $0x9  }
0xb1: {  	_ =	task.clear_ibuf [dreg:s7], $0x5FFFF;
	_ =	strace $0x90000046  }
0xb2: {  	s29 =	simm.s32 $0x9;
	_ =	strace $0x80000048  }
0xb3: {  	_ =	swait.ge [sflag:s29], $0x1  }
0xb4: {  	[sflag:s29] =	ssyncadd.s32 $0xFFFFFFFF  }
0xb5: {  	_ =	strace $0x90000048  }
0xb6: {  	_ =	sfence  }
0xb7: {  	s30 =	sld [smem:$0x0];
	_ =	sdelay $0x2  }
0xb8: {  	s31 =	sshll.u32 s1, $0xD;
	s1 =	sshrl.u32 s1, $0x2  }
0xb9: {  	s3 =	sand.u32 $0x4000, s31;
	s1 =	sadd.s32 s1, s30  }
0xba: {  	s0 =	sor.u32 s3, s0;
	s1 =	sshll.u32 s1, $0x11  }
0xbb: {  	s0 =	sor.u32 s1, s0  }
0xbc: {  	s0 =	sadd.s32 $0x8F2B, s0  }
0xbd: {  	[sflag:s0] =	ssyncadd.remote.s32 $0x1  }
0xbe: {  	_ =	sfence.sel $0xFFFF  }
0xbf: {  	[dreg:$0x0] =	wrdreg $0xFFFFFFFF;
	(pc) =	sbr.abs _section_cstart, $3  }
0xc0: {  	[dreg:$0x1] =	wrdreg $0xFFFFFFFF  }
0xc1: {  	_ =	task.clear_ibuf [dreg:s7], $0x2FFFF;
	_ =	strace $0x9FFFFFFF  }
0xc2: {  	(tm) =	ssettm $0x7FFFFFFF  }
0xc3: {  	_ =	shalt  }
tec
execute0_lowered:
.L_overlay_start_1:
0x0: {  	(tag) =	ssettag $0x1  }
0x1: {  	s0 =	rddreg [dreg:$0x0]  }
0x2: {  	s2 =	rddreg [dreg:$0x1]  }
0x3: {  	s3 =	simm.s32 $0x0;
	s1 =	srdreg.scid;
	s4 =	stileid.u32  }
0x4: {  	s14 =	simm.s32 $0x80;
	s23 =	simm.s32 $0x280;
	s24 =	simm.s32 $0x2  }
0x5: {  	s28 =	simm.s32 $0xC500;
	s29 =	simm.s32 $0x380;
	s30 =	simm.s32 $0xE500  }
0x6: {  	s31 =	simm.s32 $0x400;
	s15 =	simm.s32 $0x12500;
	s16 =	simm.s32 $0x3  }
0x7: {  	s17 =	simm.s32 $0x14500;
	s18 =	simm.s32 $0x4;
	s19 =	simm.s32 $0x14D00  }
0x8: {  	s20 =	simm.s32 $0x5;
	s1 =	sand.u32 $0x1, s1;
	s4 =	sshll.u32 s4, $0x1  }
0x9: {  	s21 =	simm.s32 $0x6;
	[smem:$0x7FF] =	sst s3;
	s6 =	sor.u32 s1, s4  }
0xa: {  	s5 =	sadd.s32 $0x320A00, s0;
	s1 =	ssub.s32 $0x2, s1;
	s7 =	smul.u32 $0x3E80, s6  }
0xb: {  	_ =	strace $0x80000047;
	s25 =	sshrl.u32 s1, $0x1;
	s8 =	smul.u32 $0x3E8, s6  }
0xc: {  	s4 =	sadd.s32 $0xF43000, s0;
	s0 =	ssub.s32 s1, s25;
	s26 =	sadd.s32 s5, s7  }
0xd: {  	s7 =	smul.u32 $0x64000, s6;
	s9 =	sadd.s32 $0xA, s8;
	s10 =	sadd.s32 $0xF, s8  }
0xe: {  	s0 =	smax.u32 s0, $0x1;
	s8 =	simm.s32 $0x0;
	[dreg:$0x3] =	wrdreg s26  }
0xf: {  	s1 =	sadd.s32 $0x50, s26;
	[dreg:$0x5] =	wrdreg s0;
	s0 =	simm.s32 $0x10500  }
0x10: {  	[dreg:$0x4] =	wrdreg s1;
	s11 =	sor.u32 $0x800, s7;
	s1 =	simm.s32 $0x480  }
.LBB2_1:
0x11: {  	[dreg:$0x6] =	wrdreg s8  }
0x12: {  	s6 =	rddreg [dreg:$0x3];
	s12 =	simm.s32 $0x1  }
0x13: {  	[tilespmem:s3], [sflag:$0x1] =	stream.linear.gather [hbm4b:s6+s3], $0x280, $0x38;
	[tilespmem:$0x15500] =	vst v63  }
0x14: {  	_ =	swait.ge [sflag:s12], $0x280  }
0x15: {  	[sflag:s12] =	ssyncset.done $0x0  }
0x16: {  	s13 =	simm.s32 $0x500;
	[sflag:s12] =	ssyncadd.s32 $0xFFFFFD80  }
0x17: {  	[tilespmem:s13], [sflag:$0x3] =	stream.indirect.gather [hbm4b:s4+s14], $0x40, s3, s14, $0xb8;
	[tilespmem:$0x15500] =	vst v63  }
0x18: {  	s22 =	simm.s32 $0x2500  }
0x19: {  	[tilespmem:s22], [sflag:$0x3] =	stream.indirect.gather [hbm4b:s4+s14], $0x40, s14, s14, $0xb8;
	[tilespmem:$0x15500] =	vst v63  }
0x1a: {  	s25 =	simm.s32 $0x100;
	s26 =	simm.s32 $0x4500  }
0x1b: {  	[tilespmem:s26], [sflag:$0x3] =	stream.indirect.gather [hbm4b:s4+s14], $0x40, s25, s14, $0xb8;
	[tilespmem:$0x15500] =	vst v63  }
0x1c: {  	s12 =	simm.s32 $0x180;
	s13 =	simm.s32 $0x6500  }
0x1d: {  	[tilespmem:s13], [sflag:$0x3] =	stream.indirect.gather [hbm4b:s4+s14], $0x40, s12, s14, $0xb8;
	[tilespmem:$0x15500] =	vst v63  }
0x1e: {  	s22 =	simm.s32 $0x200;
	s25 =	simm.s32 $0x8500  }
0x1f: {  	[tilespmem:s25], [sflag:$0x3] =	stream.indirect.gather [hbm4b:s4+s14], $0x40, s22, s14, $0xb8;
	[tilespmem:$0x15500] =	vst v63  }
0x20: {  	s8 =	simm.s32 $0x0;
	s26 =	rddreg [dreg:$0x4]  }
0x21: {  	[tilespmem:s23], [sflag:$0x2] =	stream.linear.gather [hbm4b:s26+s3], $0x280, $0x38;
	[tilespmem:$0x15500] =	vst v63  }
.LBB2_2:
0x22: {  	_ =	swait.ge [sflag:s24], $0x280  }
0x23: {  	[sflag:s24] =	ssyncset.done $0x0  }
0x24: {  	s6 =	simm.s32 $0xA500;
	[sflag:s24] =	ssyncadd.s32 $0xFFFFFD80  }
0x25: {  	[tilespmem:s6], [sflag:$0x4] =	stream.indirect.gather [hbm4b:s4+s14], $0x40, s23, s14, $0xb8;
	[tilespmem:$0x15500] =	vst v63  }
0x26: {  	s26 =	simm.s32 $0x300  }
0x27: {  	[tilespmem:s28], [sflag:$0x4] =	stream.indirect.gather [hbm4b:s4+s14], $0x40, s26, s14, $0xb8;
	[tilespmem:$0x15500] =	vst v63  }
0x28: {  	_ = 	snop  }
0x29: {  	[tilespmem:s30], [sflag:$0x4] =	stream.indirect.gather [hbm4b:s4+s14], $0x40, s29, s14, $0xb8;
	[tilespmem:$0x15500] =	vst v63  }
0x2a: {  	_ = 	snop  }
0x2b: {  	[tilespmem:s0], [sflag:$0x4] =	stream.indirect.gather [hbm4b:s4+s14], $0x40, s31, s14, $0xb8;
	[tilespmem:$0x15500] =	vst v63  }
0x2c: {  	_ = 	snop  }
0x2d: {  	[tilespmem:s15], [sflag:$0x4] =	stream.indirect.gather [hbm4b:s4+s14], $0x40, s1, s14, $0xb8;
	[tilespmem:$0x15500] =	vst v63  }
0x2e: {  	_ =	swait.ge [sflag:s16], $0x2000  }
0x2f: {  	[sflag:s16] =	ssyncset.done $0x0  }
0x30: {  	[sflag:s16] =	ssyncadd.s32 $0xFFFFE000  }
0x31: {  	_ =	swait.ge [sflag:s16], $0x2000  }
0x32: {  	[sflag:s16] =	ssyncset.done $0x0  }
0x33: {  	[sflag:s16] =	ssyncadd.s32 $0xFFFFE000  }
0x34: {  	_ =	swait.ge [sflag:s16], $0x2000  }
0x35: {  	[sflag:s16] =	ssyncset.done $0x0  }
0x36: {  	p0 =	seq.s32 s8, $0x63;
	[sflag:s16] =	ssyncadd.s32 $0xFFFFE000  }
0x37: {  	p1 =	seq.s32 @!p0 s8, $0x0;
	s6 =	smul.u32 @!p0 $0xA, s8;
	_ =	swait.ge [sflag:s16], $0x2000  }
0x38: {  	p1 =	por p0, !p1;
	[sflag:s16] =	ssyncset.done $0x0  }
.Ltmp0:
0x39: {  	s12 =	sadd.s32 @!p0 s6, s9;
	[sflag:s16] =	ssyncadd.s32 $0xFFFFE000;
	(pc) =	sbr.rel @!p1 .LBB2_3-.Ltmp0, $4  }
0x3a: {  	s12 =	sshll.u32 @!p0 s12, $0x4;
	_ =	swait.ge [sflag:s16], $0x2000  }
0x3b: {  	s12 =	sand.u32 @!p0 $0x1FFFFFE0, s12;
	[sflag:s16] =	ssyncset.done $0x0  }
0x3c: {  	s13 =	simm.s32 @!p0 $0x0;
	s12 =	sadd.s32 @!p0 s5, s12;
	[sflag:s16] =	ssyncadd.s32 $0xFFFFE000  }
0x3d: {  	[tilespmem:s13], [sflag:$0x1] =	stream.linear.gather @!p0 [hbm4b:s12+s13], $0x280, $0x38;
	[tilespmem:$0x15500] =	vst v63  }
.Ltmp1:
0x3e: {  	(pc) =	sbr.rel .LBB2_5-.Ltmp1, $4  }
0x3f: {  	_ = 	snop  }
0x40: {  	_ =	swait.ge [sflag:s20], $0x800  }
0x41: {  	[sflag:s20] =	ssyncset.done $0x0  }
0x42: {  	p1 =	por $0x0, $0x0;
	[sflag:s20] =	ssyncadd.s32 $0xFFFFF800  }
.LBB2_3:
0x43: {  	p1 =	por @!p0 $0x1, $0x1  }
.LBB2_5:
0x44: {  	s13 =	simm.s32 $0xA00  }
0x45: {  	v0 =	vld [tilespmem:s13+$0xFFFFFB40]  }
0x46: {  	v1 =	vld [tilespmem:s13+$0xFFFFFB00];
	_ =	sdelay $0x1  }
0x47: {  	v2 =	vld [tilespmem:s13+$0xFFFFFB80];
	_ =	sdelay $0x1  }
0x48: {  	v3 =	vld [tilespmem:s13+$0xFFFFFBC0]  }
0x49: {  	v0 =	vadd.f32 v0, v1  }
0x4a: {  	v1 =	vld [tilespmem:s13+$0xFFFFFC00]  }
0x4b: {  	v0 =	vadd.f32 v2, v0  }
0x4c: {  	v2 =	vld [tilespmem:s13+$0xFFFFFC40]  }
0x4d: {  	v0 =	vadd.f32 v3, v0  }
0x4e: {  	v3 =	vld [tilespmem:s13+$0xFFFFFC80]  }
0x4f: {  	v0 =	vadd.f32 v1, v0  }
0x50: {  	v1 =	vld [tilespmem:s13+$0xFFFFFCC0]  }
0x51: {  	v0 =	vadd.f32 v2, v0  }
0x52: {  	v2 =	vld [tilespmem:s13+$0xFFFFFD00]  }
0x53: {  	v0 =	vadd.f32 v3, v0  }
0x54: {  	v3 =	vld [tilespmem:s13+$0xFFFFFD40]  }
0x55: {  	v0 =	vadd.f32 v1, v0  }
0x56: {  	v1 =	vld [tilespmem:s13+$0xFFFFFD80]  }
0x57: {  	v0 =	vadd.f32 v2, v0  }
0x58: {  	v2 =	vld [tilespmem:s13+$0xFFFFFDC0]  }
0x59: {  	v0 =	vadd.f32 v3, v0  }
0x5a: {  	v3 =	vld [tilespmem:s13+$0xFFFFFE00]  }
0x5b: {  	v0 =	vadd.f32 v1, v0  }
0x5c: {  	v1 =	vld [tilespmem:s13+$0xFFFFFE40]  }
0x5d: {  	v0 =	vadd.f32 v2, v0  }
0x5e: {  	v2 =	vld [tilespmem:s13+$0xFFFFFE80]  }
0x5f: {  	v0 =	vadd.f32 v3, v0  }
0x60: {  	v3 =	vld [tilespmem:s13+$0xFFFFFEC0]  }
0x61: {  	v0 =	vadd.f32 v1, v0  }
0x62: {  	v1 =	vld [tilespmem:s13+$0xFFFFFF00]  }
0x63: {  	v0 =	vadd.f32 v2, v0  }
0x64: {  	v2 =	vld [tilespmem:s13+$0xFFFFFF40]  }
0x65: {  	v0 =	vadd.f32 v3, v0  }
0x66: {  	v3 =	vld [tilespmem:s13+$0xFFFFFF80]  }
0x67: {  	v0 =	vadd.f32 v1, v0  }
0x68: {  	v1 =	vld [tilespmem:s13+$0xFFFFFFC0]  }
0x69: {  	v0 =	vadd.f32 v2, v0;
	_ =	sdelay $0x1  }
0x6a: {  	v0 =	vadd.f32 v3, v0;
	_ =	sdelay $0x1  }
0x6b: {  	v0 =	vadd.f32 v1, v0;
	_ =	sdelay $0x1  }
0x6c: {  	v0 =	vmul.f32 $5.000000070e-02, v0  }
0x6d: {  	s22 =	simm.s32 $0x0  }
0x6e: {  	[tilespmem:s22+$0x14500] =	vst v0  }
0x6f: {  	v0 =	vld [tilespmem:s13+$0xFFFFFB10]  }
0x70: {  	v1 =	vld [tilespmem:s13+$0xFFFFFB50];
	_ =	sdelay $0x1  }
0x71: {  	v2 =	vld [tilespmem:s13+$0xFFFFFB90];
	_ =	sdelay $0x1  }
0x72: {  	v3 =	vld [tilespmem:s13+$0xFFFFFBD0]  }
0x73: {  	v0 =	vadd.f32 v1, v0  }
0x74: {  	v1 =	vld [tilespmem:s13+$0xFFFFFC10]  }
0x75: {  	v0 =	vadd.f32 v2, v0  }
0x76: {  	v2 =	vld [tilespmem:s13+$0xFFFFFC50]  }
0x77: {  	v0 =	vadd.f32 v3, v0  }
0x78: {  	v3 =	vld [tilespmem:s13+$0xFFFFFC90]  }
0x79: {  	v0 =	vadd.f32 v1, v0  }
0x7a: {  	v1 =	vld [tilespmem:s13+$0xFFFFFCD0]  }
0x7b: {  	v0 =	vadd.f32 v2, v0  }
0x7c: {  	v2 =	vld [tilespmem:s13+$0xFFFFFD10]  }
0x7d: {  	v0 =	vadd.f32 v3, v0  }
0x7e: {  	v3 =	vld [tilespmem:s13+$0xFFFFFD50]  }
0x7f: {  	v0 =	vadd.f32 v1, v0  }
0x80: {  	v1 =	vld [tilespmem:s13+$0xFFFFFD90]  }
0x81: {  	v0 =	vadd.f32 v2, v0  }
0x82: {  	v2 =	vld [tilespmem:s13+$0xFFFFFDD0]  }
0x83: {  	v0 =	vadd.f32 v3, v0  }
0x84: {  	v3 =	vld [tilespmem:s13+$0xFFFFFE10]  }
0x85: {  	v0 =	vadd.f32 v1, v0  }
0x86: {  	v1 =	vld [tilespmem:s13+$0xFFFFFE50]  }
0x87: {  	v0 =	vadd.f32 v2, v0  }
0x88: {  	v2 =	vld [tilespmem:s13+$0xFFFFFE90]  }
0x89: {  	v0 =	vadd.f32 v3, v0  }
0x8a: {  	v3 =	vld [tilespmem:s13+$0xFFFFFED0]  }
0x8b: {  	v0 =	vadd.f32 v1, v0  }
0x8c: {  	v1 =	vld [tilespmem:s13+$0xFFFFFF10]  }
0x8d: {  	v0 =	vadd.f32 v2, v0  }
0x8e: {  	v2 =	vld [tilespmem:s13+$0xFFFFFF50]  }
0x8f: {  	v0 =	vadd.f32 v3, v0  }
0x90: {  	v3 =	vld [tilespmem:s13+$0xFFFFFF90]  }
0x91: {  	v0 =	vadd.f32 v1, v0  }
0x92: {  	v1 =	vld [tilespmem:s13+$0xFFFFFFD0]  }
0x93: {  	v0 =	vadd.f32 v2, v0;
	_ =	sdelay $0x1  }
0x94: {  	v0 =	vadd.f32 v3, v0;
	_ =	sdelay $0x1  }
0x95: {  	v0 =	vadd.f32 v1, v0;
	_ =	sdelay $0x1  }
0x96: {  	v0 =	vmul.f32 $5.000000070e-02, v0;
	_ =	sdelay $0x1  }
0x97: {  	[tilespmem:s22+$0x14510] =	vst v0  }
0x98: {  	v0 =	vld [tilespmem:s13+$0xFFFFFB20]  }
0x99: {  	v1 =	vld [tilespmem:s13+$0xFFFFFB60];
	_ =	sdelay $0x1  }
0x9a: {  	v2 =	vld [tilespmem:s13+$0xFFFFFBA0];
	_ =	sdelay $0x1  }
0x9b: {  	v3 =	vld [tilespmem:s13+$0xFFFFFBE0]  }
0x9c: {  	v0 =	vadd.f32 v1, v0  }
0x9d: {  	v1 =	vld [tilespmem:s13+$0xFFFFFC20]  }
0x9e: {  	v0 =	vadd.f32 v2, v0  }
0x9f: {  	v2 =	vld [tilespmem:s13+$0xFFFFFC60]  }
0xa0: {  	v0 =	vadd.f32 v3, v0  }
0xa1: {  	v3 =	vld [tilespmem:s13+$0xFFFFFCA0]  }
0xa2: {  	v0 =	vadd.f32 v1, v0  }
0xa3: {  	v1 =	vld [tilespmem:s13+$0xFFFFFCE0]  }
0xa4: {  	v0 =	vadd.f32 v2, v0  }
0xa5: {  	v2 =	vld [tilespmem:s13+$0xFFFFFD20]  }
0xa6: {  	v0 =	vadd.f32 v3, v0  }
0xa7: {  	v3 =	vld [tilespmem:s13+$0xFFFFFD60]  }
0xa8: {  	v0 =	vadd.f32 v1, v0  }
0xa9: {  	v1 =	vld [tilespmem:s13+$0xFFFFFDA0]  }
0xaa: {  	v0 =	vadd.f32 v2, v0  }
0xab: {  	v2 =	vld [tilespmem:s13+$0xFFFFFDE0]  }
0xac: {  	v0 =	vadd.f32 v3, v0  }
0xad: {  	v3 =	vld [tilespmem:s13+$0xFFFFFE20]  }
0xae: {  	v0 =	vadd.f32 v1, v0  }
0xaf: {  	v1 =	vld [tilespmem:s13+$0xFFFFFE60]  }
0xb0: {  	v0 =	vadd.f32 v2, v0  }
0xb1: {  	v2 =	vld [tilespmem:s13+$0xFFFFFEA0]  }
0xb2: {  	v0 =	vadd.f32 v3, v0  }
0xb3: {  	v3 =	vld [tilespmem:s13+$0xFFFFFEE0]  }
0xb4: {  	v0 =	vadd.f32 v1, v0  }
0xb5: {  	v1 =	vld [tilespmem:s13+$0xFFFFFF20]  }
0xb6: {  	v0 =	vadd.f32 v2, v0  }
0xb7: {  	v2 =	vld [tilespmem:s13+$0xFFFFFF60]  }
0xb8: {  	v0 =	vadd.f32 v3, v0  }
0xb9: {  	v3 =	vld [tilespmem:s13+$0xFFFFFFA0]  }
0xba: {  	v0 =	vadd.f32 v1, v0  }
0xbb: {  	v1 =	vld [tilespmem:s13+$0xFFFFFFE0]  }
0xbc: {  	v0 =	vadd.f32 v2, v0;
	_ =	sdelay $0x1  }
0xbd: {  	v0 =	vadd.f32 v3, v0;
	_ =	sdelay $0x1  }
0xbe: {  	v0 =	vadd.f32 v1, v0;
	_ =	sdelay $0x1  }
0xbf: {  	v0 =	vmul.f32 $5.000000070e-02, v0;
	_ =	sdelay $0x1  }
0xc0: {  	[tilespmem:s22+$0x14520] =	vst v0  }
0xc1: {  	v0 =	vld [tilespmem:s13+$0xFFFFFB30]  }
0xc2: {  	v1 =	vld [tilespmem:s13+$0xFFFFFB70];
	_ =	sdelay $0x1  }
0xc3: {  	v2 =	vld [tilespmem:s13+$0xFFFFFBB0];
	_ =	sdelay $0x1  }
0xc4: {  	v3 =	vld [tilespmem:s13+$0xFFFFFBF0]  }
0xc5: {  	v0 =	vadd.f32 v1, v0  }
0xc6: {  	v1 =	vld [tilespmem:s13+$0xFFFFFC30]  }
0xc7: {  	v0 =	vadd.f32 v2, v0  }
0xc8: {  	v2 =	vld [tilespmem:s13+$0xFFFFFC70]  }
0xc9: {  	v0 =	vadd.f32 v3, v0  }
0xca: {  	v3 =	vld [tilespmem:s13+$0xFFFFFCB0]  }
0xcb: {  	v0 =	vadd.f32 v1, v0  }
0xcc: {  	v1 =	vld [tilespmem:s13+$0xFFFFFCF0]  }
0xcd: {  	v0 =	vadd.f32 v2, v0  }
0xce: {  	v2 =	vld [tilespmem:s13+$0xFFFFFD30]  }
0xcf: {  	v0 =	vadd.f32 v3, v0  }
0xd0: {  	v3 =	vld [tilespmem:s13+$0xFFFFFD70]  }
0xd1: {  	v0 =	vadd.f32 v1, v0  }
0xd2: {  	v1 =	vld [tilespmem:s13+$0xFFFFFDB0]  }
0xd3: {  	v0 =	vadd.f32 v2, v0  }
0xd4: {  	v2 =	vld [tilespmem:s13+$0xFFFFFDF0]  }
0xd5: {  	v0 =	vadd.f32 v3, v0  }
0xd6: {  	v3 =	vld [tilespmem:s13+$0xFFFFFE30]  }
0xd7: {  	v0 =	vadd.f32 v1, v0  }
0xd8: {  	v1 =	vld [tilespmem:s13+$0xFFFFFE70]  }
0xd9: {  	v0 =	vadd.f32 v2, v0  }
0xda: {  	v2 =	vld [tilespmem:s13+$0xFFFFFEB0]  }
0xdb: {  	v0 =	vadd.f32 v3, v0  }
0xdc: {  	v3 =	vld [tilespmem:s13+$0xFFFFFEF0]  }
0xdd: {  	v0 =	vadd.f32 v1, v0  }
0xde: {  	v1 =	vld [tilespmem:s13+$0xFFFFFF30]  }
0xdf: {  	v0 =	vadd.f32 v2, v0  }
0xe0: {  	v2 =	vld [tilespmem:s13+$0xFFFFFF70]  }
0xe1: {  	v0 =	vadd.f32 v3, v0  }
0xe2: {  	v3 =	vld [tilespmem:s13+$0xFFFFFFB0]  }
0xe3: {  	v0 =	vadd.f32 v1, v0  }
0xe4: {  	v1 =	vld [tilespmem:s13+$0xFFFFFFF0]  }
0xe5: {  	v0 =	vadd.f32 v2, v0;
	_ =	sdelay $0x1  }
0xe6: {  	v0 =	vadd.f32 v3, v0;
	_ =	sdelay $0x1  }
0xe7: {  	v0 =	vadd.f32 v1, v0;
	_ =	sdelay $0x1  }
0xe8: {  	v0 =	vmul.f32 $5.000000070e-02, v0;
	_ =	sdelay $0x1  }
0xe9: {  	[tilespmem:s22+$0x14530] =	vst v0  }
0xea: {  	v0 =	vld [tilespmem:s13+$0x0]  }
0xeb: {  	v1 =	vld [tilespmem:s13+$0x40];
	_ =	sdelay $0x1  }
0xec: {  	v2 =	vld [tilespmem:s13+$0x80];
	_ =	sdelay $0x1  }
0xed: {  	v3 =	vld [tilespmem:s13+$0xC0]  }
0xee: {  	v0 =	vadd.f32 v1, v0  }
0xef: {  	v1 =	vld [tilespmem:s13+$0x100]  }
0xf0: {  	v0 =	vadd.f32 v2, v0  }
0xf1: {  	v2 =	vld [tilespmem:s13+$0x140]  }
0xf2: {  	v0 =	vadd.f32 v3, v0  }
0xf3: {  	v3 =	vld [tilespmem:s13+$0x180]  }
0xf4: {  	v0 =	vadd.f32 v1, v0  }
0xf5: {  	v1 =	vld [tilespmem:s13+$0x1C0]  }
0xf6: {  	v0 =	vadd.f32 v2, v0  }
0xf7: {  	v2 =	vld [tilespmem:s13+$0x200]  }
0xf8: {  	v0 =	vadd.f32 v3, v0  }
0xf9: {  	v3 =	vld [tilespmem:s13+$0x240]  }
0xfa: {  	v0 =	vadd.f32 v1, v0  }
0xfb: {  	v1 =	vld [tilespmem:s13+$0x280]  }
0xfc: {  	v0 =	vadd.f32 v2, v0  }
0xfd: {  	v2 =	vld [tilespmem:s13+$0x2C0]  }
0xfe: {  	v0 =	vadd.f32 v3, v0  }
0xff: {  	v3 =	vld [tilespmem:s13+$0x300]  }
0x100: {  	v0 =	vadd.f32 v1, v0  }
0x101: {  	v1 =	vld [tilespmem:s13+$0x340]  }
0x102: {  	v0 =	vadd.f32 v2, v0  }
0x103: {  	v2 =	vld [tilespmem:s13+$0x380]  }
0x104: {  	v0 =	vadd.f32 v3, v0  }
0x105: {  	v3 =	vld [tilespmem:s13+$0x3C0]  }
0x106: {  	v0 =	vadd.f32 v1, v0  }
0x107: {  	v1 =	vld [tilespmem:s13+$0x400]  }
0x108: {  	v0 =	vadd.f32 v2, v0  }
0x109: {  	v2 =	vld [tilespmem:s13+$0x440]  }
0x10a: {  	v0 =	vadd.f32 v3, v0  }
0x10b: {  	v3 =	vld [tilespmem:s13+$0x480]  }
0x10c: {  	v0 =	vadd.f32 v1, v0  }
0x10d: {  	v1 =	vld [tilespmem:s13+$0x4C0]  }
0x10e: {  	v0 =	vadd.f32 v2, v0;
	_ =	sdelay $0x1  }
0x10f: {  	v0 =	vadd.f32 v3, v0;
	_ =	sdelay $0x1  }
0x110: {  	v0 =	vadd.f32 v1, v0;
	_ =	sdelay $0x1  }
0x111: {  	v0 =	vmul.f32 $5.000000070e-02, v0;
	_ =	sdelay $0x1  }
0x112: {  	[tilespmem:s22+$0x14540] =	vst v0  }
0x113: {  	v0 =	vld [tilespmem:s13+$0x10]  }
0x114: {  	v1 =	vld [tilespmem:s13+$0x50];
	_ =	sdelay $0x1  }
0x115: {  	v2 =	vld [tilespmem:s13+$0x90];
	_ =	sdelay $0x1  }
0x116: {  	v3 =	vld [tilespmem:s13+$0xD0]  }
0x117: {  	v0 =	vadd.f32 v1, v0  }
0x118: {  	v1 =	vld [tilespmem:s13+$0x110]  }
0x119: {  	v0 =	vadd.f32 v2, v0  }
0x11a: {  	v2 =	vld [tilespmem:s13+$0x150]  }
0x11b: {  	v0 =	vadd.f32 v3, v0  }
0x11c: {  	v3 =	vld [tilespmem:s13+$0x190]  }
0x11d: {  	v0 =	vadd.f32 v1, v0  }
0x11e: {  	v1 =	vld [tilespmem:s13+$0x1D0]  }
0x11f: {  	v0 =	vadd.f32 v2, v0  }
0x120: {  	v2 =	vld [tilespmem:s13+$0x210]  }
0x121: {  	v0 =	vadd.f32 v3, v0  }
0x122: {  	v3 =	vld [tilespmem:s13+$0x250]  }
0x123: {  	v0 =	vadd.f32 v1, v0  }
0x124: {  	v1 =	vld [tilespmem:s13+$0x290]  }
0x125: {  	v0 =	vadd.f32 v2, v0  }
0x126: {  	v2 =	vld [tilespmem:s13+$0x2D0]  }
0x127: {  	v0 =	vadd.f32 v3, v0  }
0x128: {  	v3 =	vld [tilespmem:s13+$0x310]  }
0x129: {  	v0 =	vadd.f32 v1, v0  }
0x12a: {  	v1 =	vld [tilespmem:s13+$0x350]  }
0x12b: {  	v0 =	vadd.f32 v2, v0  }
0x12c: {  	v2 =	vld [tilespmem:s13+$0x390]  }
0x12d: {  	v0 =	vadd.f32 v3, v0  }
0x12e: {  	v3 =	vld [tilespmem:s13+$0x3D0]  }
0x12f: {  	v0 =	vadd.f32 v1, v0  }
0x130: {  	v1 =	vld [tilespmem:s13+$0x410]  }
0x131: {  	v0 =	vadd.f32 v2, v0  }
0x132: {  	v2 =	vld [tilespmem:s13+$0x450]  }
0x133: {  	v0 =	vadd.f32 v3, v0  }
0x134: {  	v3 =	vld [tilespmem:s13+$0x490]  }
0x135: {  	v0 =	vadd.f32 v1, v0  }
0x136: {  	v1 =	vld [tilespmem:s13+$0x4D0]  }
0x137: {  	v0 =	vadd.f32 v2, v0;
	_ =	sdelay $0x1  }
0x138: {  	v0 =	vadd.f32 v3, v0;
	_ =	sdelay $0x1  }
0x139: {  	v0 =	vadd.f32 v1, v0;
	_ =	sdelay $0x1  }
0x13a: {  	v0 =	vmul.f32 $5.000000070e-02, v0;
	_ =	sdelay $0x1  }
0x13b: {  	[tilespmem:s22+$0x14550] =	vst v0  }
0x13c: {  	v0 =	vld [tilespmem:s13+$0x20]  }
0x13d: {  	v1 =	vld [tilespmem:s13+$0x60];
	_ =	sdelay $0x1  }
0x13e: {  	v2 =	vld [tilespmem:s13+$0xA0];
	_ =	sdelay $0x1  }
0x13f: {  	v3 =	vld [tilespmem:s13+$0xE0]  }
0x140: {  	v0 =	vadd.f32 v1, v0  }
0x141: {  	v1 =	vld [tilespmem:s13+$0x120]  }
0x142: {  	v0 =	vadd.f32 v2, v0  }
0x143: {  	v2 =	vld [tilespmem:s13+$0x160]  }
0x144: {  	v0 =	vadd.f32 v3, v0  }
0x145: {  	v3 =	vld [tilespmem:s13+$0x1A0]  }
0x146: {  	v0 =	vadd.f32 v1, v0  }
0x147: {  	v1 =	vld [tilespmem:s13+$0x1E0]  }
0x148: {  	v0 =	vadd.f32 v2, v0  }
0x149: {  	v2 =	vld [tilespmem:s13+$0x220]  }
0x14a: {  	v0 =	vadd.f32 v3, v0  }
0x14b: {  	v3 =	vld [tilespmem:s13+$0x260]  }
0x14c: {  	v0 =	vadd.f32 v1, v0  }
0x14d: {  	v1 =	vld [tilespmem:s13+$0x2A0]  }
0x14e: {  	v0 =	vadd.f32 v2, v0  }
0x14f: {  	v2 =	vld [tilespmem:s13+$0x2E0]  }
0x150: {  	v0 =	vadd.f32 v3, v0  }
0x151: {  	v3 =	vld [tilespmem:s13+$0x320]  }
0x152: {  	v0 =	vadd.f32 v1, v0  }
0x153: {  	v1 =	vld [tilespmem:s13+$0x360]  }
0x154: {  	v0 =	vadd.f32 v2, v0  }
0x155: {  	v2 =	vld [tilespmem:s13+$0x3A0]  }
0x156: {  	v0 =	vadd.f32 v3, v0  }
0x157: {  	v3 =	vld [tilespmem:s13+$0x3E0]  }
0x158: {  	v0 =	vadd.f32 v1, v0  }
0x159: {  	v1 =	vld [tilespmem:s13+$0x420]  }
0x15a: {  	v0 =	vadd.f32 v2, v0  }
0x15b: {  	v2 =	vld [tilespmem:s13+$0x460]  }
0x15c: {  	v0 =	vadd.f32 v3, v0  }
0x15d: {  	v3 =	vld [tilespmem:s13+$0x4A0]  }
0x15e: {  	v0 =	vadd.f32 v1, v0  }
0x15f: {  	v1 =	vld [tilespmem:s13+$0x4E0]  }
0x160: {  	v0 =	vadd.f32 v2, v0;
	_ =	sdelay $0x1  }
0x161: {  	v0 =	vadd.f32 v3, v0;
	_ =	sdelay $0x1  }
0x162: {  	v0 =	vadd.f32 v1, v0;
	_ =	sdelay $0x1  }
0x163: {  	v0 =	vmul.f32 $5.000000070e-02, v0;
	_ =	sdelay $0x1  }
0x164: {  	[tilespmem:s22+$0x14560] =	vst v0  }
0x165: {  	v0 =	vld [tilespmem:s13+$0x30]  }
0x166: {  	v1 =	vld [tilespmem:s13+$0x70];
	_ =	sdelay $0x1  }
0x167: {  	v2 =	vld [tilespmem:s13+$0xB0];
	_ =	sdelay $0x1  }
0x168: {  	v3 =	vld [tilespmem:s13+$0xF0]  }
0x169: {  	v0 =	vadd.f32 v1, v0  }
0x16a: {  	v1 =	vld [tilespmem:s13+$0x130]  }
0x16b: {  	v0 =	vadd.f32 v2, v0  }
0x16c: {  	v2 =	vld [tilespmem:s13+$0x170]  }
0x16d: {  	v0 =	vadd.f32 v3, v0  }
0x16e: {  	v3 =	vld [tilespmem:s13+$0x1B0]  }
0x16f: {  	v0 =	vadd.f32 v1, v0  }
0x170: {  	v1 =	vld [tilespmem:s13+$0x1F0]  }
0x171: {  	v0 =	vadd.f32 v2, v0  }
0x172: {  	v2 =	vld [tilespmem:s13+$0x230]  }
0x173: {  	v0 =	vadd.f32 v3, v0  }
0x174: {  	v3 =	vld [tilespmem:s13+$0x270]  }
0x175: {  	v0 =	vadd.f32 v1, v0  }
0x176: {  	v1 =	vld [tilespmem:s13+$0x2B0]  }
0x177: {  	v0 =	vadd.f32 v2, v0  }
0x178: {  	v2 =	vld [tilespmem:s13+$0x2F0]  }
0x179: {  	v0 =	vadd.f32 v3, v0  }
0x17a: {  	v3 =	vld [tilespmem:s13+$0x330]  }
0x17b: {  	v0 =	vadd.f32 v1, v0  }
0x17c: {  	v1 =	vld [tilespmem:s13+$0x370]  }
0x17d: {  	v0 =	vadd.f32 v2, v0  }
0x17e: {  	v2 =	vld [tilespmem:s13+$0x3B0]  }
0x17f: {  	v0 =	vadd.f32 v3, v0  }
0x180: {  	v3 =	vld [tilespmem:s13+$0x3F0]  }
0x181: {  	v0 =	vadd.f32 v1, v0  }
0x182: {  	v4 =	vld [tilespmem:s13+$0x430]  }
0x183: {  	v0 =	vadd.f32 v2, v0  }
0x184: {  	v2 =	vld [tilespmem:s13+$0x470]  }
0x185: {  	v3 =	vadd.f32 v3, v0  }
0x186: {  	v0 =	vld [tilespmem:s13+$0x4B0]  }
0x187: {  	s12 =	sshll.u32 s8, $0xC;
	s25 =	simm.s32 $0x200;
	v1 =	vld [tilespmem:s13+$0x4F0];
	v3 =	vadd.f32 v4, v3  }
.LBB2_6:
0x188: {  	p2 =	sne.s32 s25, $0x1E00  }
0x189: {  	s13 =	sadd.s32 $0xA00, s13;
	s26 =	smov.u32 s25;
	s25 =	sadd.s32 $0x200, s25;
	v2 =	vadd.f32 v2, v3  }
0x18a: {  	_ = 	snop  }
0x18b: {  	v0 =	vadd.f32 v0, v2;
	_ =	sdelay $0x1  }
0x18c: {  	v0 =	vadd.f32 v1, v0;
	_ =	sdelay $0x1  }
0x18d: {  	v0 =	vmul.f32 $5.000000070e-02, v0;
	_ =	sdelay $0x1  }
0x18e: {  	[tilespmem:s22+$0x14570] =	vst v0  }
0x18f: {  	v0 =	vld [tilespmem:s13+$0xFFFFFB40]  }
0x190: {  	v1 =	vld [tilespmem:s13+$0xFFFFFB00]  }
0x191: {  	v2 =	vld [tilespmem:s13+$0xFFFFFB80];
	_ =	sdelay $0x2  }
0x192: {  	v3 =	vld [tilespmem:s13+$0xFFFFFBC0]  }
0x193: {  	v0 =	vadd.f32 v0, v1  }
0x194: {  	v1 =	vld [tilespmem:s13+$0xFFFFFC00]  }
0x195: {  	v0 =	vadd.f32 v2, v0  }
0x196: {  	v2 =	vld [tilespmem:s13+$0xFFFFFC40]  }
0x197: {  	v0 =	vadd.f32 v3, v0  }
0x198: {  	v3 =	vld [tilespmem:s13+$0xFFFFFC80]  }
0x199: {  	v0 =	vadd.f32 v1, v0  }
0x19a: {  	v1 =	vld [tilespmem:s13+$0xFFFFFCC0]  }
0x19b: {  	v0 =	vadd.f32 v2, v0  }
0x19c: {  	v2 =	vld [tilespmem:s13+$0xFFFFFD00]  }
0x19d: {  	v0 =	vadd.f32 v3, v0  }
0x19e: {  	v3 =	vld [tilespmem:s13+$0xFFFFFD40]  }
0x19f: {  	v0 =	vadd.f32 v1, v0  }
0x1a0: {  	v1 =	vld [tilespmem:s13+$0xFFFFFD80]  }
0x1a1: {  	v0 =	vadd.f32 v2, v0  }
0x1a2: {  	v2 =	vld [tilespmem:s13+$0xFFFFFDC0]  }
0x1a3: {  	v0 =	vadd.f32 v3, v0  }
0x1a4: {  	v3 =	vld [tilespmem:s13+$0xFFFFFE00]  }
0x1a5: {  	v0 =	vadd.f32 v1, v0  }
0x1a6: {  	v1 =	vld [tilespmem:s13+$0xFFFFFE40]  }
0x1a7: {  	v0 =	vadd.f32 v2, v0  }
0x1a8: {  	v2 =	vld [tilespmem:s13+$0xFFFFFE80]  }
0x1a9: {  	v0 =	vadd.f32 v3, v0  }
0x1aa: {  	v3 =	vld [tilespmem:s13+$0xFFFFFEC0]  }
0x1ab: {  	v0 =	vadd.f32 v1, v0  }
0x1ac: {  	v1 =	vld [tilespmem:s13+$0xFFFFFF00]  }
0x1ad: {  	v0 =	vadd.f32 v2, v0  }
0x1ae: {  	v2 =	vld [tilespmem:s13+$0xFFFFFF40]  }
0x1af: {  	v0 =	vadd.f32 v3, v0  }
0x1b0: {  	v3 =	vld [tilespmem:s13+$0xFFFFFF80]  }
0x1b1: {  	v0 =	vadd.f32 v1, v0  }
0x1b2: {  	v1 =	vld [tilespmem:s13+$0xFFFFFFC0]  }
0x1b3: {  	v0 =	vadd.f32 v2, v0;
	_ =	sdelay $0x1  }
0x1b4: {  	v0 =	vadd.f32 v3, v0;
	_ =	sdelay $0x1  }
0x1b5: {  	v0 =	vadd.f32 v1, v0;
	_ =	sdelay $0x1  }
0x1b6: {  	v0 =	vmul.f32 $5.000000070e-02, v0  }
0x1b7: {  	s22 =	sshra.s32 s26, $0x2  }
0x1b8: {  	[tilespmem:s22+$0x14500] =	vst v0  }
0x1b9: {  	v0 =	vld [tilespmem:s13+$0xFFFFFB10]  }
0x1ba: {  	v1 =	vld [tilespmem:s13+$0xFFFFFB50];
	_ =	sdelay $0x1  }
0x1bb: {  	v2 =	vld [tilespmem:s13+$0xFFFFFB90];
	_ =	sdelay $0x1  }
0x1bc: {  	v3 =	vld [tilespmem:s13+$0xFFFFFBD0]  }
0x1bd: {  	v0 =	vadd.f32 v1, v0  }
0x1be: {  	v1 =	vld [tilespmem:s13+$0xFFFFFC10]  }
0x1bf: {  	v0 =	vadd.f32 v2, v0  }
0x1c0: {  	v2 =	vld [tilespmem:s13+$0xFFFFFC50]  }
0x1c1: {  	v0 =	vadd.f32 v3, v0  }
0x1c2: {  	v3 =	vld [tilespmem:s13+$0xFFFFFC90]  }
0x1c3: {  	v0 =	vadd.f32 v1, v0  }
0x1c4: {  	v1 =	vld [tilespmem:s13+$0xFFFFFCD0]  }
0x1c5: {  	v0 =	vadd.f32 v2, v0  }
0x1c6: {  	v2 =	vld [tilespmem:s13+$0xFFFFFD10]  }
0x1c7: {  	v0 =	vadd.f32 v3, v0  }
0x1c8: {  	v3 =	vld [tilespmem:s13+$0xFFFFFD50]  }
0x1c9: {  	v0 =	vadd.f32 v1, v0  }
0x1ca: {  	v1 =	vld [tilespmem:s13+$0xFFFFFD90]  }
0x1cb: {  	v0 =	vadd.f32 v2, v0  }
0x1cc: {  	v2 =	vld [tilespmem:s13+$0xFFFFFDD0]  }
0x1cd: {  	v0 =	vadd.f32 v3, v0  }
0x1ce: {  	v3 =	vld [tilespmem:s13+$0xFFFFFE10]  }
0x1cf: {  	v0 =	vadd.f32 v1, v0  }
0x1d0: {  	v1 =	vld [tilespmem:s13+$0xFFFFFE50]  }
0x1d1: {  	v0 =	vadd.f32 v2, v0  }
0x1d2: {  	v2 =	vld [tilespmem:s13+$0xFFFFFE90]  }
0x1d3: {  	v0 =	vadd.f32 v3, v0  }
0x1d4: {  	v3 =	vld [tilespmem:s13+$0xFFFFFED0]  }
0x1d5: {  	v0 =	vadd.f32 v1, v0  }
0x1d6: {  	v1 =	vld [tilespmem:s13+$0xFFFFFF10]  }
0x1d7: {  	v0 =	vadd.f32 v2, v0  }
0x1d8: {  	v2 =	vld [tilespmem:s13+$0xFFFFFF50]  }
0x1d9: {  	v0 =	vadd.f32 v3, v0  }
0x1da: {  	v3 =	vld [tilespmem:s13+$0xFFFFFF90]  }
0x1db: {  	v0 =	vadd.f32 v1, v0  }
0x1dc: {  	v1 =	vld [tilespmem:s13+$0xFFFFFFD0]  }
0x1dd: {  	v0 =	vadd.f32 v2, v0;
	_ =	sdelay $0x1  }
0x1de: {  	v0 =	vadd.f32 v3, v0;
	_ =	sdelay $0x1  }
0x1df: {  	v0 =	vadd.f32 v1, v0;
	_ =	sdelay $0x1  }
0x1e0: {  	v0 =	vmul.f32 $5.000000070e-02, v0;
	_ =	sdelay $0x1  }
0x1e1: {  	[tilespmem:s22+$0x14510] =	vst v0  }
0x1e2: {  	v0 =	vld [tilespmem:s13+$0xFFFFFB20]  }
0x1e3: {  	v1 =	vld [tilespmem:s13+$0xFFFFFB60];
	_ =	sdelay $0x1  }
0x1e4: {  	v2 =	vld [tilespmem:s13+$0xFFFFFBA0];
	_ =	sdelay $0x1  }
0x1e5: {  	v3 =	vld [tilespmem:s13+$0xFFFFFBE0]  }
0x1e6: {  	v0 =	vadd.f32 v1, v0  }
0x1e7: {  	v1 =	vld [tilespmem:s13+$0xFFFFFC20]  }
0x1e8: {  	v0 =	vadd.f32 v2, v0  }
0x1e9: {  	v2 =	vld [tilespmem:s13+$0xFFFFFC60]  }
0x1ea: {  	v0 =	vadd.f32 v3, v0  }
0x1eb: {  	v3 =	vld [tilespmem:s13+$0xFFFFFCA0]  }
0x1ec: {  	v0 =	vadd.f32 v1, v0  }
0x1ed: {  	v1 =	vld [tilespmem:s13+$0xFFFFFCE0]  }
0x1ee: {  	v0 =	vadd.f32 v2, v0  }
0x1ef: {  	v2 =	vld [tilespmem:s13+$0xFFFFFD20]  }
0x1f0: {  	v0 =	vadd.f32 v3, v0  }
0x1f1: {  	v3 =	vld [tilespmem:s13+$0xFFFFFD60]  }
0x1f2: {  	v0 =	vadd.f32 v1, v0  }
0x1f3: {  	v1 =	vld [tilespmem:s13+$0xFFFFFDA0]  }
0x1f4: {  	v0 =	vadd.f32 v2, v0  }
0x1f5: {  	v2 =	vld [tilespmem:s13+$0xFFFFFDE0]  }
0x1f6: {  	v0 =	vadd.f32 v3, v0  }
0x1f7: {  	v3 =	vld [tilespmem:s13+$0xFFFFFE20]  }
0x1f8: {  	v0 =	vadd.f32 v1, v0  }
0x1f9: {  	v1 =	vld [tilespmem:s13+$0xFFFFFE60]  }
0x1fa: {  	v0 =	vadd.f32 v2, v0  }
0x1fb: {  	v2 =	vld [tilespmem:s13+$0xFFFFFEA0]  }
0x1fc: {  	v0 =	vadd.f32 v3, v0  }
0x1fd: {  	v3 =	vld [tilespmem:s13+$0xFFFFFEE0]  }
0x1fe: {  	v0 =	vadd.f32 v1, v0  }
0x1ff: {  	v1 =	vld [tilespmem:s13+$0xFFFFFF20]  }
0x200: {  	v0 =	vadd.f32 v2, v0  }
0x201: {  	v2 =	vld [tilespmem:s13+$0xFFFFFF60]  }
0x202: {  	v0 =	vadd.f32 v3, v0  }
0x203: {  	v3 =	vld [tilespmem:s13+$0xFFFFFFA0]  }
0x204: {  	v0 =	vadd.f32 v1, v0  }
0x205: {  	v1 =	vld [tilespmem:s13+$0xFFFFFFE0]  }
0x206: {  	v0 =	vadd.f32 v2, v0;
	_ =	sdelay $0x1  }
0x207: {  	v0 =	vadd.f32 v3, v0;
	_ =	sdelay $0x1  }
0x208: {  	v0 =	vadd.f32 v1, v0;
	_ =	sdelay $0x1  }
0x209: {  	v0 =	vmul.f32 $5.000000070e-02, v0;
	_ =	sdelay $0x1  }
0x20a: {  	[tilespmem:s22+$0x14520] =	vst v0  }
0x20b: {  	v0 =	vld [tilespmem:s13+$0xFFFFFB30]  }
0x20c: {  	v1 =	vld [tilespmem:s13+$0xFFFFFB70];
	_ =	sdelay $0x1  }
0x20d: {  	v2 =	vld [tilespmem:s13+$0xFFFFFBB0];
	_ =	sdelay $0x1  }
0x20e: {  	v3 =	vld [tilespmem:s13+$0xFFFFFBF0]  }
0x20f: {  	v0 =	vadd.f32 v1, v0  }
0x210: {  	v1 =	vld [tilespmem:s13+$0xFFFFFC30]  }
0x211: {  	v0 =	vadd.f32 v2, v0  }
0x212: {  	v2 =	vld [tilespmem:s13+$0xFFFFFC70]  }
0x213: {  	v0 =	vadd.f32 v3, v0  }
0x214: {  	v3 =	vld [tilespmem:s13+$0xFFFFFCB0]  }
0x215: {  	v0 =	vadd.f32 v1, v0  }
0x216: {  	v1 =	vld [tilespmem:s13+$0xFFFFFCF0]  }
0x217: {  	v0 =	vadd.f32 v2, v0  }
0x218: {  	v2 =	vld [tilespmem:s13+$0xFFFFFD30]  }
0x219: {  	v0 =	vadd.f32 v3, v0  }
0x21a: {  	v3 =	vld [tilespmem:s13+$0xFFFFFD70]  }
0x21b: {  	v0 =	vadd.f32 v1, v0  }
0x21c: {  	v1 =	vld [tilespmem:s13+$0xFFFFFDB0]  }
0x21d: {  	v0 =	vadd.f32 v2, v0  }
0x21e: {  	v2 =	vld [tilespmem:s13+$0xFFFFFDF0]  }
0x21f: {  	v0 =	vadd.f32 v3, v0  }
0x220: {  	v3 =	vld [tilespmem:s13+$0xFFFFFE30]  }
0x221: {  	v0 =	vadd.f32 v1, v0  }
0x222: {  	v1 =	vld [tilespmem:s13+$0xFFFFFE70]  }
0x223: {  	v0 =	vadd.f32 v2, v0  }
0x224: {  	v2 =	vld [tilespmem:s13+$0xFFFFFEB0]  }
0x225: {  	v0 =	vadd.f32 v3, v0  }
0x226: {  	v3 =	vld [tilespmem:s13+$0xFFFFFEF0]  }
0x227: {  	v0 =	vadd.f32 v1, v0  }
0x228: {  	v1 =	vld [tilespmem:s13+$0xFFFFFF30]  }
0x229: {  	v0 =	vadd.f32 v2, v0  }
0x22a: {  	v2 =	vld [tilespmem:s13+$0xFFFFFF70]  }
0x22b: {  	v0 =	vadd.f32 v3, v0  }
0x22c: {  	v3 =	vld [tilespmem:s13+$0xFFFFFFB0]  }
0x22d: {  	v0 =	vadd.f32 v1, v0  }
0x22e: {  	v1 =	vld [tilespmem:s13+$0xFFFFFFF0]  }
0x22f: {  	v0 =	vadd.f32 v2, v0;
	_ =	sdelay $0x1  }
0x230: {  	v0 =	vadd.f32 v3, v0;
	_ =	sdelay $0x1  }
0x231: {  	v0 =	vadd.f32 v1, v0;
	_ =	sdelay $0x1  }
0x232: {  	v0 =	vmul.f32 $5.000000070e-02, v0;
	_ =	sdelay $0x1  }
0x233: {  	[tilespmem:s22+$0x14530] =	vst v0  }
0x234: {  	v0 =	vld [tilespmem:s13+$0x0]  }
0x235: {  	v1 =	vld [tilespmem:s13+$0x40];
	_ =	sdelay $0x1  }
0x236: {  	v2 =	vld [tilespmem:s13+$0x80];
	_ =	sdelay $0x1  }
0x237: {  	v3 =	vld [tilespmem:s13+$0xC0]  }
0x238: {  	v0 =	vadd.f32 v1, v0  }
0x239: {  	v1 =	vld [tilespmem:s13+$0x100]  }
0x23a: {  	v0 =	vadd.f32 v2, v0  }
0x23b: {  	v2 =	vld [tilespmem:s13+$0x140]  }
0x23c: {  	v0 =	vadd.f32 v3, v0  }
0x23d: {  	v3 =	vld [tilespmem:s13+$0x180]  }
0x23e: {  	v0 =	vadd.f32 v1, v0  }
0x23f: {  	v1 =	vld [tilespmem:s13+$0x1C0]  }
0x240: {  	v0 =	vadd.f32 v2, v0  }
0x241: {  	v2 =	vld [tilespmem:s13+$0x200]  }
0x242: {  	v0 =	vadd.f32 v3, v0  }
0x243: {  	v3 =	vld [tilespmem:s13+$0x240]  }
0x244: {  	v0 =	vadd.f32 v1, v0  }
0x245: {  	v1 =	vld [tilespmem:s13+$0x280]  }
0x246: {  	v0 =	vadd.f32 v2, v0  }
0x247: {  	v2 =	vld [tilespmem:s13+$0x2C0]  }
0x248: {  	v0 =	vadd.f32 v3, v0  }
0x249: {  	v3 =	vld [tilespmem:s13+$0x300]  }
0x24a: {  	v0 =	vadd.f32 v1, v0  }
0x24b: {  	v1 =	vld [tilespmem:s13+$0x340]  }
0x24c: {  	v0 =	vadd.f32 v2, v0  }
0x24d: {  	v2 =	vld [tilespmem:s13+$0x380]  }
0x24e: {  	v0 =	vadd.f32 v3, v0  }
0x24f: {  	v3 =	vld [tilespmem:s13+$0x3C0]  }
0x250: {  	v0 =	vadd.f32 v1, v0  }
0x251: {  	v1 =	vld [tilespmem:s13+$0x400]  }
0x252: {  	v0 =	vadd.f32 v2, v0  }
0x253: {  	v2 =	vld [tilespmem:s13+$0x440]  }
0x254: {  	v0 =	vadd.f32 v3, v0  }
0x255: {  	v3 =	vld [tilespmem:s13+$0x480]  }
0x256: {  	v0 =	vadd.f32 v1, v0  }
0x257: {  	v1 =	vld [tilespmem:s13+$0x4C0]  }
0x258: {  	v0 =	vadd.f32 v2, v0;
	_ =	sdelay $0x1  }
0x259: {  	v0 =	vadd.f32 v3, v0;
	_ =	sdelay $0x1  }
0x25a: {  	v0 =	vadd.f32 v1, v0;
	_ =	sdelay $0x1  }
0x25b: {  	v0 =	vmul.f32 $5.000000070e-02, v0;
	_ =	sdelay $0x1  }
0x25c: {  	[tilespmem:s22+$0x14540] =	vst v0  }
0x25d: {  	v0 =	vld [tilespmem:s13+$0x10]  }
0x25e: {  	v1 =	vld [tilespmem:s13+$0x50]  }
0x25f: {  	v2 =	vld [tilespmem:s13+$0x90]  }
0x260: {  	v3 =	vld [tilespmem:s13+$0xD0]  }
0x261: {  	v4 =	vld [tilespmem:s13+$0x110]  }
0x262: {  	v5 =	vld [tilespmem:s13+$0x150]  }
0x263: {  	v0 =	vadd.f32 v1, v0;
	v1 =	vld [tilespmem:s13+$0x190]  }
0x264: {  	v6 =	vld [tilespmem:s13+$0x1D0]  }
0x265: {  	v0 =	vadd.f32 v2, v0;
	v2 =	vld [tilespmem:s13+$0x210]  }
0x266: {  	v7 =	vld [tilespmem:s13+$0x250]  }
0x267: {  	v0 =	vadd.f32 v3, v0;
	v3 =	vld [tilespmem:s13+$0x290]  }
0x268: {  	v8 =	vld [tilespmem:s13+$0x2D0]  }
0x269: {  	v0 =	vadd.f32 v4, v0;
	v4 =	vld [tilespmem:s13+$0x310]  }
0x26a: {  	v9 =	vld [tilespmem:s13+$0x350]  }
0x26b: {  	v0 =	vadd.f32 v5, v0;
	v5 =	vld [tilespmem:s13+$0x390]  }
0x26c: {  	v10 =	vld [tilespmem:s13+$0x3D0]  }
0x26d: {  	v0 =	vadd.f32 v1, v0;
	v1 =	vld [tilespmem:s13+$0x410]  }
0x26e: {  	v11 =	vld [tilespmem:s13+$0x450]  }
0x26f: {  	v0 =	vadd.f32 v6, v0;
	v6 =	vld [tilespmem:s13+$0x490]  }
0x270: {  	v12 =	vld [tilespmem:s13+$0x4D0]  }
0x271: {  	v0 =	vadd.f32 v2, v0;
	_ =	sdelay $0x1  }
0x272: {  	v0 =	vadd.f32 v7, v0;
	_ =	sdelay $0x1  }
0x273: {  	v0 =	vadd.f32 v3, v0;
	_ =	sdelay $0x1  }
0x274: {  	v0 =	vadd.f32 v8, v0;
	_ =	sdelay $0x1  }
0x275: {  	v0 =	vadd.f32 v4, v0;
	_ =	sdelay $0x1  }
0x276: {  	v0 =	vadd.f32 v9, v0;
	_ =	sdelay $0x1  }
0x277: {  	v0 =	vadd.f32 v5, v0;
	_ =	sdelay $0x1  }
0x278: {  	v0 =	vadd.f32 v10, v0;
	_ =	sdelay $0x1  }
0x279: {  	v0 =	vadd.f32 v1, v0;
	_ =	sdelay $0x1  }
0x27a: {  	v0 =	vadd.f32 v11, v0;
	_ =	sdelay $0x1  }
0x27b: {  	v0 =	vadd.f32 v6, v0;
	_ =	sdelay $0x1  }
0x27c: {  	v0 =	vadd.f32 v12, v0;
	_ =	sdelay $0x1  }
0x27d: {  	v0 =	vmul.f32 $5.000000070e-02, v0;
	_ =	sdelay $0x1  }
0x27e: {  	[tilespmem:s22+$0x14550] =	vst v0  }
0x27f: {  	v0 =	vld [tilespmem:s13+$0x20]  }
0x280: {  	v1 =	vld [tilespmem:s13+$0x60]  }
0x281: {  	v2 =	vld [tilespmem:s13+$0xA0]  }
0x282: {  	v3 =	vld [tilespmem:s13+$0xE0]  }
0x283: {  	v4 =	vld [tilespmem:s13+$0x120]  }
0x284: {  	v5 =	vld [tilespmem:s13+$0x160]  }
0x285: {  	v0 =	vadd.f32 v1, v0;
	v1 =	vld [tilespmem:s13+$0x1A0]  }
0x286: {  	v6 =	vld [tilespmem:s13+$0x1E0]  }
0x287: {  	v0 =	vadd.f32 v2, v0;
	v2 =	vld [tilespmem:s13+$0x220]  }
0x288: {  	v7 =	vld [tilespmem:s13+$0x260]  }
0x289: {  	v0 =	vadd.f32 v3, v0;
	v3 =	vld [tilespmem:s13+$0x2A0]  }
0x28a: {  	v8 =	vld [tilespmem:s13+$0x2E0]  }
0x28b: {  	v0 =	vadd.f32 v4, v0;
	v4 =	vld [tilespmem:s13+$0x320]  }
0x28c: {  	v9 =	vld [tilespmem:s13+$0x360]  }
0x28d: {  	v0 =	vadd.f32 v5, v0;
	v5 =	vld [tilespmem:s13+$0x3A0]  }
0x28e: {  	v10 =	vld [tilespmem:s13+$0x3E0]  }
0x28f: {  	v0 =	vadd.f32 v1, v0;
	v1 =	vld [tilespmem:s13+$0x420]  }
0x290: {  	v11 =	vld [tilespmem:s13+$0x460]  }
0x291: {  	v0 =	vadd.f32 v6, v0;
	v6 =	vld [tilespmem:s13+$0x4A0]  }
0x292: {  	v12 =	vld [tilespmem:s13+$0x4E0]  }
0x293: {  	v0 =	vadd.f32 v2, v0;
	_ =	sdelay $0x1  }
0x294: {  	v0 =	vadd.f32 v7, v0;
	_ =	sdelay $0x1  }
0x295: {  	v0 =	vadd.f32 v3, v0;
	_ =	sdelay $0x1  }
0x296: {  	v0 =	vadd.f32 v8, v0;
	_ =	sdelay $0x1  }
0x297: {  	v0 =	vadd.f32 v4, v0;
	_ =	sdelay $0x1  }
0x298: {  	v0 =	vadd.f32 v9, v0;
	_ =	sdelay $0x1  }
0x299: {  	v0 =	vadd.f32 v5, v0;
	_ =	sdelay $0x1  }
0x29a: {  	v0 =	vadd.f32 v10, v0;
	_ =	sdelay $0x1  }
0x29b: {  	v0 =	vadd.f32 v1, v0;
	_ =	sdelay $0x1  }
0x29c: {  	v0 =	vadd.f32 v11, v0;
	_ =	sdelay $0x1  }
0x29d: {  	v0 =	vadd.f32 v6, v0;
	_ =	sdelay $0x1  }
0x29e: {  	v0 =	vadd.f32 v12, v0;
	_ =	sdelay $0x1  }
0x29f: {  	v0 =	vmul.f32 $5.000000070e-02, v0;
	_ =	sdelay $0x1  }
0x2a0: {  	[tilespmem:s22+$0x14560] =	vst v0  }
0x2a1: {  	v0 =	vld [tilespmem:s13+$0x30]  }
0x2a2: {  	v1 =	vld [tilespmem:s13+$0x70]  }
0x2a3: {  	v2 =	vld [tilespmem:s13+$0xB0]  }
0x2a4: {  	v3 =	vld [tilespmem:s13+$0xF0]  }
0x2a5: {  	v4 =	vld [tilespmem:s13+$0x130]  }
0x2a6: {  	v5 =	vld [tilespmem:s13+$0x170]  }
0x2a7: {  	v0 =	vadd.f32 v1, v0;
	v1 =	vld [tilespmem:s13+$0x1B0]  }
0x2a8: {  	v6 =	vld [tilespmem:s13+$0x1F0]  }
0x2a9: {  	v0 =	vadd.f32 v2, v0;
	v7 =	vld [tilespmem:s13+$0x230]  }
0x2aa: {  	v8 =	vld [tilespmem:s13+$0x270]  }
0x2ab: {  	v0 =	vadd.f32 v3, v0;
	v3 =	vld [tilespmem:s13+$0x2B0]  }
0x2ac: {  	v9 =	vld [tilespmem:s13+$0x2F0]  }
0x2ad: {  	v0 =	vadd.f32 v4, v0;
	v4 =	vld [tilespmem:s13+$0x330]  }
0x2ae: {  	v10 =	vld [tilespmem:s13+$0x370]  }
0x2af: {  	v0 =	vadd.f32 v5, v0;
	v5 =	vld [tilespmem:s13+$0x3B0]  }
0x2b0: {  	v11 =	vld [tilespmem:s13+$0x3F0]  }
0x2b1: {  	v0 =	vadd.f32 v1, v0;
	v12 =	vld [tilespmem:s13+$0x430]  }
0x2b2: {  	v2 =	vld [tilespmem:s13+$0x470]  }
0x2b3: {  	v6 =	vadd.f32 v6, v0;
	v0 =	vld [tilespmem:s13+$0x4B0]  }
0x2b4: {  	v1 =	vld [tilespmem:s13+$0x4F0]  }
0x2b5: {  	v6 =	vadd.f32 v7, v6;
	_ =	sdelay $0x1  }
0x2b6: {  	v6 =	vadd.f32 v8, v6;
	_ =	sdelay $0x1  }
0x2b7: {  	v3 =	vadd.f32 v3, v6;
	_ =	sdelay $0x1  }
0x2b8: {  	v3 =	vadd.f32 v9, v3;
	_ =	sdelay $0x1  }
0x2b9: {  	v3 =	vadd.f32 v4, v3;
	_ =	sdelay $0x1  }
0x2ba: {  	v3 =	vadd.f32 v10, v3;
	_ =	sdelay $0x1  }
.Ltmp2:
0x2bb: {  	v3 =	vadd.f32 v5, v3;
	(pc) =	sbr.rel @p2 .LBB2_6-.Ltmp2, $3  }
0x2bc: {  	_ = 	snop  }
0x2bd: {  	v3 =	vadd.f32 v11, v3;
	_ =	sdelay $0x1  }
0x2be: {  	v3 =	vadd.f32 v12, v3  }
0x2bf: {  	_ = 	snop  }
0x2c0: {  	v2 =	vadd.f32 v2, v3;
	_ =	sdelay $0x1  }
0x2c1: {  	v0 =	vadd.f32 v0, v2;
	_ =	sdelay $0x1  }
0x2c2: {  	v0 =	vadd.f32 v1, v0;
	_ =	sdelay $0x1  }
0x2c3: {  	s13 =	sadd.s32 s7, s12;
	v0 =	vmul.f32 $5.000000070e-02, v0  }
0x2c4: {  	s13 =	sshrl.u32 s13, $0x3  }
0x2c5: {  	s13 =	sadd.s32 s2, s13;
	[tilespmem:s22+$0x14570] =	vst v0  }
0x2c6: {  	[hbm4b:s13+s3] =	stream.linear.scatter [tilespmem:s17], [sflag:$0x5], $0x800, $0x38;
	[tilespmem:$0x15500] =	vst v63  }
0x2c7: {  	s13 =	simm.s32 @!p0 $0x1  }
0x2c8: {  	_ =	swait.ge @!p0 [sflag:s13], $0x280  }
0x2c9: {  	s25 =	simm.s32 @!p0 $0x500;
	[sflag:s13] =	ssyncset.done @!p0 $0x0  }
0x2ca: {  	s22 =	simm.s32 @!p0 $0x0;
	[sflag:s13] =	ssyncadd.s32 @!p0 $0xFFFFFD80;
	s13 =	simm.s32 @!p0 $0x80  }
0x2cb: {  	[tilespmem:s25], [sflag:$0x3] =	stream.indirect.gather @!p0 [hbm4b:s4+s13], $0x40, s22, s13, $0xb8;
	[tilespmem:$0x15500] =	vst v63  }
0x2cc: {  	s25 =	simm.s32 @!p0 $0x2500  }
0x2cd: {  	[tilespmem:s25], [sflag:$0x3] =	stream.indirect.gather @!p0 [hbm4b:s4+s13], $0x40, s13, s13, $0xb8;
	[tilespmem:$0x15500] =	vst v63  }
0x2ce: {  	s26 =	simm.s32 @!p0 $0x4500;
	s25 =	simm.s32 @!p0 $0x100  }
0x2cf: {  	[tilespmem:s26], [sflag:$0x3] =	stream.indirect.gather @!p0 [hbm4b:s4+s13], $0x40, s25, s13, $0xb8;
	[tilespmem:$0x15500] =	vst v63  }
0x2d0: {  	s25 =	simm.s32 @!p0 $0x180;
	s26 =	simm.s32 @!p0 $0x6500  }
0x2d1: {  	[tilespmem:s26], [sflag:$0x3] =	stream.indirect.gather @!p0 [hbm4b:s4+s13], $0x40, s25, s13, $0xb8;
	[tilespmem:$0x15500] =	vst v63  }
0x2d2: {  	s25 =	simm.s32 @!p0 $0x200;
	s26 =	simm.s32 @!p0 $0x8500  }
0x2d3: {  	[tilespmem:s26], [sflag:$0x3] =	stream.indirect.gather @!p0 [hbm4b:s4+s13], $0x40, s25, s13, $0xb8;
	[tilespmem:$0x15500] =	vst v63  }
0x2d4: {  	_ =	swait.ge [sflag:s18], $0x2000  }
0x2d5: {  	[sflag:s18] =	ssyncset.done $0x0  }
0x2d6: {  	[sflag:s18] =	ssyncadd.s32 $0xFFFFE000  }
0x2d7: {  	_ =	swait.ge [sflag:s18], $0x2000  }
0x2d8: {  	[sflag:s18] =	ssyncset.done $0x0  }
0x2d9: {  	[sflag:s18] =	ssyncadd.s32 $0xFFFFE000  }
0x2da: {  	_ =	swait.ge [sflag:s18], $0x2000  }
0x2db: {  	[sflag:s18] =	ssyncset.done $0x0  }
0x2dc: {  	[sflag:s18] =	ssyncadd.s32 $0xFFFFE000  }
0x2dd: {  	_ =	swait.ge [sflag:s18], $0x2000  }
0x2de: {  	[sflag:s18] =	ssyncset.done $0x0  }
0x2df: {  	s6 =	sadd.s32 @!p0 s6, s10;
	[sflag:s18] =	ssyncadd.s32 $0xFFFFE000  }
0x2e0: {  	s6 =	sshll.u32 @!p0 s6, $0x4;
	_ =	swait.ge [sflag:s18], $0x2000  }
0x2e1: {  	s6 =	sand.u32 @!p0 $0x1FFFFFF0, s6;
	[sflag:s18] =	ssyncset.done $0x0  }
0x2e2: {  	s6 =	sadd.s32 @!p0 s5, s6;
	s13 =	simm.s32 @!p0 $0x280;
	[sflag:s18] =	ssyncadd.s32 $0xFFFFE000  }
0x2e3: {  	[tilespmem:s13], [sflag:$0x2] =	stream.linear.gather @!p0 [hbm4b:s6+s22], $0x280, $0x38;
	[tilespmem:$0x15500] =	vst v63  }
0x2e4: {  	p0 =	por p0, !p1  }
0x2e5: {  	_ =	swait.ge @p0 [sflag:s21], $0x800  }
0x2e6: {  	[sflag:s21] =	ssyncset.done @p0 $0x0  }
0x2e7: {  	s26 =	simm.s32 $0x0;
	[sflag:s21] =	ssyncadd.s32 @p0 $0xFFFFF800  }
0x2e8: {  	v0 =	vld [tilespmem:s26+$0xA500]  }
0x2e9: {  	v1 =	vld [tilespmem:s26+$0xA540];
	_ =	sdelay $0x1  }
0x2ea: {  	v2 =	vld [tilespmem:s26+$0xA580];
	_ =	sdelay $0x1  }
0x2eb: {  	v3 =	vld [tilespmem:s26+$0xA5C0]  }
0x2ec: {  	v0 =	vadd.f32 v1, v0  }
0x2ed: {  	v1 =	vld [tilespmem:s26+$0xA600]  }
0x2ee: {  	v0 =	vadd.f32 v2, v0  }
0x2ef: {  	v2 =	vld [tilespmem:s26+$0xA640]  }
0x2f0: {  	v0 =	vadd.f32 v3, v0  }
0x2f1: {  	v3 =	vld [tilespmem:s26+$0xA680]  }
0x2f2: {  	v0 =	vadd.f32 v1, v0  }
0x2f3: {  	v1 =	vld [tilespmem:s26+$0xA6C0]  }
0x2f4: {  	v0 =	vadd.f32 v2, v0  }
0x2f5: {  	v2 =	vld [tilespmem:s26+$0xA700]  }
0x2f6: {  	v0 =	vadd.f32 v3, v0  }
0x2f7: {  	v3 =	vld [tilespmem:s26+$0xA740]  }
0x2f8: {  	v0 =	vadd.f32 v1, v0  }
0x2f9: {  	v1 =	vld [tilespmem:s26+$0xA780]  }
0x2fa: {  	v0 =	vadd.f32 v2, v0  }
0x2fb: {  	v2 =	vld [tilespmem:s26+$0xA7C0]  }
0x2fc: {  	v0 =	vadd.f32 v3, v0  }
0x2fd: {  	v3 =	vld [tilespmem:s26+$0xA800]  }
0x2fe: {  	v0 =	vadd.f32 v1, v0  }
0x2ff: {  	v1 =	vld [tilespmem:s26+$0xA840]  }
0x300: {  	v0 =	vadd.f32 v2, v0  }
0x301: {  	v2 =	vld [tilespmem:s26+$0xA880]  }
0x302: {  	v0 =	vadd.f32 v3, v0  }
0x303: {  	v3 =	vld [tilespmem:s26+$0xA8C0]  }
0x304: {  	v0 =	vadd.f32 v1, v0  }
0x305: {  	v1 =	vld [tilespmem:s26+$0xA900]  }
0x306: {  	v0 =	vadd.f32 v2, v0  }
0x307: {  	v2 =	vld [tilespmem:s26+$0xA940]  }
0x308: {  	v0 =	vadd.f32 v3, v0  }
0x309: {  	v3 =	vld [tilespmem:s26+$0xA980]  }
0x30a: {  	v0 =	vadd.f32 v1, v0  }
0x30b: {  	v1 =	vld [tilespmem:s26+$0xA9C0]  }
0x30c: {  	v0 =	vadd.f32 v2, v0;
	_ =	sdelay $0x1  }
0x30d: {  	v0 =	vadd.f32 v3, v0;
	_ =	sdelay $0x1  }
0x30e: {  	v0 =	vadd.f32 v1, v0;
	_ =	sdelay $0x1  }
0x30f: {  	v0 =	vmul.f32 $5.000000070e-02, v0  }
0x310: {  	s6 =	simm.s32 $0x14D70  }
0x311: {  	[tilespmem:s6+$0xFFFFFF90] =	vst v0  }
0x312: {  	v0 =	vld [tilespmem:s26+$0xA510]  }
0x313: {  	v1 =	vld [tilespmem:s26+$0xA550];
	_ =	sdelay $0x1  }
0x314: {  	v2 =	vld [tilespmem:s26+$0xA590];
	_ =	sdelay $0x1  }
0x315: {  	v3 =	vld [tilespmem:s26+$0xA5D0]  }
0x316: {  	v0 =	vadd.f32 v1, v0  }
0x317: {  	v1 =	vld [tilespmem:s26+$0xA610]  }
0x318: {  	v0 =	vadd.f32 v2, v0  }
0x319: {  	v2 =	vld [tilespmem:s26+$0xA650]  }
0x31a: {  	v0 =	vadd.f32 v3, v0  }
0x31b: {  	v3 =	vld [tilespmem:s26+$0xA690]  }
0x31c: {  	v0 =	vadd.f32 v1, v0  }
0x31d: {  	v1 =	vld [tilespmem:s26+$0xA6D0]  }
0x31e: {  	v0 =	vadd.f32 v2, v0  }
0x31f: {  	v2 =	vld [tilespmem:s26+$0xA710]  }
0x320: {  	v0 =	vadd.f32 v3, v0  }
0x321: {  	v3 =	vld [tilespmem:s26+$0xA750]  }
0x322: {  	v0 =	vadd.f32 v1, v0  }
0x323: {  	v1 =	vld [tilespmem:s26+$0xA790]  }
0x324: {  	v0 =	vadd.f32 v2, v0  }
0x325: {  	v2 =	vld [tilespmem:s26+$0xA7D0]  }
0x326: {  	v0 =	vadd.f32 v3, v0  }
0x327: {  	v3 =	vld [tilespmem:s26+$0xA810]  }
0x328: {  	v0 =	vadd.f32 v1, v0  }
0x329: {  	v1 =	vld [tilespmem:s26+$0xA850]  }
0x32a: {  	v0 =	vadd.f32 v2, v0  }
0x32b: {  	v2 =	vld [tilespmem:s26+$0xA890]  }
0x32c: {  	v0 =	vadd.f32 v3, v0  }
0x32d: {  	v3 =	vld [tilespmem:s26+$0xA8D0]  }
0x32e: {  	v0 =	vadd.f32 v1, v0  }
0x32f: {  	v1 =	vld [tilespmem:s26+$0xA910]  }
0x330: {  	v0 =	vadd.f32 v2, v0  }
0x331: {  	v2 =	vld [tilespmem:s26+$0xA950]  }
0x332: {  	v0 =	vadd.f32 v3, v0  }
0x333: {  	v3 =	vld [tilespmem:s26+$0xA990]  }
0x334: {  	v0 =	vadd.f32 v1, v0  }
0x335: {  	v1 =	vld [tilespmem:s26+$0xA9D0]  }
0x336: {  	v0 =	vadd.f32 v2, v0;
	_ =	sdelay $0x1  }
0x337: {  	v0 =	vadd.f32 v3, v0;
	_ =	sdelay $0x1  }
0x338: {  	v0 =	vadd.f32 v1, v0;
	_ =	sdelay $0x1  }
0x339: {  	v0 =	vmul.f32 $5.000000070e-02, v0;
	_ =	sdelay $0x1  }
0x33a: {  	[tilespmem:s6+$0xFFFFFFA0] =	vst v0  }
0x33b: {  	v0 =	vld [tilespmem:s26+$0xA520]  }
0x33c: {  	v1 =	vld [tilespmem:s26+$0xA560];
	_ =	sdelay $0x1  }
0x33d: {  	v2 =	vld [tilespmem:s26+$0xA5A0];
	_ =	sdelay $0x1  }
0x33e: {  	v3 =	vld [tilespmem:s26+$0xA5E0]  }
0x33f: {  	v0 =	vadd.f32 v1, v0  }
0x340: {  	v1 =	vld [tilespmem:s26+$0xA620]  }
0x341: {  	v0 =	vadd.f32 v2, v0  }
0x342: {  	v2 =	vld [tilespmem:s26+$0xA660]  }
0x343: {  	v0 =	vadd.f32 v3, v0  }
0x344: {  	v3 =	vld [tilespmem:s26+$0xA6A0]  }
0x345: {  	v0 =	vadd.f32 v1, v0  }
0x346: {  	v1 =	vld [tilespmem:s26+$0xA6E0]  }
0x347: {  	v0 =	vadd.f32 v2, v0  }
0x348: {  	v2 =	vld [tilespmem:s26+$0xA720]  }
0x349: {  	v0 =	vadd.f32 v3, v0  }
0x34a: {  	v3 =	vld [tilespmem:s26+$0xA760]  }
0x34b: {  	v0 =	vadd.f32 v1, v0  }
0x34c: {  	v1 =	vld [tilespmem:s26+$0xA7A0]  }
0x34d: {  	v0 =	vadd.f32 v2, v0  }
0x34e: {  	v2 =	vld [tilespmem:s26+$0xA7E0]  }
0x34f: {  	v0 =	vadd.f32 v3, v0  }
0x350: {  	v3 =	vld [tilespmem:s26+$0xA820]  }
0x351: {  	v0 =	vadd.f32 v1, v0  }
0x352: {  	v1 =	vld [tilespmem:s26+$0xA860]  }
0x353: {  	v0 =	vadd.f32 v2, v0  }
0x354: {  	v2 =	vld [tilespmem:s26+$0xA8A0]  }
0x355: {  	v0 =	vadd.f32 v3, v0  }
0x356: {  	v3 =	vld [tilespmem:s26+$0xA8E0]  }
0x357: {  	v0 =	vadd.f32 v1, v0  }
0x358: {  	v1 =	vld [tilespmem:s26+$0xA920]  }
0x359: {  	v0 =	vadd.f32 v2, v0  }
0x35a: {  	v2 =	vld [tilespmem:s26+$0xA960]  }
0x35b: {  	v0 =	vadd.f32 v3, v0  }
0x35c: {  	v3 =	vld [tilespmem:s26+$0xA9A0]  }
0x35d: {  	v0 =	vadd.f32 v1, v0  }
0x35e: {  	v1 =	vld [tilespmem:s26+$0xA9E0]  }
0x35f: {  	v0 =	vadd.f32 v2, v0;
	_ =	sdelay $0x1  }
0x360: {  	v0 =	vadd.f32 v3, v0;
	_ =	sdelay $0x1  }
0x361: {  	v0 =	vadd.f32 v1, v0;
	_ =	sdelay $0x1  }
0x362: {  	v0 =	vmul.f32 $5.000000070e-02, v0;
	_ =	sdelay $0x1  }
0x363: {  	[tilespmem:s6+$0xFFFFFFB0] =	vst v0  }
0x364: {  	v0 =	vld [tilespmem:s26+$0xA530]  }
0x365: {  	v1 =	vld [tilespmem:s26+$0xA570];
	_ =	sdelay $0x1  }
0x366: {  	v2 =	vld [tilespmem:s26+$0xA5B0];
	_ =	sdelay $0x1  }
0x367: {  	v3 =	vld [tilespmem:s26+$0xA5F0]  }
0x368: {  	v0 =	vadd.f32 v1, v0  }
0x369: {  	v1 =	vld [tilespmem:s26+$0xA630]  }
0x36a: {  	v0 =	vadd.f32 v2, v0  }
0x36b: {  	v2 =	vld [tilespmem:s26+$0xA670]  }
0x36c: {  	v0 =	vadd.f32 v3, v0  }
0x36d: {  	v3 =	vld [tilespmem:s26+$0xA6B0]  }
0x36e: {  	v0 =	vadd.f32 v1, v0  }
0x36f: {  	v1 =	vld [tilespmem:s26+$0xA6F0]  }
0x370: {  	v0 =	vadd.f32 v2, v0  }
0x371: {  	v2 =	vld [tilespmem:s26+$0xA730]  }
0x372: {  	v0 =	vadd.f32 v3, v0  }
0x373: {  	v3 =	vld [tilespmem:s26+$0xA770]  }
0x374: {  	v0 =	vadd.f32 v1, v0  }
0x375: {  	v1 =	vld [tilespmem:s26+$0xA7B0]  }
0x376: {  	v0 =	vadd.f32 v2, v0  }
0x377: {  	v2 =	vld [tilespmem:s26+$0xA7F0]  }
0x378: {  	v0 =	vadd.f32 v3, v0  }
0x379: {  	v3 =	vld [tilespmem:s26+$0xA830]  }
0x37a: {  	v0 =	vadd.f32 v1, v0  }
0x37b: {  	v1 =	vld [tilespmem:s26+$0xA870]  }
0x37c: {  	v0 =	vadd.f32 v2, v0  }
0x37d: {  	v2 =	vld [tilespmem:s26+$0xA8B0]  }
0x37e: {  	v0 =	vadd.f32 v3, v0  }
0x37f: {  	v3 =	vld [tilespmem:s26+$0xA8F0]  }
0x380: {  	v0 =	vadd.f32 v1, v0  }
0x381: {  	v1 =	vld [tilespmem:s26+$0xA930]  }
0x382: {  	v0 =	vadd.f32 v2, v0  }
0x383: {  	v2 =	vld [tilespmem:s26+$0xA970]  }
0x384: {  	v0 =	vadd.f32 v3, v0  }
0x385: {  	v3 =	vld [tilespmem:s26+$0xA9B0]  }
0x386: {  	v0 =	vadd.f32 v1, v0  }
0x387: {  	v1 =	vld [tilespmem:s26+$0xA9F0]  }
0x388: {  	v0 =	vadd.f32 v2, v0;
	_ =	sdelay $0x1  }
0x389: {  	v0 =	vadd.f32 v3, v0;
	_ =	sdelay $0x1  }
0x38a: {  	v0 =	vadd.f32 v1, v0;
	_ =	sdelay $0x1  }
0x38b: {  	v0 =	vmul.f32 $5.000000070e-02, v0;
	_ =	sdelay $0x1  }
0x38c: {  	[tilespmem:s6+$0xFFFFFFC0] =	vst v0  }
0x38d: {  	v0 =	vld [tilespmem:s26+$0xAA00]  }
0x38e: {  	v1 =	vld [tilespmem:s26+$0xAA40];
	_ =	sdelay $0x1  }
0x38f: {  	v2 =	vld [tilespmem:s26+$0xAA80];
	_ =	sdelay $0x1  }
0x390: {  	v3 =	vld [tilespmem:s26+$0xAAC0]  }
0x391: {  	v0 =	vadd.f32 v1, v0  }
0x392: {  	v1 =	vld [tilespmem:s26+$0xAB00]  }
0x393: {  	v0 =	vadd.f32 v2, v0  }
0x394: {  	v2 =	vld [tilespmem:s26+$0xAB40]  }
0x395: {  	v0 =	vadd.f32 v3, v0  }
0x396: {  	v3 =	vld [tilespmem:s26+$0xAB80]  }
0x397: {  	v0 =	vadd.f32 v1, v0  }
0x398: {  	v1 =	vld [tilespmem:s26+$0xABC0]  }
0x399: {  	v0 =	vadd.f32 v2, v0  }
0x39a: {  	v2 =	vld [tilespmem:s26+$0xAC00]  }
0x39b: {  	v0 =	vadd.f32 v3, v0  }
0x39c: {  	v3 =	vld [tilespmem:s26+$0xAC40]  }
0x39d: {  	v0 =	vadd.f32 v1, v0  }
0x39e: {  	v1 =	vld [tilespmem:s26+$0xAC80]  }
0x39f: {  	v0 =	vadd.f32 v2, v0  }
0x3a0: {  	v2 =	vld [tilespmem:s26+$0xACC0]  }
0x3a1: {  	v0 =	vadd.f32 v3, v0  }
0x3a2: {  	v3 =	vld [tilespmem:s26+$0xAD00]  }
0x3a3: {  	v0 =	vadd.f32 v1, v0  }
0x3a4: {  	v1 =	vld [tilespmem:s26+$0xAD40]  }
0x3a5: {  	v0 =	vadd.f32 v2, v0  }
0x3a6: {  	v2 =	vld [tilespmem:s26+$0xAD80]  }
0x3a7: {  	v0 =	vadd.f32 v3, v0  }
0x3a8: {  	v3 =	vld [tilespmem:s26+$0xADC0]  }
0x3a9: {  	v0 =	vadd.f32 v1, v0  }
0x3aa: {  	v1 =	vld [tilespmem:s26+$0xAE00]  }
0x3ab: {  	v0 =	vadd.f32 v2, v0  }
0x3ac: {  	v2 =	vld [tilespmem:s26+$0xAE40]  }
0x3ad: {  	v0 =	vadd.f32 v3, v0  }
0x3ae: {  	v3 =	vld [tilespmem:s26+$0xAE80]  }
0x3af: {  	v0 =	vadd.f32 v1, v0  }
0x3b0: {  	v1 =	vld [tilespmem:s26+$0xAEC0]  }
0x3b1: {  	v0 =	vadd.f32 v2, v0;
	_ =	sdelay $0x1  }
0x3b2: {  	v0 =	vadd.f32 v3, v0;
	_ =	sdelay $0x1  }
0x3b3: {  	v0 =	vadd.f32 v1, v0;
	_ =	sdelay $0x1  }
0x3b4: {  	v0 =	vmul.f32 $5.000000070e-02, v0;
	_ =	sdelay $0x1  }
0x3b5: {  	[tilespmem:s6+$0xFFFFFFD0] =	vst v0  }
0x3b6: {  	v0 =	vld [tilespmem:s26+$0xAA10]  }
0x3b7: {  	v1 =	vld [tilespmem:s26+$0xAA50];
	_ =	sdelay $0x1  }
0x3b8: {  	v2 =	vld [tilespmem:s26+$0xAA90];
	_ =	sdelay $0x1  }
0x3b9: {  	v3 =	vld [tilespmem:s26+$0xAAD0]  }
0x3ba: {  	v0 =	vadd.f32 v1, v0  }
0x3bb: {  	v1 =	vld [tilespmem:s26+$0xAB10]  }
0x3bc: {  	v0 =	vadd.f32 v2, v0  }
0x3bd: {  	v2 =	vld [tilespmem:s26+$0xAB50]  }
0x3be: {  	v0 =	vadd.f32 v3, v0  }
0x3bf: {  	v3 =	vld [tilespmem:s26+$0xAB90]  }
0x3c0: {  	v0 =	vadd.f32 v1, v0  }
0x3c1: {  	v1 =	vld [tilespmem:s26+$0xABD0]  }
0x3c2: {  	v0 =	vadd.f32 v2, v0  }
0x3c3: {  	v2 =	vld [tilespmem:s26+$0xAC10]  }
0x3c4: {  	v0 =	vadd.f32 v3, v0  }
0x3c5: {  	v3 =	vld [tilespmem:s26+$0xAC50]  }
0x3c6: {  	v0 =	vadd.f32 v1, v0  }
0x3c7: {  	v1 =	vld [tilespmem:s26+$0xAC90]  }
0x3c8: {  	v0 =	vadd.f32 v2, v0  }
0x3c9: {  	v2 =	vld [tilespmem:s26+$0xACD0]  }
0x3ca: {  	v0 =	vadd.f32 v3, v0  }
0x3cb: {  	v3 =	vld [tilespmem:s26+$0xAD10]  }
0x3cc: {  	v0 =	vadd.f32 v1, v0  }
0x3cd: {  	v1 =	vld [tilespmem:s26+$0xAD50]  }
0x3ce: {  	v0 =	vadd.f32 v2, v0  }
0x3cf: {  	v2 =	vld [tilespmem:s26+$0xAD90]  }
0x3d0: {  	v0 =	vadd.f32 v3, v0  }
0x3d1: {  	v3 =	vld [tilespmem:s26+$0xADD0]  }
0x3d2: {  	v0 =	vadd.f32 v1, v0  }
0x3d3: {  	v1 =	vld [tilespmem:s26+$0xAE10]  }
0x3d4: {  	v0 =	vadd.f32 v2, v0  }
0x3d5: {  	v2 =	vld [tilespmem:s26+$0xAE50]  }
0x3d6: {  	v0 =	vadd.f32 v3, v0  }
0x3d7: {  	v3 =	vld [tilespmem:s26+$0xAE90]  }
0x3d8: {  	v0 =	vadd.f32 v1, v0  }
0x3d9: {  	v1 =	vld [tilespmem:s26+$0xAED0]  }
0x3da: {  	v0 =	vadd.f32 v2, v0;
	_ =	sdelay $0x1  }
0x3db: {  	v0 =	vadd.f32 v3, v0;
	_ =	sdelay $0x1  }
0x3dc: {  	v0 =	vadd.f32 v1, v0;
	_ =	sdelay $0x1  }
0x3dd: {  	v0 =	vmul.f32 $5.000000070e-02, v0;
	_ =	sdelay $0x1  }
0x3de: {  	[tilespmem:s6+$0xFFFFFFE0] =	vst v0  }
0x3df: {  	v0 =	vld [tilespmem:s26+$0xAA20]  }
0x3e0: {  	v1 =	vld [tilespmem:s26+$0xAA60];
	_ =	sdelay $0x1  }
0x3e1: {  	v2 =	vld [tilespmem:s26+$0xAAA0];
	_ =	sdelay $0x1  }
0x3e2: {  	v3 =	vld [tilespmem:s26+$0xAAE0]  }
0x3e3: {  	v0 =	vadd.f32 v1, v0  }
0x3e4: {  	v1 =	vld [tilespmem:s26+$0xAB20]  }
0x3e5: {  	v0 =	vadd.f32 v2, v0  }
0x3e6: {  	v2 =	vld [tilespmem:s26+$0xAB60]  }
0x3e7: {  	v0 =	vadd.f32 v3, v0  }
0x3e8: {  	v3 =	vld [tilespmem:s26+$0xABA0]  }
0x3e9: {  	v0 =	vadd.f32 v1, v0  }
0x3ea: {  	v1 =	vld [tilespmem:s26+$0xABE0]  }
0x3eb: {  	v0 =	vadd.f32 v2, v0  }
0x3ec: {  	v2 =	vld [tilespmem:s26+$0xAC20]  }
0x3ed: {  	v0 =	vadd.f32 v3, v0  }
0x3ee: {  	v3 =	vld [tilespmem:s26+$0xAC60]  }
0x3ef: {  	v0 =	vadd.f32 v1, v0  }
0x3f0: {  	v1 =	vld [tilespmem:s26+$0xACA0]  }
0x3f1: {  	v0 =	vadd.f32 v2, v0  }
0x3f2: {  	v2 =	vld [tilespmem:s26+$0xACE0]  }
0x3f3: {  	v0 =	vadd.f32 v3, v0  }
0x3f4: {  	v3 =	vld [tilespmem:s26+$0xAD20]  }
0x3f5: {  	v0 =	vadd.f32 v1, v0  }
0x3f6: {  	v1 =	vld [tilespmem:s26+$0xAD60]  }
0x3f7: {  	v0 =	vadd.f32 v2, v0  }
0x3f8: {  	v2 =	vld [tilespmem:s26+$0xADA0]  }
0x3f9: {  	v0 =	vadd.f32 v3, v0  }
0x3fa: {  	v3 =	vld [tilespmem:s26+$0xADE0]  }
0x3fb: {  	v0 =	vadd.f32 v1, v0  }
0x3fc: {  	v1 =	vld [tilespmem:s26+$0xAE20]  }
0x3fd: {  	v0 =	vadd.f32 v2, v0  }
0x3fe: {  	v2 =	vld [tilespmem:s26+$0xAE60]  }
0x3ff: {  	v0 =	vadd.f32 v3, v0  }
0x400: {  	v3 =	vld [tilespmem:s26+$0xAEA0]  }
0x401: {  	v0 =	vadd.f32 v1, v0  }
0x402: {  	v1 =	vld [tilespmem:s26+$0xAEE0]  }
0x403: {  	v0 =	vadd.f32 v2, v0;
	_ =	sdelay $0x1  }
0x404: {  	v0 =	vadd.f32 v3, v0;
	_ =	sdelay $0x1  }
0x405: {  	v0 =	vadd.f32 v1, v0;
	_ =	sdelay $0x1  }
0x406: {  	v0 =	vmul.f32 $5.000000070e-02, v0;
	_ =	sdelay $0x1  }
0x407: {  	[tilespmem:s6+$0xFFFFFFF0] =	vst v0  }
0x408: {  	v0 =	vld [tilespmem:s26+$0xAA30]  }
0x409: {  	v1 =	vld [tilespmem:s26+$0xAA70];
	_ =	sdelay $0x1  }
0x40a: {  	v2 =	vld [tilespmem:s26+$0xAAB0];
	_ =	sdelay $0x1  }
0x40b: {  	v3 =	vld [tilespmem:s26+$0xAAF0]  }
0x40c: {  	v0 =	vadd.f32 v1, v0  }
0x40d: {  	v1 =	vld [tilespmem:s26+$0xAB30]  }
0x40e: {  	v0 =	vadd.f32 v2, v0  }
0x40f: {  	v2 =	vld [tilespmem:s26+$0xAB70]  }
0x410: {  	v0 =	vadd.f32 v3, v0  }
0x411: {  	v3 =	vld [tilespmem:s26+$0xABB0]  }
0x412: {  	v0 =	vadd.f32 v1, v0  }
0x413: {  	v1 =	vld [tilespmem:s26+$0xABF0]  }
0x414: {  	v0 =	vadd.f32 v2, v0  }
0x415: {  	v2 =	vld [tilespmem:s26+$0xAC30]  }
0x416: {  	v0 =	vadd.f32 v3, v0  }
0x417: {  	v3 =	vld [tilespmem:s26+$0xAC70]  }
0x418: {  	v0 =	vadd.f32 v1, v0  }
0x419: {  	v1 =	vld [tilespmem:s26+$0xACB0]  }
0x41a: {  	v0 =	vadd.f32 v2, v0  }
0x41b: {  	v2 =	vld [tilespmem:s26+$0xACF0]  }
0x41c: {  	v0 =	vadd.f32 v3, v0  }
0x41d: {  	v3 =	vld [tilespmem:s26+$0xAD30]  }
0x41e: {  	v0 =	vadd.f32 v1, v0  }
0x41f: {  	v1 =	vld [tilespmem:s26+$0xAD70]  }
0x420: {  	v0 =	vadd.f32 v2, v0  }
0x421: {  	v2 =	vld [tilespmem:s26+$0xADB0]  }
0x422: {  	v0 =	vadd.f32 v3, v0  }
0x423: {  	v3 =	vld [tilespmem:s26+$0xADF0]  }
0x424: {  	v0 =	vadd.f32 v1, v0  }
0x425: {  	v4 =	vld [tilespmem:s26+$0xAE30]  }
0x426: {  	v1 =	vadd.f32 v2, v0;
	_ =	sdelay $0x1  }
0x427: {  	v0 =	vld [tilespmem:s26+$0xAE70];
	v3 =	vadd.f32 v3, v1  }
0x428: {  	v2 =	vld [tilespmem:s26+$0xAEF0]  }
0x429: {  	s22 =	simm.s32 $0x2800;
	s13 =	simm.s32 $0x14D70;
	v1 =	vld [tilespmem:s26+$0xAEB0];
	v3 =	vadd.f32 v4, v3  }
.LBB2_8:
0x42a: {  	p0 =	sne.s32 s22, $0x25800  }
0x42b: {  	s6 =	sadd.s32 $0x80, s6;
	s25 =	smov.u32 s22;
	s22 =	sadd.s32 $0x2800, s22  }
0x42c: {  	v0 =	vadd.f32 v0, v3;
	_ =	sdelay $0x1  }
0x42d: {  	v0 =	vadd.f32 v1, v0;
	_ =	sdelay $0x1  }
0x42e: {  	v0 =	vadd.f32 v2, v0;
	_ =	sdelay $0x1  }
0x42f: {  	v0 =	vmul.f32 $5.000000070e-02, v0  }
0x430: {  	s25 =	sshra.s32 s25, $0x2  }
0x431: {  	[tilespmem:s13+$0x0] =	vst v0;
	s13 =	smov.u32 s6  }
0x432: {  	v0 =	vld [tilespmem:s25+$0xA500]  }
0x433: {  	v1 =	vld [tilespmem:s25+$0xA540]  }
0x434: {  	v2 =	vld [tilespmem:s25+$0xA580];
	_ =	sdelay $0x1  }
0x435: {  	v3 =	vld [tilespmem:s25+$0xA5C0];
	_ =	sdelay $0x1  }
0x436: {  	v0 =	vadd.f32 v1, v0  }
0x437: {  	v1 =	vld [tilespmem:s25+$0xA600]  }
0x438: {  	v0 =	vadd.f32 v2, v0  }
0x439: {  	v2 =	vld [tilespmem:s25+$0xA640]  }
0x43a: {  	v0 =	vadd.f32 v3, v0  }
0x43b: {  	v3 =	vld [tilespmem:s25+$0xA680]  }
0x43c: {  	v0 =	vadd.f32 v1, v0  }
0x43d: {  	v1 =	vld [tilespmem:s25+$0xA6C0]  }
0x43e: {  	v0 =	vadd.f32 v2, v0  }
0x43f: {  	v2 =	vld [tilespmem:s25+$0xA700]  }
0x440: {  	v0 =	vadd.f32 v3, v0  }
0x441: {  	v3 =	vld [tilespmem:s25+$0xA740]  }
0x442: {  	v0 =	vadd.f32 v1, v0  }
0x443: {  	v1 =	vld [tilespmem:s25+$0xA780]  }
0x444: {  	v0 =	vadd.f32 v2, v0  }
0x445: {  	v2 =	vld [tilespmem:s25+$0xA7C0]  }
0x446: {  	v0 =	vadd.f32 v3, v0  }
0x447: {  	v3 =	vld [tilespmem:s25+$0xA800]  }
0x448: {  	v0 =	vadd.f32 v1, v0  }
0x449: {  	v1 =	vld [tilespmem:s25+$0xA840]  }
0x44a: {  	v0 =	vadd.f32 v2, v0  }
0x44b: {  	v2 =	vld [tilespmem:s25+$0xA880]  }
0x44c: {  	v0 =	vadd.f32 v3, v0  }
0x44d: {  	v3 =	vld [tilespmem:s25+$0xA8C0]  }
0x44e: {  	v0 =	vadd.f32 v1, v0  }
0x44f: {  	v1 =	vld [tilespmem:s25+$0xA900]  }
0x450: {  	v0 =	vadd.f32 v2, v0  }
0x451: {  	v2 =	vld [tilespmem:s25+$0xA940]  }
0x452: {  	v0 =	vadd.f32 v3, v0  }
0x453: {  	v3 =	vld [tilespmem:s25+$0xA980]  }
0x454: {  	v0 =	vadd.f32 v1, v0  }
0x455: {  	v1 =	vld [tilespmem:s25+$0xA9C0]  }
0x456: {  	v0 =	vadd.f32 v2, v0;
	_ =	sdelay $0x1  }
0x457: {  	v0 =	vadd.f32 v3, v0;
	_ =	sdelay $0x1  }
0x458: {  	v0 =	vadd.f32 v1, v0;
	_ =	sdelay $0x1  }
0x459: {  	v0 =	vmul.f32 $5.000000070e-02, v0;
	_ =	sdelay $0x1  }
0x45a: {  	[tilespmem:s6+$0xFFFFFF90] =	vst v0  }
0x45b: {  	v0 =	vld [tilespmem:s25+$0xA510]  }
0x45c: {  	v1 =	vld [tilespmem:s25+$0xA550];
	_ =	sdelay $0x1  }
0x45d: {  	v2 =	vld [tilespmem:s25+$0xA590];
	_ =	sdelay $0x1  }
0x45e: {  	v3 =	vld [tilespmem:s25+$0xA5D0]  }
0x45f: {  	v0 =	vadd.f32 v1, v0  }
0x460: {  	v1 =	vld [tilespmem:s25+$0xA610]  }
0x461: {  	v0 =	vadd.f32 v2, v0  }
0x462: {  	v2 =	vld [tilespmem:s25+$0xA650]  }
0x463: {  	v0 =	vadd.f32 v3, v0  }
0x464: {  	v3 =	vld [tilespmem:s25+$0xA690]  }
0x465: {  	v0 =	vadd.f32 v1, v0  }
0x466: {  	v1 =	vld [tilespmem:s25+$0xA6D0]  }
0x467: {  	v0 =	vadd.f32 v2, v0  }
0x468: {  	v2 =	vld [tilespmem:s25+$0xA710]  }
0x469: {  	v0 =	vadd.f32 v3, v0  }
0x46a: {  	v3 =	vld [tilespmem:s25+$0xA750]  }
0x46b: {  	v0 =	vadd.f32 v1, v0  }
0x46c: {  	v1 =	vld [tilespmem:s25+$0xA790]  }
0x46d: {  	v0 =	vadd.f32 v2, v0  }
0x46e: {  	v2 =	vld [tilespmem:s25+$0xA7D0]  }
0x46f: {  	v0 =	vadd.f32 v3, v0  }
0x470: {  	v3 =	vld [tilespmem:s25+$0xA810]  }
0x471: {  	v0 =	vadd.f32 v1, v0  }
0x472: {  	v1 =	vld [tilespmem:s25+$0xA850]  }
0x473: {  	v0 =	vadd.f32 v2, v0  }
0x474: {  	v2 =	vld [tilespmem:s25+$0xA890]  }
0x475: {  	v0 =	vadd.f32 v3, v0  }
0x476: {  	v3 =	vld [tilespmem:s25+$0xA8D0]  }
0x477: {  	v0 =	vadd.f32 v1, v0  }
0x478: {  	v1 =	vld [tilespmem:s25+$0xA910]  }
0x479: {  	v0 =	vadd.f32 v2, v0  }
0x47a: {  	v2 =	vld [tilespmem:s25+$0xA950]  }
0x47b: {  	v0 =	vadd.f32 v3, v0  }
0x47c: {  	v3 =	vld [tilespmem:s25+$0xA990]  }
0x47d: {  	v0 =	vadd.f32 v1, v0  }
0x47e: {  	v1 =	vld [tilespmem:s25+$0xA9D0]  }
0x47f: {  	v0 =	vadd.f32 v2, v0;
	_ =	sdelay $0x1  }
0x480: {  	v0 =	vadd.f32 v3, v0;
	_ =	sdelay $0x1  }
0x481: {  	v0 =	vadd.f32 v1, v0;
	_ =	sdelay $0x1  }
0x482: {  	v0 =	vmul.f32 $5.000000070e-02, v0;
	_ =	sdelay $0x1  }
0x483: {  	[tilespmem:s6+$0xFFFFFFA0] =	vst v0  }
0x484: {  	v0 =	vld [tilespmem:s25+$0xA520]  }
0x485: {  	v1 =	vld [tilespmem:s25+$0xA560];
	_ =	sdelay $0x1  }
0x486: {  	v2 =	vld [tilespmem:s25+$0xA5A0];
	_ =	sdelay $0x1  }
0x487: {  	v3 =	vld [tilespmem:s25+$0xA5E0]  }
0x488: {  	v0 =	vadd.f32 v1, v0  }
0x489: {  	v1 =	vld [tilespmem:s25+$0xA620]  }
0x48a: {  	v0 =	vadd.f32 v2, v0  }
0x48b: {  	v2 =	vld [tilespmem:s25+$0xA660]  }
0x48c: {  	v0 =	vadd.f32 v3, v0  }
0x48d: {  	v3 =	vld [tilespmem:s25+$0xA6A0]  }
0x48e: {  	v0 =	vadd.f32 v1, v0  }
0x48f: {  	v1 =	vld [tilespmem:s25+$0xA6E0]  }
0x490: {  	v0 =	vadd.f32 v2, v0  }
0x491: {  	v2 =	vld [tilespmem:s25+$0xA720]  }
0x492: {  	v0 =	vadd.f32 v3, v0  }
0x493: {  	v3 =	vld [tilespmem:s25+$0xA760]  }
0x494: {  	v0 =	vadd.f32 v1, v0  }
0x495: {  	v1 =	vld [tilespmem:s25+$0xA7A0]  }
0x496: {  	v0 =	vadd.f32 v2, v0  }
0x497: {  	v2 =	vld [tilespmem:s25+$0xA7E0]  }
0x498: {  	v0 =	vadd.f32 v3, v0  }
0x499: {  	v3 =	vld [tilespmem:s25+$0xA820]  }
0x49a: {  	v0 =	vadd.f32 v1, v0  }
0x49b: {  	v1 =	vld [tilespmem:s25+$0xA860]  }
0x49c: {  	v0 =	vadd.f32 v2, v0  }
0x49d: {  	v2 =	vld [tilespmem:s25+$0xA8A0]  }
0x49e: {  	v0 =	vadd.f32 v3, v0  }
0x49f: {  	v3 =	vld [tilespmem:s25+$0xA8E0]  }
0x4a0: {  	v0 =	vadd.f32 v1, v0  }
0x4a1: {  	v1 =	vld [tilespmem:s25+$0xA920]  }
0x4a2: {  	v0 =	vadd.f32 v2, v0  }
0x4a3: {  	v2 =	vld [tilespmem:s25+$0xA960]  }
0x4a4: {  	v0 =	vadd.f32 v3, v0  }
0x4a5: {  	v3 =	vld [tilespmem:s25+$0xA9A0]  }
0x4a6: {  	v0 =	vadd.f32 v1, v0  }
0x4a7: {  	v1 =	vld [tilespmem:s25+$0xA9E0]  }
0x4a8: {  	v0 =	vadd.f32 v2, v0;
	_ =	sdelay $0x1  }
0x4a9: {  	v0 =	vadd.f32 v3, v0;
	_ =	sdelay $0x1  }
0x4aa: {  	v0 =	vadd.f32 v1, v0;
	_ =	sdelay $0x1  }
0x4ab: {  	v0 =	vmul.f32 $5.000000070e-02, v0;
	_ =	sdelay $0x1  }
0x4ac: {  	[tilespmem:s6+$0xFFFFFFB0] =	vst v0  }
0x4ad: {  	v0 =	vld [tilespmem:s25+$0xA530]  }
0x4ae: {  	v1 =	vld [tilespmem:s25+$0xA570]  }
0x4af: {  	v2 =	vld [tilespmem:s25+$0xA5B0];
	_ =	sdelay $0x2  }
0x4b0: {  	v3 =	vld [tilespmem:s25+$0xA5F0]  }
0x4b1: {  	v0 =	vadd.f32 v1, v0  }
0x4b2: {  	v1 =	vld [tilespmem:s25+$0xA630]  }
0x4b3: {  	v0 =	vadd.f32 v2, v0  }
0x4b4: {  	v2 =	vld [tilespmem:s25+$0xA670]  }
0x4b5: {  	v0 =	vadd.f32 v3, v0  }
0x4b6: {  	v3 =	vld [tilespmem:s25+$0xA6B0]  }
0x4b7: {  	v0 =	vadd.f32 v1, v0  }
0x4b8: {  	v1 =	vld [tilespmem:s25+$0xA6F0]  }
0x4b9: {  	v0 =	vadd.f32 v2, v0  }
0x4ba: {  	v2 =	vld [tilespmem:s25+$0xA730]  }
0x4bb: {  	v0 =	vadd.f32 v3, v0  }
0x4bc: {  	v3 =	vld [tilespmem:s25+$0xA770]  }
0x4bd: {  	v0 =	vadd.f32 v1, v0  }
0x4be: {  	v1 =	vld [tilespmem:s25+$0xA7B0]  }
0x4bf: {  	v0 =	vadd.f32 v2, v0  }
0x4c0: {  	v2 =	vld [tilespmem:s25+$0xA7F0]  }
0x4c1: {  	v0 =	vadd.f32 v3, v0  }
0x4c2: {  	v3 =	vld [tilespmem:s25+$0xA830]  }
0x4c3: {  	v0 =	vadd.f32 v1, v0  }
0x4c4: {  	v1 =	vld [tilespmem:s25+$0xA870]  }
0x4c5: {  	v0 =	vadd.f32 v2, v0  }
0x4c6: {  	v2 =	vld [tilespmem:s25+$0xA8B0]  }
0x4c7: {  	v0 =	vadd.f32 v3, v0  }
0x4c8: {  	v3 =	vld [tilespmem:s25+$0xA8F0]  }
0x4c9: {  	v0 =	vadd.f32 v1, v0  }
0x4ca: {  	v1 =	vld [tilespmem:s25+$0xA930]  }
0x4cb: {  	v0 =	vadd.f32 v2, v0  }
0x4cc: {  	v2 =	vld [tilespmem:s25+$0xA970]  }
0x4cd: {  	v0 =	vadd.f32 v3, v0  }
0x4ce: {  	v3 =	vld [tilespmem:s25+$0xA9B0]  }
0x4cf: {  	v0 =	vadd.f32 v1, v0  }
0x4d0: {  	v1 =	vld [tilespmem:s25+$0xA9F0]  }
0x4d1: {  	v0 =	vadd.f32 v2, v0;
	_ =	sdelay $0x1  }
0x4d2: {  	v0 =	vadd.f32 v3, v0;
	_ =	sdelay $0x1  }
0x4d3: {  	v0 =	vadd.f32 v1, v0;
	_ =	sdelay $0x1  }
0x4d4: {  	v0 =	vmul.f32 $5.000000070e-02, v0;
	_ =	sdelay $0x1  }
0x4d5: {  	[tilespmem:s6+$0xFFFFFFC0] =	vst v0  }
0x4d6: {  	v0 =	vld [tilespmem:s25+$0xAA00]  }
0x4d7: {  	v1 =	vld [tilespmem:s25+$0xAA40];
	_ =	sdelay $0x1  }
0x4d8: {  	v2 =	vld [tilespmem:s25+$0xAA80];
	_ =	sdelay $0x1  }
0x4d9: {  	v3 =	vld [tilespmem:s25+$0xAAC0]  }
0x4da: {  	v0 =	vadd.f32 v1, v0  }
0x4db: {  	v1 =	vld [tilespmem:s25+$0xAB00]  }
0x4dc: {  	v0 =	vadd.f32 v2, v0  }
0x4dd: {  	v2 =	vld [tilespmem:s25+$0xAB40]  }
0x4de: {  	v0 =	vadd.f32 v3, v0  }
0x4df: {  	v3 =	vld [tilespmem:s25+$0xAB80]  }
0x4e0: {  	v0 =	vadd.f32 v1, v0  }
0x4e1: {  	v1 =	vld [tilespmem:s25+$0xABC0]  }
0x4e2: {  	v0 =	vadd.f32 v2, v0  }
0x4e3: {  	v2 =	vld [tilespmem:s25+$0xAC00]  }
0x4e4: {  	v0 =	vadd.f32 v3, v0  }
0x4e5: {  	v3 =	vld [tilespmem:s25+$0xAC40]  }
0x4e6: {  	v0 =	vadd.f32 v1, v0  }
0x4e7: {  	v1 =	vld [tilespmem:s25+$0xAC80]  }
0x4e8: {  	v0 =	vadd.f32 v2, v0  }
0x4e9: {  	v2 =	vld [tilespmem:s25+$0xACC0]  }
0x4ea: {  	v0 =	vadd.f32 v3, v0  }
0x4eb: {  	v3 =	vld [tilespmem:s25+$0xAD00]  }
0x4ec: {  	v0 =	vadd.f32 v1, v0  }
0x4ed: {  	v1 =	vld [tilespmem:s25+$0xAD40]  }
0x4ee: {  	v0 =	vadd.f32 v2, v0  }
0x4ef: {  	v2 =	vld [tilespmem:s25+$0xAD80]  }
0x4f0: {  	v0 =	vadd.f32 v3, v0  }
0x4f1: {  	v3 =	vld [tilespmem:s25+$0xADC0]  }
0x4f2: {  	v0 =	vadd.f32 v1, v0  }
0x4f3: {  	v1 =	vld [tilespmem:s25+$0xAE00]  }
0x4f4: {  	v0 =	vadd.f32 v2, v0  }
0x4f5: {  	v2 =	vld [tilespmem:s25+$0xAE40]  }
0x4f6: {  	v0 =	vadd.f32 v3, v0  }
0x4f7: {  	v3 =	vld [tilespmem:s25+$0xAE80]  }
0x4f8: {  	v0 =	vadd.f32 v1, v0  }
0x4f9: {  	v1 =	vld [tilespmem:s25+$0xAEC0]  }
0x4fa: {  	v0 =	vadd.f32 v2, v0;
	_ =	sdelay $0x1  }
0x4fb: {  	v0 =	vadd.f32 v3, v0;
	_ =	sdelay $0x1  }
0x4fc: {  	v0 =	vadd.f32 v1, v0;
	_ =	sdelay $0x1  }
0x4fd: {  	v0 =	vmul.f32 $5.000000070e-02, v0;
	_ =	sdelay $0x1  }
0x4fe: {  	[tilespmem:s6+$0xFFFFFFD0] =	vst v0  }
0x4ff: {  	v0 =	vld [tilespmem:s25+$0xAA10]  }
0x500: {  	v1 =	vld [tilespmem:s25+$0xAA50]  }
0x501: {  	v2 =	vld [tilespmem:s25+$0xAA90]  }
0x502: {  	v3 =	vld [tilespmem:s25+$0xAAD0]  }
0x503: {  	v4 =	vld [tilespmem:s25+$0xAB10]  }
0x504: {  	v5 =	vld [tilespmem:s25+$0xAB50]  }
0x505: {  	v0 =	vadd.f32 v1, v0;
	v1 =	vld [tilespmem:s25+$0xAB90]  }
0x506: {  	v6 =	vld [tilespmem:s25+$0xABD0]  }
0x507: {  	v0 =	vadd.f32 v2, v0;
	v2 =	vld [tilespmem:s25+$0xAC10]  }
0x508: {  	v7 =	vld [tilespmem:s25+$0xAC50]  }
0x509: {  	v0 =	vadd.f32 v3, v0;
	v3 =	vld [tilespmem:s25+$0xAC90]  }
0x50a: {  	v8 =	vld [tilespmem:s25+$0xACD0]  }
0x50b: {  	v0 =	vadd.f32 v4, v0;
	v4 =	vld [tilespmem:s25+$0xAD10]  }
0x50c: {  	v9 =	vld [tilespmem:s25+$0xAD50]  }
0x50d: {  	v0 =	vadd.f32 v5, v0;
	v5 =	vld [tilespmem:s25+$0xAD90]  }
0x50e: {  	v10 =	vld [tilespmem:s25+$0xADD0]  }
0x50f: {  	v0 =	vadd.f32 v1, v0;
	v1 =	vld [tilespmem:s25+$0xAE10]  }
0x510: {  	v11 =	vld [tilespmem:s25+$0xAE50]  }
0x511: {  	v0 =	vadd.f32 v6, v0;
	v6 =	vld [tilespmem:s25+$0xAE90]  }
0x512: {  	v12 =	vld [tilespmem:s25+$0xAED0]  }
0x513: {  	v0 =	vadd.f32 v2, v0;
	_ =	sdelay $0x1  }
0x514: {  	v0 =	vadd.f32 v7, v0;
	_ =	sdelay $0x1  }
0x515: {  	v0 =	vadd.f32 v3, v0;
	_ =	sdelay $0x1  }
0x516: {  	v0 =	vadd.f32 v8, v0;
	_ =	sdelay $0x1  }
0x517: {  	v0 =	vadd.f32 v4, v0;
	_ =	sdelay $0x1  }
0x518: {  	v0 =	vadd.f32 v9, v0;
	_ =	sdelay $0x1  }
0x519: {  	v0 =	vadd.f32 v5, v0;
	_ =	sdelay $0x1  }
0x51a: {  	v0 =	vadd.f32 v10, v0;
	_ =	sdelay $0x1  }
0x51b: {  	v0 =	vadd.f32 v1, v0;
	_ =	sdelay $0x1  }
0x51c: {  	v0 =	vadd.f32 v11, v0;
	_ =	sdelay $0x1  }
0x51d: {  	v0 =	vadd.f32 v6, v0;
	_ =	sdelay $0x1  }
0x51e: {  	v0 =	vadd.f32 v12, v0;
	_ =	sdelay $0x1  }
0x51f: {  	v0 =	vmul.f32 $5.000000070e-02, v0;
	_ =	sdelay $0x1  }
0x520: {  	[tilespmem:s6+$0xFFFFFFE0] =	vst v0  }
0x521: {  	v0 =	vld [tilespmem:s25+$0xAA20]  }
0x522: {  	v1 =	vld [tilespmem:s25+$0xAA60]  }
0x523: {  	v2 =	vld [tilespmem:s25+$0xAAA0]  }
0x524: {  	v3 =	vld [tilespmem:s25+$0xAAE0]  }
0x525: {  	v4 =	vld [tilespmem:s25+$0xAB20]  }
0x526: {  	v5 =	vld [tilespmem:s25+$0xAB60]  }
0x527: {  	v0 =	vadd.f32 v1, v0;
	v1 =	vld [tilespmem:s25+$0xABA0]  }
0x528: {  	v6 =	vld [tilespmem:s25+$0xABE0]  }
0x529: {  	v0 =	vadd.f32 v2, v0;
	v2 =	vld [tilespmem:s25+$0xAC20]  }
0x52a: {  	v7 =	vld [tilespmem:s25+$0xAC60]  }
0x52b: {  	v0 =	vadd.f32 v3, v0;
	v3 =	vld [tilespmem:s25+$0xACA0]  }
0x52c: {  	v8 =	vld [tilespmem:s25+$0xACE0]  }
0x52d: {  	v0 =	vadd.f32 v4, v0;
	v4 =	vld [tilespmem:s25+$0xAD20]  }
0x52e: {  	v9 =	vld [tilespmem:s25+$0xAD60]  }
0x52f: {  	v0 =	vadd.f32 v5, v0;
	v5 =	vld [tilespmem:s25+$0xADA0]  }
0x530: {  	v10 =	vld [tilespmem:s25+$0xADE0]  }
0x531: {  	v0 =	vadd.f32 v1, v0;
	v1 =	vld [tilespmem:s25+$0xAE20]  }
0x532: {  	v11 =	vld [tilespmem:s25+$0xAE60]  }
0x533: {  	v0 =	vadd.f32 v6, v0;
	v6 =	vld [tilespmem:s25+$0xAEA0]  }
0x534: {  	v12 =	vld [tilespmem:s25+$0xAEE0]  }
0x535: {  	v0 =	vadd.f32 v2, v0;
	_ =	sdelay $0x1  }
0x536: {  	v0 =	vadd.f32 v7, v0;
	_ =	sdelay $0x1  }
0x537: {  	v0 =	vadd.f32 v3, v0;
	_ =	sdelay $0x1  }
0x538: {  	v0 =	vadd.f32 v8, v0;
	_ =	sdelay $0x1  }
0x539: {  	v0 =	vadd.f32 v4, v0;
	_ =	sdelay $0x1  }
0x53a: {  	v0 =	vadd.f32 v9, v0;
	_ =	sdelay $0x1  }
0x53b: {  	v0 =	vadd.f32 v5, v0;
	_ =	sdelay $0x1  }
0x53c: {  	v0 =	vadd.f32 v10, v0;
	_ =	sdelay $0x1  }
0x53d: {  	v0 =	vadd.f32 v1, v0;
	_ =	sdelay $0x1  }
0x53e: {  	v0 =	vadd.f32 v11, v0;
	_ =	sdelay $0x1  }
0x53f: {  	v0 =	vadd.f32 v6, v0;
	_ =	sdelay $0x1  }
0x540: {  	v0 =	vadd.f32 v12, v0;
	_ =	sdelay $0x1  }
0x541: {  	v0 =	vmul.f32 $5.000000070e-02, v0;
	_ =	sdelay $0x1  }
0x542: {  	[tilespmem:s6+$0xFFFFFFF0] =	vst v0  }
0x543: {  	v0 =	vld [tilespmem:s25+$0xAA30]  }
0x544: {  	v1 =	vld [tilespmem:s25+$0xAA70]  }
0x545: {  	v2 =	vld [tilespmem:s25+$0xAAB0]  }
0x546: {  	v3 =	vld [tilespmem:s25+$0xAAF0]  }
0x547: {  	v4 =	vld [tilespmem:s25+$0xAB30]  }
0x548: {  	v5 =	vld [tilespmem:s25+$0xAB70]  }
0x549: {  	v0 =	vadd.f32 v1, v0;
	v1 =	vld [tilespmem:s25+$0xABB0]  }
0x54a: {  	v6 =	vld [tilespmem:s25+$0xABF0]  }
0x54b: {  	v0 =	vadd.f32 v2, v0;
	v7 =	vld [tilespmem:s25+$0xAC30]  }
0x54c: {  	v8 =	vld [tilespmem:s25+$0xAC70]  }
0x54d: {  	v0 =	vadd.f32 v3, v0;
	v3 =	vld [tilespmem:s25+$0xACB0]  }
0x54e: {  	v9 =	vld [tilespmem:s25+$0xACF0]  }
0x54f: {  	v0 =	vadd.f32 v4, v0;
	v4 =	vld [tilespmem:s25+$0xAD30]  }
0x550: {  	v10 =	vld [tilespmem:s25+$0xAD70]  }
0x551: {  	v0 =	vadd.f32 v5, v0;
	v5 =	vld [tilespmem:s25+$0xADB0]  }
0x552: {  	v11 =	vld [tilespmem:s25+$0xADF0]  }
0x553: {  	v1 =	vadd.f32 v1, v0;
	v12 =	vld [tilespmem:s25+$0xAE30]  }
0x554: {  	v0 =	vld [tilespmem:s25+$0xAE70]  }
0x555: {  	v6 =	vadd.f32 v6, v1;
	v1 =	vld [tilespmem:s25+$0xAEB0]  }
0x556: {  	v2 =	vld [tilespmem:s25+$0xAEF0]  }
0x557: {  	v6 =	vadd.f32 v7, v6;
	_ =	sdelay $0x1  }
0x558: {  	v6 =	vadd.f32 v8, v6;
	_ =	sdelay $0x1  }
0x559: {  	v3 =	vadd.f32 v3, v6;
	_ =	sdelay $0x1  }
0x55a: {  	v3 =	vadd.f32 v9, v3;
	_ =	sdelay $0x1  }
0x55b: {  	v3 =	vadd.f32 v4, v3;
	_ =	sdelay $0x1  }
0x55c: {  	v3 =	vadd.f32 v10, v3;
	_ =	sdelay $0x1  }
.Ltmp3:
0x55d: {  	v3 =	vadd.f32 v5, v3;
	(pc) =	sbr.rel @p0 .LBB2_8-.Ltmp3, $3  }
0x55e: {  	_ = 	snop  }
0x55f: {  	v3 =	vadd.f32 v11, v3;
	_ =	sdelay $0x1  }
0x560: {  	v3 =	vadd.f32 v12, v3  }
0x561: {  	_ = 	snop  }
0x562: {  	v0 =	vadd.f32 v0, v3;
	_ =	sdelay $0x1  }
0x563: {  	v0 =	vadd.f32 v1, v0  }
0x564: {  	s8 =	sadd.s32 $0x1, s8  }
0x565: {  	p0 =	sne.s32 s8, $0x64;
	v0 =	vadd.f32 v2, v0  }
.Ltmp4:
0x566: {  	_ = 	snop;
	(pc) =	sbr.rel @p0 .LBB2_2-.Ltmp4, $4  }
0x567: {  	s6 =	sadd.s32 s12, s11;
	v0 =	vmul.f32 $5.000000070e-02, v0  }
0x568: {  	s6 =	sshrl.u32 s6, $0x3  }
0x569: {  	s6 =	sadd.s32 s2, s6;
	[tilespmem:s13+$0x0] =	vst v0  }
0x56a: {  	[hbm4b:s6+s3] =	stream.linear.scatter [tilespmem:s19], [sflag:$0x6], $0x800, $0x38;
	[tilespmem:$0x15500] =	vst v63  }
0x56b: {  	_ =	swait.ge [sflag:s20], $0x800  }
0x56c: {  	[sflag:s20] =	ssyncset.done $0x0  }
0x56d: {  	[sflag:s20] =	ssyncadd.s32 $0xFFFFF800  }
0x56e: {  	_ =	swait.ge [sflag:s21], $0x800  }
0x56f: {  	s8 =	rddreg [dreg:$0x6]  }
0x570: {  	s6 =	rddreg [dreg:$0x5];
	s8 =	sadd.s32 $0x1, s8  }
0x571: {  	p0 =	sne.s32 s8, s6  }
.Ltmp5:
0x572: {  	_ = 	snop;
	(pc) =	sbr.rel @p0 .LBB2_1-.Ltmp5, $3  }
0x573: {  	_ =	sdelay $0x1  }
0x574: {  	[sflag:s21] =	ssyncset.done $0x0  }
0x575: {  	[sflag:s21] =	ssyncadd.s32 $0xFFFFF800  }
0x576: {  	_ =	sfence.sel $0x180000  }
0x577: {  	[bflag:$0x0] =	sbarrier.arrive $0xFFFF  }
0x578: {  	_ =	strace $0x90000047  }
0x579: {  	s0 =	stileid.u32;
	[bflag:$0x2] =	sbarrier.arrive $0xFFFF  }
0x57a: {  	p0 =	sne.s32 s0, $0x0;
	s0 =	rddreg [dreg:$0x2]  }
0x57b: {  	s0 =	sadd.s32 @!p0 $0x100000, s0  }
0x57c: {  	[sflag:s0] =	ssyncadd.tile.s32 @!p0 $0x1;
	_ =	shalt  }
.Lfunc_end2:
_tile_overlayer_lowered:
.L_overlay_start_2:
0x57d: {  	(tag) =	ssettag $0x2  }
0x57e: {  	s0 =	rddreg [dreg:$0x0];
	s2 =	stileid.u32  }
0x57f: {  	s1 =	rddreg [dreg:$0x1];
	p0 =	sne.s32 s2, $0x0  }
0x580: {  	s3 =	rddreg [dreg:$0x2];
	[bflag:$0x3] =	sbarrier.arrive $0xFFFF;
	s2 =	simm.s32 @!p0 $0x1C07  }
0x581: {  	[timem:s3], [sflag:s2] =	dma.local @!p0 [hbm:s0], s1  }
0x582: {  	s0 =	simm.s32 @!p0 $0x7  }
0x583: {  	_ =	swait.ge @!p0 [sflag:s0], s1  }
0x584: {  	s1 =	ssub.s32 @!p0 $0x0, s1;
	[sflag:s0] =	ssyncset.done @!p0 $0x0  }
0x585: {  	[sflag:s0] =	ssyncadd.s32 @!p0 s1  }
0x586: {  	[bflag:$0x3] =	sbarrier.arrive $0xFFFF  }
0x587: {  	_ =	shalt  }

// kernel: sparse-core-data-format-call.cloned.1.call-start
scs
called_computation_lowered:
.L_overlay_start_0:
0x0: {  	s2 =	sld [smem:$0x3FD9]  }
0x1: {  	s3 =	sld [smem:$0x3FFE];
	_ =	sdelay $0x1  }
0x2: {  	s1 =	srdreg.scid  }
0x3: {  	s0 =	sand.u32 $0x1, s1  }
0x4: {  	s18 =	sshll.u32 s0, $0xA;
	s2 =	sadd.s32 s3, s2  }
0x5: {  	s2 =	sadd.s32 s2, s18  }
0x6: {  	[smem:$0x3FC6] =	sst s2  }
0x7: {  	_ = 	snop  }
0x8: {  	s2 =	sld [smem:$0x3FD0];
	(tm) =	ssettm $0x1  }
0x9: {  	s19 =	sld [smem:$0x3FFB];
	_ =	sdelay $0x3  }
0xa: {  	_ =	strace s19  }
0xb: {  	s3 =	sld [smem:$0x3FFC];
	_ =	sdelay $0x3  }
0xc: {  	_ =	strace s3  }
0xd: {  	s3 =	sld [smem:$0x3FFD];
	_ =	sdelay $0x3  }
0xe: {  	_ =	strace s3  }
0xf: {  	_ =	strace $0x8FFFFFFF  }
0x10: {  	s20 =	sld [smem:$0x3FDB];
	_ =	sdelay $0x1  }
0x11: {  	s4 =	simm.s32 $_scs_section_size  }
0x12: {  	s5 =	simm.s32 $_size__tile_overlayer_lowered;
	s6 =	simm.s32 $_tile_overlayer_lowered  }
0x13: {  	s23 =	simm.s32 $0x1BFF;
	s22 =	sshll.u32 s6, $0x1;
	s3 =	sadd.s32 s4, s20  }
0x14: {  	s7 =	simm.s32 $0x0;
	s21 =	sshll.u32 s5, $0x1;
	s5 =	sadd.s32 s22, s3  }
0x15: {  	[timem:s7], [sflag:s23] =	dma.local [hbm:s5], s21  }
0x16: {  	_ =	swait.ge [sflag:s23], s21  }
0x17: {  	s4 =	ssub.s32 $0x0, s21;
	[sflag:s23] =	ssyncset.done $0x0  }
0x18: {  	[sflag:s23] =	ssyncadd.s32 s4;
	_ =	sdelay $0x1  }
0x19: {  	s24 =	simm.s32 $0x1B8B  }
0x1a: {  	_ =	swait.ge [sflag:s24], $0x1  }
0x1b: {  	[sflag:s24] =	ssyncset.done $0x0  }
0x1c: {  	s26 =	simm.s32 $0x1B8E;
	s25 =	sld [smem:$0x3FFE];
	[sflag:s24] =	ssyncadd.s32 $0xFFFFFFFF  }
0x1d: {  	s27 =	simm.s32 $execute0_lowered;
	[smem:$0x3FD2] =	sst s26  }
0x1e: {  	s5 =	sshll.u32 s27, $0x1;
	_ =	strace $0x80000049;
	[dreg:$0x1] =	wrdreg $0xFFFFFFFF  }
0x1f: {  	s28 =	simm.s32 $_size_execute0_lowered;
	s3 =	sadd.s32 s3, s5;
	[dreg:$0x0] =	wrdreg $0x0  }
0x20: {  	s5 =	sshll.u32 s28, $0x1;
	[dreg:$0x2] =	wrdreg s3  }
0x21: {  	[dreg:$0x3] =	wrdreg s5  }
0x22: {  	[dreg:$0x4] =	wrdreg $0xC0  }
0x23: {  	_ =	task [dreg:s7], $0x5FFFF  }
0x24: {  	[dreg:$0x1] =	wrdreg $0xFFFFFFFF  }
0x25: {  	[dreg:$0x0] =	wrdreg $0x60  }
0x26: {  	[dreg:$0x2] =	wrdreg s25  }
0x27: {  	[dreg:$0x3] =	wrdreg s2  }
0x28: {  	[dreg:$0x4] =	wrdreg $0x9  }
0x29: {  	_ =	task.clear_ibuf [dreg:s7], $0x5FFFF;
	_ =	strace $0x90000049  }
0x2a: {  	s29 =	simm.s32 $0x9;
	_ =	strace $0x8000004B  }
0x2b: {  	_ =	swait.ge [sflag:s29], $0x1  }
0x2c: {  	[sflag:s29] =	ssyncadd.s32 $0xFFFFFFFF  }
0x2d: {  	_ =	strace $0x9000004B  }
0x2e: {  	_ =	sfence  }
0x2f: {  	s30 =	sld [smem:$0x0];
	_ =	sdelay $0x2  }
0x30: {  	s31 =	sshll.u32 s1, $0xD;
	s1 =	sshrl.u32 s1, $0x2  }
0x31: {  	s3 =	sand.u32 $0x4000, s31;
	s1 =	sadd.s32 s1, s30  }
0x32: {  	s0 =	sor.u32 s3, s0;
	s1 =	sshll.u32 s1, $0x11  }
0x33: {  	s0 =	sor.u32 s1, s0  }
0x34: {  	s0 =	sadd.s32 $0x8F2B, s0  }
0x35: {  	[sflag:s0] =	ssyncadd.remote.s32 $0x1  }
0x36: {  	_ =	sfence.sel $0xFFFF  }
0x37: {  	[dreg:$0x0] =	wrdreg $0xFFFFFFFF;
	(pc) =	sbr.abs _section_cstart, $3  }
0x38: {  	[dreg:$0x1] =	wrdreg $0xFFFFFFFF  }
0x39: {  	_ =	task.clear_ibuf [dreg:s7], $0x2FFFF;
	_ =	strace $0x9FFFFFFF  }
0x3a: {  	(tm) =	ssettm $0x7FFFFFFF  }
0x3b: {  	_ =	shalt  }
tec
execute0_lowered:
.L_overlay_start_1:
0x0: {  	(tag) =	ssettag $0x1  }
0x1: {  	s0 =	stileid.u32;
	s6 =	rddreg [dreg:$0x0]  }
0x2: {  	s2 =	rddreg [dreg:$0x1];
	s5 =	srdreg.scid  }
0x3: {  	s31 =	simm.s32 $0x2;
	s13 =	simm.s32 $0x0;
	s1 =	sshll.u32 s0, $0x7  }
0x4: {  	s14 =	simm.s32 $0x0;
	s12 =	simm.s32 $0x0;
	s3 =	sand.u32 $0x380, s1  }
0x5: {  	s5 =	sshll.u32 s5, $0x4;
	s6 =	sadd.s32 $0xA00, s6;
	s4 =	ssub.s32 $0x400, s3  }
0x6: {  	s1 =	rddreg [dreg:$0x2];
	_ =	strace $0x8000004A;
	s7 =	sand.u32 $0x380, s4  }
0x7: {  	s5 =	sand.u32 $0x10, s5;
	p0 =	sne.s32 s7, $0x0;
	s7 =	simm.s32 $0x1  }
.Ltmp0:
0x8: {  	s8 =	sshrl.u32 s4, $0xA;
	s7 =	simm.s32 @!p0 $0x0;
	(pc) =	sbr.rel .LBB1_1-.Ltmp0, $4  }
0x9: {  	s9 =	sor.u32 s0, s5;
	s4 =	simm.s32 $0x1;
	s30 =	sadd.s32 s7, s8  }
0xa: {  	s11 =	smov.u32 s3;
	[sflag:s4] =	ssyncpa.u1 $0x0;
	s5 =	smul.u32 $0x32, s30  }
0xb: {  	[sflag:s31] =	ssyncpa.u1 $0x0;
	p0 =	por $0x0, $0x0;
	s7 =	sshrl.u32 s9, $0x3  }
0xc: {  	s9 =	simm.s32 $0x2000;
	s10 =	smov.u32 s7;
	s8 =	sor.u32 $0x1, s5  }
.LBB1_4:
0xd: {  	s17 =	sand.u32 $0x1F80, s14;
	s13 =	sshll.u32 s13, $0xD  }
0xe: {  	[tilespmem:s16+$0x810 ss:$0x81] =	vst.msk $0xffff, v2;
	s18 =	sshrl.u32 s14, $0x3;
	s31 =	sand.u32 $0x7, s14;
	s17 =	sadd.s32 s2, s17  }
0xf: {  	[tilespmem:s16+$0x1020 ss:$0x81] =	vst.msk $0xffff, v0;
	s18 =	sand.u32 $0xF, s18;
	s14 =	sshll.u32 s31, $0x12;
	s13 =	sadd.s32 s13, s17  }
0x10: {  	[tilespmem:s16+$0x0 ss:$0x81] =	vst.msk $0xffff, v1;
	s14 =	sor.u32 $0x400, s14;
	s13 =	sadd.s32 s18, s13  }
0x11: {  	[hbm4b:s13+s14] =	stream.strided.scatter [tilespmem:s15], [sflag:$0x2], $0x2000, s9, s14, $0x20;
	[tilespmem:$0x8080] =	vst v63  }
.LBB1_5:
0x12: {  	s15 =	sadd.s32 $0x4, s10  }
0x13: {  	s13 =	sadd.s32 $0x400, s11;
	s17 =	smov.u32 s11;
	p2 =	sgt.s32 s15, $0xC7  }
0x14: {  	s17 =	smov.u32 @p2 s13  }
0x15: {  	s15 =	smov.u32 @p2 s7;
	p2 =	sgt.s32 s17, $0x3FF  }
0x16: {  	s17 =	smov.u32 @p2 s3;
	p2 =	sne.s32 s12, s8  }
.Ltmp1:
0x17: {  	p1 =	slt.u32 s12, $0x2;
	(pc) =	sbr.rel @!p2 .LBB1_6-.Ltmp1, $4  }
0x18: {  	s16 =	simm.s32 @!p1 $0x2  }
0x19: {  	s14 =	smov.u32 s11;
	p0 =	por !p0, !p0;
	_ =	swait.ge @!p1 [sflag:s16], $0x2000  }
0x1a: {  	s13 =	smov.u32 s10;
	[sflag:s16] =	ssyncset.done @!p1 $0x0;
	s10 =	smov.u32 s15  }
0x1b: {  	s12 =	sadd.s32 $0x1, s12;
	[sflag:s16] =	ssyncadd.s32 @!p1 $0xFFFFE000;
	s11 =	smov.u32 s17  }
.LBB1_1:
0x1c: {  	p1 =	sge.u32 s12, s5  }
0x1d: {  	s15 =	sand.u32 @!p1 $0x1FFFFFF, s10  }
0x1e: {  	s16 =	smulhi.u32 @!p1 $0x147AE15, s15;
	_ =	sdelay $0x1  }
0x1f: {  	s16 =	smul.u32 @!p1 $0xC8, s16  }
0x20: {  	s17 =	sxor.u32 @!p1 $0xFFFFFFFF, s12;
	s18 =	smul.u32 @!p1 $0xC80, s11  }
0x21: {  	s31 =	sadd.s32 $0xFFFFFFFF, s12;
	s17 =	sshll.u32 @!p1 s17, $0xD;
	s15 =	ssub.s32 @!p1 s15, s16  }
0x22: {  	s16 =	sand.u32 @!p1 $0x2000, s17;
	s17 =	sadd.s32 @!p1 s6, s18;
	s15 =	sshll.u32 @!p1 s15, $0x4  }
0x23: {  	s18 =	simm.s32 @!p1 $0x6400;
	s15 =	sadd.s32 @!p1 s15, s17;
	s17 =	simm.s32 @!p1 $0x40  }
0x24: {  	[tilespmem:s16], [sflag:$0x1] =	stream.strided.gather @!p1 [hbm4b:s15+s17], $0x2000, s18, s17, $0x38;
	[tilespmem:$0x8080] =	vst v63  }
0x25: {  	p1 =	sge.u32 s31, s5  }
.Ltmp2:
0x26: {  	_ = 	snop;
	(pc) =	sbr.rel @p1 .LBB1_5-.Ltmp2, $1  }
0x27: {  	_ =	sdelay $0x3  }
0x28: {  	s15 =	simm.s32 $0x1  }
0x29: {  	_ =	swait.ge [sflag:s4], $0x2000;
	s15 =	simm.s32 @!p0 $0x0  }
0x2a: {  	[sflag:s4] =	ssyncset.done $0x0;
	s16 =	sshll.u32 s15, $0xD  }
0x2b: {  	[sflag:s4] =	ssyncadd.s32 $0xFFFFE000;
	s19 =	sor.u32 $0x20, s16  }
0x2c: {  	s15 =	smul.u32 $0x8100, s15;
	v3 =	vld [tilespmem:s19+$0x10]  }
0x2d: {  	s30 =	sand.u32 $0x1, s12;
	v2 =	vld [tilespmem:s19+$0xFFFFFFF0]  }
0x2e: {  	s16 =	smul.u32 $0x8100, s30;
	s15 =	sshrl.u32 s15, $0x2;
	v0 =	vld [tilespmem:s19+$0x0]  }
0x2f: {  	v1 =	vld [tilespmem:s19+$0xFFFFFFE0];
	s17 =	sor.u32 $0x4000, s15  }
0x30: {  	s31 =	sshrl.u32 s16, $0x2;
	s16 =	sadd.s32 $0x0, s17  }
0x31: {  	s18 =	simm.s32 $0x4;
	s19 =	sadd.s32 $0x40, s19;
	s15 =	sor.u32 $0x4000, s31;
	[tilespmem:s16+$0x1830 ss:$0x81] =	vst.msk $0xffff, v3  }
.LBB1_3:
0x32: {  	v3 =	vld [tilespmem:s19+$0x10];
	p1 =	sne.s32 s18, $0x1FC;
	[tilespmem:s16+$0x810 ss:$0x81] =	vst.msk $0xffff, v2;
	s20 =	smov.u32 s18;
	s18 =	sadd.s32 $0x4, s18  }
.Ltmp3:
0x33: {  	v2 =	vld [tilespmem:s19+$0xFFFFFFF0];
	[tilespmem:s16+$0x1020 ss:$0x81] =	vst.msk $0xffff, v0;
	(pc) =	sbr.rel @p1 .LBB1_3-.Ltmp3, $4  }
0x34: {  	v0 =	vld [tilespmem:s19+$0x0];
	[tilespmem:s16+$0x0 ss:$0x81] =	vst.msk $0xffff, v1  }
0x35: {  	s16 =	sshra.s32 s20, $0x2;
	v1 =	vld [tilespmem:s19+$0xFFFFFFE0]  }
0x36: {  	s16 =	sadd.s32 s16, s17  }
0x37: {  	s19 =	sadd.s32 $0x40, s19;
	[tilespmem:s16+$0x1830 ss:$0x81] =	vst.msk $0xffff, v3  }
.Ltmp4:
0x38: {  	_ = 	snop;
	(pc) =	sbr.rel .LBB1_4-.Ltmp4, $1  }
0x39: {  	_ =	sdelay $0x3  }
.LBB1_6:
0x3a: {  	_ =	sfence.sel $0x180000  }
0x3b: {  	s2 =	simm.s32 $0x1;
	[bflag:$0x0] =	sbarrier.arrive $0xFFFF  }
0x3c: {  	s31 =	simm.s32 $0x2;
	[sflag:s2] =	ssyncpa.u1 $0x1  }
0x3d: {  	[sflag:s31] =	ssyncpa.u1 $0x1  }
0x3e: {  	p0 =	sne.s32 s0, $0x0;
	_ =	strace $0x9000004A  }
0x3f: {  	s0 =	sadd.s32 @!p0 $0x100000, s1;
	[bflag:$0x2] =	sbarrier.arrive $0xFFFF  }
0x40: {  	[sflag:s0] =	ssyncadd.tile.s32 @!p0 $0x1;
	_ =	shalt  }
.Lfunc_end1:
_tile_overlayer_lowered:
.L_overlay_start_2:
0x41: {  	(tag) =	ssettag $0x2  }
0x42: {  	s0 =	rddreg [dreg:$0x0];
	s2 =	stileid.u32  }
0x43: {  	s1 =	rddreg [dreg:$0x1];
	p0 =	sne.s32 s2, $0x0  }
0x44: {  	s3 =	rddreg [dreg:$0x2];
	[bflag:$0x3] =	sbarrier.arrive $0xFFFF;
	s2 =	simm.s32 @!p0 $0x1C01  }
0x45: {  	[timem:s3], [sflag:s2] =	dma.local @!p0 [hbm:s0], s1  }
0x46: {  	s0 =	simm.s32 @!p0 $0x1  }
0x47: {  	_ =	swait.ge @!p0 [sflag:s0], s1  }
0x48: {  	s1 =	ssub.s32 @!p0 $0x0, s1;
	[sflag:s0] =	ssyncset.done @!p0 $0x0  }
0x49: {  	[sflag:s0] =	ssyncadd.s32 @!p0 s1  }
0x4a: {  	[bflag:$0x3] =	sbarrier.arrive $0xFFFF  }
0x4b: {  	_ =	shalt  }

</sc_bundles>
